<compile_context>
chip_gen: v7x
topology: tpu7x:2x2x1
jax: 0.10.2.dev20260603
libtpu: 0.0.44.dev20260713+nightly
codegen_flags: <defaults>
</compile_context>

<pallas_src>
import jax
import jax.numpy as jnp
from jax import lax
from jax.experimental import pallas as pl
from jax.experimental.pallas import tpu as pltpu
from jax.experimental.pallas import tpu_sc as plsc

N = 10000
E = 320000
D = 128
H = 16
OUT = 128
G = 16

NC = 2
NS = 16
NW = NC * NS
CPB = 1024
NBLK = 10
EPB = NW * NBLK
EPAD = EPB * CPB
NPAD = 10240
STRIPE = NPAD // NS
DUMMY_DST = NPAD - 16
VL = 16


CPB2 = 512
NBLK2 = 20


def _sc_mesh():
    return plsc.VectorSubcoreMesh(core_axis_name="c", subcore_axis_name="s",
                                  num_cores=NC, num_subcores=NS)


def _edge_scatter_ring(y_sp, acc, src_v, dst_v, rows, gsems, ssems, nblk):
    pltpu.async_copy(y_sp.at[src_v.at[0]], rows[0], gsems[0])
    pltpu.async_copy(y_sp.at[src_v.at[1]], rows[1], gsems[1])
    for k in range(nblk):
        b = k % 4
        pltpu.make_async_copy(y_sp.at[src_v.at[k]], rows[b], gsems[b]).wait()
        pltpu.async_copy(rows[b], acc.at[dst_v.at[k]], ssems[b], add=True)
        nxt = k + 2
        if nxt < nblk:
            nb = nxt % 4
            if nxt >= 4:
                pltpu.make_async_copy(rows[nb], acc.at[dst_v.at[nxt - 4]],
                                      ssems[nb]).wait()
            pltpu.async_copy(y_sp.at[src_v.at[nxt]], rows[nb], gsems[nb])
    for k in range(max(0, nblk - 4), nblk):
        b = k % 4
        pltpu.make_async_copy(rows[b], acc.at[dst_v.at[k]], ssems[b]).wait()


def _deg_body(ei_hbm, out_hbm, dst_v, ones_v, stripe_v, acc, isem, ssem):
    c = lax.axis_index("c")
    s = lax.axis_index("s")
    wid = s * NC + c
    row0 = s * STRIPE
    pltpu.async_copy(ei_hbm.at[1, pl.ds(wid * NBLK, NBLK)], dst_v, isem)
    for i in range(CPB // VL):
        ones_v[pl.ds(i * VL, VL)] = jnp.ones((VL,), jnp.float32)
    for i in range(STRIPE // VL):
        stripe_v[pl.ds(i * VL, VL)] = jnp.ones((VL,), jnp.float32)
    pltpu.sync_copy(stripe_v, acc.at[pl.ds(row0, STRIPE)])
    pltpu.make_async_copy(ei_hbm.at[1, pl.ds(wid * NBLK, NBLK)], dst_v,
                          isem).wait()
    plsc.subcore_barrier()

    for g in range(NBLK):
        pltpu.async_copy(ones_v, acc.at[dst_v.at[g]], ssem, add=True)
    for g in range(NBLK):
        pltpu.make_async_copy(ones_v, acc.at[dst_v.at[g]], ssem).wait()
    plsc.subcore_barrier()
    pltpu.sync_copy(acc.at[pl.ds(row0, STRIPE)], stripe_v)
    pltpu.sync_copy(stripe_v, out_hbm.at[c, pl.ds(row0, STRIPE)])


def _sc_degree(ei3):
    kern = pl.kernel(
        _deg_body,
        out_type=jax.ShapeDtypeStruct((NC, NPAD), jnp.float32),
        mesh=_sc_mesh(),
        scratch_types=[
            pltpu.VMEM((NBLK, CPB), jnp.int32),
            pltpu.VMEM((CPB,), jnp.float32),
            pltpu.VMEM((STRIPE,), jnp.float32),
            pltpu.VMEM_SHARED((NPAD,), jnp.float32),
            pltpu.SemaphoreType.DMA,
            pltpu.SemaphoreType.DMA,
        ],
        compiler_params=pltpu.CompilerParams(use_tc_tiling_on_sc=False),
    )
    return kern(ei3)


def _fused1_body(degp_hbm, hw_hbm, ei_hbm, p_hbm, y1_hbm, dinv_hbm,
                 src_v, dst_v, rows_a, rows_b, rows_c, rows_d,
                 hwv, y1v, dv0, dv1, dinv_v, y_sp, acc,
                 ga, gb, gc, gd, sa, sb, sc, sd):
    c = lax.axis_index("c")
    s = lax.axis_index("s")
    wid = s * NC + c
    row0 = s * STRIPE
    cc = lax.broadcasted_iota(jnp.int32, (16,), 0)

    pltpu.sync_copy(degp_hbm.at[0, pl.ds(row0, STRIPE)], dv0)
    pltpu.sync_copy(degp_hbm.at[1, pl.ds(row0, STRIPE)], dv1)
    pltpu.sync_copy(hw_hbm.at[pl.ds(row0, STRIPE)], hwv)
    pltpu.sync_copy(ei_hbm.at[0, pl.ds(wid * NBLK, NBLK)], src_v)
    pltpu.sync_copy(ei_hbm.at[1, pl.ds(wid * NBLK, NBLK)], dst_v)

    def blk(i, carry):
        x = dv0[pl.ds(i * 16, 16)] + dv1[pl.ds(i * 16, 16)] - 1.0
        ii = plsc.bitcast(x, jnp.int32)
        yy = plsc.bitcast(jnp.int32(0x5F3759DF) - (ii >> 1), jnp.float32)
        for _ in range(3):
            yy = yy * (1.5 - 0.5 * x * yy * yy)
        dinv_v[pl.ds(i * 16, 16)] = yy
        for j in range(16):
            r = i * 16 + j
            rr = jnp.full((16,), r, jnp.int32)
            row = plsc.load_gather(hwv, [rr, cc]) * yy[j]
            plsc.store_scatter(y1v, [rr, cc], row)
        return carry

    lax.fori_loop(0, STRIPE // 16, blk, 0)
    pltpu.sync_copy(y1v, y_sp.at[pl.ds(row0, STRIPE)])
    pltpu.sync_copy(y1v, acc.at[pl.ds(row0, STRIPE)])

    @pl.when(c == 0)
    def _():
        pltpu.sync_copy(y1v, y1_hbm.at[pl.ds(row0, STRIPE)])
        pltpu.sync_copy(dinv_v, dinv_hbm.at[pl.ds(row0, STRIPE)])

    plsc.subcore_barrier()

    _edge_scatter_ring(y_sp, acc, src_v, dst_v,
                       (rows_a, rows_b, rows_c, rows_d),
                       (ga, gb, gc, gd), (sa, sb, sc, sd), NBLK)
    plsc.subcore_barrier()
    pltpu.sync_copy(acc.at[pl.ds(row0, STRIPE)], hwv)
    pltpu.sync_copy(hwv, p_hbm.at[c, pl.ds(row0, STRIPE)])


def _sc_fused1(degp, hw_pad, ei3):
    kern = pl.kernel(
        _fused1_body,
        out_type=(
            jax.ShapeDtypeStruct((NC, NPAD, H), jnp.float32),
            jax.ShapeDtypeStruct((NPAD, H), jnp.float32),
            jax.ShapeDtypeStruct((NPAD,), jnp.float32),
        ),
        mesh=_sc_mesh(),
        scratch_types=[
            pltpu.VMEM((NBLK, CPB), jnp.int32),
            pltpu.VMEM((NBLK, CPB), jnp.int32),
            pltpu.VMEM((CPB, H), jnp.float32),
            pltpu.VMEM((CPB, H), jnp.float32),
            pltpu.VMEM((CPB, H), jnp.float32),
            pltpu.VMEM((CPB, H), jnp.float32),
            pltpu.VMEM((STRIPE, H), jnp.float32),
            pltpu.VMEM((STRIPE, H), jnp.float32),
            pltpu.VMEM((STRIPE,), jnp.float32),
            pltpu.VMEM((STRIPE,), jnp.float32),
            pltpu.VMEM((STRIPE,), jnp.float32),
            pltpu.VMEM_SHARED((NPAD, H), jnp.float32),
            pltpu.VMEM_SHARED((NPAD, H), jnp.float32),
            pltpu.SemaphoreType.DMA,
            pltpu.SemaphoreType.DMA,
            pltpu.SemaphoreType.DMA,
            pltpu.SemaphoreType.DMA,
            pltpu.SemaphoreType.DMA,
            pltpu.SemaphoreType.DMA,
            pltpu.SemaphoreType.DMA,
            pltpu.SemaphoreType.DMA,
        ],
        compiler_params=pltpu.CompilerParams(use_tc_tiling_on_sc=False,
                                             needs_layout_passes=False),
    )
    return kern(degp, hw_pad, ei3)


def _mm_body(x_ref, w_ref, o_ref):
    hw = jnp.dot(x_ref[...], w_ref[...], preferred_element_type=jnp.float32)
    o_ref[...] = jnp.concatenate(
        [hw, jnp.zeros((NPAD - N, H), jnp.float32)], axis=0)


def _tc_xw(x, W1):
    return pl.pallas_call(
        _mm_body,
        out_shape=jax.ShapeDtypeStruct((NPAD, H), jnp.float32),
    )(x, W1)


def _fused2_body(p_hbm, y1_hbm, dinv_hbm, b1_hbm, batch_hbm, ei_hbm, out_hbm,
                 src_v, dst_v, rows_a, rows_b, rows_c, rows_d,
                 pv0, pv1, y1v, y2v, accv, dinv_v, batch_v, b1_v, pool_v,
                 y_sp, acc, ga, gb, gc, gd, sa, sb, sc, sd):
    c = lax.axis_index("c")
    s = lax.axis_index("s")
    wid = s * NC + c
    row0 = s * STRIPE
    cc = lax.broadcasted_iota(jnp.int32, (16,), 0)

    pltpu.sync_copy(p_hbm.at[0, pl.ds(row0, STRIPE)], pv0)
    pltpu.sync_copy(p_hbm.at[1, pl.ds(row0, STRIPE)], pv1)
    pltpu.sync_copy(y1_hbm.at[pl.ds(row0, STRIPE)], y1v)
    pltpu.sync_copy(dinv_hbm.at[pl.ds(row0, STRIPE)], dinv_v)
    pltpu.sync_copy(batch_hbm.at[pl.ds(row0, STRIPE)], batch_v)
    pltpu.sync_copy(b1_hbm, b1_v)
    pltpu.sync_copy(ei_hbm.at[0, pl.ds(wid * NBLK2, NBLK2)], src_v)
    pltpu.sync_copy(ei_hbm.at[1, pl.ds(wid * NBLK2, NBLK2)], dst_v)
    b1row = b1_v[...]

    def relu_blk(i, carry):
        dvec = dinv_v[pl.ds(i * 16, 16)]
        for j in range(16):
            r = i * 16 + j
            rr = jnp.full((16,), r, jnp.int32)
            z = (plsc.load_gather(pv0, [rr, cc])
                 + plsc.load_gather(pv1, [rr, cc])
                 - plsc.load_gather(y1v, [rr, cc]))
            d = dvec[j]
            h = jnp.maximum(z * d + b1row, 0.0)
            h = jnp.where(row0 + r < N, h, 0.0)
            plsc.store_scatter(y2v, [rr, cc], h * d)
        return carry

    lax.fori_loop(0, STRIPE // 16, relu_blk, 0)
    pltpu.sync_copy(y2v, y_sp.at[pl.ds(row0, STRIPE)])
    pltpu.sync_copy(y2v, acc.at[pl.ds(row0, STRIPE)])
    plsc.subcore_barrier()

    _edge_scatter_ring(y_sp, acc, src_v, dst_v,
                       (rows_a, rows_b, rows_c, rows_d),
                       (ga, gb, gc, gd), (sa, sb, sc, sd), NBLK2)
    plsc.subcore_barrier()

    pltpu.sync_copy(acc.at[pl.ds(row0, STRIPE)], accv)
    for i in range(G + 1):
        pool_v[pl.ds(i * H, H)] = jnp.zeros((H,), jnp.float32)
    sub = jnp.where(c == 0, 1.0, 0.0)

    def pool_blk(i, carry):
        dvec = dinv_v[pl.ds(i * 16, 16)]
        bvec = batch_v[pl.ds(i * 16, 16)]
        for j in range(16):
            r = i * 16 + j
            rr = jnp.full((16,), r, jnp.int32)
            a = (plsc.load_gather(accv, [rr, cc])
                 - sub * plsc.load_gather(y2v, [rr, cc]))
            val = a * dvec[j]
            idx = bvec[j] * H + cc
            plsc.addupdate_scatter(pool_v, [idx], val)
        return carry

    lax.fori_loop(0, STRIPE // 16, pool_blk, 0)
    pltpu.sync_copy(pool_v, out_hbm.at[c, s])


def _sc_fused2(p1, y1, dinv, b1, batch_pad, ei3):
    kern = pl.kernel(
        _fused2_body,
        out_type=jax.ShapeDtypeStruct((NC, NS, (G + 1) * H), jnp.float32),
        mesh=_sc_mesh(),
        scratch_types=[
            pltpu.VMEM((NBLK2, CPB2), jnp.int32),
            pltpu.VMEM((NBLK2, CPB2), jnp.int32),
            pltpu.VMEM((CPB2, H), jnp.float32),
            pltpu.VMEM((CPB2, H), jnp.float32),
            pltpu.VMEM((CPB2, H), jnp.float32),
            pltpu.VMEM((CPB2, H), jnp.float32),
            pltpu.VMEM((STRIPE, H), jnp.float32),
            pltpu.VMEM((STRIPE, H), jnp.float32),
            pltpu.VMEM((STRIPE, H), jnp.float32),
            pltpu.VMEM((STRIPE, H), jnp.float32),
            pltpu.VMEM((STRIPE, H), jnp.float32),
            pltpu.VMEM((STRIPE,), jnp.float32),
            pltpu.VMEM((STRIPE,), jnp.int32),
            pltpu.VMEM((H,), jnp.float32),
            pltpu.VMEM(((G + 1) * H,), jnp.float32),
            pltpu.VMEM_SHARED((NPAD, H), jnp.float32),
            pltpu.VMEM_SHARED((NPAD, H), jnp.float32),
            pltpu.SemaphoreType.DMA,
            pltpu.SemaphoreType.DMA,
            pltpu.SemaphoreType.DMA,
            pltpu.SemaphoreType.DMA,
            pltpu.SemaphoreType.DMA,
            pltpu.SemaphoreType.DMA,
            pltpu.SemaphoreType.DMA,
            pltpu.SemaphoreType.DMA,
        ],
        compiler_params=pltpu.CompilerParams(use_tc_tiling_on_sc=False,
                                             needs_layout_passes=False),
    )
    return kern(p1, y1, dinv, b1, batch_pad, ei3)


def _final_body(parts_ref, batch_ref, w2_ref, b2_ref, o_ref):
    ps = jnp.sum(parts_ref[...], axis=0)
    pool = ps[:G, :]
    gids = lax.broadcasted_iota(jnp.int32, (G, N), 0)
    onehot = (gids == batch_ref[...]).astype(jnp.float32)
    counts = jnp.sum(onehot, axis=1, keepdims=True)
    o_ref[...] = (jnp.dot(pool, w2_ref[...],
                          preferred_element_type=jnp.float32)
                  + counts * b2_ref[...])


def _tc_final(parts, batch_row, W2, b2):
    return pl.pallas_call(
        _final_body,
        out_shape=jax.ShapeDtypeStruct((G, OUT), jnp.float32),
    )(parts, batch_row, W2, b2)


@jax.jit
def _run(x, edge_index, batch, W1, b1, W2, b2):
    pad = jnp.stack([jnp.zeros((EPAD - E,), jnp.int32),
                     jnp.full((EPAD - E,), DUMMY_DST, jnp.int32)])
    ei_pad = jnp.concatenate([edge_index, pad], axis=1)
    ei3 = ei_pad.reshape(2, EPB, CPB)
    ei3b = ei_pad.reshape(2, NW * NBLK2, CPB2)

    degp = _sc_degree(ei3)
    hw_pad = _tc_xw(x, W1)
    p1, y1, dinv = _sc_fused1(degp, hw_pad, ei3)
    batch_pad = jnp.pad(batch, (0, NPAD - N), constant_values=G)
    parts = _sc_fused2(p1, y1, dinv, b1, batch_pad,
                       ei3b)
    parts3 = parts.reshape(NW, G + 1, H)
    out = _tc_final(parts3, batch.reshape(1, N), W2, b2.reshape(1, OUT))
    return out


def kernel(x, edge_index, batch, W1, b1, W2, b2, training=False):
    return _run(x, edge_index, batch, W1, b1, W2, b2)

# --- scband reference (transcript-rebuilt; emitter-appended) ---
"""Pipeline reference for scband-space-time-element-encoder-8005819040535 (READ-ONLY COPY).

The authoritative reference and input builder live on the scoring server;
editing this copy changes nothing except your own understanding.
"""

import jax, jax.numpy as jnp
import numpy as np

N = 10000
E = 320000
D = 128
H = 16
OUT = 128
G = 16


def setup_inputs(seed: int = 0) -> dict:
    key = jax.random.key(seed)
    k1, k2, k3, k4, k5 = jax.random.split(key, 5)
    x = jax.random.normal(k1, (N, D), dtype=jnp.float32)
    edge_index = jax.random.randint(k2, (2, E), 0, N, dtype=jnp.int32)
    batch = jnp.sort(jax.random.randint(k3, (N,), 0, G, dtype=jnp.int32))
    # GCNConv layer 1 params (glorot-ish init)
    W1 = jax.random.normal(k4, (D, H), dtype=jnp.float32) * (1.0 / np.sqrt(D))
    b1 = jnp.zeros((H,), dtype=jnp.float32)
    # GCNConv layer 2 params
    W2 = jax.random.normal(k5, (H, OUT), dtype=jnp.float32) * (1.0 / np.sqrt(H))
    b2 = jnp.zeros((OUT,), dtype=jnp.float32)
    return {"x": x, "edge_index": edge_index, "batch": batch,
            "W1": W1, "b1": b1, "W2": W2, "b2": b2, "training": False}


def gcn_conv(x, edge_index, W, b, num_nodes):
    # PyG GCNConv: add self loops, symmetric deg^-1/2 normalization,
    # out = D^-1/2 (A+I) D^-1/2 (X W) + b
    loop = jnp.arange(num_nodes, dtype=edge_index.dtype)
    src = jnp.concatenate([edge_index[0], loop])
    dst = jnp.concatenate([edge_index[1], loop])
    deg = jax.ops.segment_sum(jnp.ones_like(dst, dtype=x.dtype), dst,
                              num_segments=num_nodes)
    dinv = jax.lax.rsqrt(jnp.maximum(deg, 1.0))  # deg >= 1 due to self loops
    norm = dinv[src] * dinv[dst]
    h = x @ W
    msg = jnp.take(h, src, axis=0) * norm[:, None]
    out = jax.ops.segment_sum(msg, dst, num_segments=num_nodes)
    return out + b


def reference(x, edge_index, batch, W1, b1, W2, b2, training=False):
    num_nodes = x.shape[0]
    h = gcn_conv(x, edge_index, W1, b1, num_nodes)
    h = jax.nn.relu(h)
    # F.dropout(training=False) is the identity; training fixed to False for
    # deterministic reference.
    h = gcn_conv(h, edge_index, W2, b2, num_nodes)
    # per-graph sum pooling (original python loop over torch.where(batch==i))
    graph_embeds = jax.ops.segment_sum(h, batch, num_segments=G)
    return graph_embeds

if __name__ == "__main__":
    import jax
    _d = setup_inputs()
    print(jax.jit(kernel)(*tuple(_d.values())))

</pallas_src>

<mosaic_0001>
#map = affine_map<(d0, d1) -> (0, 0, 0)>
#map1 = affine_map<(d0, d1) -> (0, 0)>
#map2 = affine_map<(d0, d1) -> (0)>
module attributes {stable_mosaic.version = 14 : i64} {
  func.func @_fused2_body(%arg0: i32, %arg1: i32, %arg2: memref<2x10240x16xf32, #tpu.memory_space<hbm>>, %arg3: memref<10240x16xf32, #tpu.memory_space<hbm>>, %arg4: memref<10240xf32, #tpu.memory_space<hbm>>, %arg5: memref<16xf32, #tpu.memory_space<hbm>>, %arg6: memref<10240xi32, #tpu.memory_space<hbm>>, %arg7: memref<2x640x512xi32, #tpu.memory_space<hbm>>, %arg8: memref<2x16x272xf32, #tpu.memory_space<hbm>>, %arg9: memref<20x512xi32, #tpu.memory_space<vmem>>, %arg10: memref<20x512xi32, #tpu.memory_space<vmem>>, %arg11: memref<512x16xf32, #tpu.memory_space<vmem>>, %arg12: memref<512x16xf32, #tpu.memory_space<vmem>>, %arg13: memref<512x16xf32, #tpu.memory_space<vmem>>, %arg14: memref<512x16xf32, #tpu.memory_space<vmem>>, %arg15: memref<640x16xf32, #tpu.memory_space<vmem>>, %arg16: memref<640x16xf32, #tpu.memory_space<vmem>>, %arg17: memref<640x16xf32, #tpu.memory_space<vmem>>, %arg18: memref<640x16xf32, #tpu.memory_space<vmem>>, %arg19: memref<640x16xf32, #tpu.memory_space<vmem>>, %arg20: memref<640xf32, #tpu.memory_space<vmem>>, %arg21: memref<640xi32, #tpu.memory_space<vmem>>, %arg22: memref<16xf32, #tpu.memory_space<vmem>>, %arg23: memref<272xf32, #tpu.memory_space<vmem>>, %arg24: memref<10240x16xf32, #tpu.memory_space<vmem_shared>>, %arg25: memref<10240x16xf32, #tpu.memory_space<vmem_shared>>, %arg26: memref<!tpu.dma_semaphore, #tpu.memory_space<semaphore_mem>>, %arg27: memref<!tpu.dma_semaphore, #tpu.memory_space<semaphore_mem>>, %arg28: memref<!tpu.dma_semaphore, #tpu.memory_space<semaphore_mem>>, %arg29: memref<!tpu.dma_semaphore, #tpu.memory_space<semaphore_mem>>, %arg30: memref<!tpu.dma_semaphore, #tpu.memory_space<semaphore_mem>>, %arg31: memref<!tpu.dma_semaphore, #tpu.memory_space<semaphore_mem>>, %arg32: memref<!tpu.dma_semaphore, #tpu.memory_space<semaphore_mem>>, %arg33: memref<!tpu.dma_semaphore, #tpu.memory_space<semaphore_mem>>) attributes {dimension_semantics = [#tpu.dimension_semantics<core_parallel>, #tpu.dimension_semantics<subcore_parallel>], iteration_bounds = array<i64: 2, 16>, scalar_prefetch = 0 : i64, scratch_operands = 25 : i64, tpu.core_type = #tpu.core_type<sc_vector_subcore>, window_params = [{transform_indices = #map}, {transform_indices = #map1}, {transform_indices = #map2}, {transform_indices = #map2}, {transform_indices = #map2}, {transform_indices = #map}, {transform_indices = #map}]} {
    %mul3A = arith.constant 2 : i32
    %mul3A_0 = arith.muli %arg1, %mul3A : i32
    %add3A = arith.addi %mul3A_0, %arg0 : i32
    %mul3A_1 = arith.constant 640 : i32
    %mul3A_2 = arith.muli %arg1, %mul3A_1 : i32
    %iota3A = tpu.iota {dimensions = array<i32: 0>} : vector<16xi32>
    %run_scoped3A = arith.constant 0 : i32
    "tpu.region"() ({
      %run_scoped3A_649 = tpu.sem_alloc : memref<!tpu.dma_semaphore, #tpu.memory_space<semaphore_mem>>
      %dma_start3A_650 = arith.constant 0 : i32
      %dma_start3A_651 = tpu.memref_slice %arg2[%run_scoped3A, %mul3A_2, %dma_start3A_650] : memref<2x10240x16xf32, #tpu.memory_space<hbm>> -> memref<1x640x16xf32, #tpu.memory_space<hbm>>
      %dma_start3A_652 = tpu.memref_squeeze %dma_start3A_651 : memref<1x640x16xf32, #tpu.memory_space<hbm>> -> memref<640x16xf32, #tpu.memory_space<hbm>>
      %dma_start3A_653 = arith.constant 0 : i32
      %dma_start3A_654 = tpu.memref_slice %arg2[%run_scoped3A, %mul3A_2, %dma_start3A_653] : memref<2x10240x16xf32, #tpu.memory_space<hbm>> -> memref<1x640x16xf32, #tpu.memory_space<hbm>>
      %dma_start3A_655 = tpu.memref_squeeze %dma_start3A_654 : memref<1x640x16xf32, #tpu.memory_space<hbm>> -> memref<640x16xf32, #tpu.memory_space<hbm>>
      tpu.enqueue_dma source(%dma_start3A_655 : memref<640x16xf32, #tpu.memory_space<hbm>>) target(%arg15 : memref<640x16xf32, #tpu.memory_space<vmem>>) target_semaphore(%run_scoped3A_649 : memref<!tpu.dma_semaphore, #tpu.memory_space<semaphore_mem>>)
      %dma_wait3A_656 = arith.constant 0 : i32
      %dma_wait3A_657 = tpu.memref_slice %arg2[%run_scoped3A, %mul3A_2, %dma_wait3A_656] : memref<2x10240x16xf32, #tpu.memory_space<hbm>> -> memref<1x640x16xf32, #tpu.memory_space<hbm>>
      %dma_wait3A_658 = tpu.memref_squeeze %dma_wait3A_657 : memref<1x640x16xf32, #tpu.memory_space<hbm>> -> memref<640x16xf32, #tpu.memory_space<hbm>>
      %dma_wait3A_659 = arith.constant 0 : i32
      %dma_wait3A_660 = tpu.memref_slice %arg2[%run_scoped3A, %mul3A_2, %dma_wait3A_659] : memref<2x10240x16xf32, #tpu.memory_space<hbm>> -> memref<1x640x16xf32, #tpu.memory_space<hbm>>
      %dma_wait3A_661 = tpu.memref_squeeze %dma_wait3A_660 : memref<1x640x16xf32, #tpu.memory_space<hbm>> -> memref<640x16xf32, #tpu.memory_space<hbm>>
      tpu.wait_dma2 semaphore(%run_scoped3A_649 : memref<!tpu.dma_semaphore, #tpu.memory_space<semaphore_mem>>) src(%dma_wait3A_661 : memref<640x16xf32, #tpu.memory_space<hbm>>) dst(%arg15 : memref<640x16xf32, #tpu.memory_space<vmem>>)
      tpu.yield
    }) : () -> ()
    %run_scoped3A_3 = arith.constant 1 : i32
    "tpu.region"() ({
      %run_scoped3A_649 = tpu.sem_alloc : memref<!tpu.dma_semaphore, #tpu.memory_space<semaphore_mem>>
      %dma_start3A_650 = arith.constant 0 : i32
      %dma_start3A_651 = tpu.memref_slice %arg2[%run_scoped3A_3, %mul3A_2, %dma_start3A_650] : memref<2x10240x16xf32, #tpu.memory_space<hbm>> -> memref<1x640x16xf32, #tpu.memory_space<hbm>>
      %dma_start3A_652 = tpu.memref_squeeze %dma_start3A_651 : memref<1x640x16xf32, #tpu.memory_space<hbm>> -> memref<640x16xf32, #tpu.memory_space<hbm>>
      %dma_start3A_653 = arith.constant 0 : i32
      %dma_start3A_654 = tpu.memref_slice %arg2[%run_scoped3A_3, %mul3A_2, %dma_start3A_653] : memref<2x10240x16xf32, #tpu.memory_space<hbm>> -> memref<1x640x16xf32, #tpu.memory_space<hbm>>
      %dma_start3A_655 = tpu.memref_squeeze %dma_start3A_654 : memref<1x640x16xf32, #tpu.memory_space<hbm>> -> memref<640x16xf32, #tpu.memory_space<hbm>>
      tpu.enqueue_dma source(%dma_start3A_655 : memref<640x16xf32, #tpu.memory_space<hbm>>) target(%arg16 : memref<640x16xf32, #tpu.memory_space<vmem>>) target_semaphore(%run_scoped3A_649 : memref<!tpu.dma_semaphore, #tpu.memory_space<semaphore_mem>>)
      %dma_wait3A_656 = arith.constant 0 : i32
      %dma_wait3A_657 = tpu.memref_slice %arg2[%run_scoped3A_3, %mul3A_2, %dma_wait3A_656] : memref<2x10240x16xf32, #tpu.memory_space<hbm>> -> memref<1x640x16xf32, #tpu.memory_space<hbm>>
      %dma_wait3A_658 = tpu.memref_squeeze %dma_wait3A_657 : memref<1x640x16xf32, #tpu.memory_space<hbm>> -> memref<640x16xf32, #tpu.memory_space<hbm>>
      %dma_wait3A_659 = arith.constant 0 : i32
      %dma_wait3A_660 = tpu.memref_slice %arg2[%run_scoped3A_3, %mul3A_2, %dma_wait3A_659] : memref<2x10240x16xf32, #tpu.memory_space<hbm>> -> memref<1x640x16xf32, #tpu.memory_space<hbm>>
      %dma_wait3A_661 = tpu.memref_squeeze %dma_wait3A_660 : memref<1x640x16xf32, #tpu.memory_space<hbm>> -> memref<640x16xf32, #tpu.memory_space<hbm>>
      tpu.wait_dma2 semaphore(%run_scoped3A_649 : memref<!tpu.dma_semaphore, #tpu.memory_space<semaphore_mem>>) src(%dma_wait3A_661 : memref<640x16xf32, #tpu.memory_space<hbm>>) dst(%arg16 : memref<640x16xf32, #tpu.memory_space<vmem>>)
      tpu.yield
    }) : () -> ()
    "tpu.region"() ({
      %run_scoped3A_649 = tpu.sem_alloc : memref<!tpu.dma_semaphore, #tpu.memory_space<semaphore_mem>>
      %dma_start3A_650 = arith.constant 0 : i32
      %dma_start3A_651 = tpu.memref_slice %arg3[%mul3A_2, %dma_start3A_650] : memref<10240x16xf32, #tpu.memory_space<hbm>> -> memref<640x16xf32, #tpu.memory_space<hbm>>
      %dma_start3A_652 = arith.constant 0 : i32
      %dma_start3A_653 = tpu.memref_slice %arg3[%mul3A_2, %dma_start3A_652] : memref<10240x16xf32, #tpu.memory_space<hbm>> -> memref<640x16xf32, #tpu.memory_space<hbm>>
      tpu.enqueue_dma source(%dma_start3A_653 : memref<640x16xf32, #tpu.memory_space<hbm>>) target(%arg17 : memref<640x16xf32, #tpu.memory_space<vmem>>) target_semaphore(%run_scoped3A_649 : memref<!tpu.dma_semaphore, #tpu.memory_space<semaphore_mem>>)
      %dma_wait3A_654 = arith.constant 0 : i32
      %dma_wait3A_655 = tpu.memref_slice %arg3[%mul3A_2, %dma_wait3A_654] : memref<10240x16xf32, #tpu.memory_space<hbm>> -> memref<640x16xf32, #tpu.memory_space<hbm>>
      %dma_wait3A_656 = arith.constant 0 : i32
      %dma_wait3A_657 = tpu.memref_slice %arg3[%mul3A_2, %dma_wait3A_656] : memref<10240x16xf32, #tpu.memory_space<hbm>> -> memref<640x16xf32, #tpu.memory_space<hbm>>
      tpu.wait_dma2 semaphore(%run_scoped3A_649 : memref<!tpu.dma_semaphore, #tpu.memory_space<semaphore_mem>>) src(%dma_wait3A_657 : memref<640x16xf32, #tpu.memory_space<hbm>>) dst(%arg17 : memref<640x16xf32, #tpu.memory_space<vmem>>)
      tpu.yield
    }) : () -> ()
    "tpu.region"() ({
      %run_scoped3A_649 = tpu.sem_alloc : memref<!tpu.dma_semaphore, #tpu.memory_space<semaphore_mem>>
      %dma_start3A_650 = tpu.memref_slice %arg4[%mul3A_2] : memref<10240xf32, #tpu.memory_space<hbm>> -> memref<640xf32, #tpu.memory_space<hbm>>
      %dma_start3A_651 = tpu.memref_slice %arg4[%mul3A_2] : memref<10240xf32, #tpu.memory_space<hbm>> -> memref<640xf32, #tpu.memory_space<hbm>>
      tpu.enqueue_dma source(%dma_start3A_651 : memref<640xf32, #tpu.memory_space<hbm>>) target(%arg20 : memref<640xf32, #tpu.memory_space<vmem>>) target_semaphore(%run_scoped3A_649 : memref<!tpu.dma_semaphore, #tpu.memory_space<semaphore_mem>>)
      %dma_wait3A_652 = tpu.memref_slice %arg4[%mul3A_2] : memref<10240xf32, #tpu.memory_space<hbm>> -> memref<640xf32, #tpu.memory_space<hbm>>
      %dma_wait3A_653 = tpu.memref_slice %arg4[%mul3A_2] : memref<10240xf32, #tpu.memory_space<hbm>> -> memref<640xf32, #tpu.memory_space<hbm>>
      tpu.wait_dma2 semaphore(%run_scoped3A_649 : memref<!tpu.dma_semaphore, #tpu.memory_space<semaphore_mem>>) src(%dma_wait3A_653 : memref<640xf32, #tpu.memory_space<hbm>>) dst(%arg20 : memref<640xf32, #tpu.memory_space<vmem>>)
      tpu.yield
    }) : () -> ()
    "tpu.region"() ({
      %run_scoped3A_649 = tpu.sem_alloc : memref<!tpu.dma_semaphore, #tpu.memory_space<semaphore_mem>>
      %dma_start3A_650 = tpu.memref_slice %arg6[%mul3A_2] : memref<10240xi32, #tpu.memory_space<hbm>> -> memref<640xi32, #tpu.memory_space<hbm>>
      %dma_start3A_651 = tpu.memref_slice %arg6[%mul3A_2] : memref<10240xi32, #tpu.memory_space<hbm>> -> memref<640xi32, #tpu.memory_space<hbm>>
      tpu.enqueue_dma source(%dma_start3A_651 : memref<640xi32, #tpu.memory_space<hbm>>) target(%arg21 : memref<640xi32, #tpu.memory_space<vmem>>) target_semaphore(%run_scoped3A_649 : memref<!tpu.dma_semaphore, #tpu.memory_space<semaphore_mem>>)
      %dma_wait3A_652 = tpu.memref_slice %arg6[%mul3A_2] : memref<10240xi32, #tpu.memory_space<hbm>> -> memref<640xi32, #tpu.memory_space<hbm>>
      %dma_wait3A_653 = tpu.memref_slice %arg6[%mul3A_2] : memref<10240xi32, #tpu.memory_space<hbm>> -> memref<640xi32, #tpu.memory_space<hbm>>
      tpu.wait_dma2 semaphore(%run_scoped3A_649 : memref<!tpu.dma_semaphore, #tpu.memory_space<semaphore_mem>>) src(%dma_wait3A_653 : memref<640xi32, #tpu.memory_space<hbm>>) dst(%arg21 : memref<640xi32, #tpu.memory_space<vmem>>)
      tpu.yield
    }) : () -> ()
    "tpu.region"() ({
      %run_scoped3A_649 = tpu.sem_alloc : memref<!tpu.dma_semaphore, #tpu.memory_space<semaphore_mem>>
      tpu.enqueue_dma source(%arg5 : memref<16xf32, #tpu.memory_space<hbm>>) target(%arg22 : memref<16xf32, #tpu.memory_space<vmem>>) target_semaphore(%run_scoped3A_649 : memref<!tpu.dma_semaphore, #tpu.memory_space<semaphore_mem>>)
      tpu.wait_dma2 semaphore(%run_scoped3A_649 : memref<!tpu.dma_semaphore, #tpu.memory_space<semaphore_mem>>) src(%arg5 : memref<16xf32, #tpu.memory_space<hbm>>) dst(%arg22 : memref<16xf32, #tpu.memory_space<vmem>>)
      tpu.yield
    }) : () -> ()
    %mul3A_4 = arith.constant 20 : i32
    %mul3A_5 = arith.muli %add3A, %mul3A_4 : i32
    %run_scoped3A_6 = arith.constant 0 : i32
    "tpu.region"() ({
      %run_scoped3A_649 = tpu.sem_alloc : memref<!tpu.dma_semaphore, #tpu.memory_space<semaphore_mem>>
      %dma_start3A_650 = arith.constant 0 : i32
      %dma_start3A_651 = tpu.memref_slice %arg7[%run_scoped3A_6, %mul3A_5, %dma_start3A_650] : memref<2x640x512xi32, #tpu.memory_space<hbm>> -> memref<1x20x512xi32, #tpu.memory_space<hbm>>
      %dma_start3A_652 = tpu.memref_squeeze %dma_start3A_651 : memref<1x20x512xi32, #tpu.memory_space<hbm>> -> memref<20x512xi32, #tpu.memory_space<hbm>>
      %dma_start3A_653 = arith.constant 0 : i32
      %dma_start3A_654 = tpu.memref_slice %arg7[%run_scoped3A_6, %mul3A_5, %dma_start3A_653] : memref<2x640x512xi32, #tpu.memory_space<hbm>> -> memref<1x20x512xi32, #tpu.memory_space<hbm>>
      %dma_start3A_655 = tpu.memref_squeeze %dma_start3A_654 : memref<1x20x512xi32, #tpu.memory_space<hbm>> -> memref<20x512xi32, #tpu.memory_space<hbm>>
      tpu.enqueue_dma source(%dma_start3A_655 : memref<20x512xi32, #tpu.memory_space<hbm>>) target(%arg9 : memref<20x512xi32, #tpu.memory_space<vmem>>) target_semaphore(%run_scoped3A_649 : memref<!tpu.dma_semaphore, #tpu.memory_space<semaphore_mem>>)
      %dma_wait3A_656 = arith.constant 0 : i32
      %dma_wait3A_657 = tpu.memref_slice %arg7[%run_scoped3A_6, %mul3A_5, %dma_wait3A_656] : memref<2x640x512xi32, #tpu.memory_space<hbm>> -> memref<1x20x512xi32, #tpu.memory_space<hbm>>
      %dma_wait3A_658 = tpu.memref_squeeze %dma_wait3A_657 : memref<1x20x512xi32, #tpu.memory_space<hbm>> -> memref<20x512xi32, #tpu.memory_space<hbm>>
      %dma_wait3A_659 = arith.constant 0 : i32
      %dma_wait3A_660 = tpu.memref_slice %arg7[%run_scoped3A_6, %mul3A_5, %dma_wait3A_659] : memref<2x640x512xi32, #tpu.memory_space<hbm>> -> memref<1x20x512xi32, #tpu.memory_space<hbm>>
      %dma_wait3A_661 = tpu.memref_squeeze %dma_wait3A_660 : memref<1x20x512xi32, #tpu.memory_space<hbm>> -> memref<20x512xi32, #tpu.memory_space<hbm>>
      tpu.wait_dma2 semaphore(%run_scoped3A_649 : memref<!tpu.dma_semaphore, #tpu.memory_space<semaphore_mem>>) src(%dma_wait3A_661 : memref<20x512xi32, #tpu.memory_space<hbm>>) dst(%arg9 : memref<20x512xi32, #tpu.memory_space<vmem>>)
      tpu.yield
    }) : () -> ()
    %mul3A_7 = arith.constant 20 : i32
    %mul3A_8 = arith.muli %add3A, %mul3A_7 : i32
    %run_scoped3A_9 = arith.constant 1 : i32
    "tpu.region"() ({
      %run_scoped3A_649 = tpu.sem_alloc : memref<!tpu.dma_semaphore, #tpu.memory_space<semaphore_mem>>
      %dma_start3A_650 = arith.constant 0 : i32
      %dma_start3A_651 = tpu.memref_slice %arg7[%run_scoped3A_9, %mul3A_8, %dma_start3A_650] : memref<2x640x512xi32, #tpu.memory_space<hbm>> -> memref<1x20x512xi32, #tpu.memory_space<hbm>>
      %dma_start3A_652 = tpu.memref_squeeze %dma_start3A_651 : memref<1x20x512xi32, #tpu.memory_space<hbm>> -> memref<20x512xi32, #tpu.memory_space<hbm>>
      %dma_start3A_653 = arith.constant 0 : i32
      %dma_start3A_654 = tpu.memref_slice %arg7[%run_scoped3A_9, %mul3A_8, %dma_start3A_653] : memref<2x640x512xi32, #tpu.memory_space<hbm>> -> memref<1x20x512xi32, #tpu.memory_space<hbm>>
      %dma_start3A_655 = tpu.memref_squeeze %dma_start3A_654 : memref<1x20x512xi32, #tpu.memory_space<hbm>> -> memref<20x512xi32, #tpu.memory_space<hbm>>
      tpu.enqueue_dma source(%dma_start3A_655 : memref<20x512xi32, #tpu.memory_space<hbm>>) target(%arg10 : memref<20x512xi32, #tpu.memory_space<vmem>>) target_semaphore(%run_scoped3A_649 : memref<!tpu.dma_semaphore, #tpu.memory_space<semaphore_mem>>)
      %dma_wait3A_656 = arith.constant 0 : i32
      %dma_wait3A_657 = tpu.memref_slice %arg7[%run_scoped3A_9, %mul3A_8, %dma_wait3A_656] : memref<2x640x512xi32, #tpu.memory_space<hbm>> -> memref<1x20x512xi32, #tpu.memory_space<hbm>>
      %dma_wait3A_658 = tpu.memref_squeeze %dma_wait3A_657 : memref<1x20x512xi32, #tpu.memory_space<hbm>> -> memref<20x512xi32, #tpu.memory_space<hbm>>
      %dma_wait3A_659 = arith.constant 0 : i32
      %dma_wait3A_660 = tpu.memref_slice %arg7[%run_scoped3A_9, %mul3A_8, %dma_wait3A_659] : memref<2x640x512xi32, #tpu.memory_space<hbm>> -> memref<1x20x512xi32, #tpu.memory_space<hbm>>
      %dma_wait3A_661 = tpu.memref_squeeze %dma_wait3A_660 : memref<1x20x512xi32, #tpu.memory_space<hbm>> -> memref<20x512xi32, #tpu.memory_space<hbm>>
      tpu.wait_dma2 semaphore(%run_scoped3A_649 : memref<!tpu.dma_semaphore, #tpu.memory_space<semaphore_mem>>) src(%dma_wait3A_661 : memref<20x512xi32, #tpu.memory_space<hbm>>) dst(%arg10 : memref<20x512xi32, #tpu.memory_space<vmem>>)
      tpu.yield
    }) : () -> ()
    %get3A = arith.constant 0 : index
    %get3A_10 = tpu.vector_load %arg22[%get3A] {strides = array<i32>} : memref<16xf32, #tpu.memory_space<vmem>>, vector<16xf32>,
    %scan3A = arith.constant 0 : i32
    %scan3A_11 = arith.constant 0 : i32
    %scan3A_12 = arith.constant 40 : i32
    %scan3A_13 = arith.addi %scan3A_11, %scan3A_12 : i32
    %scan3A_14 = arith.constant 1 : i32
    scf.for %scan3A_649 = %scan3A_11 to %scan3A_13 step %scan3A_14  : i32 {
      %mul3A_650 = arith.constant 16 : i32
      %mul3A_651 = arith.muli %scan3A_649, %mul3A_650 : i32
      %get3A_652 = arith.index_cast %mul3A_651 : i32 to index
      %get3A_653 = tpu.vector_load %arg20[%get3A_652] {strides = array<i32>} : memref<640xf32, #tpu.memory_space<vmem>>, vector<16xf32>,
      %mul3A_654 = arith.constant 16 : i32
      %mul3A_655 = arith.muli %scan3A_649, %mul3A_654 : i32
      %add3A_656 = arith.constant 0 : i32
      %add3A_657 = arith.addi %mul3A_655, %add3A_656 : i32
      %broadcast_in_dim3A_658 = vector.broadcast %add3A_657 : i32 to vector<16xi32>
      %gather3A = tpu.vector_load_idx %arg15[%broadcast_in_dim3A_658, %iota3A] : memref<640x16xf32, #tpu.memory_space<vmem>>[vector<16xi32>, vector<16xi32>], vector<16xf32>,
      %gather3A_659 = tpu.vector_load_idx %arg16[%broadcast_in_dim3A_658, %iota3A] : memref<640x16xf32, #tpu.memory_space<vmem>>[vector<16xi32>, vector<16xi32>], vector<16xf32>,
      %add3A_660 = arith.addf %gather3A, %gather3A_659 : vector<16xf32>
      %gather3A_661 = tpu.vector_load_idx %arg17[%broadcast_in_dim3A_658, %iota3A] : memref<640x16xf32, #tpu.memory_space<vmem>>[vector<16xi32>, vector<16xi32>], vector<16xf32>,
      %sub3A = arith.subf %add3A_660, %gather3A_661 : vector<16xf32>
      %slice3A = vector.extract_strided_slice %get3A_653 {offsets = [0], sizes = [1], strides = [1]} : vector<16xf32> to vector<1xf32>
      %squeeze3A = vector.extract %slice3A[0] : f32 from vector<1xf32>
      %mul3A_662 = vector.broadcast %squeeze3A : f32 to vector<16xf32>
      %mul3A_663 = arith.mulf %sub3A, %mul3A_662 : vector<16xf32>
      %add3A_664 = arith.addf %mul3A_663, %get3A_10 : vector<16xf32>
      %max3A = arith.constant 0.000000e+00 : f32
      %max3A_665 = vector.broadcast %max3A : f32 to vector<16xf32>
      %max3A_666 = arith.maximumf %add3A_664, %max3A_665 : vector<16xf32>
      %add3A_667 = arith.addi %mul3A_2, %add3A_657 : i32
      %lt3A = arith.constant 10000 : i32
      %lt3A_668 = arith.cmpi slt, %add3A_667, %lt3A : i32
      %jit3A_669 = arith.constant 0.000000e+00 : f32
      %broadcast_in_dim3A_670 = vector.broadcast %jit3A_669 : f32 to vector<16xf32>
      %select_n3A_671 = arith.select %lt3A_668, %max3A_666, %broadcast_in_dim3A_670 : vector<16xf32>
      %mul3A_672 = vector.broadcast %squeeze3A : f32 to vector<16xf32>
      %mul3A_673 = arith.mulf %select_n3A_671, %mul3A_672 : vector<16xf32>
      tpu.vector_store_idx %arg18[%broadcast_in_dim3A_658, %iota3A], %mul3A_673 : memref<640x16xf32, #tpu.memory_space<vmem>>[vector<16xi32>, vector<16xi32>], vector<16xf32>,
      %mul3A_674 = arith.constant 16 : i32
      %mul3A_675 = arith.muli %scan3A_649, %mul3A_674 : i32
      %add3A_676 = arith.constant 1 : i32
      %add3A_677 = arith.addi %mul3A_675, %add3A_676 : i32
      %broadcast_in_dim3A_678 = vector.broadcast %add3A_677 : i32 to vector<16xi32>
      %gather3A_679 = tpu.vector_load_idx %arg15[%broadcast_in_dim3A_678, %iota3A] : memref<640x16xf32, #tpu.memory_space<vmem>>[vector<16xi32>, vector<16xi32>], vector<16xf32>,
      %gather3A_680 = tpu.vector_load_idx %arg16[%broadcast_in_dim3A_678, %iota3A] : memref<640x16xf32, #tpu.memory_space<vmem>>[vector<16xi32>, vector<16xi32>], vector<16xf32>,
      %add3A_681 = arith.addf %gather3A_679, %gather3A_680 : vector<16xf32>
      %gather3A_682 = tpu.vector_load_idx %arg17[%broadcast_in_dim3A_678, %iota3A] : memref<640x16xf32, #tpu.memory_space<vmem>>[vector<16xi32>, vector<16xi32>], vector<16xf32>,
      %sub3A_683 = arith.subf %add3A_681, %gather3A_682 : vector<16xf32>
      %slice3A_684 = vector.extract_strided_slice %get3A_653 {offsets = [1], sizes = [1], strides = [1]} : vector<16xf32> to vector<1xf32>
      %squeeze3A_685 = vector.extract %slice3A_684[0] : f32 from vector<1xf32>
      %mul3A_686 = vector.broadcast %squeeze3A_685 : f32 to vector<16xf32>
      %mul3A_687 = arith.mulf %sub3A_683, %mul3A_686 : vector<16xf32>
      %add3A_688 = arith.addf %mul3A_687, %get3A_10 : vector<16xf32>
      %max3A_689 = arith.constant 0.000000e+00 : f32
      %max3A_690 = vector.broadcast %max3A_689 : f32 to vector<16xf32>
      %max3A_691 = arith.maximumf %add3A_688, %max3A_690 : vector<16xf32>
      %add3A_692 = arith.addi %mul3A_2, %add3A_677 : i32
      %lt3A_693 = arith.constant 10000 : i32
      %lt3A_694 = arith.cmpi slt, %add3A_692, %lt3A_693 : i32
      %jit3A_695 = arith.constant 0.000000e+00 : f32
      %broadcast_in_dim3A_696 = vector.broadcast %jit3A_695 : f32 to vector<16xf32>
      %select_n3A_697 = arith.select %lt3A_694, %max3A_691, %broadcast_in_dim3A_696 : vector<16xf32>
      %mul3A_698 = vector.broadcast %squeeze3A_685 : f32 to vector<16xf32>
      %mul3A_699 = arith.mulf %select_n3A_697, %mul3A_698 : vector<16xf32>
      tpu.vector_store_idx %arg18[%broadcast_in_dim3A_678, %iota3A], %mul3A_699 : memref<640x16xf32, #tpu.memory_space<vmem>>[vector<16xi32>, vector<16xi32>], vector<16xf32>,
      %mul3A_700 = arith.constant 16 : i32
      %mul3A_701 = arith.muli %scan3A_649, %mul3A_700 : i32
      %add3A_702 = arith.constant 2 : i32
      %add3A_703 = arith.addi %mul3A_701, %add3A_702 : i32
      %broadcast_in_dim3A_704 = vector.broadcast %add3A_703 : i32 to vector<16xi32>
      %gather3A_705 = tpu.vector_load_idx %arg15[%broadcast_in_dim3A_704, %iota3A] : memref<640x16xf32, #tpu.memory_space<vmem>>[vector<16xi32>, vector<16xi32>], vector<16xf32>,
      %gather3A_706 = tpu.vector_load_idx %arg16[%broadcast_in_dim3A_704, %iota3A] : memref<640x16xf32, #tpu.memory_space<vmem>>[vector<16xi32>, vector<16xi32>], vector<16xf32>,
      %add3A_707 = arith.addf %gather3A_705, %gather3A_706 : vector<16xf32>
      %gather3A_708 = tpu.vector_load_idx %arg17[%broadcast_in_dim3A_704, %iota3A] : memref<640x16xf32, #tpu.memory_space<vmem>>[vector<16xi32>, vector<16xi32>], vector<16xf32>,
      %sub3A_709 = arith.subf %add3A_707, %gather3A_708 : vector<16xf32>
      %slice3A_710 = vector.extract_strided_slice %get3A_653 {offsets = [2], sizes = [1], strides = [1]} : vector<16xf32> to vector<1xf32>
      %squeeze3A_711 = vector.extract %slice3A_710[0] : f32 from vector<1xf32>
      %mul3A_712 = vector.broadcast %squeeze3A_711 : f32 to vector<16xf32>
      %mul3A_713 = arith.mulf %sub3A_709, %mul3A_712 : vector<16xf32>
      %add3A_714 = arith.addf %mul3A_713, %get3A_10 : vector<16xf32>
      %max3A_715 = arith.constant 0.000000e+00 : f32
      %max3A_716 = vector.broadcast %max3A_715 : f32 to vector<16xf32>
      %max3A_717 = arith.maximumf %add3A_714, %max3A_716 : vector<16xf32>
      %add3A_718 = arith.addi %mul3A_2, %add3A_703 : i32
      %lt3A_719 = arith.constant 10000 : i32
      %lt3A_720 = arith.cmpi slt, %add3A_718, %lt3A_719 : i32
      %jit3A_721 = arith.constant 0.000000e+00 : f32
      %broadcast_in_dim3A_722 = vector.broadcast %jit3A_721 : f32 to vector<16xf32>
      %select_n3A_723 = arith.select %lt3A_720, %max3A_717, %broadcast_in_dim3A_722 : vector<16xf32>
      %mul3A_724 = vector.broadcast %squeeze3A_711 : f32 to vector<16xf32>
      %mul3A_725 = arith.mulf %select_n3A_723, %mul3A_724 : vector<16xf32>
      tpu.vector_store_idx %arg18[%broadcast_in_dim3A_704, %iota3A], %mul3A_725 : memref<640x16xf32, #tpu.memory_space<vmem>>[vector<16xi32>, vector<16xi32>], vector<16xf32>,
      %mul3A_726 = arith.constant 16 : i32
      %mul3A_727 = arith.muli %scan3A_649, %mul3A_726 : i32
      %add3A_728 = arith.constant 3 : i32
      %add3A_729 = arith.addi %mul3A_727, %add3A_728 : i32
      %broadcast_in_dim3A_730 = vector.broadcast %add3A_729 : i32 to vector<16xi32>
      %gather3A_731 = tpu.vector_load_idx %arg15[%broadcast_in_dim3A_730, %iota3A] : memref<640x16xf32, #tpu.memory_space<vmem>>[vector<16xi32>, vector<16xi32>], vector<16xf32>,
      %gather3A_732 = tpu.vector_load_idx %arg16[%broadcast_in_dim3A_730, %iota3A] : memref<640x16xf32, #tpu.memory_space<vmem>>[vector<16xi32>, vector<16xi32>], vector<16xf32>,
      %add3A_733 = arith.addf %gather3A_731, %gather3A_732 : vector<16xf32>
      %gather3A_734 = tpu.vector_load_idx %arg17[%broadcast_in_dim3A_730, %iota3A] : memref<640x16xf32, #tpu.memory_space<vmem>>[vector<16xi32>, vector<16xi32>], vector<16xf32>,
      %sub3A_735 = arith.subf %add3A_733, %gather3A_734 : vector<16xf32>
      %slice3A_736 = vector.extract_strided_slice %get3A_653 {offsets = [3], sizes = [1], strides = [1]} : vector<16xf32> to vector<1xf32>
      %squeeze3A_737 = vector.extract %slice3A_736[0] : f32 from vector<1xf32>
      %mul3A_738 = vector.broadcast %squeeze3A_737 : f32 to vector<16xf32>
      %mul3A_739 = arith.mulf %sub3A_735, %mul3A_738 : vector<16xf32>
      %add3A_740 = arith.addf %mul3A_739, %get3A_10 : vector<16xf32>
      %max3A_741 = arith.constant 0.000000e+00 : f32
      %max3A_742 = vector.broadcast %max3A_741 : f32 to vector<16xf32>
      %max3A_743 = arith.maximumf %add3A_740, %max3A_742 : vector<16xf32>
      %add3A_744 = arith.addi %mul3A_2, %add3A_729 : i32
      %lt3A_745 = arith.constant 10000 : i32
      %lt3A_746 = arith.cmpi slt, %add3A_744, %lt3A_745 : i32
      %jit3A_747 = arith.constant 0.000000e+00 : f32
      %broadcast_in_dim3A_748 = vector.broadcast %jit3A_747 : f32 to vector<16xf32>
      %select_n3A_749 = arith.select %lt3A_746, %max3A_743, %broadcast_in_dim3A_748 : vector<16xf32>
      %mul3A_750 = vector.broadcast %squeeze3A_737 : f32 to vector<16xf32>
      %mul3A_751 = arith.mulf %select_n3A_749, %mul3A_750 : vector<16xf32>
      tpu.vector_store_idx %arg18[%broadcast_in_dim3A_730, %iota3A], %mul3A_751 : memref<640x16xf32, #tpu.memory_space<vmem>>[vector<16xi32>, vector<16xi32>], vector<16xf32>,
      %mul3A_752 = arith.constant 16 : i32
      %mul3A_753 = arith.muli %scan3A_649, %mul3A_752 : i32
      %add3A_754 = arith.constant 4 : i32
      %add3A_755 = arith.addi %mul3A_753, %add3A_754 : i32
      %broadcast_in_dim3A_756 = vector.broadcast %add3A_755 : i32 to vector<16xi32>
      %gather3A_757 = tpu.vector_load_idx %arg15[%broadcast_in_dim3A_756, %iota3A] : memref<640x16xf32, #tpu.memory_space<vmem>>[vector<16xi32>, vector<16xi32>], vector<16xf32>,
      %gather3A_758 = tpu.vector_load_idx %arg16[%broadcast_in_dim3A_756, %iota3A] : memref<640x16xf32, #tpu.memory_space<vmem>>[vector<16xi32>, vector<16xi32>], vector<16xf32>,
      %add3A_759 = arith.addf %gather3A_757, %gather3A_758 : vector<16xf32>
      %gather3A_760 = tpu.vector_load_idx %arg17[%broadcast_in_dim3A_756, %iota3A] : memref<640x16xf32, #tpu.memory_space<vmem>>[vector<16xi32>, vector<16xi32>], vector<16xf32>,
      %sub3A_761 = arith.subf %add3A_759, %gather3A_760 : vector<16xf32>
      %slice3A_762 = vector.extract_strided_slice %get3A_653 {offsets = [4], sizes = [1], strides = [1]} : vector<16xf32> to vector<1xf32>
      %squeeze3A_763 = vector.extract %slice3A_762[0] : f32 from vector<1xf32>
      %mul3A_764 = vector.broadcast %squeeze3A_763 : f32 to vector<16xf32>
      %mul3A_765 = arith.mulf %sub3A_761, %mul3A_764 : vector<16xf32>
      %add3A_766 = arith.addf %mul3A_765, %get3A_10 : vector<16xf32>
      %max3A_767 = arith.constant 0.000000e+00 : f32
      %max3A_768 = vector.broadcast %max3A_767 : f32 to vector<16xf32>
      %max3A_769 = arith.maximumf %add3A_766, %max3A_768 : vector<16xf32>
      %add3A_770 = arith.addi %mul3A_2, %add3A_755 : i32
      %lt3A_771 = arith.constant 10000 : i32
      %lt3A_772 = arith.cmpi slt, %add3A_770, %lt3A_771 : i32
      %jit3A_773 = arith.constant 0.000000e+00 : f32
      %broadcast_in_dim3A_774 = vector.broadcast %jit3A_773 : f32 to vector<16xf32>
      %select_n3A_775 = arith.select %lt3A_772, %max3A_769, %broadcast_in_dim3A_774 : vector<16xf32>
      %mul3A_776 = vector.broadcast %squeeze3A_763 : f32 to vector<16xf32>
      %mul3A_777 = arith.mulf %select_n3A_775, %mul3A_776 : vector<16xf32>
      tpu.vector_store_idx %arg18[%broadcast_in_dim3A_756, %iota3A], %mul3A_777 : memref<640x16xf32, #tpu.memory_space<vmem>>[vector<16xi32>, vector<16xi32>], vector<16xf32>,
      %mul3A_778 = arith.constant 16 : i32
      %mul3A_779 = arith.muli %scan3A_649, %mul3A_778 : i32
      %add3A_780 = arith.constant 5 : i32
      %add3A_781 = arith.addi %mul3A_779, %add3A_780 : i32
      %broadcast_in_dim3A_782 = vector.broadcast %add3A_781 : i32 to vector<16xi32>
      %gather3A_783 = tpu.vector_load_idx %arg15[%broadcast_in_dim3A_782, %iota3A] : memref<640x16xf32, #tpu.memory_space<vmem>>[vector<16xi32>, vector<16xi32>], vector<16xf32>,
      %gather3A_784 = tpu.vector_load_idx %arg16[%broadcast_in_dim3A_782, %iota3A] : memref<640x16xf32, #tpu.memory_space<vmem>>[vector<16xi32>, vector<16xi32>], vector<16xf32>,
      %add3A_785 = arith.addf %gather3A_783, %gather3A_784 : vector<16xf32>
      %gather3A_786 = tpu.vector_load_idx %arg17[%broadcast_in_dim3A_782, %iota3A] : memref<640x16xf32, #tpu.memory_space<vmem>>[vector<16xi32>, vector<16xi32>], vector<16xf32>,
      %sub3A_787 = arith.subf %add3A_785, %gather3A_786 : vector<16xf32>
      %slice3A_788 = vector.extract_strided_slice %get3A_653 {offsets = [5], sizes = [1], strides = [1]} : vector<16xf32> to vector<1xf32>
      %squeeze3A_789 = vector.extract %slice3A_788[0] : f32 from vector<1xf32>
      %mul3A_790 = vector.broadcast %squeeze3A_789 : f32 to vector<16xf32>
      %mul3A_791 = arith.mulf %sub3A_787, %mul3A_790 : vector<16xf32>
      %add3A_792 = arith.addf %mul3A_791, %get3A_10 : vector<16xf32>
      %max3A_793 = arith.constant 0.000000e+00 : f32
      %max3A_794 = vector.broadcast %max3A_793 : f32 to vector<16xf32>
      %max3A_795 = arith.maximumf %add3A_792, %max3A_794 : vector<16xf32>
      %add3A_796 = arith.addi %mul3A_2, %add3A_781 : i32
      %lt3A_797 = arith.constant 10000 : i32
      %lt3A_798 = arith.cmpi slt, %add3A_796, %lt3A_797 : i32
      %jit3A_799 = arith.constant 0.000000e+00 : f32
      %broadcast_in_dim3A_800 = vector.broadcast %jit3A_799 : f32 to vector<16xf32>
      %select_n3A_801 = arith.select %lt3A_798, %max3A_795, %broadcast_in_dim3A_800 : vector<16xf32>
      %mul3A_802 = vector.broadcast %squeeze3A_789 : f32 to vector<16xf32>
      %mul3A_803 = arith.mulf %select_n3A_801, %mul3A_802 : vector<16xf32>
      tpu.vector_store_idx %arg18[%broadcast_in_dim3A_782, %iota3A], %mul3A_803 : memref<640x16xf32, #tpu.memory_space<vmem>>[vector<16xi32>, vector<16xi32>], vector<16xf32>,
      %mul3A_804 = arith.constant 16 : i32
      %mul3A_805 = arith.muli %scan3A_649, %mul3A_804 : i32
      %add3A_806 = arith.constant 6 : i32
      %add3A_807 = arith.addi %mul3A_805, %add3A_806 : i32
      %broadcast_in_dim3A_808 = vector.broadcast %add3A_807 : i32 to vector<16xi32>
      %gather3A_809 = tpu.vector_load_idx %arg15[%broadcast_in_dim3A_808, %iota3A] : memref<640x16xf32, #tpu.memory_space<vmem>>[vector<16xi32>, vector<16xi32>], vector<16xf32>,
      %gather3A_810 = tpu.vector_load_idx %arg16[%broadcast_in_dim3A_808, %iota3A] : memref<640x16xf32, #tpu.memory_space<vmem>>[vector<16xi32>, vector<16xi32>], vector<16xf32>,
      %add3A_811 = arith.addf %gather3A_809, %gather3A_810 : vector<16xf32>
      %gather3A_812 = tpu.vector_load_idx %arg17[%broadcast_in_dim3A_808, %iota3A] : memref<640x16xf32, #tpu.memory_space<vmem>>[vector<16xi32>, vector<16xi32>], vector<16xf32>,
      %sub3A_813 = arith.subf %add3A_811, %gather3A_812 : vector<16xf32>
      %slice3A_814 = vector.extract_strided_slice %get3A_653 {offsets = [6], sizes = [1], strides = [1]} : vector<16xf32> to vector<1xf32>
      %squeeze3A_815 = vector.extract %slice3A_814[0] : f32 from vector<1xf32>
      %mul3A_816 = vector.broadcast %squeeze3A_815 : f32 to vector<16xf32>
      %mul3A_817 = arith.mulf %sub3A_813, %mul3A_816 : vector<16xf32>
      %add3A_818 = arith.addf %mul3A_817, %get3A_10 : vector<16xf32>
      %max3A_819 = arith.constant 0.000000e+00 : f32
      %max3A_820 = vector.broadcast %max3A_819 : f32 to vector<16xf32>
      %max3A_821 = arith.maximumf %add3A_818, %max3A_820 : vector<16xf32>
      %add3A_822 = arith.addi %mul3A_2, %add3A_807 : i32
      %lt3A_823 = arith.constant 10000 : i32
      %lt3A_824 = arith.cmpi slt, %add3A_822, %lt3A_823 : i32
      %jit3A_825 = arith.constant 0.000000e+00 : f32
      %broadcast_in_dim3A_826 = vector.broadcast %jit3A_825 : f32 to vector<16xf32>
      %select_n3A_827 = arith.select %lt3A_824, %max3A_821, %broadcast_in_dim3A_826 : vector<16xf32>
      %mul3A_828 = vector.broadcast %squeeze3A_815 : f32 to vector<16xf32>
      %mul3A_829 = arith.mulf %select_n3A_827, %mul3A_828 : vector<16xf32>
      tpu.vector_store_idx %arg18[%broadcast_in_dim3A_808, %iota3A], %mul3A_829 : memref<640x16xf32, #tpu.memory_space<vmem>>[vector<16xi32>, vector<16xi32>], vector<16xf32>,
      %mul3A_830 = arith.constant 16 : i32
      %mul3A_831 = arith.muli %scan3A_649, %mul3A_830 : i32
      %add3A_832 = arith.constant 7 : i32
      %add3A_833 = arith.addi %mul3A_831, %add3A_832 : i32
      %broadcast_in_dim3A_834 = vector.broadcast %add3A_833 : i32 to vector<16xi32>
      %gather3A_835 = tpu.vector_load_idx %arg15[%broadcast_in_dim3A_834, %iota3A] : memref<640x16xf32, #tpu.memory_space<vmem>>[vector<16xi32>, vector<16xi32>], vector<16xf32>,
      %gather3A_836 = tpu.vector_load_idx %arg16[%broadcast_in_dim3A_834, %iota3A] : memref<640x16xf32, #tpu.memory_space<vmem>>[vector<16xi32>, vector<16xi32>], vector<16xf32>,
      %add3A_837 = arith.addf %gather3A_835, %gather3A_836 : vector<16xf32>
      %gather3A_838 = tpu.vector_load_idx %arg17[%broadcast_in_dim3A_834, %iota3A] : memref<640x16xf32, #tpu.memory_space<vmem>>[vector<16xi32>, vector<16xi32>], vector<16xf32>,
      %sub3A_839 = arith.subf %add3A_837, %gather3A_838 : vector<16xf32>
      %slice3A_840 = vector.extract_strided_slice %get3A_653 {offsets = [7], sizes = [1], strides = [1]} : vector<16xf32> to vector<1xf32>
      %squeeze3A_841 = vector.extract %slice3A_840[0] : f32 from vector<1xf32>
      %mul3A_842 = vector.broadcast %squeeze3A_841 : f32 to vector<16xf32>
      %mul3A_843 = arith.mulf %sub3A_839, %mul3A_842 : vector<16xf32>
      %add3A_844 = arith.addf %mul3A_843, %get3A_10 : vector<16xf32>
      %max3A_845 = arith.constant 0.000000e+00 : f32
      %max3A_846 = vector.broadcast %max3A_845 : f32 to vector<16xf32>
      %max3A_847 = arith.maximumf %add3A_844, %max3A_846 : vector<16xf32>
      %add3A_848 = arith.addi %mul3A_2, %add3A_833 : i32
      %lt3A_849 = arith.constant 10000 : i32
      %lt3A_850 = arith.cmpi slt, %add3A_848, %lt3A_849 : i32
      %jit3A_851 = arith.constant 0.000000e+00 : f32
      %broadcast_in_dim3A_852 = vector.broadcast %jit3A_851 : f32 to vector<16xf32>
      %select_n3A_853 = arith.select %lt3A_850, %max3A_847, %broadcast_in_dim3A_852 : vector<16xf32>
      %mul3A_854 = vector.broadcast %squeeze3A_841 : f32 to vector<16xf32>
      %mul3A_855 = arith.mulf %select_n3A_853, %mul3A_854 : vector<16xf32>
      tpu.vector_store_idx %arg18[%broadcast_in_dim3A_834, %iota3A], %mul3A_855 : memref<640x16xf32, #tpu.memory_space<vmem>>[vector<16xi32>, vector<16xi32>], vector<16xf32>,
      %mul3A_856 = arith.constant 16 : i32
      %mul3A_857 = arith.muli %scan3A_649, %mul3A_856 : i32
      %add3A_858 = arith.constant 8 : i32
      %add3A_859 = arith.addi %mul3A_857, %add3A_858 : i32
      %broadcast_in_dim3A_860 = vector.broadcast %add3A_859 : i32 to vector<16xi32>
      %gather3A_861 = tpu.vector_load_idx %arg15[%broadcast_in_dim3A_860, %iota3A] : memref<640x16xf32, #tpu.memory_space<vmem>>[vector<16xi32>, vector<16xi32>], vector<16xf32>,
      %gather3A_862 = tpu.vector_load_idx %arg16[%broadcast_in_dim3A_860, %iota3A] : memref<640x16xf32, #tpu.memory_space<vmem>>[vector<16xi32>, vector<16xi32>], vector<16xf32>,
      %add3A_863 = arith.addf %gather3A_861, %gather3A_862 : vector<16xf32>
      %gather3A_864 = tpu.vector_load_idx %arg17[%broadcast_in_dim3A_860, %iota3A] : memref<640x16xf32, #tpu.memory_space<vmem>>[vector<16xi32>, vector<16xi32>], vector<16xf32>,
      %sub3A_865 = arith.subf %add3A_863, %gather3A_864 : vector<16xf32>
      %slice3A_866 = vector.extract_strided_slice %get3A_653 {offsets = [8], sizes = [1], strides = [1]} : vector<16xf32> to vector<1xf32>
      %squeeze3A_867 = vector.extract %slice3A_866[0] : f32 from vector<1xf32>
      %mul3A_868 = vector.broadcast %squeeze3A_867 : f32 to vector<16xf32>
      %mul3A_869 = arith.mulf %sub3A_865, %mul3A_868 : vector<16xf32>
      %add3A_870 = arith.addf %mul3A_869, %get3A_10 : vector<16xf32>
      %max3A_871 = arith.constant 0.000000e+00 : f32
      %max3A_872 = vector.broadcast %max3A_871 : f32 to vector<16xf32>
      %max3A_873 = arith.maximumf %add3A_870, %max3A_872 : vector<16xf32>
      %add3A_874 = arith.addi %mul3A_2, %add3A_859 : i32
      %lt3A_875 = arith.constant 10000 : i32
      %lt3A_876 = arith.cmpi slt, %add3A_874, %lt3A_875 : i32
      %jit3A_877 = arith.constant 0.000000e+00 : f32
      %broadcast_in_dim3A_878 = vector.broadcast %jit3A_877 : f32 to vector<16xf32>
      %select_n3A_879 = arith.select %lt3A_876, %max3A_873, %broadcast_in_dim3A_878 : vector<16xf32>
      %mul3A_880 = vector.broadcast %squeeze3A_867 : f32 to vector<16xf32>
      %mul3A_881 = arith.mulf %select_n3A_879, %mul3A_880 : vector<16xf32>
      tpu.vector_store_idx %arg18[%broadcast_in_dim3A_860, %iota3A], %mul3A_881 : memref<640x16xf32, #tpu.memory_space<vmem>>[vector<16xi32>, vector<16xi32>], vector<16xf32>,
      %mul3A_882 = arith.constant 16 : i32
      %mul3A_883 = arith.muli %scan3A_649, %mul3A_882 : i32
      %add3A_884 = arith.constant 9 : i32
      %add3A_885 = arith.addi %mul3A_883, %add3A_884 : i32
      %broadcast_in_dim3A_886 = vector.broadcast %add3A_885 : i32 to vector<16xi32>
      %gather3A_887 = tpu.vector_load_idx %arg15[%broadcast_in_dim3A_886, %iota3A] : memref<640x16xf32, #tpu.memory_space<vmem>>[vector<16xi32>, vector<16xi32>], vector<16xf32>,
      %gather3A_888 = tpu.vector_load_idx %arg16[%broadcast_in_dim3A_886, %iota3A] : memref<640x16xf32, #tpu.memory_space<vmem>>[vector<16xi32>, vector<16xi32>], vector<16xf32>,
      %add3A_889 = arith.addf %gather3A_887, %gather3A_888 : vector<16xf32>
      %gather3A_890 = tpu.vector_load_idx %arg17[%broadcast_in_dim3A_886, %iota3A] : memref<640x16xf32, #tpu.memory_space<vmem>>[vector<16xi32>, vector<16xi32>], vector<16xf32>,
      %sub3A_891 = arith.subf %add3A_889, %gather3A_890 : vector<16xf32>
      %slice3A_892 = vector.extract_strided_slice %get3A_653 {offsets = [9], sizes = [1], strides = [1]} : vector<16xf32> to vector<1xf32>
      %squeeze3A_893 = vector.extract %slice3A_892[0] : f32 from vector<1xf32>
      %mul3A_894 = vector.broadcast %squeeze3A_893 : f32 to vector<16xf32>
      %mul3A_895 = arith.mulf %sub3A_891, %mul3A_894 : vector<16xf32>
      %add3A_896 = arith.addf %mul3A_895, %get3A_10 : vector<16xf32>
      %max3A_897 = arith.constant 0.000000e+00 : f32
      %max3A_898 = vector.broadcast %max3A_897 : f32 to vector<16xf32>
      %max3A_899 = arith.maximumf %add3A_896, %max3A_898 : vector<16xf32>
      %add3A_900 = arith.addi %mul3A_2, %add3A_885 : i32
      %lt3A_901 = arith.constant 10000 : i32
      %lt3A_902 = arith.cmpi slt, %add3A_900, %lt3A_901 : i32
      %jit3A_903 = arith.constant 0.000000e+00 : f32
      %broadcast_in_dim3A_904 = vector.broadcast %jit3A_903 : f32 to vector<16xf32>
      %select_n3A_905 = arith.select %lt3A_902, %max3A_899, %broadcast_in_dim3A_904 : vector<16xf32>
      %mul3A_906 = vector.broadcast %squeeze3A_893 : f32 to vector<16xf32>
      %mul3A_907 = arith.mulf %select_n3A_905, %mul3A_906 : vector<16xf32>
      tpu.vector_store_idx %arg18[%broadcast_in_dim3A_886, %iota3A], %mul3A_907 : memref<640x16xf32, #tpu.memory_space<vmem>>[vector<16xi32>, vector<16xi32>], vector<16xf32>,
      %mul3A_908 = arith.constant 16 : i32
      %mul3A_909 = arith.muli %scan3A_649, %mul3A_908 : i32
      %add3A_910 = arith.constant 10 : i32
      %add3A_911 = arith.addi %mul3A_909, %add3A_910 : i32
      %broadcast_in_dim3A_912 = vector.broadcast %add3A_911 : i32 to vector<16xi32>
      %gather3A_913 = tpu.vector_load_idx %arg15[%broadcast_in_dim3A_912, %iota3A] : memref<640x16xf32, #tpu.memory_space<vmem>>[vector<16xi32>, vector<16xi32>], vector<16xf32>,
      %gather3A_914 = tpu.vector_load_idx %arg16[%broadcast_in_dim3A_912, %iota3A] : memref<640x16xf32, #tpu.memory_space<vmem>>[vector<16xi32>, vector<16xi32>], vector<16xf32>,
      %add3A_915 = arith.addf %gather3A_913, %gather3A_914 : vector<16xf32>
      %gather3A_916 = tpu.vector_load_idx %arg17[%broadcast_in_dim3A_912, %iota3A] : memref<640x16xf32, #tpu.memory_space<vmem>>[vector<16xi32>, vector<16xi32>], vector<16xf32>,
      %sub3A_917 = arith.subf %add3A_915, %gather3A_916 : vector<16xf32>
      %slice3A_918 = vector.extract_strided_slice %get3A_653 {offsets = [10], sizes = [1], strides = [1]} : vector<16xf32> to vector<1xf32>
      %squeeze3A_919 = vector.extract %slice3A_918[0] : f32 from vector<1xf32>
      %mul3A_920 = vector.broadcast %squeeze3A_919 : f32 to vector<16xf32>
      %mul3A_921 = arith.mulf %sub3A_917, %mul3A_920 : vector<16xf32>
      %add3A_922 = arith.addf %mul3A_921, %get3A_10 : vector<16xf32>
      %max3A_923 = arith.constant 0.000000e+00 : f32
      %max3A_924 = vector.broadcast %max3A_923 : f32 to vector<16xf32>
      %max3A_925 = arith.maximumf %add3A_922, %max3A_924 : vector<16xf32>
      %add3A_926 = arith.addi %mul3A_2, %add3A_911 : i32
      %lt3A_927 = arith.constant 10000 : i32
      %lt3A_928 = arith.cmpi slt, %add3A_926, %lt3A_927 : i32
      %jit3A_929 = arith.constant 0.000000e+00 : f32
      %broadcast_in_dim3A_930 = vector.broadcast %jit3A_929 : f32 to vector<16xf32>
      %select_n3A_931 = arith.select %lt3A_928, %max3A_925, %broadcast_in_dim3A_930 : vector<16xf32>
      %mul3A_932 = vector.broadcast %squeeze3A_919 : f32 to vector<16xf32>
      %mul3A_933 = arith.mulf %select_n3A_931, %mul3A_932 : vector<16xf32>
      tpu.vector_store_idx %arg18[%broadcast_in_dim3A_912, %iota3A], %mul3A_933 : memref<640x16xf32, #tpu.memory_space<vmem>>[vector<16xi32>, vector<16xi32>], vector<16xf32>,
      %mul3A_934 = arith.constant 16 : i32
      %mul3A_935 = arith.muli %scan3A_649, %mul3A_934 : i32
      %add3A_936 = arith.constant 11 : i32
      %add3A_937 = arith.addi %mul3A_935, %add3A_936 : i32
      %broadcast_in_dim3A_938 = vector.broadcast %add3A_937 : i32 to vector<16xi32>
      %gather3A_939 = tpu.vector_load_idx %arg15[%broadcast_in_dim3A_938, %iota3A] : memref<640x16xf32, #tpu.memory_space<vmem>>[vector<16xi32>, vector<16xi32>], vector<16xf32>,
      %gather3A_940 = tpu.vector_load_idx %arg16[%broadcast_in_dim3A_938, %iota3A] : memref<640x16xf32, #tpu.memory_space<vmem>>[vector<16xi32>, vector<16xi32>], vector<16xf32>,
      %add3A_941 = arith.addf %gather3A_939, %gather3A_940 : vector<16xf32>
      %gather3A_942 = tpu.vector_load_idx %arg17[%broadcast_in_dim3A_938, %iota3A] : memref<640x16xf32, #tpu.memory_space<vmem>>[vector<16xi32>, vector<16xi32>], vector<16xf32>,
      %sub3A_943 = arith.subf %add3A_941, %gather3A_942 : vector<16xf32>
      %slice3A_944 = vector.extract_strided_slice %get3A_653 {offsets = [11], sizes = [1], strides = [1]} : vector<16xf32> to vector<1xf32>
      %squeeze3A_945 = vector.extract %slice3A_944[0] : f32 from vector<1xf32>
      %mul3A_946 = vector.broadcast %squeeze3A_945 : f32 to vector<16xf32>
      %mul3A_947 = arith.mulf %sub3A_943, %mul3A_946 : vector<16xf32>
      %add3A_948 = arith.addf %mul3A_947, %get3A_10 : vector<16xf32>
      %max3A_949 = arith.constant 0.000000e+00 : f32
      %max3A_950 = vector.broadcast %max3A_949 : f32 to vector<16xf32>
      %max3A_951 = arith.maximumf %add3A_948, %max3A_950 : vector<16xf32>
      %add3A_952 = arith.addi %mul3A_2, %add3A_937 : i32
      %lt3A_953 = arith.constant 10000 : i32
      %lt3A_954 = arith.cmpi slt, %add3A_952, %lt3A_953 : i32
      %jit3A_955 = arith.constant 0.000000e+00 : f32
      %broadcast_in_dim3A_956 = vector.broadcast %jit3A_955 : f32 to vector<16xf32>
      %select_n3A_957 = arith.select %lt3A_954, %max3A_951, %broadcast_in_dim3A_956 : vector<16xf32>
      %mul3A_958 = vector.broadcast %squeeze3A_945 : f32 to vector<16xf32>
      %mul3A_959 = arith.mulf %select_n3A_957, %mul3A_958 : vector<16xf32>
      tpu.vector_store_idx %arg18[%broadcast_in_dim3A_938, %iota3A], %mul3A_959 : memref<640x16xf32, #tpu.memory_space<vmem>>[vector<16xi32>, vector<16xi32>], vector<16xf32>,
      %mul3A_960 = arith.constant 16 : i32
      %mul3A_961 = arith.muli %scan3A_649, %mul3A_960 : i32
      %add3A_962 = arith.constant 12 : i32
      %add3A_963 = arith.addi %mul3A_961, %add3A_962 : i32
      %broadcast_in_dim3A_964 = vector.broadcast %add3A_963 : i32 to vector<16xi32>
      %gather3A_965 = tpu.vector_load_idx %arg15[%broadcast_in_dim3A_964, %iota3A] : memref<640x16xf32, #tpu.memory_space<vmem>>[vector<16xi32>, vector<16xi32>], vector<16xf32>,
      %gather3A_966 = tpu.vector_load_idx %arg16[%broadcast_in_dim3A_964, %iota3A] : memref<640x16xf32, #tpu.memory_space<vmem>>[vector<16xi32>, vector<16xi32>], vector<16xf32>,
      %add3A_967 = arith.addf %gather3A_965, %gather3A_966 : vector<16xf32>
      %gather3A_968 = tpu.vector_load_idx %arg17[%broadcast_in_dim3A_964, %iota3A] : memref<640x16xf32, #tpu.memory_space<vmem>>[vector<16xi32>, vector<16xi32>], vector<16xf32>,
      %sub3A_969 = arith.subf %add3A_967, %gather3A_968 : vector<16xf32>
      %slice3A_970 = vector.extract_strided_slice %get3A_653 {offsets = [12], sizes = [1], strides = [1]} : vector<16xf32> to vector<1xf32>
      %squeeze3A_971 = vector.extract %slice3A_970[0] : f32 from vector<1xf32>
      %mul3A_972 = vector.broadcast %squeeze3A_971 : f32 to vector<16xf32>
      %mul3A_973 = arith.mulf %sub3A_969, %mul3A_972 : vector<16xf32>
      %add3A_974 = arith.addf %mul3A_973, %get3A_10 : vector<16xf32>
      %max3A_975 = arith.constant 0.000000e+00 : f32
      %max3A_976 = vector.broadcast %max3A_975 : f32 to vector<16xf32>
      %max3A_977 = arith.maximumf %add3A_974, %max3A_976 : vector<16xf32>
      %add3A_978 = arith.addi %mul3A_2, %add3A_963 : i32
      %lt3A_979 = arith.constant 10000 : i32
      %lt3A_980 = arith.cmpi slt, %add3A_978, %lt3A_979 : i32
      %jit3A_981 = arith.constant 0.000000e+00 : f32
      %broadcast_in_dim3A_982 = vector.broadcast %jit3A_981 : f32 to vector<16xf32>
      %select_n3A_983 = arith.select %lt3A_980, %max3A_977, %broadcast_in_dim3A_982 : vector<16xf32>
      %mul3A_984 = vector.broadcast %squeeze3A_971 : f32 to vector<16xf32>
      %mul3A_985 = arith.mulf %select_n3A_983, %mul3A_984 : vector<16xf32>
      tpu.vector_store_idx %arg18[%broadcast_in_dim3A_964, %iota3A], %mul3A_985 : memref<640x16xf32, #tpu.memory_space<vmem>>[vector<16xi32>, vector<16xi32>], vector<16xf32>,
      %mul3A_986 = arith.constant 16 : i32
      %mul3A_987 = arith.muli %scan3A_649, %mul3A_986 : i32
      %add3A_988 = arith.constant 13 : i32
      %add3A_989 = arith.addi %mul3A_987, %add3A_988 : i32
      %broadcast_in_dim3A_990 = vector.broadcast %add3A_989 : i32 to vector<16xi32>
      %gather3A_991 = tpu.vector_load_idx %arg15[%broadcast_in_dim3A_990, %iota3A] : memref<640x16xf32, #tpu.memory_space<vmem>>[vector<16xi32>, vector<16xi32>], vector<16xf32>,
      %gather3A_992 = tpu.vector_load_idx %arg16[%broadcast_in_dim3A_990, %iota3A] : memref<640x16xf32, #tpu.memory_space<vmem>>[vector<16xi32>, vector<16xi32>], vector<16xf32>,
      %add3A_993 = arith.addf %gather3A_991, %gather3A_992 : vector<16xf32>
      %gather3A_994 = tpu.vector_load_idx %arg17[%broadcast_in_dim3A_990, %iota3A] : memref<640x16xf32, #tpu.memory_space<vmem>>[vector<16xi32>, vector<16xi32>], vector<16xf32>,
      %sub3A_995 = arith.subf %add3A_993, %gather3A_994 : vector<16xf32>
      %slice3A_996 = vector.extract_strided_slice %get3A_653 {offsets = [13], sizes = [1], strides = [1]} : vector<16xf32> to vector<1xf32>
      %squeeze3A_997 = vector.extract %slice3A_996[0] : f32 from vector<1xf32>
      %mul3A_998 = vector.broadcast %squeeze3A_997 : f32 to vector<16xf32>
      %mul3A_999 = arith.mulf %sub3A_995, %mul3A_998 : vector<16xf32>
      %add3A_1000 = arith.addf %mul3A_999, %get3A_10 : vector<16xf32>
      %max3A_1001 = arith.constant 0.000000e+00 : f32
      %max3A_1002 = vector.broadcast %max3A_1001 : f32 to vector<16xf32>
      %max3A_1003 = arith.maximumf %add3A_1000, %max3A_1002 : vector<16xf32>
      %add3A_1004 = arith.addi %mul3A_2, %add3A_989 : i32
      %lt3A_1005 = arith.constant 10000 : i32
      %lt3A_1006 = arith.cmpi slt, %add3A_1004, %lt3A_1005 : i32
      %jit3A_1007 = arith.constant 0.000000e+00 : f32
      %broadcast_in_dim3A_1008 = vector.broadcast %jit3A_1007 : f32 to vector<16xf32>
      %select_n3A_1009 = arith.select %lt3A_1006, %max3A_1003, %broadcast_in_dim3A_1008 : vector<16xf32>
      %mul3A_1010 = vector.broadcast %squeeze3A_997 : f32 to vector<16xf32>
      %mul3A_1011 = arith.mulf %select_n3A_1009, %mul3A_1010 : vector<16xf32>
      tpu.vector_store_idx %arg18[%broadcast_in_dim3A_990, %iota3A], %mul3A_1011 : memref<640x16xf32, #tpu.memory_space<vmem>>[vector<16xi32>, vector<16xi32>], vector<16xf32>,
      %mul3A_1012 = arith.constant 16 : i32
      %mul3A_1013 = arith.muli %scan3A_649, %mul3A_1012 : i32
      %add3A_1014 = arith.constant 14 : i32
      %add3A_1015 = arith.addi %mul3A_1013, %add3A_1014 : i32
      %broadcast_in_dim3A_1016 = vector.broadcast %add3A_1015 : i32 to vector<16xi32>
      %gather3A_1017 = tpu.vector_load_idx %arg15[%broadcast_in_dim3A_1016, %iota3A] : memref<640x16xf32, #tpu.memory_space<vmem>>[vector<16xi32>, vector<16xi32>], vector<16xf32>,
      %gather3A_1018 = tpu.vector_load_idx %arg16[%broadcast_in_dim3A_1016, %iota3A] : memref<640x16xf32, #tpu.memory_space<vmem>>[vector<16xi32>, vector<16xi32>], vector<16xf32>,
      %add3A_1019 = arith.addf %gather3A_1017, %gather3A_1018 : vector<16xf32>
      %gather3A_1020 = tpu.vector_load_idx %arg17[%broadcast_in_dim3A_1016, %iota3A] : memref<640x16xf32, #tpu.memory_space<vmem>>[vector<16xi32>, vector<16xi32>], vector<16xf32>,
      %sub3A_1021 = arith.subf %add3A_1019, %gather3A_1020 : vector<16xf32>
      %slice3A_1022 = vector.extract_strided_slice %get3A_653 {offsets = [14], sizes = [1], strides = [1]} : vector<16xf32> to vector<1xf32>
      %squeeze3A_1023 = vector.extract %slice3A_1022[0] : f32 from vector<1xf32>
      %mul3A_1024 = vector.broadcast %squeeze3A_1023 : f32 to vector<16xf32>
      %mul3A_1025 = arith.mulf %sub3A_1021, %mul3A_1024 : vector<16xf32>
      %add3A_1026 = arith.addf %mul3A_1025, %get3A_10 : vector<16xf32>
      %max3A_1027 = arith.constant 0.000000e+00 : f32
      %max3A_1028 = vector.broadcast %max3A_1027 : f32 to vector<16xf32>
      %max3A_1029 = arith.maximumf %add3A_1026, %max3A_1028 : vector<16xf32>
      %add3A_1030 = arith.addi %mul3A_2, %add3A_1015 : i32
      %lt3A_1031 = arith.constant 10000 : i32
      %lt3A_1032 = arith.cmpi slt, %add3A_1030, %lt3A_1031 : i32
      %jit3A_1033 = arith.constant 0.000000e+00 : f32
      %broadcast_in_dim3A_1034 = vector.broadcast %jit3A_1033 : f32 to vector<16xf32>
      %select_n3A_1035 = arith.select %lt3A_1032, %max3A_1029, %broadcast_in_dim3A_1034 : vector<16xf32>
      %mul3A_1036 = vector.broadcast %squeeze3A_1023 : f32 to vector<16xf32>
      %mul3A_1037 = arith.mulf %select_n3A_1035, %mul3A_1036 : vector<16xf32>
      tpu.vector_store_idx %arg18[%broadcast_in_dim3A_1016, %iota3A], %mul3A_1037 : memref<640x16xf32, #tpu.memory_space<vmem>>[vector<16xi32>, vector<16xi32>], vector<16xf32>,
      %mul3A_1038 = arith.constant 16 : i32
      %mul3A_1039 = arith.muli %scan3A_649, %mul3A_1038 : i32
      %add3A_1040 = arith.constant 15 : i32
      %add3A_1041 = arith.addi %mul3A_1039, %add3A_1040 : i32
      %broadcast_in_dim3A_1042 = vector.broadcast %add3A_1041 : i32 to vector<16xi32>
      %gather3A_1043 = tpu.vector_load_idx %arg15[%broadcast_in_dim3A_1042, %iota3A] : memref<640x16xf32, #tpu.memory_space<vmem>>[vector<16xi32>, vector<16xi32>], vector<16xf32>,
      %gather3A_1044 = tpu.vector_load_idx %arg16[%broadcast_in_dim3A_1042, %iota3A] : memref<640x16xf32, #tpu.memory_space<vmem>>[vector<16xi32>, vector<16xi32>], vector<16xf32>,
      %add3A_1045 = arith.addf %gather3A_1043, %gather3A_1044 : vector<16xf32>
      %gather3A_1046 = tpu.vector_load_idx %arg17[%broadcast_in_dim3A_1042, %iota3A] : memref<640x16xf32, #tpu.memory_space<vmem>>[vector<16xi32>, vector<16xi32>], vector<16xf32>,
      %sub3A_1047 = arith.subf %add3A_1045, %gather3A_1046 : vector<16xf32>
      %slice3A_1048 = vector.extract_strided_slice %get3A_653 {offsets = [15], sizes = [1], strides = [1]} : vector<16xf32> to vector<1xf32>
      %squeeze3A_1049 = vector.extract %slice3A_1048[0] : f32 from vector<1xf32>
      %mul3A_1050 = vector.broadcast %squeeze3A_1049 : f32 to vector<16xf32>
      %mul3A_1051 = arith.mulf %sub3A_1047, %mul3A_1050 : vector<16xf32>
      %add3A_1052 = arith.addf %mul3A_1051, %get3A_10 : vector<16xf32>
      %max3A_1053 = arith.constant 0.000000e+00 : f32
      %max3A_1054 = vector.broadcast %max3A_1053 : f32 to vector<16xf32>
      %max3A_1055 = arith.maximumf %add3A_1052, %max3A_1054 : vector<16xf32>
      %add3A_1056 = arith.addi %mul3A_2, %add3A_1041 : i32
      %lt3A_1057 = arith.constant 10000 : i32
      %lt3A_1058 = arith.cmpi slt, %add3A_1056, %lt3A_1057 : i32
      %jit3A_1059 = arith.constant 0.000000e+00 : f32
      %broadcast_in_dim3A_1060 = vector.broadcast %jit3A_1059 : f32 to vector<16xf32>
      %select_n3A_1061 = arith.select %lt3A_1058, %max3A_1055, %broadcast_in_dim3A_1060 : vector<16xf32>
      %mul3A_1062 = vector.broadcast %squeeze3A_1049 : f32 to vector<16xf32>
      %mul3A_1063 = arith.mulf %select_n3A_1061, %mul3A_1062 : vector<16xf32>
      tpu.vector_store_idx %arg18[%broadcast_in_dim3A_1042, %iota3A], %mul3A_1063 : memref<640x16xf32, #tpu.memory_space<vmem>>[vector<16xi32>, vector<16xi32>], vector<16xf32>,
    }
    %scan3A_15 = arith.constant 40 : i32
    "tpu.region"() ({
      %run_scoped3A_649 = tpu.sem_alloc : memref<!tpu.dma_semaphore, #tpu.memory_space<semaphore_mem>>
      %dma_start3A_650 = arith.constant 0 : i32
      %dma_start3A_651 = tpu.memref_slice %arg24[%mul3A_2, %dma_start3A_650] : memref<10240x16xf32, #tpu.memory_space<vmem_shared>> -> memref<640x16xf32, #tpu.memory_space<vmem_shared>>
      %dma_start3A_652 = arith.constant 0 : i32
      %dma_start3A_653 = tpu.memref_slice %arg24[%mul3A_2, %dma_start3A_652] : memref<10240x16xf32, #tpu.memory_space<vmem_shared>> -> memref<640x16xf32, #tpu.memory_space<vmem_shared>>
      tpu.enqueue_dma source(%arg18 : memref<640x16xf32, #tpu.memory_space<vmem>>) target(%dma_start3A_653 : memref<640x16xf32, #tpu.memory_space<vmem_shared>>) target_semaphore(%run_scoped3A_649 : memref<!tpu.dma_semaphore, #tpu.memory_space<semaphore_mem>>)
      %dma_wait3A_654 = arith.constant 0 : i32
      %dma_wait3A_655 = tpu.memref_slice %arg24[%mul3A_2, %dma_wait3A_654] : memref<10240x16xf32, #tpu.memory_space<vmem_shared>> -> memref<640x16xf32, #tpu.memory_space<vmem_shared>>
      %dma_wait3A_656 = arith.constant 0 : i32
      %dma_wait3A_657 = tpu.memref_slice %arg24[%mul3A_2, %dma_wait3A_656] : memref<10240x16xf32, #tpu.memory_space<vmem_shared>> -> memref<640x16xf32, #tpu.memory_space<vmem_shared>>
      tpu.wait_dma2 semaphore(%run_scoped3A_649 : memref<!tpu.dma_semaphore, #tpu.memory_space<semaphore_mem>>) src(%arg18 : memref<640x16xf32, #tpu.memory_space<vmem>>) dst(%dma_wait3A_657 : memref<640x16xf32, #tpu.memory_space<vmem_shared>>)
      tpu.yield
    }) : () -> ()
    "tpu.region"() ({
      %run_scoped3A_649 = tpu.sem_alloc : memref<!tpu.dma_semaphore, #tpu.memory_space<semaphore_mem>>
      %dma_start3A_650 = arith.constant 0 : i32
      %dma_start3A_651 = tpu.memref_slice %arg25[%mul3A_2, %dma_start3A_650] : memref<10240x16xf32, #tpu.memory_space<vmem_shared>> -> memref<640x16xf32, #tpu.memory_space<vmem_shared>>
      %dma_start3A_652 = arith.constant 0 : i32
      %dma_start3A_653 = tpu.memref_slice %arg25[%mul3A_2, %dma_start3A_652] : memref<10240x16xf32, #tpu.memory_space<vmem_shared>> -> memref<640x16xf32, #tpu.memory_space<vmem_shared>>
      tpu.enqueue_dma source(%arg18 : memref<640x16xf32, #tpu.memory_space<vmem>>) target(%dma_start3A_653 : memref<640x16xf32, #tpu.memory_space<vmem_shared>>) target_semaphore(%run_scoped3A_649 : memref<!tpu.dma_semaphore, #tpu.memory_space<semaphore_mem>>)
      %dma_wait3A_654 = arith.constant 0 : i32
      %dma_wait3A_655 = tpu.memref_slice %arg25[%mul3A_2, %dma_wait3A_654] : memref<10240x16xf32, #tpu.memory_space<vmem_shared>> -> memref<640x16xf32, #tpu.memory_space<vmem_shared>>
      %dma_wait3A_656 = arith.constant 0 : i32
      %dma_wait3A_657 = tpu.memref_slice %arg25[%mul3A_2, %dma_wait3A_656] : memref<10240x16xf32, #tpu.memory_space<vmem_shared>> -> memref<640x16xf32, #tpu.memory_space<vmem_shared>>
      tpu.wait_dma2 semaphore(%run_scoped3A_649 : memref<!tpu.dma_semaphore, #tpu.memory_space<semaphore_mem>>) src(%arg18 : memref<640x16xf32, #tpu.memory_space<vmem>>) dst(%dma_wait3A_657 : memref<640x16xf32, #tpu.memory_space<vmem_shared>>)
      tpu.yield
    }) : () -> ()
    %barrier3A = arith.constant 0 : index
    tpu.barrier barrier_id(%barrier3A)
    %dma_start3A = arith.constant 0 : i32
    %dma_start3A_16 = arith.constant 0 : i32
    %dma_start3A_17 = tpu.memref_slice %arg9[%dma_start3A, %dma_start3A_16] : memref<20x512xi32, #tpu.memory_space<vmem>> -> memref<1x512xi32, #tpu.memory_space<vmem>>
    %dma_start3A_18 = tpu.memref_squeeze %dma_start3A_17 : memref<1x512xi32, #tpu.memory_space<vmem>> -> memref<512xi32, #tpu.memory_space<vmem>>
    %dma_start3A_19 = arith.constant 0 : i32
    %dma_start3A_20 = arith.constant 0 : i32
    %dma_start3A_21 = tpu.memref_slice %arg24[%dma_start3A_19, %dma_start3A_20] : memref<10240x16xf32, #tpu.memory_space<vmem_shared>> -> memref<10240x16xf32, #tpu.memory_space<vmem_shared>>
    tpu.enqueue_indirect_dma source(%dma_start3A_21 : memref<10240x16xf32, #tpu.memory_space<vmem_shared>>) target(%arg11 : memref<512x16xf32, #tpu.memory_space<vmem>>) offsets(%dma_start3A_18 : memref<512xi32, #tpu.memory_space<vmem>>) semaphore(%arg26 : memref<!tpu.dma_semaphore, #tpu.memory_space<semaphore_mem>>)
    %dma_start3A_22 = arith.constant 1 : i32
    %dma_start3A_23 = arith.constant 0 : i32
    %dma_start3A_24 = tpu.memref_slice %arg9[%dma_start3A_22, %dma_start3A_23] : memref<20x512xi32, #tpu.memory_space<vmem>> -> memref<1x512xi32, #tpu.memory_space<vmem>>
    %dma_start3A_25 = tpu.memref_squeeze %dma_start3A_24 : memref<1x512xi32, #tpu.memory_space<vmem>> -> memref<512xi32, #tpu.memory_space<vmem>>
    %dma_start3A_26 = arith.constant 0 : i32
    %dma_start3A_27 = arith.constant 0 : i32
    %dma_start3A_28 = tpu.memref_slice %arg24[%dma_start3A_26, %dma_start3A_27] : memref<10240x16xf32, #tpu.memory_space<vmem_shared>> -> memref<10240x16xf32, #tpu.memory_space<vmem_shared>>
    tpu.enqueue_indirect_dma source(%dma_start3A_28 : memref<10240x16xf32, #tpu.memory_space<vmem_shared>>) target(%arg12 : memref<512x16xf32, #tpu.memory_space<vmem>>) offsets(%dma_start3A_25 : memref<512xi32, #tpu.memory_space<vmem>>) semaphore(%arg27 : memref<!tpu.dma_semaphore, #tpu.memory_space<semaphore_mem>>)
    %dma_wait3A = arith.constant 0 : i32
    %dma_wait3A_29 = arith.constant 0 : i32
    %dma_wait3A_30 = tpu.memref_slice %arg9[%dma_wait3A, %dma_wait3A_29] : memref<20x512xi32, #tpu.memory_space<vmem>> -> memref<1x512xi32, #tpu.memory_space<vmem>>
    %dma_wait3A_31 = tpu.memref_squeeze %dma_wait3A_30 : memref<1x512xi32, #tpu.memory_space<vmem>> -> memref<512xi32, #tpu.memory_space<vmem>>
    %dma_wait3A_32 = arith.constant 0 : i32
    %dma_wait3A_33 = arith.constant 0 : i32
    %dma_wait3A_34 = tpu.memref_slice %arg24[%dma_wait3A_32, %dma_wait3A_33] : memref<10240x16xf32, #tpu.memory_space<vmem_shared>> -> memref<10240x16xf32, #tpu.memory_space<vmem_shared>>
    tpu.wait_indirect_dma semaphore(%arg26 : memref<!tpu.dma_semaphore, #tpu.memory_space<semaphore_mem>>) src(%dma_wait3A_34 : memref<10240x16xf32, #tpu.memory_space<vmem_shared>>) dst(%arg11 : memref<512x16xf32, #tpu.memory_space<vmem>>)
    %dma_start3A_35 = arith.constant 0 : i32
    %dma_start3A_36 = arith.constant 0 : i32
    %dma_start3A_37 = tpu.memref_slice %arg10[%dma_start3A_35, %dma_start3A_36] : memref<20x512xi32, #tpu.memory_space<vmem>> -> memref<1x512xi32, #tpu.memory_space<vmem>>
    %dma_start3A_38 = tpu.memref_squeeze %dma_start3A_37 : memref<1x512xi32, #tpu.memory_space<vmem>> -> memref<512xi32, #tpu.memory_space<vmem>>
    %dma_start3A_39 = arith.constant 0 : i32
    %dma_start3A_40 = arith.constant 0 : i32
    %dma_start3A_41 = tpu.memref_slice %arg25[%dma_start3A_39, %dma_start3A_40] : memref<10240x16xf32, #tpu.memory_space<vmem_shared>> -> memref<10240x16xf32, #tpu.memory_space<vmem_shared>>
    tpu.enqueue_indirect_dma source(%arg11 : memref<512x16xf32, #tpu.memory_space<vmem>>) target(%dma_start3A_41 : memref<10240x16xf32, #tpu.memory_space<vmem_shared>>) offsets(%dma_start3A_38 : memref<512xi32, #tpu.memory_space<vmem>>) semaphore(%arg30 : memref<!tpu.dma_semaphore, #tpu.memory_space<semaphore_mem>>) {add = true}
    %dma_start3A_42 = arith.constant 2 : i32
    %dma_start3A_43 = arith.constant 0 : i32
    %dma_start3A_44 = tpu.memref_slice %arg9[%dma_start3A_42, %dma_start3A_43] : memref<20x512xi32, #tpu.memory_space<vmem>> -> memref<1x512xi32, #tpu.memory_space<vmem>>
    %dma_start3A_45 = tpu.memref_squeeze %dma_start3A_44 : memref<1x512xi32, #tpu.memory_space<vmem>> -> memref<512xi32, #tpu.memory_space<vmem>>
    %dma_start3A_46 = arith.constant 0 : i32
    %dma_start3A_47 = arith.constant 0 : i32
    %dma_start3A_48 = tpu.memref_slice %arg24[%dma_start3A_46, %dma_start3A_47] : memref<10240x16xf32, #tpu.memory_space<vmem_shared>> -> memref<10240x16xf32, #tpu.memory_space<vmem_shared>>
    tpu.enqueue_indirect_dma source(%dma_start3A_48 : memref<10240x16xf32, #tpu.memory_space<vmem_shared>>) target(%arg13 : memref<512x16xf32, #tpu.memory_space<vmem>>) offsets(%dma_start3A_45 : memref<512xi32, #tpu.memory_space<vmem>>) semaphore(%arg28 : memref<!tpu.dma_semaphore, #tpu.memory_space<semaphore_mem>>)
    %dma_wait3A_49 = arith.constant 1 : i32
    %dma_wait3A_50 = arith.constant 0 : i32
    %dma_wait3A_51 = tpu.memref_slice %arg9[%dma_wait3A_49, %dma_wait3A_50] : memref<20x512xi32, #tpu.memory_space<vmem>> -> memref<1x512xi32, #tpu.memory_space<vmem>>
    %dma_wait3A_52 = tpu.memref_squeeze %dma_wait3A_51 : memref<1x512xi32, #tpu.memory_space<vmem>> -> memref<512xi32, #tpu.memory_space<vmem>>
    %dma_wait3A_53 = arith.constant 0 : i32
    %dma_wait3A_54 = arith.constant 0 : i32
    %dma_wait3A_55 = tpu.memref_slice %arg24[%dma_wait3A_53, %dma_wait3A_54] : memref<10240x16xf32, #tpu.memory_space<vmem_shared>> -> memref<10240x16xf32, #tpu.memory_space<vmem_shared>>
    tpu.wait_indirect_dma semaphore(%arg27 : memref<!tpu.dma_semaphore, #tpu.memory_space<semaphore_mem>>) src(%dma_wait3A_55 : memref<10240x16xf32, #tpu.memory_space<vmem_shared>>) dst(%arg12 : memref<512x16xf32, #tpu.memory_space<vmem>>)
    %dma_start3A_56 = arith.constant 1 : i32
    %dma_start3A_57 = arith.constant 0 : i32
    %dma_start3A_58 = tpu.memref_slice %arg10[%dma_start3A_56, %dma_start3A_57] : memref<20x512xi32, #tpu.memory_space<vmem>> -> memref<1x512xi32, #tpu.memory_space<vmem>>
    %dma_start3A_59 = tpu.memref_squeeze %dma_start3A_58 : memref<1x512xi32, #tpu.memory_space<vmem>> -> memref<512xi32, #tpu.memory_space<vmem>>
    %dma_start3A_60 = arith.constant 0 : i32
    %dma_start3A_61 = arith.constant 0 : i32
    %dma_start3A_62 = tpu.memref_slice %arg25[%dma_start3A_60, %dma_start3A_61] : memref<10240x16xf32, #tpu.memory_space<vmem_shared>> -> memref<10240x16xf32, #tpu.memory_space<vmem_shared>>
    tpu.enqueue_indirect_dma source(%arg12 : memref<512x16xf32, #tpu.memory_space<vmem>>) target(%dma_start3A_62 : memref<10240x16xf32, #tpu.memory_space<vmem_shared>>) offsets(%dma_start3A_59 : memref<512xi32, #tpu.memory_space<vmem>>) semaphore(%arg31 : memref<!tpu.dma_semaphore, #tpu.memory_space<semaphore_mem>>) {add = true}
    %dma_start3A_63 = arith.constant 3 : i32
    %dma_start3A_64 = arith.constant 0 : i32
    %dma_start3A_65 = tpu.memref_slice %arg9[%dma_start3A_63, %dma_start3A_64] : memref<20x512xi32, #tpu.memory_space<vmem>> -> memref<1x512xi32, #tpu.memory_space<vmem>>
    %dma_start3A_66 = tpu.memref_squeeze %dma_start3A_65 : memref<1x512xi32, #tpu.memory_space<vmem>> -> memref<512xi32, #tpu.memory_space<vmem>>
    %dma_start3A_67 = arith.constant 0 : i32
    %dma_start3A_68 = arith.constant 0 : i32
    %dma_start3A_69 = tpu.memref_slice %arg24[%dma_start3A_67, %dma_start3A_68] : memref<10240x16xf32, #tpu.memory_space<vmem_shared>> -> memref<10240x16xf32, #tpu.memory_space<vmem_shared>>
    tpu.enqueue_indirect_dma source(%dma_start3A_69 : memref<10240x16xf32, #tpu.memory_space<vmem_shared>>) target(%arg14 : memref<512x16xf32, #tpu.memory_space<vmem>>) offsets(%dma_start3A_66 : memref<512xi32, #tpu.memory_space<vmem>>) semaphore(%arg29 : memref<!tpu.dma_semaphore, #tpu.memory_space<semaphore_mem>>)
    %dma_wait3A_70 = arith.constant 2 : i32
    %dma_wait3A_71 = arith.constant 0 : i32
    %dma_wait3A_72 = tpu.memref_slice %arg9[%dma_wait3A_70, %dma_wait3A_71] : memref<20x512xi32, #tpu.memory_space<vmem>> -> memref<1x512xi32, #tpu.memory_space<vmem>>
    %dma_wait3A_73 = tpu.memref_squeeze %dma_wait3A_72 : memref<1x512xi32, #tpu.memory_space<vmem>> -> memref<512xi32, #tpu.memory_space<vmem>>
    %dma_wait3A_74 = arith.constant 0 : i32
    %dma_wait3A_75 = arith.constant 0 : i32
    %dma_wait3A_76 = tpu.memref_slice %arg24[%dma_wait3A_74, %dma_wait3A_75] : memref<10240x16xf32, #tpu.memory_space<vmem_shared>> -> memref<10240x16xf32, #tpu.memory_space<vmem_shared>>
    tpu.wait_indirect_dma semaphore(%arg28 : memref<!tpu.dma_semaphore, #tpu.memory_space<semaphore_mem>>) src(%dma_wait3A_76 : memref<10240x16xf32, #tpu.memory_space<vmem_shared>>) dst(%arg13 : memref<512x16xf32, #tpu.memory_space<vmem>>)
    %dma_start3A_77 = arith.constant 2 : i32
    %dma_start3A_78 = arith.constant 0 : i32
    %dma_start3A_79 = tpu.memref_slice %arg10[%dma_start3A_77, %dma_start3A_78] : memref<20x512xi32, #tpu.memory_space<vmem>> -> memref<1x512xi32, #tpu.memory_space<vmem>>
    %dma_start3A_80 = tpu.memref_squeeze %dma_start3A_79 : memref<1x512xi32, #tpu.memory_space<vmem>> -> memref<512xi32, #tpu.memory_space<vmem>>
    %dma_start3A_81 = arith.constant 0 : i32
    %dma_start3A_82 = arith.constant 0 : i32
    %dma_start3A_83 = tpu.memref_slice %arg25[%dma_start3A_81, %dma_start3A_82] : memref<10240x16xf32, #tpu.memory_space<vmem_shared>> -> memref<10240x16xf32, #tpu.memory_space<vmem_shared>>
    tpu.enqueue_indirect_dma source(%arg13 : memref<512x16xf32, #tpu.memory_space<vmem>>) target(%dma_start3A_83 : memref<10240x16xf32, #tpu.memory_space<vmem_shared>>) offsets(%dma_start3A_80 : memref<512xi32, #tpu.memory_space<vmem>>) semaphore(%arg32 : memref<!tpu.dma_semaphore, #tpu.memory_space<semaphore_mem>>) {add = true}
    %dma_wait3A_84 = arith.constant 0 : i32
    %dma_wait3A_85 = arith.constant 0 : i32
    %dma_wait3A_86 = tpu.memref_slice %arg10[%dma_wait3A_84, %dma_wait3A_85] : memref<20x512xi32, #tpu.memory_space<vmem>> -> memref<1x512xi32, #tpu.memory_space<vmem>>
    %dma_wait3A_87 = tpu.memref_squeeze %dma_wait3A_86 : memref<1x512xi32, #tpu.memory_space<vmem>> -> memref<512xi32, #tpu.memory_space<vmem>>
    %dma_wait3A_88 = arith.constant 0 : i32
    %dma_wait3A_89 = arith.constant 0 : i32
    %dma_wait3A_90 = tpu.memref_slice %arg25[%dma_wait3A_88, %dma_wait3A_89] : memref<10240x16xf32, #tpu.memory_space<vmem_shared>> -> memref<10240x16xf32, #tpu.memory_space<vmem_shared>>
    tpu.wait_indirect_dma semaphore(%arg30 : memref<!tpu.dma_semaphore, #tpu.memory_space<semaphore_mem>>) src(%arg11 : memref<512x16xf32, #tpu.memory_space<vmem>>) dst(%dma_wait3A_90 : memref<10240x16xf32, #tpu.memory_space<vmem_shared>>)
    %dma_start3A_91 = arith.constant 4 : i32
    %dma_start3A_92 = arith.constant 0 : i32
    %dma_start3A_93 = tpu.memref_slice %arg9[%dma_start3A_91, %dma_start3A_92] : memref<20x512xi32, #tpu.memory_space<vmem>> -> memref<1x512xi32, #tpu.memory_space<vmem>>
    %dma_start3A_94 = tpu.memref_squeeze %dma_start3A_93 : memref<1x512xi32, #tpu.memory_space<vmem>> -> memref<512xi32, #tpu.memory_space<vmem>>
    %dma_start3A_95 = arith.constant 0 : i32
    %dma_start3A_96 = arith.constant 0 : i32
    %dma_start3A_97 = tpu.memref_slice %arg24[%dma_start3A_95, %dma_start3A_96] : memref<10240x16xf32, #tpu.memory_space<vmem_shared>> -> memref<10240x16xf32, #tpu.memory_space<vmem_shared>>
    tpu.enqueue_indirect_dma source(%dma_start3A_97 : memref<10240x16xf32, #tpu.memory_space<vmem_shared>>) target(%arg11 : memref<512x16xf32, #tpu.memory_space<vmem>>) offsets(%dma_start3A_94 : memref<512xi32, #tpu.memory_space<vmem>>) semaphore(%arg26 : memref<!tpu.dma_semaphore, #tpu.memory_space<semaphore_mem>>)
    %dma_wait3A_98 = arith.constant 3 : i32
    %dma_wait3A_99 = arith.constant 0 : i32
    %dma_wait3A_100 = tpu.memref_slice %arg9[%dma_wait3A_98, %dma_wait3A_99] : memref<20x512xi32, #tpu.memory_space<vmem>> -> memref<1x512xi32, #tpu.memory_space<vmem>>
    %dma_wait3A_101 = tpu.memref_squeeze %dma_wait3A_100 : memref<1x512xi32, #tpu.memory_space<vmem>> -> memref<512xi32, #tpu.memory_space<vmem>>
    %dma_wait3A_102 = arith.constant 0 : i32
    %dma_wait3A_103 = arith.constant 0 : i32
    %dma_wait3A_104 = tpu.memref_slice %arg24[%dma_wait3A_102, %dma_wait3A_103] : memref<10240x16xf32, #tpu.memory_space<vmem_shared>> -> memref<10240x16xf32, #tpu.memory_space<vmem_shared>>
    tpu.wait_indirect_dma semaphore(%arg29 : memref<!tpu.dma_semaphore, #tpu.memory_space<semaphore_mem>>) src(%dma_wait3A_104 : memref<10240x16xf32, #tpu.memory_space<vmem_shared>>) dst(%arg14 : memref<512x16xf32, #tpu.memory_space<vmem>>)
    %dma_start3A_105 = arith.constant 3 : i32
    %dma_start3A_106 = arith.constant 0 : i32
    %dma_start3A_107 = tpu.memref_slice %arg10[%dma_start3A_105, %dma_start3A_106] : memref<20x512xi32, #tpu.memory_space<vmem>> -> memref<1x512xi32, #tpu.memory_space<vmem>>
    %dma_start3A_108 = tpu.memref_squeeze %dma_start3A_107 : memref<1x512xi32, #tpu.memory_space<vmem>> -> memref<512xi32, #tpu.memory_space<vmem>>
    %dma_start3A_109 = arith.constant 0 : i32
    %dma_start3A_110 = arith.constant 0 : i32
    %dma_start3A_111 = tpu.memref_slice %arg25[%dma_start3A_109, %dma_start3A_110] : memref<10240x16xf32, #tpu.memory_space<vmem_shared>> -> memref<10240x16xf32, #tpu.memory_space<vmem_shared>>
    tpu.enqueue_indirect_dma source(%arg14 : memref<512x16xf32, #tpu.memory_space<vmem>>) target(%dma_start3A_111 : memref<10240x16xf32, #tpu.memory_space<vmem_shared>>) offsets(%dma_start3A_108 : memref<512xi32, #tpu.memory_space<vmem>>) semaphore(%arg33 : memref<!tpu.dma_semaphore, #tpu.memory_space<semaphore_mem>>) {add = true}
    %dma_wait3A_112 = arith.constant 1 : i32
    %dma_wait3A_113 = arith.constant 0 : i32
    %dma_wait3A_114 = tpu.memref_slice %arg10[%dma_wait3A_112, %dma_wait3A_113] : memref<20x512xi32, #tpu.memory_space<vmem>> -> memref<1x512xi32, #tpu.memory_space<vmem>>
    %dma_wait3A_115 = tpu.memref_squeeze %dma_wait3A_114 : memref<1x512xi32, #tpu.memory_space<vmem>> -> memref<512xi32, #tpu.memory_space<vmem>>
    %dma_wait3A_116 = arith.constant 0 : i32
    %dma_wait3A_117 = arith.constant 0 : i32
    %dma_wait3A_118 = tpu.memref_slice %arg25[%dma_wait3A_116, %dma_wait3A_117] : memref<10240x16xf32, #tpu.memory_space<vmem_shared>> -> memref<10240x16xf32, #tpu.memory_space<vmem_shared>>
    tpu.wait_indirect_dma semaphore(%arg31 : memref<!tpu.dma_semaphore, #tpu.memory_space<semaphore_mem>>) src(%arg12 : memref<512x16xf32, #tpu.memory_space<vmem>>) dst(%dma_wait3A_118 : memref<10240x16xf32, #tpu.memory_space<vmem_shared>>)
    %dma_start3A_119 = arith.constant 5 : i32
    %dma_start3A_120 = arith.constant 0 : i32
    %dma_start3A_121 = tpu.memref_slice %arg9[%dma_start3A_119, %dma_start3A_120] : memref<20x512xi32, #tpu.memory_space<vmem>> -> memref<1x512xi32, #tpu.memory_space<vmem>>
    %dma_start3A_122 = tpu.memref_squeeze %dma_start3A_121 : memref<1x512xi32, #tpu.memory_space<vmem>> -> memref<512xi32, #tpu.memory_space<vmem>>
    %dma_start3A_123 = arith.constant 0 : i32
    %dma_start3A_124 = arith.constant 0 : i32
    %dma_start3A_125 = tpu.memref_slice %arg24[%dma_start3A_123, %dma_start3A_124] : memref<10240x16xf32, #tpu.memory_space<vmem_shared>> -> memref<10240x16xf32, #tpu.memory_space<vmem_shared>>
    tpu.enqueue_indirect_dma source(%dma_start3A_125 : memref<10240x16xf32, #tpu.memory_space<vmem_shared>>) target(%arg12 : memref<512x16xf32, #tpu.memory_space<vmem>>) offsets(%dma_start3A_122 : memref<512xi32, #tpu.memory_space<vmem>>) semaphore(%arg27 : memref<!tpu.dma_semaphore, #tpu.memory_space<semaphore_mem>>)
    %dma_wait3A_126 = arith.constant 4 : i32
    %dma_wait3A_127 = arith.constant 0 : i32
    %dma_wait3A_128 = tpu.memref_slice %arg9[%dma_wait3A_126, %dma_wait3A_127] : memref<20x512xi32, #tpu.memory_space<vmem>> -> memref<1x512xi32, #tpu.memory_space<vmem>>
    %dma_wait3A_129 = tpu.memref_squeeze %dma_wait3A_128 : memref<1x512xi32, #tpu.memory_space<vmem>> -> memref<512xi32, #tpu.memory_space<vmem>>
    %dma_wait3A_130 = arith.constant 0 : i32
    %dma_wait3A_131 = arith.constant 0 : i32
    %dma_wait3A_132 = tpu.memref_slice %arg24[%dma_wait3A_130, %dma_wait3A_131] : memref<10240x16xf32, #tpu.memory_space<vmem_shared>> -> memref<10240x16xf32, #tpu.memory_space<vmem_shared>>
    tpu.wait_indirect_dma semaphore(%arg26 : memref<!tpu.dma_semaphore, #tpu.memory_space<semaphore_mem>>) src(%dma_wait3A_132 : memref<10240x16xf32, #tpu.memory_space<vmem_shared>>) dst(%arg11 : memref<512x16xf32, #tpu.memory_space<vmem>>)
    %dma_start3A_133 = arith.constant 4 : i32
    %dma_start3A_134 = arith.constant 0 : i32
    %dma_start3A_135 = tpu.memref_slice %arg10[%dma_start3A_133, %dma_start3A_134] : memref<20x512xi32, #tpu.memory_space<vmem>> -> memref<1x512xi32, #tpu.memory_space<vmem>>
    %dma_start3A_136 = tpu.memref_squeeze %dma_start3A_135 : memref<1x512xi32, #tpu.memory_space<vmem>> -> memref<512xi32, #tpu.memory_space<vmem>>
    %dma_start3A_137 = arith.constant 0 : i32
    %dma_start3A_138 = arith.constant 0 : i32
    %dma_start3A_139 = tpu.memref_slice %arg25[%dma_start3A_137, %dma_start3A_138] : memref<10240x16xf32, #tpu.memory_space<vmem_shared>> -> memref<10240x16xf32, #tpu.memory_space<vmem_shared>>
    tpu.enqueue_indirect_dma source(%arg11 : memref<512x16xf32, #tpu.memory_space<vmem>>) target(%dma_start3A_139 : memref<10240x16xf32, #tpu.memory_space<vmem_shared>>) offsets(%dma_start3A_136 : memref<512xi32, #tpu.memory_space<vmem>>) semaphore(%arg30 : memref<!tpu.dma_semaphore, #tpu.memory_space<semaphore_mem>>) {add = true}
    %dma_wait3A_140 = arith.constant 2 : i32
    %dma_wait3A_141 = arith.constant 0 : i32
    %dma_wait3A_142 = tpu.memref_slice %arg10[%dma_wait3A_140, %dma_wait3A_141] : memref<20x512xi32, #tpu.memory_space<vmem>> -> memref<1x512xi32, #tpu.memory_space<vmem>>
    %dma_wait3A_143 = tpu.memref_squeeze %dma_wait3A_142 : memref<1x512xi32, #tpu.memory_space<vmem>> -> memref<512xi32, #tpu.memory_space<vmem>>
    %dma_wait3A_144 = arith.constant 0 : i32
    %dma_wait3A_145 = arith.constant 0 : i32
    %dma_wait3A_146 = tpu.memref_slice %arg25[%dma_wait3A_144, %dma_wait3A_145] : memref<10240x16xf32, #tpu.memory_space<vmem_shared>> -> memref<10240x16xf32, #tpu.memory_space<vmem_shared>>
    tpu.wait_indirect_dma semaphore(%arg32 : memref<!tpu.dma_semaphore, #tpu.memory_space<semaphore_mem>>) src(%arg13 : memref<512x16xf32, #tpu.memory_space<vmem>>) dst(%dma_wait3A_146 : memref<10240x16xf32, #tpu.memory_space<vmem_shared>>)
    %dma_start3A_147 = arith.constant 6 : i32
    %dma_start3A_148 = arith.constant 0 : i32
    %dma_start3A_149 = tpu.memref_slice %arg9[%dma_start3A_147, %dma_start3A_148] : memref<20x512xi32, #tpu.memory_space<vmem>> -> memref<1x512xi32, #tpu.memory_space<vmem>>
    %dma_start3A_150 = tpu.memref_squeeze %dma_start3A_149 : memref<1x512xi32, #tpu.memory_space<vmem>> -> memref<512xi32, #tpu.memory_space<vmem>>
    %dma_start3A_151 = arith.constant 0 : i32
    %dma_start3A_152 = arith.constant 0 : i32
    %dma_start3A_153 = tpu.memref_slice %arg24[%dma_start3A_151, %dma_start3A_152] : memref<10240x16xf32, #tpu.memory_space<vmem_shared>> -> memref<10240x16xf32, #tpu.memory_space<vmem_shared>>
    tpu.enqueue_indirect_dma source(%dma_start3A_153 : memref<10240x16xf32, #tpu.memory_space<vmem_shared>>) target(%arg13 : memref<512x16xf32, #tpu.memory_space<vmem>>) offsets(%dma_start3A_150 : memref<512xi32, #tpu.memory_space<vmem>>) semaphore(%arg28 : memref<!tpu.dma_semaphore, #tpu.memory_space<semaphore_mem>>)
    %dma_wait3A_154 = arith.constant 5 : i32
    %dma_wait3A_155 = arith.constant 0 : i32
    %dma_wait3A_156 = tpu.memref_slice %arg9[%dma_wait3A_154, %dma_wait3A_155] : memref<20x512xi32, #tpu.memory_space<vmem>> -> memref<1x512xi32, #tpu.memory_space<vmem>>
    %dma_wait3A_157 = tpu.memref_squeeze %dma_wait3A_156 : memref<1x512xi32, #tpu.memory_space<vmem>> -> memref<512xi32, #tpu.memory_space<vmem>>
    %dma_wait3A_158 = arith.constant 0 : i32
    %dma_wait3A_159 = arith.constant 0 : i32
    %dma_wait3A_160 = tpu.memref_slice %arg24[%dma_wait3A_158, %dma_wait3A_159] : memref<10240x16xf32, #tpu.memory_space<vmem_shared>> -> memref<10240x16xf32, #tpu.memory_space<vmem_shared>>
    tpu.wait_indirect_dma semaphore(%arg27 : memref<!tpu.dma_semaphore, #tpu.memory_space<semaphore_mem>>) src(%dma_wait3A_160 : memref<10240x16xf32, #tpu.memory_space<vmem_shared>>) dst(%arg12 : memref<512x16xf32, #tpu.memory_space<vmem>>)
    %dma_start3A_161 = arith.constant 5 : i32
    %dma_start3A_162 = arith.constant 0 : i32
    %dma_start3A_163 = tpu.memref_slice %arg10[%dma_start3A_161, %dma_start3A_162] : memref<20x512xi32, #tpu.memory_space<vmem>> -> memref<1x512xi32, #tpu.memory_space<vmem>>
    %dma_start3A_164 = tpu.memref_squeeze %dma_start3A_163 : memref<1x512xi32, #tpu.memory_space<vmem>> -> memref<512xi32, #tpu.memory_space<vmem>>
    %dma_start3A_165 = arith.constant 0 : i32
    %dma_start3A_166 = arith.constant 0 : i32
    %dma_start3A_167 = tpu.memref_slice %arg25[%dma_start3A_165, %dma_start3A_166] : memref<10240x16xf32, #tpu.memory_space<vmem_shared>> -> memref<10240x16xf32, #tpu.memory_space<vmem_shared>>
    tpu.enqueue_indirect_dma source(%arg12 : memref<512x16xf32, #tpu.memory_space<vmem>>) target(%dma_start3A_167 : memref<10240x16xf32, #tpu.memory_space<vmem_shared>>) offsets(%dma_start3A_164 : memref<512xi32, #tpu.memory_space<vmem>>) semaphore(%arg31 : memref<!tpu.dma_semaphore, #tpu.memory_space<semaphore_mem>>) {add = true}
    %dma_wait3A_168 = arith.constant 3 : i32
    %dma_wait3A_169 = arith.constant 0 : i32
    %dma_wait3A_170 = tpu.memref_slice %arg10[%dma_wait3A_168, %dma_wait3A_169] : memref<20x512xi32, #tpu.memory_space<vmem>> -> memref<1x512xi32, #tpu.memory_space<vmem>>
    %dma_wait3A_171 = tpu.memref_squeeze %dma_wait3A_170 : memref<1x512xi32, #tpu.memory_space<vmem>> -> memref<512xi32, #tpu.memory_space<vmem>>
    %dma_wait3A_172 = arith.constant 0 : i32
    %dma_wait3A_173 = arith.constant 0 : i32
    %dma_wait3A_174 = tpu.memref_slice %arg25[%dma_wait3A_172, %dma_wait3A_173] : memref<10240x16xf32, #tpu.memory_space<vmem_shared>> -> memref<10240x16xf32, #tpu.memory_space<vmem_shared>>
    tpu.wait_indirect_dma semaphore(%arg33 : memref<!tpu.dma_semaphore, #tpu.memory_space<semaphore_mem>>) src(%arg14 : memref<512x16xf32, #tpu.memory_space<vmem>>) dst(%dma_wait3A_174 : memref<10240x16xf32, #tpu.memory_space<vmem_shared>>)
    %dma_start3A_175 = arith.constant 7 : i32
    %dma_start3A_176 = arith.constant 0 : i32
    %dma_start3A_177 = tpu.memref_slice %arg9[%dma_start3A_175, %dma_start3A_176] : memref<20x512xi32, #tpu.memory_space<vmem>> -> memref<1x512xi32, #tpu.memory_space<vmem>>
    %dma_start3A_178 = tpu.memref_squeeze %dma_start3A_177 : memref<1x512xi32, #tpu.memory_space<vmem>> -> memref<512xi32, #tpu.memory_space<vmem>>
    %dma_start3A_179 = arith.constant 0 : i32
    %dma_start3A_180 = arith.constant 0 : i32
    %dma_start3A_181 = tpu.memref_slice %arg24[%dma_start3A_179, %dma_start3A_180] : memref<10240x16xf32, #tpu.memory_space<vmem_shared>> -> memref<10240x16xf32, #tpu.memory_space<vmem_shared>>
    tpu.enqueue_indirect_dma source(%dma_start3A_181 : memref<10240x16xf32, #tpu.memory_space<vmem_shared>>) target(%arg14 : memref<512x16xf32, #tpu.memory_space<vmem>>) offsets(%dma_start3A_178 : memref<512xi32, #tpu.memory_space<vmem>>) semaphore(%arg29 : memref<!tpu.dma_semaphore, #tpu.memory_space<semaphore_mem>>)
    %dma_wait3A_182 = arith.constant 6 : i32
    %dma_wait3A_183 = arith.constant 0 : i32
    %dma_wait3A_184 = tpu.memref_slice %arg9[%dma_wait3A_182, %dma_wait3A_183] : memref<20x512xi32, #tpu.memory_space<vmem>> -> memref<1x512xi32, #tpu.memory_space<vmem>>
    %dma_wait3A_185 = tpu.memref_squeeze %dma_wait3A_184 : memref<1x512xi32, #tpu.memory_space<vmem>> -> memref<512xi32, #tpu.memory_space<vmem>>
    %dma_wait3A_186 = arith.constant 0 : i32
    %dma_wait3A_187 = arith.constant 0 : i32
    %dma_wait3A_188 = tpu.memref_slice %arg24[%dma_wait3A_186, %dma_wait3A_187] : memref<10240x16xf32, #tpu.memory_space<vmem_shared>> -> memref<10240x16xf32, #tpu.memory_space<vmem_shared>>
    tpu.wait_indirect_dma semaphore(%arg28 : memref<!tpu.dma_semaphore, #tpu.memory_space<semaphore_mem>>) src(%dma_wait3A_188 : memref<10240x16xf32, #tpu.memory_space<vmem_shared>>) dst(%arg13 : memref<512x16xf32, #tpu.memory_space<vmem>>)
    %dma_start3A_189 = arith.constant 6 : i32
    %dma_start3A_190 = arith.constant 0 : i32
    %dma_start3A_191 = tpu.memref_slice %arg10[%dma_start3A_189, %dma_start3A_190] : memref<20x512xi32, #tpu.memory_space<vmem>> -> memref<1x512xi32, #tpu.memory_space<vmem>>
    %dma_start3A_192 = tpu.memref_squeeze %dma_start3A_191 : memref<1x512xi32, #tpu.memory_space<vmem>> -> memref<512xi32, #tpu.memory_space<vmem>>
    %dma_start3A_193 = arith.constant 0 : i32
    %dma_start3A_194 = arith.constant 0 : i32
    %dma_start3A_195 = tpu.memref_slice %arg25[%dma_start3A_193, %dma_start3A_194] : memref<10240x16xf32, #tpu.memory_space<vmem_shared>> -> memref<10240x16xf32, #tpu.memory_space<vmem_shared>>
    tpu.enqueue_indirect_dma source(%arg13 : memref<512x16xf32, #tpu.memory_space<vmem>>) target(%dma_start3A_195 : memref<10240x16xf32, #tpu.memory_space<vmem_shared>>) offsets(%dma_start3A_192 : memref<512xi32, #tpu.memory_space<vmem>>) semaphore(%arg32 : memref<!tpu.dma_semaphore, #tpu.memory_space<semaphore_mem>>) {add = true}
    %dma_wait3A_196 = arith.constant 4 : i32
    %dma_wait3A_197 = arith.constant 0 : i32
    %dma_wait3A_198 = tpu.memref_slice %arg10[%dma_wait3A_196, %dma_wait3A_197] : memref<20x512xi32, #tpu.memory_space<vmem>> -> memref<1x512xi32, #tpu.memory_space<vmem>>
    %dma_wait3A_199 = tpu.memref_squeeze %dma_wait3A_198 : memref<1x512xi32, #tpu.memory_space<vmem>> -> memref<512xi32, #tpu.memory_space<vmem>>
    %dma_wait3A_200 = arith.constant 0 : i32
    %dma_wait3A_201 = arith.constant 0 : i32
    %dma_wait3A_202 = tpu.memref_slice %arg25[%dma_wait3A_200, %dma_wait3A_201] : memref<10240x16xf32, #tpu.memory_space<vmem_shared>> -> memref<10240x16xf32, #tpu.memory_space<vmem_shared>>
    tpu.wait_indirect_dma semaphore(%arg30 : memref<!tpu.dma_semaphore, #tpu.memory_space<semaphore_mem>>) src(%arg11 : memref<512x16xf32, #tpu.memory_space<vmem>>) dst(%dma_wait3A_202 : memref<10240x16xf32, #tpu.memory_space<vmem_shared>>)
    %dma_start3A_203 = arith.constant 8 : i32
    %dma_start3A_204 = arith.constant 0 : i32
    %dma_start3A_205 = tpu.memref_slice %arg9[%dma_start3A_203, %dma_start3A_204] : memref<20x512xi32, #tpu.memory_space<vmem>> -> memref<1x512xi32, #tpu.memory_space<vmem>>
    %dma_start3A_206 = tpu.memref_squeeze %dma_start3A_205 : memref<1x512xi32, #tpu.memory_space<vmem>> -> memref<512xi32, #tpu.memory_space<vmem>>
    %dma_start3A_207 = arith.constant 0 : i32
    %dma_start3A_208 = arith.constant 0 : i32
    %dma_start3A_209 = tpu.memref_slice %arg24[%dma_start3A_207, %dma_start3A_208] : memref<10240x16xf32, #tpu.memory_space<vmem_shared>> -> memref<10240x16xf32, #tpu.memory_space<vmem_shared>>
    tpu.enqueue_indirect_dma source(%dma_start3A_209 : memref<10240x16xf32, #tpu.memory_space<vmem_shared>>) target(%arg11 : memref<512x16xf32, #tpu.memory_space<vmem>>) offsets(%dma_start3A_206 : memref<512xi32, #tpu.memory_space<vmem>>) semaphore(%arg26 : memref<!tpu.dma_semaphore, #tpu.memory_space<semaphore_mem>>)
    %dma_wait3A_210 = arith.constant 7 : i32
    %dma_wait3A_211 = arith.constant 0 : i32
    %dma_wait3A_212 = tpu.memref_slice %arg9[%dma_wait3A_210, %dma_wait3A_211] : memref<20x512xi32, #tpu.memory_space<vmem>> -> memref<1x512xi32, #tpu.memory_space<vmem>>
    %dma_wait3A_213 = tpu.memref_squeeze %dma_wait3A_212 : memref<1x512xi32, #tpu.memory_space<vmem>> -> memref<512xi32, #tpu.memory_space<vmem>>
    %dma_wait3A_214 = arith.constant 0 : i32
    %dma_wait3A_215 = arith.constant 0 : i32
    %dma_wait3A_216 = tpu.memref_slice %arg24[%dma_wait3A_214, %dma_wait3A_215] : memref<10240x16xf32, #tpu.memory_space<vmem_shared>> -> memref<10240x16xf32, #tpu.memory_space<vmem_shared>>
    tpu.wait_indirect_dma semaphore(%arg29 : memref<!tpu.dma_semaphore, #tpu.memory_space<semaphore_mem>>) src(%dma_wait3A_216 : memref<10240x16xf32, #tpu.memory_space<vmem_shared>>) dst(%arg14 : memref<512x16xf32, #tpu.memory_space<vmem>>)
    %dma_start3A_217 = arith.constant 7 : i32
    %dma_start3A_218 = arith.constant 0 : i32
    %dma_start3A_219 = tpu.memref_slice %arg10[%dma_start3A_217, %dma_start3A_218] : memref<20x512xi32, #tpu.memory_space<vmem>> -> memref<1x512xi32, #tpu.memory_space<vmem>>
    %dma_start3A_220 = tpu.memref_squeeze %dma_start3A_219 : memref<1x512xi32, #tpu.memory_space<vmem>> -> memref<512xi32, #tpu.memory_space<vmem>>
    %dma_start3A_221 = arith.constant 0 : i32
    %dma_start3A_222 = arith.constant 0 : i32
    %dma_start3A_223 = tpu.memref_slice %arg25[%dma_start3A_221, %dma_start3A_222] : memref<10240x16xf32, #tpu.memory_space<vmem_shared>> -> memref<10240x16xf32, #tpu.memory_space<vmem_shared>>
    tpu.enqueue_indirect_dma source(%arg14 : memref<512x16xf32, #tpu.memory_space<vmem>>) target(%dma_start3A_223 : memref<10240x16xf32, #tpu.memory_space<vmem_shared>>) offsets(%dma_start3A_220 : memref<512xi32, #tpu.memory_space<vmem>>) semaphore(%arg33 : memref<!tpu.dma_semaphore, #tpu.memory_space<semaphore_mem>>) {add = true}
    %dma_wait3A_224 = arith.constant 5 : i32
    %dma_wait3A_225 = arith.constant 0 : i32
    %dma_wait3A_226 = tpu.memref_slice %arg10[%dma_wait3A_224, %dma_wait3A_225] : memref<20x512xi32, #tpu.memory_space<vmem>> -> memref<1x512xi32, #tpu.memory_space<vmem>>
    %dma_wait3A_227 = tpu.memref_squeeze %dma_wait3A_226 : memref<1x512xi32, #tpu.memory_space<vmem>> -> memref<512xi32, #tpu.memory_space<vmem>>
    %dma_wait3A_228 = arith.constant 0 : i32
    %dma_wait3A_229 = arith.constant 0 : i32
    %dma_wait3A_230 = tpu.memref_slice %arg25[%dma_wait3A_228, %dma_wait3A_229] : memref<10240x16xf32, #tpu.memory_space<vmem_shared>> -> memref<10240x16xf32, #tpu.memory_space<vmem_shared>>
    tpu.wait_indirect_dma semaphore(%arg31 : memref<!tpu.dma_semaphore, #tpu.memory_space<semaphore_mem>>) src(%arg12 : memref<512x16xf32, #tpu.memory_space<vmem>>) dst(%dma_wait3A_230 : memref<10240x16xf32, #tpu.memory_space<vmem_shared>>)
    %dma_start3A_231 = arith.constant 9 : i32
    %dma_start3A_232 = arith.constant 0 : i32
    %dma_start3A_233 = tpu.memref_slice %arg9[%dma_start3A_231, %dma_start3A_232] : memref<20x512xi32, #tpu.memory_space<vmem>> -> memref<1x512xi32, #tpu.memory_space<vmem>>
    %dma_start3A_234 = tpu.memref_squeeze %dma_start3A_233 : memref<1x512xi32, #tpu.memory_space<vmem>> -> memref<512xi32, #tpu.memory_space<vmem>>
    %dma_start3A_235 = arith.constant 0 : i32
    %dma_start3A_236 = arith.constant 0 : i32
    %dma_start3A_237 = tpu.memref_slice %arg24[%dma_start3A_235, %dma_start3A_236] : memref<10240x16xf32, #tpu.memory_space<vmem_shared>> -> memref<10240x16xf32, #tpu.memory_space<vmem_shared>>
    tpu.enqueue_indirect_dma source(%dma_start3A_237 : memref<10240x16xf32, #tpu.memory_space<vmem_shared>>) target(%arg12 : memref<512x16xf32, #tpu.memory_space<vmem>>) offsets(%dma_start3A_234 : memref<512xi32, #tpu.memory_space<vmem>>) semaphore(%arg27 : memref<!tpu.dma_semaphore, #tpu.memory_space<semaphore_mem>>)
    %dma_wait3A_238 = arith.constant 8 : i32
    %dma_wait3A_239 = arith.constant 0 : i32
    %dma_wait3A_240 = tpu.memref_slice %arg9[%dma_wait3A_238, %dma_wait3A_239] : memref<20x512xi32, #tpu.memory_space<vmem>> -> memref<1x512xi32, #tpu.memory_space<vmem>>
    %dma_wait3A_241 = tpu.memref_squeeze %dma_wait3A_240 : memref<1x512xi32, #tpu.memory_space<vmem>> -> memref<512xi32, #tpu.memory_space<vmem>>
    %dma_wait3A_242 = arith.constant 0 : i32
    %dma_wait3A_243 = arith.constant 0 : i32
    %dma_wait3A_244 = tpu.memref_slice %arg24[%dma_wait3A_242, %dma_wait3A_243] : memref<10240x16xf32, #tpu.memory_space<vmem_shared>> -> memref<10240x16xf32, #tpu.memory_space<vmem_shared>>
    tpu.wait_indirect_dma semaphore(%arg26 : memref<!tpu.dma_semaphore, #tpu.memory_space<semaphore_mem>>) src(%dma_wait3A_244 : memref<10240x16xf32, #tpu.memory_space<vmem_shared>>) dst(%arg11 : memref<512x16xf32, #tpu.memory_space<vmem>>)
    %dma_start3A_245 = arith.constant 8 : i32
    %dma_start3A_246 = arith.constant 0 : i32
    %dma_start3A_247 = tpu.memref_slice %arg10[%dma_start3A_245, %dma_start3A_246] : memref<20x512xi32, #tpu.memory_space<vmem>> -> memref<1x512xi32, #tpu.memory_space<vmem>>
    %dma_start3A_248 = tpu.memref_squeeze %dma_start3A_247 : memref<1x512xi32, #tpu.memory_space<vmem>> -> memref<512xi32, #tpu.memory_space<vmem>>
    %dma_start3A_249 = arith.constant 0 : i32
    %dma_start3A_250 = arith.constant 0 : i32
    %dma_start3A_251 = tpu.memref_slice %arg25[%dma_start3A_249, %dma_start3A_250] : memref<10240x16xf32, #tpu.memory_space<vmem_shared>> -> memref<10240x16xf32, #tpu.memory_space<vmem_shared>>
    tpu.enqueue_indirect_dma source(%arg11 : memref<512x16xf32, #tpu.memory_space<vmem>>) target(%dma_start3A_251 : memref<10240x16xf32, #tpu.memory_space<vmem_shared>>) offsets(%dma_start3A_248 : memref<512xi32, #tpu.memory_space<vmem>>) semaphore(%arg30 : memref<!tpu.dma_semaphore, #tpu.memory_space<semaphore_mem>>) {add = true}
    %dma_wait3A_252 = arith.constant 6 : i32
    %dma_wait3A_253 = arith.constant 0 : i32
    %dma_wait3A_254 = tpu.memref_slice %arg10[%dma_wait3A_252, %dma_wait3A_253] : memref<20x512xi32, #tpu.memory_space<vmem>> -> memref<1x512xi32, #tpu.memory_space<vmem>>
    %dma_wait3A_255 = tpu.memref_squeeze %dma_wait3A_254 : memref<1x512xi32, #tpu.memory_space<vmem>> -> memref<512xi32, #tpu.memory_space<vmem>>
    %dma_wait3A_256 = arith.constant 0 : i32
    %dma_wait3A_257 = arith.constant 0 : i32
    %dma_wait3A_258 = tpu.memref_slice %arg25[%dma_wait3A_256, %dma_wait3A_257] : memref<10240x16xf32, #tpu.memory_space<vmem_shared>> -> memref<10240x16xf32, #tpu.memory_space<vmem_shared>>
    tpu.wait_indirect_dma semaphore(%arg32 : memref<!tpu.dma_semaphore, #tpu.memory_space<semaphore_mem>>) src(%arg13 : memref<512x16xf32, #tpu.memory_space<vmem>>) dst(%dma_wait3A_258 : memref<10240x16xf32, #tpu.memory_space<vmem_shared>>)
    %dma_start3A_259 = arith.constant 10 : i32
    %dma_start3A_260 = arith.constant 0 : i32
    %dma_start3A_261 = tpu.memref_slice %arg9[%dma_start3A_259, %dma_start3A_260] : memref<20x512xi32, #tpu.memory_space<vmem>> -> memref<1x512xi32, #tpu.memory_space<vmem>>
    %dma_start3A_262 = tpu.memref_squeeze %dma_start3A_261 : memref<1x512xi32, #tpu.memory_space<vmem>> -> memref<512xi32, #tpu.memory_space<vmem>>
    %dma_start3A_263 = arith.constant 0 : i32
    %dma_start3A_264 = arith.constant 0 : i32
    %dma_start3A_265 = tpu.memref_slice %arg24[%dma_start3A_263, %dma_start3A_264] : memref<10240x16xf32, #tpu.memory_space<vmem_shared>> -> memref<10240x16xf32, #tpu.memory_space<vmem_shared>>
    tpu.enqueue_indirect_dma source(%dma_start3A_265 : memref<10240x16xf32, #tpu.memory_space<vmem_shared>>) target(%arg13 : memref<512x16xf32, #tpu.memory_space<vmem>>) offsets(%dma_start3A_262 : memref<512xi32, #tpu.memory_space<vmem>>) semaphore(%arg28 : memref<!tpu.dma_semaphore, #tpu.memory_space<semaphore_mem>>)
    %dma_wait3A_266 = arith.constant 9 : i32
    %dma_wait3A_267 = arith.constant 0 : i32
    %dma_wait3A_268 = tpu.memref_slice %arg9[%dma_wait3A_266, %dma_wait3A_267] : memref<20x512xi32, #tpu.memory_space<vmem>> -> memref<1x512xi32, #tpu.memory_space<vmem>>
    %dma_wait3A_269 = tpu.memref_squeeze %dma_wait3A_268 : memref<1x512xi32, #tpu.memory_space<vmem>> -> memref<512xi32, #tpu.memory_space<vmem>>
    %dma_wait3A_270 = arith.constant 0 : i32
    %dma_wait3A_271 = arith.constant 0 : i32
    %dma_wait3A_272 = tpu.memref_slice %arg24[%dma_wait3A_270, %dma_wait3A_271] : memref<10240x16xf32, #tpu.memory_space<vmem_shared>> -> memref<10240x16xf32, #tpu.memory_space<vmem_shared>>
    tpu.wait_indirect_dma semaphore(%arg27 : memref<!tpu.dma_semaphore, #tpu.memory_space<semaphore_mem>>) src(%dma_wait3A_272 : memref<10240x16xf32, #tpu.memory_space<vmem_shared>>) dst(%arg12 : memref<512x16xf32, #tpu.memory_space<vmem>>)
    %dma_start3A_273 = arith.constant 9 : i32
    %dma_start3A_274 = arith.constant 0 : i32
    %dma_start3A_275 = tpu.memref_slice %arg10[%dma_start3A_273, %dma_start3A_274] : memref<20x512xi32, #tpu.memory_space<vmem>> -> memref<1x512xi32, #tpu.memory_space<vmem>>
    %dma_start3A_276 = tpu.memref_squeeze %dma_start3A_275 : memref<1x512xi32, #tpu.memory_space<vmem>> -> memref<512xi32, #tpu.memory_space<vmem>>
    %dma_start3A_277 = arith.constant 0 : i32
    %dma_start3A_278 = arith.constant 0 : i32
    %dma_start3A_279 = tpu.memref_slice %arg25[%dma_start3A_277, %dma_start3A_278] : memref<10240x16xf32, #tpu.memory_space<vmem_shared>> -> memref<10240x16xf32, #tpu.memory_space<vmem_shared>>
    tpu.enqueue_indirect_dma source(%arg12 : memref<512x16xf32, #tpu.memory_space<vmem>>) target(%dma_start3A_279 : memref<10240x16xf32, #tpu.memory_space<vmem_shared>>) offsets(%dma_start3A_276 : memref<512xi32, #tpu.memory_space<vmem>>) semaphore(%arg31 : memref<!tpu.dma_semaphore, #tpu.memory_space<semaphore_mem>>) {add = true}
    %dma_wait3A_280 = arith.constant 7 : i32
    %dma_wait3A_281 = arith.constant 0 : i32
    %dma_wait3A_282 = tpu.memref_slice %arg10[%dma_wait3A_280, %dma_wait3A_281] : memref<20x512xi32, #tpu.memory_space<vmem>> -> memref<1x512xi32, #tpu.memory_space<vmem>>
    %dma_wait3A_283 = tpu.memref_squeeze %dma_wait3A_282 : memref<1x512xi32, #tpu.memory_space<vmem>> -> memref<512xi32, #tpu.memory_space<vmem>>
    %dma_wait3A_284 = arith.constant 0 : i32
    %dma_wait3A_285 = arith.constant 0 : i32
    %dma_wait3A_286 = tpu.memref_slice %arg25[%dma_wait3A_284, %dma_wait3A_285] : memref<10240x16xf32, #tpu.memory_space<vmem_shared>> -> memref<10240x16xf32, #tpu.memory_space<vmem_shared>>
    tpu.wait_indirect_dma semaphore(%arg33 : memref<!tpu.dma_semaphore, #tpu.memory_space<semaphore_mem>>) src(%arg14 : memref<512x16xf32, #tpu.memory_space<vmem>>) dst(%dma_wait3A_286 : memref<10240x16xf32, #tpu.memory_space<vmem_shared>>)
    %dma_start3A_287 = arith.constant 11 : i32
    %dma_start3A_288 = arith.constant 0 : i32
    %dma_start3A_289 = tpu.memref_slice %arg9[%dma_start3A_287, %dma_start3A_288] : memref<20x512xi32, #tpu.memory_space<vmem>> -> memref<1x512xi32, #tpu.memory_space<vmem>>
    %dma_start3A_290 = tpu.memref_squeeze %dma_start3A_289 : memref<1x512xi32, #tpu.memory_space<vmem>> -> memref<512xi32, #tpu.memory_space<vmem>>
    %dma_start3A_291 = arith.constant 0 : i32
    %dma_start3A_292 = arith.constant 0 : i32
    %dma_start3A_293 = tpu.memref_slice %arg24[%dma_start3A_291, %dma_start3A_292] : memref<10240x16xf32, #tpu.memory_space<vmem_shared>> -> memref<10240x16xf32, #tpu.memory_space<vmem_shared>>
    tpu.enqueue_indirect_dma source(%dma_start3A_293 : memref<10240x16xf32, #tpu.memory_space<vmem_shared>>) target(%arg14 : memref<512x16xf32, #tpu.memory_space<vmem>>) offsets(%dma_start3A_290 : memref<512xi32, #tpu.memory_space<vmem>>) semaphore(%arg29 : memref<!tpu.dma_semaphore, #tpu.memory_space<semaphore_mem>>)
    %dma_wait3A_294 = arith.constant 10 : i32
    %dma_wait3A_295 = arith.constant 0 : i32
    %dma_wait3A_296 = tpu.memref_slice %arg9[%dma_wait3A_294, %dma_wait3A_295] : memref<20x512xi32, #tpu.memory_space<vmem>> -> memref<1x512xi32, #tpu.memory_space<vmem>>
    %dma_wait3A_297 = tpu.memref_squeeze %dma_wait3A_296 : memref<1x512xi32, #tpu.memory_space<vmem>> -> memref<512xi32, #tpu.memory_space<vmem>>
    %dma_wait3A_298 = arith.constant 0 : i32
    %dma_wait3A_299 = arith.constant 0 : i32
    %dma_wait3A_300 = tpu.memref_slice %arg24[%dma_wait3A_298, %dma_wait3A_299] : memref<10240x16xf32, #tpu.memory_space<vmem_shared>> -> memref<10240x16xf32, #tpu.memory_space<vmem_shared>>
    tpu.wait_indirect_dma semaphore(%arg28 : memref<!tpu.dma_semaphore, #tpu.memory_space<semaphore_mem>>) src(%dma_wait3A_300 : memref<10240x16xf32, #tpu.memory_space<vmem_shared>>) dst(%arg13 : memref<512x16xf32, #tpu.memory_space<vmem>>)
    %dma_start3A_301 = arith.constant 10 : i32
    %dma_start3A_302 = arith.constant 0 : i32
    %dma_start3A_303 = tpu.memref_slice %arg10[%dma_start3A_301, %dma_start3A_302] : memref<20x512xi32, #tpu.memory_space<vmem>> -> memref<1x512xi32, #tpu.memory_space<vmem>>
    %dma_start3A_304 = tpu.memref_squeeze %dma_start3A_303 : memref<1x512xi32, #tpu.memory_space<vmem>> -> memref<512xi32, #tpu.memory_space<vmem>>
    %dma_start3A_305 = arith.constant 0 : i32
    %dma_start3A_306 = arith.constant 0 : i32
    %dma_start3A_307 = tpu.memref_slice %arg25[%dma_start3A_305, %dma_start3A_306] : memref<10240x16xf32, #tpu.memory_space<vmem_shared>> -> memref<10240x16xf32, #tpu.memory_space<vmem_shared>>
    tpu.enqueue_indirect_dma source(%arg13 : memref<512x16xf32, #tpu.memory_space<vmem>>) target(%dma_start3A_307 : memref<10240x16xf32, #tpu.memory_space<vmem_shared>>) offsets(%dma_start3A_304 : memref<512xi32, #tpu.memory_space<vmem>>) semaphore(%arg32 : memref<!tpu.dma_semaphore, #tpu.memory_space<semaphore_mem>>) {add = true}
    %dma_wait3A_308 = arith.constant 8 : i32
    %dma_wait3A_309 = arith.constant 0 : i32
    %dma_wait3A_310 = tpu.memref_slice %arg10[%dma_wait3A_308, %dma_wait3A_309] : memref<20x512xi32, #tpu.memory_space<vmem>> -> memref<1x512xi32, #tpu.memory_space<vmem>>
    %dma_wait3A_311 = tpu.memref_squeeze %dma_wait3A_310 : memref<1x512xi32, #tpu.memory_space<vmem>> -> memref<512xi32, #tpu.memory_space<vmem>>
    %dma_wait3A_312 = arith.constant 0 : i32
    %dma_wait3A_313 = arith.constant 0 : i32
    %dma_wait3A_314 = tpu.memref_slice %arg25[%dma_wait3A_312, %dma_wait3A_313] : memref<10240x16xf32, #tpu.memory_space<vmem_shared>> -> memref<10240x16xf32, #tpu.memory_space<vmem_shared>>
    tpu.wait_indirect_dma semaphore(%arg30 : memref<!tpu.dma_semaphore, #tpu.memory_space<semaphore_mem>>) src(%arg11 : memref<512x16xf32, #tpu.memory_space<vmem>>) dst(%dma_wait3A_314 : memref<10240x16xf32, #tpu.memory_space<vmem_shared>>)
    %dma_start3A_315 = arith.constant 12 : i32
    %dma_start3A_316 = arith.constant 0 : i32
    %dma_start3A_317 = tpu.memref_slice %arg9[%dma_start3A_315, %dma_start3A_316] : memref<20x512xi32, #tpu.memory_space<vmem>> -> memref<1x512xi32, #tpu.memory_space<vmem>>
    %dma_start3A_318 = tpu.memref_squeeze %dma_start3A_317 : memref<1x512xi32, #tpu.memory_space<vmem>> -> memref<512xi32, #tpu.memory_space<vmem>>
    %dma_start3A_319 = arith.constant 0 : i32
    %dma_start3A_320 = arith.constant 0 : i32
    %dma_start3A_321 = tpu.memref_slice %arg24[%dma_start3A_319, %dma_start3A_320] : memref<10240x16xf32, #tpu.memory_space<vmem_shared>> -> memref<10240x16xf32, #tpu.memory_space<vmem_shared>>
    tpu.enqueue_indirect_dma source(%dma_start3A_321 : memref<10240x16xf32, #tpu.memory_space<vmem_shared>>) target(%arg11 : memref<512x16xf32, #tpu.memory_space<vmem>>) offsets(%dma_start3A_318 : memref<512xi32, #tpu.memory_space<vmem>>) semaphore(%arg26 : memref<!tpu.dma_semaphore, #tpu.memory_space<semaphore_mem>>)
    %dma_wait3A_322 = arith.constant 11 : i32
    %dma_wait3A_323 = arith.constant 0 : i32
    %dma_wait3A_324 = tpu.memref_slice %arg9[%dma_wait3A_322, %dma_wait3A_323] : memref<20x512xi32, #tpu.memory_space<vmem>> -> memref<1x512xi32, #tpu.memory_space<vmem>>
    %dma_wait3A_325 = tpu.memref_squeeze %dma_wait3A_324 : memref<1x512xi32, #tpu.memory_space<vmem>> -> memref<512xi32, #tpu.memory_space<vmem>>
    %dma_wait3A_326 = arith.constant 0 : i32
    %dma_wait3A_327 = arith.constant 0 : i32
    %dma_wait3A_328 = tpu.memref_slice %arg24[%dma_wait3A_326, %dma_wait3A_327] : memref<10240x16xf32, #tpu.memory_space<vmem_shared>> -> memref<10240x16xf32, #tpu.memory_space<vmem_shared>>
    tpu.wait_indirect_dma semaphore(%arg29 : memref<!tpu.dma_semaphore, #tpu.memory_space<semaphore_mem>>) src(%dma_wait3A_328 : memref<10240x16xf32, #tpu.memory_space<vmem_shared>>) dst(%arg14 : memref<512x16xf32, #tpu.memory_space<vmem>>)
    %dma_start3A_329 = arith.constant 11 : i32
    %dma_start3A_330 = arith.constant 0 : i32
    %dma_start3A_331 = tpu.memref_slice %arg10[%dma_start3A_329, %dma_start3A_330] : memref<20x512xi32, #tpu.memory_space<vmem>> -> memref<1x512xi32, #tpu.memory_space<vmem>>
    %dma_start3A_332 = tpu.memref_squeeze %dma_start3A_331 : memref<1x512xi32, #tpu.memory_space<vmem>> -> memref<512xi32, #tpu.memory_space<vmem>>
    %dma_start3A_333 = arith.constant 0 : i32
    %dma_start3A_334 = arith.constant 0 : i32
    %dma_start3A_335 = tpu.memref_slice %arg25[%dma_start3A_333, %dma_start3A_334] : memref<10240x16xf32, #tpu.memory_space<vmem_shared>> -> memref<10240x16xf32, #tpu.memory_space<vmem_shared>>
    tpu.enqueue_indirect_dma source(%arg14 : memref<512x16xf32, #tpu.memory_space<vmem>>) target(%dma_start3A_335 : memref<10240x16xf32, #tpu.memory_space<vmem_shared>>) offsets(%dma_start3A_332 : memref<512xi32, #tpu.memory_space<vmem>>) semaphore(%arg33 : memref<!tpu.dma_semaphore, #tpu.memory_space<semaphore_mem>>) {add = true}
    %dma_wait3A_336 = arith.constant 9 : i32
    %dma_wait3A_337 = arith.constant 0 : i32
    %dma_wait3A_338 = tpu.memref_slice %arg10[%dma_wait3A_336, %dma_wait3A_337] : memref<20x512xi32, #tpu.memory_space<vmem>> -> memref<1x512xi32, #tpu.memory_space<vmem>>
    %dma_wait3A_339 = tpu.memref_squeeze %dma_wait3A_338 : memref<1x512xi32, #tpu.memory_space<vmem>> -> memref<512xi32, #tpu.memory_space<vmem>>
    %dma_wait3A_340 = arith.constant 0 : i32
    %dma_wait3A_341 = arith.constant 0 : i32
    %dma_wait3A_342 = tpu.memref_slice %arg25[%dma_wait3A_340, %dma_wait3A_341] : memref<10240x16xf32, #tpu.memory_space<vmem_shared>> -> memref<10240x16xf32, #tpu.memory_space<vmem_shared>>
    tpu.wait_indirect_dma semaphore(%arg31 : memref<!tpu.dma_semaphore, #tpu.memory_space<semaphore_mem>>) src(%arg12 : memref<512x16xf32, #tpu.memory_space<vmem>>) dst(%dma_wait3A_342 : memref<10240x16xf32, #tpu.memory_space<vmem_shared>>)
    %dma_start3A_343 = arith.constant 13 : i32
    %dma_start3A_344 = arith.constant 0 : i32
    %dma_start3A_345 = tpu.memref_slice %arg9[%dma_start3A_343, %dma_start3A_344] : memref<20x512xi32, #tpu.memory_space<vmem>> -> memref<1x512xi32, #tpu.memory_space<vmem>>
    %dma_start3A_346 = tpu.memref_squeeze %dma_start3A_345 : memref<1x512xi32, #tpu.memory_space<vmem>> -> memref<512xi32, #tpu.memory_space<vmem>>
    %dma_start3A_347 = arith.constant 0 : i32
    %dma_start3A_348 = arith.constant 0 : i32
    %dma_start3A_349 = tpu.memref_slice %arg24[%dma_start3A_347, %dma_start3A_348] : memref<10240x16xf32, #tpu.memory_space<vmem_shared>> -> memref<10240x16xf32, #tpu.memory_space<vmem_shared>>
    tpu.enqueue_indirect_dma source(%dma_start3A_349 : memref<10240x16xf32, #tpu.memory_space<vmem_shared>>) target(%arg12 : memref<512x16xf32, #tpu.memory_space<vmem>>) offsets(%dma_start3A_346 : memref<512xi32, #tpu.memory_space<vmem>>) semaphore(%arg27 : memref<!tpu.dma_semaphore, #tpu.memory_space<semaphore_mem>>)
    %dma_wait3A_350 = arith.constant 12 : i32
    %dma_wait3A_351 = arith.constant 0 : i32
    %dma_wait3A_352 = tpu.memref_slice %arg9[%dma_wait3A_350, %dma_wait3A_351] : memref<20x512xi32, #tpu.memory_space<vmem>> -> memref<1x512xi32, #tpu.memory_space<vmem>>
    %dma_wait3A_353 = tpu.memref_squeeze %dma_wait3A_352 : memref<1x512xi32, #tpu.memory_space<vmem>> -> memref<512xi32, #tpu.memory_space<vmem>>
    %dma_wait3A_354 = arith.constant 0 : i32
    %dma_wait3A_355 = arith.constant 0 : i32
    %dma_wait3A_356 = tpu.memref_slice %arg24[%dma_wait3A_354, %dma_wait3A_355] : memref<10240x16xf32, #tpu.memory_space<vmem_shared>> -> memref<10240x16xf32, #tpu.memory_space<vmem_shared>>
    tpu.wait_indirect_dma semaphore(%arg26 : memref<!tpu.dma_semaphore, #tpu.memory_space<semaphore_mem>>) src(%dma_wait3A_356 : memref<10240x16xf32, #tpu.memory_space<vmem_shared>>) dst(%arg11 : memref<512x16xf32, #tpu.memory_space<vmem>>)
    %dma_start3A_357 = arith.constant 12 : i32
    %dma_start3A_358 = arith.constant 0 : i32
    %dma_start3A_359 = tpu.memref_slice %arg10[%dma_start3A_357, %dma_start3A_358] : memref<20x512xi32, #tpu.memory_space<vmem>> -> memref<1x512xi32, #tpu.memory_space<vmem>>
    %dma_start3A_360 = tpu.memref_squeeze %dma_start3A_359 : memref<1x512xi32, #tpu.memory_space<vmem>> -> memref<512xi32, #tpu.memory_space<vmem>>
    %dma_start3A_361 = arith.constant 0 : i32
    %dma_start3A_362 = arith.constant 0 : i32
    %dma_start3A_363 = tpu.memref_slice %arg25[%dma_start3A_361, %dma_start3A_362] : memref<10240x16xf32, #tpu.memory_space<vmem_shared>> -> memref<10240x16xf32, #tpu.memory_space<vmem_shared>>
    tpu.enqueue_indirect_dma source(%arg11 : memref<512x16xf32, #tpu.memory_space<vmem>>) target(%dma_start3A_363 : memref<10240x16xf32, #tpu.memory_space<vmem_shared>>) offsets(%dma_start3A_360 : memref<512xi32, #tpu.memory_space<vmem>>) semaphore(%arg30 : memref<!tpu.dma_semaphore, #tpu.memory_space<semaphore_mem>>) {add = true}
    %dma_wait3A_364 = arith.constant 10 : i32
    %dma_wait3A_365 = arith.constant 0 : i32
    %dma_wait3A_366 = tpu.memref_slice %arg10[%dma_wait3A_364, %dma_wait3A_365] : memref<20x512xi32, #tpu.memory_space<vmem>> -> memref<1x512xi32, #tpu.memory_space<vmem>>
    %dma_wait3A_367 = tpu.memref_squeeze %dma_wait3A_366 : memref<1x512xi32, #tpu.memory_space<vmem>> -> memref<512xi32, #tpu.memory_space<vmem>>
    %dma_wait3A_368 = arith.constant 0 : i32
    %dma_wait3A_369 = arith.constant 0 : i32
    %dma_wait3A_370 = tpu.memref_slice %arg25[%dma_wait3A_368, %dma_wait3A_369] : memref<10240x16xf32, #tpu.memory_space<vmem_shared>> -> memref<10240x16xf32, #tpu.memory_space<vmem_shared>>
    tpu.wait_indirect_dma semaphore(%arg32 : memref<!tpu.dma_semaphore, #tpu.memory_space<semaphore_mem>>) src(%arg13 : memref<512x16xf32, #tpu.memory_space<vmem>>) dst(%dma_wait3A_370 : memref<10240x16xf32, #tpu.memory_space<vmem_shared>>)
    %dma_start3A_371 = arith.constant 14 : i32
    %dma_start3A_372 = arith.constant 0 : i32
    %dma_start3A_373 = tpu.memref_slice %arg9[%dma_start3A_371, %dma_start3A_372] : memref<20x512xi32, #tpu.memory_space<vmem>> -> memref<1x512xi32, #tpu.memory_space<vmem>>
    %dma_start3A_374 = tpu.memref_squeeze %dma_start3A_373 : memref<1x512xi32, #tpu.memory_space<vmem>> -> memref<512xi32, #tpu.memory_space<vmem>>
    %dma_start3A_375 = arith.constant 0 : i32
    %dma_start3A_376 = arith.constant 0 : i32
    %dma_start3A_377 = tpu.memref_slice %arg24[%dma_start3A_375, %dma_start3A_376] : memref<10240x16xf32, #tpu.memory_space<vmem_shared>> -> memref<10240x16xf32, #tpu.memory_space<vmem_shared>>
    tpu.enqueue_indirect_dma source(%dma_start3A_377 : memref<10240x16xf32, #tpu.memory_space<vmem_shared>>) target(%arg13 : memref<512x16xf32, #tpu.memory_space<vmem>>) offsets(%dma_start3A_374 : memref<512xi32, #tpu.memory_space<vmem>>) semaphore(%arg28 : memref<!tpu.dma_semaphore, #tpu.memory_space<semaphore_mem>>)
    %dma_wait3A_378 = arith.constant 13 : i32
    %dma_wait3A_379 = arith.constant 0 : i32
    %dma_wait3A_380 = tpu.memref_slice %arg9[%dma_wait3A_378, %dma_wait3A_379] : memref<20x512xi32, #tpu.memory_space<vmem>> -> memref<1x512xi32, #tpu.memory_space<vmem>>
    %dma_wait3A_381 = tpu.memref_squeeze %dma_wait3A_380 : memref<1x512xi32, #tpu.memory_space<vmem>> -> memref<512xi32, #tpu.memory_space<vmem>>
    %dma_wait3A_382 = arith.constant 0 : i32
    %dma_wait3A_383 = arith.constant 0 : i32
    %dma_wait3A_384 = tpu.memref_slice %arg24[%dma_wait3A_382, %dma_wait3A_383] : memref<10240x16xf32, #tpu.memory_space<vmem_shared>> -> memref<10240x16xf32, #tpu.memory_space<vmem_shared>>
    tpu.wait_indirect_dma semaphore(%arg27 : memref<!tpu.dma_semaphore, #tpu.memory_space<semaphore_mem>>) src(%dma_wait3A_384 : memref<10240x16xf32, #tpu.memory_space<vmem_shared>>) dst(%arg12 : memref<512x16xf32, #tpu.memory_space<vmem>>)
    %dma_start3A_385 = arith.constant 13 : i32
    %dma_start3A_386 = arith.constant 0 : i32
    %dma_start3A_387 = tpu.memref_slice %arg10[%dma_start3A_385, %dma_start3A_386] : memref<20x512xi32, #tpu.memory_space<vmem>> -> memref<1x512xi32, #tpu.memory_space<vmem>>
    %dma_start3A_388 = tpu.memref_squeeze %dma_start3A_387 : memref<1x512xi32, #tpu.memory_space<vmem>> -> memref<512xi32, #tpu.memory_space<vmem>>
    %dma_start3A_389 = arith.constant 0 : i32
    %dma_start3A_390 = arith.constant 0 : i32
    %dma_start3A_391 = tpu.memref_slice %arg25[%dma_start3A_389, %dma_start3A_390] : memref<10240x16xf32, #tpu.memory_space<vmem_shared>> -> memref<10240x16xf32, #tpu.memory_space<vmem_shared>>
    tpu.enqueue_indirect_dma source(%arg12 : memref<512x16xf32, #tpu.memory_space<vmem>>) target(%dma_start3A_391 : memref<10240x16xf32, #tpu.memory_space<vmem_shared>>) offsets(%dma_start3A_388 : memref<512xi32, #tpu.memory_space<vmem>>) semaphore(%arg31 : memref<!tpu.dma_semaphore, #tpu.memory_space<semaphore_mem>>) {add = true}
    %dma_wait3A_392 = arith.constant 11 : i32
    %dma_wait3A_393 = arith.constant 0 : i32
    %dma_wait3A_394 = tpu.memref_slice %arg10[%dma_wait3A_392, %dma_wait3A_393] : memref<20x512xi32, #tpu.memory_space<vmem>> -> memref<1x512xi32, #tpu.memory_space<vmem>>
    %dma_wait3A_395 = tpu.memref_squeeze %dma_wait3A_394 : memref<1x512xi32, #tpu.memory_space<vmem>> -> memref<512xi32, #tpu.memory_space<vmem>>
    %dma_wait3A_396 = arith.constant 0 : i32
    %dma_wait3A_397 = arith.constant 0 : i32
    %dma_wait3A_398 = tpu.memref_slice %arg25[%dma_wait3A_396, %dma_wait3A_397] : memref<10240x16xf32, #tpu.memory_space<vmem_shared>> -> memref<10240x16xf32, #tpu.memory_space<vmem_shared>>
    tpu.wait_indirect_dma semaphore(%arg33 : memref<!tpu.dma_semaphore, #tpu.memory_space<semaphore_mem>>) src(%arg14 : memref<512x16xf32, #tpu.memory_space<vmem>>) dst(%dma_wait3A_398 : memref<10240x16xf32, #tpu.memory_space<vmem_shared>>)
    %dma_start3A_399 = arith.constant 15 : i32
    %dma_start3A_400 = arith.constant 0 : i32
    %dma_start3A_401 = tpu.memref_slice %arg9[%dma_start3A_399, %dma_start3A_400] : memref<20x512xi32, #tpu.memory_space<vmem>> -> memref<1x512xi32, #tpu.memory_space<vmem>>
    %dma_start3A_402 = tpu.memref_squeeze %dma_start3A_401 : memref<1x512xi32, #tpu.memory_space<vmem>> -> memref<512xi32, #tpu.memory_space<vmem>>
    %dma_start3A_403 = arith.constant 0 : i32
    %dma_start3A_404 = arith.constant 0 : i32
    %dma_start3A_405 = tpu.memref_slice %arg24[%dma_start3A_403, %dma_start3A_404] : memref<10240x16xf32, #tpu.memory_space<vmem_shared>> -> memref<10240x16xf32, #tpu.memory_space<vmem_shared>>
    tpu.enqueue_indirect_dma source(%dma_start3A_405 : memref<10240x16xf32, #tpu.memory_space<vmem_shared>>) target(%arg14 : memref<512x16xf32, #tpu.memory_space<vmem>>) offsets(%dma_start3A_402 : memref<512xi32, #tpu.memory_space<vmem>>) semaphore(%arg29 : memref<!tpu.dma_semaphore, #tpu.memory_space<semaphore_mem>>)
    %dma_wait3A_406 = arith.constant 14 : i32
    %dma_wait3A_407 = arith.constant 0 : i32
    %dma_wait3A_408 = tpu.memref_slice %arg9[%dma_wait3A_406, %dma_wait3A_407] : memref<20x512xi32, #tpu.memory_space<vmem>> -> memref<1x512xi32, #tpu.memory_space<vmem>>
    %dma_wait3A_409 = tpu.memref_squeeze %dma_wait3A_408 : memref<1x512xi32, #tpu.memory_space<vmem>> -> memref<512xi32, #tpu.memory_space<vmem>>
    %dma_wait3A_410 = arith.constant 0 : i32
    %dma_wait3A_411 = arith.constant 0 : i32
    %dma_wait3A_412 = tpu.memref_slice %arg24[%dma_wait3A_410, %dma_wait3A_411] : memref<10240x16xf32, #tpu.memory_space<vmem_shared>> -> memref<10240x16xf32, #tpu.memory_space<vmem_shared>>
    tpu.wait_indirect_dma semaphore(%arg28 : memref<!tpu.dma_semaphore, #tpu.memory_space<semaphore_mem>>) src(%dma_wait3A_412 : memref<10240x16xf32, #tpu.memory_space<vmem_shared>>) dst(%arg13 : memref<512x16xf32, #tpu.memory_space<vmem>>)
    %dma_start3A_413 = arith.constant 14 : i32
    %dma_start3A_414 = arith.constant 0 : i32
    %dma_start3A_415 = tpu.memref_slice %arg10[%dma_start3A_413, %dma_start3A_414] : memref<20x512xi32, #tpu.memory_space<vmem>> -> memref<1x512xi32, #tpu.memory_space<vmem>>
    %dma_start3A_416 = tpu.memref_squeeze %dma_start3A_415 : memref<1x512xi32, #tpu.memory_space<vmem>> -> memref<512xi32, #tpu.memory_space<vmem>>
    %dma_start3A_417 = arith.constant 0 : i32
    %dma_start3A_418 = arith.constant 0 : i32
    %dma_start3A_419 = tpu.memref_slice %arg25[%dma_start3A_417, %dma_start3A_418] : memref<10240x16xf32, #tpu.memory_space<vmem_shared>> -> memref<10240x16xf32, #tpu.memory_space<vmem_shared>>
    tpu.enqueue_indirect_dma source(%arg13 : memref<512x16xf32, #tpu.memory_space<vmem>>) target(%dma_start3A_419 : memref<10240x16xf32, #tpu.memory_space<vmem_shared>>) offsets(%dma_start3A_416 : memref<512xi32, #tpu.memory_space<vmem>>) semaphore(%arg32 : memref<!tpu.dma_semaphore, #tpu.memory_space<semaphore_mem>>) {add = true}
    %dma_wait3A_420 = arith.constant 12 : i32
    %dma_wait3A_421 = arith.constant 0 : i32
    %dma_wait3A_422 = tpu.memref_slice %arg10[%dma_wait3A_420, %dma_wait3A_421] : memref<20x512xi32, #tpu.memory_space<vmem>> -> memref<1x512xi32, #tpu.memory_space<vmem>>
    %dma_wait3A_423 = tpu.memref_squeeze %dma_wait3A_422 : memref<1x512xi32, #tpu.memory_space<vmem>> -> memref<512xi32, #tpu.memory_space<vmem>>
    %dma_wait3A_424 = arith.constant 0 : i32
    %dma_wait3A_425 = arith.constant 0 : i32
    %dma_wait3A_426 = tpu.memref_slice %arg25[%dma_wait3A_424, %dma_wait3A_425] : memref<10240x16xf32, #tpu.memory_space<vmem_shared>> -> memref<10240x16xf32, #tpu.memory_space<vmem_shared>>
    tpu.wait_indirect_dma semaphore(%arg30 : memref<!tpu.dma_semaphore, #tpu.memory_space<semaphore_mem>>) src(%arg11 : memref<512x16xf32, #tpu.memory_space<vmem>>) dst(%dma_wait3A_426 : memref<10240x16xf32, #tpu.memory_space<vmem_shared>>)
    %dma_start3A_427 = arith.constant 16 : i32
    %dma_start3A_428 = arith.constant 0 : i32
    %dma_start3A_429 = tpu.memref_slice %arg9[%dma_start3A_427, %dma_start3A_428] : memref<20x512xi32, #tpu.memory_space<vmem>> -> memref<1x512xi32, #tpu.memory_space<vmem>>
    %dma_start3A_430 = tpu.memref_squeeze %dma_start3A_429 : memref<1x512xi32, #tpu.memory_space<vmem>> -> memref<512xi32, #tpu.memory_space<vmem>>
    %dma_start3A_431 = arith.constant 0 : i32
    %dma_start3A_432 = arith.constant 0 : i32
    %dma_start3A_433 = tpu.memref_slice %arg24[%dma_start3A_431, %dma_start3A_432] : memref<10240x16xf32, #tpu.memory_space<vmem_shared>> -> memref<10240x16xf32, #tpu.memory_space<vmem_shared>>
    tpu.enqueue_indirect_dma source(%dma_start3A_433 : memref<10240x16xf32, #tpu.memory_space<vmem_shared>>) target(%arg11 : memref<512x16xf32, #tpu.memory_space<vmem>>) offsets(%dma_start3A_430 : memref<512xi32, #tpu.memory_space<vmem>>) semaphore(%arg26 : memref<!tpu.dma_semaphore, #tpu.memory_space<semaphore_mem>>)
    %dma_wait3A_434 = arith.constant 15 : i32
    %dma_wait3A_435 = arith.constant 0 : i32
    %dma_wait3A_436 = tpu.memref_slice %arg9[%dma_wait3A_434, %dma_wait3A_435] : memref<20x512xi32, #tpu.memory_space<vmem>> -> memref<1x512xi32, #tpu.memory_space<vmem>>
    %dma_wait3A_437 = tpu.memref_squeeze %dma_wait3A_436 : memref<1x512xi32, #tpu.memory_space<vmem>> -> memref<512xi32, #tpu.memory_space<vmem>>
    %dma_wait3A_438 = arith.constant 0 : i32
    %dma_wait3A_439 = arith.constant 0 : i32
    %dma_wait3A_440 = tpu.memref_slice %arg24[%dma_wait3A_438, %dma_wait3A_439] : memref<10240x16xf32, #tpu.memory_space<vmem_shared>> -> memref<10240x16xf32, #tpu.memory_space<vmem_shared>>
    tpu.wait_indirect_dma semaphore(%arg29 : memref<!tpu.dma_semaphore, #tpu.memory_space<semaphore_mem>>) src(%dma_wait3A_440 : memref<10240x16xf32, #tpu.memory_space<vmem_shared>>) dst(%arg14 : memref<512x16xf32, #tpu.memory_space<vmem>>)
    %dma_start3A_441 = arith.constant 15 : i32
    %dma_start3A_442 = arith.constant 0 : i32
    %dma_start3A_443 = tpu.memref_slice %arg10[%dma_start3A_441, %dma_start3A_442] : memref<20x512xi32, #tpu.memory_space<vmem>> -> memref<1x512xi32, #tpu.memory_space<vmem>>
    %dma_start3A_444 = tpu.memref_squeeze %dma_start3A_443 : memref<1x512xi32, #tpu.memory_space<vmem>> -> memref<512xi32, #tpu.memory_space<vmem>>
    %dma_start3A_445 = arith.constant 0 : i32
    %dma_start3A_446 = arith.constant 0 : i32
    %dma_start3A_447 = tpu.memref_slice %arg25[%dma_start3A_445, %dma_start3A_446] : memref<10240x16xf32, #tpu.memory_space<vmem_shared>> -> memref<10240x16xf32, #tpu.memory_space<vmem_shared>>
    tpu.enqueue_indirect_dma source(%arg14 : memref<512x16xf32, #tpu.memory_space<vmem>>) target(%dma_start3A_447 : memref<10240x16xf32, #tpu.memory_space<vmem_shared>>) offsets(%dma_start3A_444 : memref<512xi32, #tpu.memory_space<vmem>>) semaphore(%arg33 : memref<!tpu.dma_semaphore, #tpu.memory_space<semaphore_mem>>) {add = true}
    %dma_wait3A_448 = arith.constant 13 : i32
    %dma_wait3A_449 = arith.constant 0 : i32
    %dma_wait3A_450 = tpu.memref_slice %arg10[%dma_wait3A_448, %dma_wait3A_449] : memref<20x512xi32, #tpu.memory_space<vmem>> -> memref<1x512xi32, #tpu.memory_space<vmem>>
    %dma_wait3A_451 = tpu.memref_squeeze %dma_wait3A_450 : memref<1x512xi32, #tpu.memory_space<vmem>> -> memref<512xi32, #tpu.memory_space<vmem>>
    %dma_wait3A_452 = arith.constant 0 : i32
    %dma_wait3A_453 = arith.constant 0 : i32
    %dma_wait3A_454 = tpu.memref_slice %arg25[%dma_wait3A_452, %dma_wait3A_453] : memref<10240x16xf32, #tpu.memory_space<vmem_shared>> -> memref<10240x16xf32, #tpu.memory_space<vmem_shared>>
    tpu.wait_indirect_dma semaphore(%arg31 : memref<!tpu.dma_semaphore, #tpu.memory_space<semaphore_mem>>) src(%arg12 : memref<512x16xf32, #tpu.memory_space<vmem>>) dst(%dma_wait3A_454 : memref<10240x16xf32, #tpu.memory_space<vmem_shared>>)
    %dma_start3A_455 = arith.constant 17 : i32
    %dma_start3A_456 = arith.constant 0 : i32
    %dma_start3A_457 = tpu.memref_slice %arg9[%dma_start3A_455, %dma_start3A_456] : memref<20x512xi32, #tpu.memory_space<vmem>> -> memref<1x512xi32, #tpu.memory_space<vmem>>
    %dma_start3A_458 = tpu.memref_squeeze %dma_start3A_457 : memref<1x512xi32, #tpu.memory_space<vmem>> -> memref<512xi32, #tpu.memory_space<vmem>>
    %dma_start3A_459 = arith.constant 0 : i32
    %dma_start3A_460 = arith.constant 0 : i32
    %dma_start3A_461 = tpu.memref_slice %arg24[%dma_start3A_459, %dma_start3A_460] : memref<10240x16xf32, #tpu.memory_space<vmem_shared>> -> memref<10240x16xf32, #tpu.memory_space<vmem_shared>>
    tpu.enqueue_indirect_dma source(%dma_start3A_461 : memref<10240x16xf32, #tpu.memory_space<vmem_shared>>) target(%arg12 : memref<512x16xf32, #tpu.memory_space<vmem>>) offsets(%dma_start3A_458 : memref<512xi32, #tpu.memory_space<vmem>>) semaphore(%arg27 : memref<!tpu.dma_semaphore, #tpu.memory_space<semaphore_mem>>)
    %dma_wait3A_462 = arith.constant 16 : i32
    %dma_wait3A_463 = arith.constant 0 : i32
    %dma_wait3A_464 = tpu.memref_slice %arg9[%dma_wait3A_462, %dma_wait3A_463] : memref<20x512xi32, #tpu.memory_space<vmem>> -> memref<1x512xi32, #tpu.memory_space<vmem>>
    %dma_wait3A_465 = tpu.memref_squeeze %dma_wait3A_464 : memref<1x512xi32, #tpu.memory_space<vmem>> -> memref<512xi32, #tpu.memory_space<vmem>>
    %dma_wait3A_466 = arith.constant 0 : i32
    %dma_wait3A_467 = arith.constant 0 : i32
    %dma_wait3A_468 = tpu.memref_slice %arg24[%dma_wait3A_466, %dma_wait3A_467] : memref<10240x16xf32, #tpu.memory_space<vmem_shared>> -> memref<10240x16xf32, #tpu.memory_space<vmem_shared>>
    tpu.wait_indirect_dma semaphore(%arg26 : memref<!tpu.dma_semaphore, #tpu.memory_space<semaphore_mem>>) src(%dma_wait3A_468 : memref<10240x16xf32, #tpu.memory_space<vmem_shared>>) dst(%arg11 : memref<512x16xf32, #tpu.memory_space<vmem>>)
    %dma_start3A_469 = arith.constant 16 : i32
    %dma_start3A_470 = arith.constant 0 : i32
    %dma_start3A_471 = tpu.memref_slice %arg10[%dma_start3A_469, %dma_start3A_470] : memref<20x512xi32, #tpu.memory_space<vmem>> -> memref<1x512xi32, #tpu.memory_space<vmem>>
    %dma_start3A_472 = tpu.memref_squeeze %dma_start3A_471 : memref<1x512xi32, #tpu.memory_space<vmem>> -> memref<512xi32, #tpu.memory_space<vmem>>
    %dma_start3A_473 = arith.constant 0 : i32
    %dma_start3A_474 = arith.constant 0 : i32
    %dma_start3A_475 = tpu.memref_slice %arg25[%dma_start3A_473, %dma_start3A_474] : memref<10240x16xf32, #tpu.memory_space<vmem_shared>> -> memref<10240x16xf32, #tpu.memory_space<vmem_shared>>
    tpu.enqueue_indirect_dma source(%arg11 : memref<512x16xf32, #tpu.memory_space<vmem>>) target(%dma_start3A_475 : memref<10240x16xf32, #tpu.memory_space<vmem_shared>>) offsets(%dma_start3A_472 : memref<512xi32, #tpu.memory_space<vmem>>) semaphore(%arg30 : memref<!tpu.dma_semaphore, #tpu.memory_space<semaphore_mem>>) {add = true}
    %dma_wait3A_476 = arith.constant 14 : i32
    %dma_wait3A_477 = arith.constant 0 : i32
    %dma_wait3A_478 = tpu.memref_slice %arg10[%dma_wait3A_476, %dma_wait3A_477] : memref<20x512xi32, #tpu.memory_space<vmem>> -> memref<1x512xi32, #tpu.memory_space<vmem>>
    %dma_wait3A_479 = tpu.memref_squeeze %dma_wait3A_478 : memref<1x512xi32, #tpu.memory_space<vmem>> -> memref<512xi32, #tpu.memory_space<vmem>>
    %dma_wait3A_480 = arith.constant 0 : i32
    %dma_wait3A_481 = arith.constant 0 : i32
    %dma_wait3A_482 = tpu.memref_slice %arg25[%dma_wait3A_480, %dma_wait3A_481] : memref<10240x16xf32, #tpu.memory_space<vmem_shared>> -> memref<10240x16xf32, #tpu.memory_space<vmem_shared>>
    tpu.wait_indirect_dma semaphore(%arg32 : memref<!tpu.dma_semaphore, #tpu.memory_space<semaphore_mem>>) src(%arg13 : memref<512x16xf32, #tpu.memory_space<vmem>>) dst(%dma_wait3A_482 : memref<10240x16xf32, #tpu.memory_space<vmem_shared>>)
    %dma_start3A_483 = arith.constant 18 : i32
    %dma_start3A_484 = arith.constant 0 : i32
    %dma_start3A_485 = tpu.memref_slice %arg9[%dma_start3A_483, %dma_start3A_484] : memref<20x512xi32, #tpu.memory_space<vmem>> -> memref<1x512xi32, #tpu.memory_space<vmem>>
    %dma_start3A_486 = tpu.memref_squeeze %dma_start3A_485 : memref<1x512xi32, #tpu.memory_space<vmem>> -> memref<512xi32, #tpu.memory_space<vmem>>
    %dma_start3A_487 = arith.constant 0 : i32
    %dma_start3A_488 = arith.constant 0 : i32
    %dma_start3A_489 = tpu.memref_slice %arg24[%dma_start3A_487, %dma_start3A_488] : memref<10240x16xf32, #tpu.memory_space<vmem_shared>> -> memref<10240x16xf32, #tpu.memory_space<vmem_shared>>
    tpu.enqueue_indirect_dma source(%dma_start3A_489 : memref<10240x16xf32, #tpu.memory_space<vmem_shared>>) target(%arg13 : memref<512x16xf32, #tpu.memory_space<vmem>>) offsets(%dma_start3A_486 : memref<512xi32, #tpu.memory_space<vmem>>) semaphore(%arg28 : memref<!tpu.dma_semaphore, #tpu.memory_space<semaphore_mem>>)
    %dma_wait3A_490 = arith.constant 17 : i32
    %dma_wait3A_491 = arith.constant 0 : i32
    %dma_wait3A_492 = tpu.memref_slice %arg9[%dma_wait3A_490, %dma_wait3A_491] : memref<20x512xi32, #tpu.memory_space<vmem>> -> memref<1x512xi32, #tpu.memory_space<vmem>>
    %dma_wait3A_493 = tpu.memref_squeeze %dma_wait3A_492 : memref<1x512xi32, #tpu.memory_space<vmem>> -> memref<512xi32, #tpu.memory_space<vmem>>
    %dma_wait3A_494 = arith.constant 0 : i32
    %dma_wait3A_495 = arith.constant 0 : i32
    %dma_wait3A_496 = tpu.memref_slice %arg24[%dma_wait3A_494, %dma_wait3A_495] : memref<10240x16xf32, #tpu.memory_space<vmem_shared>> -> memref<10240x16xf32, #tpu.memory_space<vmem_shared>>
    tpu.wait_indirect_dma semaphore(%arg27 : memref<!tpu.dma_semaphore, #tpu.memory_space<semaphore_mem>>) src(%dma_wait3A_496 : memref<10240x16xf32, #tpu.memory_space<vmem_shared>>) dst(%arg12 : memref<512x16xf32, #tpu.memory_space<vmem>>)
    %dma_start3A_497 = arith.constant 17 : i32
    %dma_start3A_498 = arith.constant 0 : i32
    %dma_start3A_499 = tpu.memref_slice %arg10[%dma_start3A_497, %dma_start3A_498] : memref<20x512xi32, #tpu.memory_space<vmem>> -> memref<1x512xi32, #tpu.memory_space<vmem>>
    %dma_start3A_500 = tpu.memref_squeeze %dma_start3A_499 : memref<1x512xi32, #tpu.memory_space<vmem>> -> memref<512xi32, #tpu.memory_space<vmem>>
    %dma_start3A_501 = arith.constant 0 : i32
    %dma_start3A_502 = arith.constant 0 : i32
    %dma_start3A_503 = tpu.memref_slice %arg25[%dma_start3A_501, %dma_start3A_502] : memref<10240x16xf32, #tpu.memory_space<vmem_shared>> -> memref<10240x16xf32, #tpu.memory_space<vmem_shared>>
    tpu.enqueue_indirect_dma source(%arg12 : memref<512x16xf32, #tpu.memory_space<vmem>>) target(%dma_start3A_503 : memref<10240x16xf32, #tpu.memory_space<vmem_shared>>) offsets(%dma_start3A_500 : memref<512xi32, #tpu.memory_space<vmem>>) semaphore(%arg31 : memref<!tpu.dma_semaphore, #tpu.memory_space<semaphore_mem>>) {add = true}
    %dma_wait3A_504 = arith.constant 15 : i32
    %dma_wait3A_505 = arith.constant 0 : i32
    %dma_wait3A_506 = tpu.memref_slice %arg10[%dma_wait3A_504, %dma_wait3A_505] : memref<20x512xi32, #tpu.memory_space<vmem>> -> memref<1x512xi32, #tpu.memory_space<vmem>>
    %dma_wait3A_507 = tpu.memref_squeeze %dma_wait3A_506 : memref<1x512xi32, #tpu.memory_space<vmem>> -> memref<512xi32, #tpu.memory_space<vmem>>
    %dma_wait3A_508 = arith.constant 0 : i32
    %dma_wait3A_509 = arith.constant 0 : i32
    %dma_wait3A_510 = tpu.memref_slice %arg25[%dma_wait3A_508, %dma_wait3A_509] : memref<10240x16xf32, #tpu.memory_space<vmem_shared>> -> memref<10240x16xf32, #tpu.memory_space<vmem_shared>>
    tpu.wait_indirect_dma semaphore(%arg33 : memref<!tpu.dma_semaphore, #tpu.memory_space<semaphore_mem>>) src(%arg14 : memref<512x16xf32, #tpu.memory_space<vmem>>) dst(%dma_wait3A_510 : memref<10240x16xf32, #tpu.memory_space<vmem_shared>>)
    %dma_start3A_511 = arith.constant 19 : i32
    %dma_start3A_512 = arith.constant 0 : i32
    %dma_start3A_513 = tpu.memref_slice %arg9[%dma_start3A_511, %dma_start3A_512] : memref<20x512xi32, #tpu.memory_space<vmem>> -> memref<1x512xi32, #tpu.memory_space<vmem>>
    %dma_start3A_514 = tpu.memref_squeeze %dma_start3A_513 : memref<1x512xi32, #tpu.memory_space<vmem>> -> memref<512xi32, #tpu.memory_space<vmem>>
    %dma_start3A_515 = arith.constant 0 : i32
    %dma_start3A_516 = arith.constant 0 : i32
    %dma_start3A_517 = tpu.memref_slice %arg24[%dma_start3A_515, %dma_start3A_516] : memref<10240x16xf32, #tpu.memory_space<vmem_shared>> -> memref<10240x16xf32, #tpu.memory_space<vmem_shared>>
    tpu.enqueue_indirect_dma source(%dma_start3A_517 : memref<10240x16xf32, #tpu.memory_space<vmem_shared>>) target(%arg14 : memref<512x16xf32, #tpu.memory_space<vmem>>) offsets(%dma_start3A_514 : memref<512xi32, #tpu.memory_space<vmem>>) semaphore(%arg29 : memref<!tpu.dma_semaphore, #tpu.memory_space<semaphore_mem>>)
    %dma_wait3A_518 = arith.constant 18 : i32
    %dma_wait3A_519 = arith.constant 0 : i32
    %dma_wait3A_520 = tpu.memref_slice %arg9[%dma_wait3A_518, %dma_wait3A_519] : memref<20x512xi32, #tpu.memory_space<vmem>> -> memref<1x512xi32, #tpu.memory_space<vmem>>
    %dma_wait3A_521 = tpu.memref_squeeze %dma_wait3A_520 : memref<1x512xi32, #tpu.memory_space<vmem>> -> memref<512xi32, #tpu.memory_space<vmem>>
    %dma_wait3A_522 = arith.constant 0 : i32
    %dma_wait3A_523 = arith.constant 0 : i32
    %dma_wait3A_524 = tpu.memref_slice %arg24[%dma_wait3A_522, %dma_wait3A_523] : memref<10240x16xf32, #tpu.memory_space<vmem_shared>> -> memref<10240x16xf32, #tpu.memory_space<vmem_shared>>
    tpu.wait_indirect_dma semaphore(%arg28 : memref<!tpu.dma_semaphore, #tpu.memory_space<semaphore_mem>>) src(%dma_wait3A_524 : memref<10240x16xf32, #tpu.memory_space<vmem_shared>>) dst(%arg13 : memref<512x16xf32, #tpu.memory_space<vmem>>)
    %dma_start3A_525 = arith.constant 18 : i32
    %dma_start3A_526 = arith.constant 0 : i32
    %dma_start3A_527 = tpu.memref_slice %arg10[%dma_start3A_525, %dma_start3A_526] : memref<20x512xi32, #tpu.memory_space<vmem>> -> memref<1x512xi32, #tpu.memory_space<vmem>>
    %dma_start3A_528 = tpu.memref_squeeze %dma_start3A_527 : memref<1x512xi32, #tpu.memory_space<vmem>> -> memref<512xi32, #tpu.memory_space<vmem>>
    %dma_start3A_529 = arith.constant 0 : i32
    %dma_start3A_530 = arith.constant 0 : i32
    %dma_start3A_531 = tpu.memref_slice %arg25[%dma_start3A_529, %dma_start3A_530] : memref<10240x16xf32, #tpu.memory_space<vmem_shared>> -> memref<10240x16xf32, #tpu.memory_space<vmem_shared>>
    tpu.enqueue_indirect_dma source(%arg13 : memref<512x16xf32, #tpu.memory_space<vmem>>) target(%dma_start3A_531 : memref<10240x16xf32, #tpu.memory_space<vmem_shared>>) offsets(%dma_start3A_528 : memref<512xi32, #tpu.memory_space<vmem>>) semaphore(%arg32 : memref<!tpu.dma_semaphore, #tpu.memory_space<semaphore_mem>>) {add = true}
    %dma_wait3A_532 = arith.constant 19 : i32
    %dma_wait3A_533 = arith.constant 0 : i32
    %dma_wait3A_534 = tpu.memref_slice %arg9[%dma_wait3A_532, %dma_wait3A_533] : memref<20x512xi32, #tpu.memory_space<vmem>> -> memref<1x512xi32, #tpu.memory_space<vmem>>
    %dma_wait3A_535 = tpu.memref_squeeze %dma_wait3A_534 : memref<1x512xi32, #tpu.memory_space<vmem>> -> memref<512xi32, #tpu.memory_space<vmem>>
    %dma_wait3A_536 = arith.constant 0 : i32
    %dma_wait3A_537 = arith.constant 0 : i32
    %dma_wait3A_538 = tpu.memref_slice %arg24[%dma_wait3A_536, %dma_wait3A_537] : memref<10240x16xf32, #tpu.memory_space<vmem_shared>> -> memref<10240x16xf32, #tpu.memory_space<vmem_shared>>
    tpu.wait_indirect_dma semaphore(%arg29 : memref<!tpu.dma_semaphore, #tpu.memory_space<semaphore_mem>>) src(%dma_wait3A_538 : memref<10240x16xf32, #tpu.memory_space<vmem_shared>>) dst(%arg14 : memref<512x16xf32, #tpu.memory_space<vmem>>)
    %dma_start3A_539 = arith.constant 19 : i32
    %dma_start3A_540 = arith.constant 0 : i32
    %dma_start3A_541 = tpu.memref_slice %arg10[%dma_start3A_539, %dma_start3A_540] : memref<20x512xi32, #tpu.memory_space<vmem>> -> memref<1x512xi32, #tpu.memory_space<vmem>>
    %dma_start3A_542 = tpu.memref_squeeze %dma_start3A_541 : memref<1x512xi32, #tpu.memory_space<vmem>> -> memref<512xi32, #tpu.memory_space<vmem>>
    %dma_start3A_543 = arith.constant 0 : i32
    %dma_start3A_544 = arith.constant 0 : i32
    %dma_start3A_545 = tpu.memref_slice %arg25[%dma_start3A_543, %dma_start3A_544] : memref<10240x16xf32, #tpu.memory_space<vmem_shared>> -> memref<10240x16xf32, #tpu.memory_space<vmem_shared>>
    tpu.enqueue_indirect_dma source(%arg14 : memref<512x16xf32, #tpu.memory_space<vmem>>) target(%dma_start3A_545 : memref<10240x16xf32, #tpu.memory_space<vmem_shared>>) offsets(%dma_start3A_542 : memref<512xi32, #tpu.memory_space<vmem>>) semaphore(%arg33 : memref<!tpu.dma_semaphore, #tpu.memory_space<semaphore_mem>>) {add = true}
    %dma_wait3A_546 = arith.constant 16 : i32
    %dma_wait3A_547 = arith.constant 0 : i32
    %dma_wait3A_548 = tpu.memref_slice %arg10[%dma_wait3A_546, %dma_wait3A_547] : memref<20x512xi32, #tpu.memory_space<vmem>> -> memref<1x512xi32, #tpu.memory_space<vmem>>
    %dma_wait3A_549 = tpu.memref_squeeze %dma_wait3A_548 : memref<1x512xi32, #tpu.memory_space<vmem>> -> memref<512xi32, #tpu.memory_space<vmem>>
    %dma_wait3A_550 = arith.constant 0 : i32
    %dma_wait3A_551 = arith.constant 0 : i32
    %dma_wait3A_552 = tpu.memref_slice %arg25[%dma_wait3A_550, %dma_wait3A_551] : memref<10240x16xf32, #tpu.memory_space<vmem_shared>> -> memref<10240x16xf32, #tpu.memory_space<vmem_shared>>
    tpu.wait_indirect_dma semaphore(%arg30 : memref<!tpu.dma_semaphore, #tpu.memory_space<semaphore_mem>>) src(%arg11 : memref<512x16xf32, #tpu.memory_space<vmem>>) dst(%dma_wait3A_552 : memref<10240x16xf32, #tpu.memory_space<vmem_shared>>)
    %dma_wait3A_553 = arith.constant 17 : i32
    %dma_wait3A_554 = arith.constant 0 : i32
    %dma_wait3A_555 = tpu.memref_slice %arg10[%dma_wait3A_553, %dma_wait3A_554] : memref<20x512xi32, #tpu.memory_space<vmem>> -> memref<1x512xi32, #tpu.memory_space<vmem>>
    %dma_wait3A_556 = tpu.memref_squeeze %dma_wait3A_555 : memref<1x512xi32, #tpu.memory_space<vmem>> -> memref<512xi32, #tpu.memory_space<vmem>>
    %dma_wait3A_557 = arith.constant 0 : i32
    %dma_wait3A_558 = arith.constant 0 : i32
    %dma_wait3A_559 = tpu.memref_slice %arg25[%dma_wait3A_557, %dma_wait3A_558] : memref<10240x16xf32, #tpu.memory_space<vmem_shared>> -> memref<10240x16xf32, #tpu.memory_space<vmem_shared>>
    tpu.wait_indirect_dma semaphore(%arg31 : memref<!tpu.dma_semaphore, #tpu.memory_space<semaphore_mem>>) src(%arg12 : memref<512x16xf32, #tpu.memory_space<vmem>>) dst(%dma_wait3A_559 : memref<10240x16xf32, #tpu.memory_space<vmem_shared>>)
    %dma_wait3A_560 = arith.constant 18 : i32
    %dma_wait3A_561 = arith.constant 0 : i32
    %dma_wait3A_562 = tpu.memref_slice %arg10[%dma_wait3A_560, %dma_wait3A_561] : memref<20x512xi32, #tpu.memory_space<vmem>> -> memref<1x512xi32, #tpu.memory_space<vmem>>
    %dma_wait3A_563 = tpu.memref_squeeze %dma_wait3A_562 : memref<1x512xi32, #tpu.memory_space<vmem>> -> memref<512xi32, #tpu.memory_space<vmem>>
    %dma_wait3A_564 = arith.constant 0 : i32
    %dma_wait3A_565 = arith.constant 0 : i32
    %dma_wait3A_566 = tpu.memref_slice %arg25[%dma_wait3A_564, %dma_wait3A_565] : memref<10240x16xf32, #tpu.memory_space<vmem_shared>> -> memref<10240x16xf32, #tpu.memory_space<vmem_shared>>
    tpu.wait_indirect_dma semaphore(%arg32 : memref<!tpu.dma_semaphore, #tpu.memory_space<semaphore_mem>>) src(%arg13 : memref<512x16xf32, #tpu.memory_space<vmem>>) dst(%dma_wait3A_566 : memref<10240x16xf32, #tpu.memory_space<vmem_shared>>)
    %dma_wait3A_567 = arith.constant 19 : i32
    %dma_wait3A_568 = arith.constant 0 : i32
    %dma_wait3A_569 = tpu.memref_slice %arg10[%dma_wait3A_567, %dma_wait3A_568] : memref<20x512xi32, #tpu.memory_space<vmem>> -> memref<1x512xi32, #tpu.memory_space<vmem>>
    %dma_wait3A_570 = tpu.memref_squeeze %dma_wait3A_569 : memref<1x512xi32, #tpu.memory_space<vmem>> -> memref<512xi32, #tpu.memory_space<vmem>>
    %dma_wait3A_571 = arith.constant 0 : i32
    %dma_wait3A_572 = arith.constant 0 : i32
    %dma_wait3A_573 = tpu.memref_slice %arg25[%dma_wait3A_571, %dma_wait3A_572] : memref<10240x16xf32, #tpu.memory_space<vmem_shared>> -> memref<10240x16xf32, #tpu.memory_space<vmem_shared>>
    tpu.wait_indirect_dma semaphore(%arg33 : memref<!tpu.dma_semaphore, #tpu.memory_space<semaphore_mem>>) src(%arg14 : memref<512x16xf32, #tpu.memory_space<vmem>>) dst(%dma_wait3A_573 : memref<10240x16xf32, #tpu.memory_space<vmem_shared>>)
    %barrier3A_574 = arith.constant 0 : index
    tpu.barrier barrier_id(%barrier3A_574)
    "tpu.region"() ({
      %run_scoped3A_649 = tpu.sem_alloc : memref<!tpu.dma_semaphore, #tpu.memory_space<semaphore_mem>>
      %dma_start3A_650 = arith.constant 0 : i32
      %dma_start3A_651 = tpu.memref_slice %arg25[%mul3A_2, %dma_start3A_650] : memref<10240x16xf32, #tpu.memory_space<vmem_shared>> -> memref<640x16xf32, #tpu.memory_space<vmem_shared>>
      %dma_start3A_652 = arith.constant 0 : i32
      %dma_start3A_653 = tpu.memref_slice %arg25[%mul3A_2, %dma_start3A_652] : memref<10240x16xf32, #tpu.memory_space<vmem_shared>> -> memref<640x16xf32, #tpu.memory_space<vmem_shared>>
      tpu.enqueue_dma source(%dma_start3A_653 : memref<640x16xf32, #tpu.memory_space<vmem_shared>>) target(%arg19 : memref<640x16xf32, #tpu.memory_space<vmem>>) target_semaphore(%run_scoped3A_649 : memref<!tpu.dma_semaphore, #tpu.memory_space<semaphore_mem>>)
      %dma_wait3A_654 = arith.constant 0 : i32
      %dma_wait3A_655 = tpu.memref_slice %arg25[%mul3A_2, %dma_wait3A_654] : memref<10240x16xf32, #tpu.memory_space<vmem_shared>> -> memref<640x16xf32, #tpu.memory_space<vmem_shared>>
      %dma_wait3A_656 = arith.constant 0 : i32
      %dma_wait3A_657 = tpu.memref_slice %arg25[%mul3A_2, %dma_wait3A_656] : memref<10240x16xf32, #tpu.memory_space<vmem_shared>> -> memref<640x16xf32, #tpu.memory_space<vmem_shared>>
      tpu.wait_dma2 semaphore(%run_scoped3A_649 : memref<!tpu.dma_semaphore, #tpu.memory_space<semaphore_mem>>) src(%dma_wait3A_657 : memref<640x16xf32, #tpu.memory_space<vmem_shared>>) dst(%arg19 : memref<640x16xf32, #tpu.memory_space<vmem>>)
      tpu.yield
    }) : () -> ()
    %broadcast_in_dim3A = arith.constant 0.000000e+00 : f32
    %broadcast_in_dim3A_575 = vector.broadcast %broadcast_in_dim3A : f32 to vector<16xf32>
    %swap3A = arith.constant 0 : index
    %swap3A_576 = tpu.vector_load %arg23[%swap3A] {strides = array<i32>} : memref<272xf32, #tpu.memory_space<vmem>>, vector<16xf32>,
    tpu.vector_store %arg23[%swap3A], %broadcast_in_dim3A_575 {strides = array<i32>} : memref<272xf32, #tpu.memory_space<vmem>>, vector<16xf32>,
    %broadcast_in_dim3A_577 = arith.constant 0.000000e+00 : f32
    %broadcast_in_dim3A_578 = vector.broadcast %broadcast_in_dim3A_577 : f32 to vector<16xf32>
    %swap3A_579 = arith.constant 16 : index
    %swap3A_580 = tpu.vector_load %arg23[%swap3A_579] {strides = array<i32>} : memref<272xf32, #tpu.memory_space<vmem>>, vector<16xf32>,
    tpu.vector_store %arg23[%swap3A_579], %broadcast_in_dim3A_578 {strides = array<i32>} : memref<272xf32, #tpu.memory_space<vmem>>, vector<16xf32>,
    %broadcast_in_dim3A_581 = arith.constant 0.000000e+00 : f32
    %broadcast_in_dim3A_582 = vector.broadcast %broadcast_in_dim3A_581 : f32 to vector<16xf32>
    %swap3A_583 = arith.constant 32 : index
    %swap3A_584 = tpu.vector_load %arg23[%swap3A_583] {strides = array<i32>} : memref<272xf32, #tpu.memory_space<vmem>>, vector<16xf32>,
    tpu.vector_store %arg23[%swap3A_583], %broadcast_in_dim3A_582 {strides = array<i32>} : memref<272xf32, #tpu.memory_space<vmem>>, vector<16xf32>,
    %broadcast_in_dim3A_585 = arith.constant 0.000000e+00 : f32
    %broadcast_in_dim3A_586 = vector.broadcast %broadcast_in_dim3A_585 : f32 to vector<16xf32>
    %swap3A_587 = arith.constant 48 : index
    %swap3A_588 = tpu.vector_load %arg23[%swap3A_587] {strides = array<i32>} : memref<272xf32, #tpu.memory_space<vmem>>, vector<16xf32>,
    tpu.vector_store %arg23[%swap3A_587], %broadcast_in_dim3A_586 {strides = array<i32>} : memref<272xf32, #tpu.memory_space<vmem>>, vector<16xf32>,
    %broadcast_in_dim3A_589 = arith.constant 0.000000e+00 : f32
    %broadcast_in_dim3A_590 = vector.broadcast %broadcast_in_dim3A_589 : f32 to vector<16xf32>
    %swap3A_591 = arith.constant 64 : index
    %swap3A_592 = tpu.vector_load %arg23[%swap3A_591] {strides = array<i32>} : memref<272xf32, #tpu.memory_space<vmem>>, vector<16xf32>,
    tpu.vector_store %arg23[%swap3A_591], %broadcast_in_dim3A_590 {strides = array<i32>} : memref<272xf32, #tpu.memory_space<vmem>>, vector<16xf32>,
    %broadcast_in_dim3A_593 = arith.constant 0.000000e+00 : f32
    %broadcast_in_dim3A_594 = vector.broadcast %broadcast_in_dim3A_593 : f32 to vector<16xf32>
    %swap3A_595 = arith.constant 80 : index
    %swap3A_596 = tpu.vector_load %arg23[%swap3A_595] {strides = array<i32>} : memref<272xf32, #tpu.memory_space<vmem>>, vector<16xf32>,
    tpu.vector_store %arg23[%swap3A_595], %broadcast_in_dim3A_594 {strides = array<i32>} : memref<272xf32, #tpu.memory_space<vmem>>, vector<16xf32>,
    %broadcast_in_dim3A_597 = arith.constant 0.000000e+00 : f32
    %broadcast_in_dim3A_598 = vector.broadcast %broadcast_in_dim3A_597 : f32 to vector<16xf32>
    %swap3A_599 = arith.constant 96 : index
    %swap3A_600 = tpu.vector_load %arg23[%swap3A_599] {strides = array<i32>} : memref<272xf32, #tpu.memory_space<vmem>>, vector<16xf32>,
    tpu.vector_store %arg23[%swap3A_599], %broadcast_in_dim3A_598 {strides = array<i32>} : memref<272xf32, #tpu.memory_space<vmem>>, vector<16xf32>,
    %broadcast_in_dim3A_601 = arith.constant 0.000000e+00 : f32
    %broadcast_in_dim3A_602 = vector.broadcast %broadcast_in_dim3A_601 : f32 to vector<16xf32>
    %swap3A_603 = arith.constant 112 : index
    %swap3A_604 = tpu.vector_load %arg23[%swap3A_603] {strides = array<i32>} : memref<272xf32, #tpu.memory_space<vmem>>, vector<16xf32>,
    tpu.vector_store %arg23[%swap3A_603], %broadcast_in_dim3A_602 {strides = array<i32>} : memref<272xf32, #tpu.memory_space<vmem>>, vector<16xf32>,
    %broadcast_in_dim3A_605 = arith.constant 0.000000e+00 : f32
    %broadcast_in_dim3A_606 = vector.broadcast %broadcast_in_dim3A_605 : f32 to vector<16xf32>
    %swap3A_607 = arith.constant 128 : index
    %swap3A_608 = tpu.vector_load %arg23[%swap3A_607] {strides = array<i32>} : memref<272xf32, #tpu.memory_space<vmem>>, vector<16xf32>,
    tpu.vector_store %arg23[%swap3A_607], %broadcast_in_dim3A_606 {strides = array<i32>} : memref<272xf32, #tpu.memory_space<vmem>>, vector<16xf32>,
    %broadcast_in_dim3A_609 = arith.constant 0.000000e+00 : f32
    %broadcast_in_dim3A_610 = vector.broadcast %broadcast_in_dim3A_609 : f32 to vector<16xf32>
    %swap3A_611 = arith.constant 144 : index
    %swap3A_612 = tpu.vector_load %arg23[%swap3A_611] {strides = array<i32>} : memref<272xf32, #tpu.memory_space<vmem>>, vector<16xf32>,
    tpu.vector_store %arg23[%swap3A_611], %broadcast_in_dim3A_610 {strides = array<i32>} : memref<272xf32, #tpu.memory_space<vmem>>, vector<16xf32>,
    %broadcast_in_dim3A_613 = arith.constant 0.000000e+00 : f32
    %broadcast_in_dim3A_614 = vector.broadcast %broadcast_in_dim3A_613 : f32 to vector<16xf32>
    %swap3A_615 = arith.constant 160 : index
    %swap3A_616 = tpu.vector_load %arg23[%swap3A_615] {strides = array<i32>} : memref<272xf32, #tpu.memory_space<vmem>>, vector<16xf32>,
    tpu.vector_store %arg23[%swap3A_615], %broadcast_in_dim3A_614 {strides = array<i32>} : memref<272xf32, #tpu.memory_space<vmem>>, vector<16xf32>,
    %broadcast_in_dim3A_617 = arith.constant 0.000000e+00 : f32
    %broadcast_in_dim3A_618 = vector.broadcast %broadcast_in_dim3A_617 : f32 to vector<16xf32>
    %swap3A_619 = arith.constant 176 : index
    %swap3A_620 = tpu.vector_load %arg23[%swap3A_619] {strides = array<i32>} : memref<272xf32, #tpu.memory_space<vmem>>, vector<16xf32>,
    tpu.vector_store %arg23[%swap3A_619], %broadcast_in_dim3A_618 {strides = array<i32>} : memref<272xf32, #tpu.memory_space<vmem>>, vector<16xf32>,
    %broadcast_in_dim3A_621 = arith.constant 0.000000e+00 : f32
    %broadcast_in_dim3A_622 = vector.broadcast %broadcast_in_dim3A_621 : f32 to vector<16xf32>
    %swap3A_623 = arith.constant 192 : index
    %swap3A_624 = tpu.vector_load %arg23[%swap3A_623] {strides = array<i32>} : memref<272xf32, #tpu.memory_space<vmem>>, vector<16xf32>,
    tpu.vector_store %arg23[%swap3A_623], %broadcast_in_dim3A_622 {strides = array<i32>} : memref<272xf32, #tpu.memory_space<vmem>>, vector<16xf32>,
    %broadcast_in_dim3A_625 = arith.constant 0.000000e+00 : f32
    %broadcast_in_dim3A_626 = vector.broadcast %broadcast_in_dim3A_625 : f32 to vector<16xf32>
    %swap3A_627 = arith.constant 208 : index
    %swap3A_628 = tpu.vector_load %arg23[%swap3A_627] {strides = array<i32>} : memref<272xf32, #tpu.memory_space<vmem>>, vector<16xf32>,
    tpu.vector_store %arg23[%swap3A_627], %broadcast_in_dim3A_626 {strides = array<i32>} : memref<272xf32, #tpu.memory_space<vmem>>, vector<16xf32>,
    %broadcast_in_dim3A_629 = arith.constant 0.000000e+00 : f32
    %broadcast_in_dim3A_630 = vector.broadcast %broadcast_in_dim3A_629 : f32 to vector<16xf32>
    %swap3A_631 = arith.constant 224 : index
    %swap3A_632 = tpu.vector_load %arg23[%swap3A_631] {strides = array<i32>} : memref<272xf32, #tpu.memory_space<vmem>>, vector<16xf32>,
    tpu.vector_store %arg23[%swap3A_631], %broadcast_in_dim3A_630 {strides = array<i32>} : memref<272xf32, #tpu.memory_space<vmem>>, vector<16xf32>,
    %broadcast_in_dim3A_633 = arith.constant 0.000000e+00 : f32
    %broadcast_in_dim3A_634 = vector.broadcast %broadcast_in_dim3A_633 : f32 to vector<16xf32>
    %swap3A_635 = arith.constant 240 : index
    %swap3A_636 = tpu.vector_load %arg23[%swap3A_635] {strides = array<i32>} : memref<272xf32, #tpu.memory_space<vmem>>, vector<16xf32>,
    tpu.vector_store %arg23[%swap3A_635], %broadcast_in_dim3A_634 {strides = array<i32>} : memref<272xf32, #tpu.memory_space<vmem>>, vector<16xf32>,
    %broadcast_in_dim3A_637 = arith.constant 0.000000e+00 : f32
    %broadcast_in_dim3A_638 = vector.broadcast %broadcast_in_dim3A_637 : f32 to vector<16xf32>
    %swap3A_639 = arith.constant 256 : index
    %swap3A_640 = tpu.vector_load %arg23[%swap3A_639] {strides = array<i32>} : memref<272xf32, #tpu.memory_space<vmem>>, vector<16xf32>,
    tpu.vector_store %arg23[%swap3A_639], %broadcast_in_dim3A_638 {strides = array<i32>} : memref<272xf32, #tpu.memory_space<vmem>>, vector<16xf32>,
    %eq3A = arith.constant 0 : i32
    %eq3A_641 = arith.cmpi eq, %arg0, %eq3A : i32
    %jit3A = arith.constant 1.000000e+00 : f32
    %jit3A_642 = arith.constant 0.000000e+00 : f32
    %select_n3A = arith.select %eq3A_641, %jit3A, %jit3A_642 : f32
    %scan3A_643 = arith.constant 0 : i32
    %scan3A_644 = arith.constant 0 : i32
    %scan3A_645 = arith.constant 40 : i32
    %scan3A_646 = arith.addi %scan3A_644, %scan3A_645 : i32
    %scan3A_647 = arith.constant 1 : i32
    scf.for %scan3A_649 = %scan3A_644 to %scan3A_646 step %scan3A_647  : i32 {
      %mul3A_650 = arith.constant 16 : i32
      %mul3A_651 = arith.muli %scan3A_649, %mul3A_650 : i32
      %get3A_652 = arith.index_cast %mul3A_651 : i32 to index
      %get3A_653 = tpu.vector_load %arg20[%get3A_652] {strides = array<i32>} : memref<640xf32, #tpu.memory_space<vmem>>, vector<16xf32>,
      %mul3A_654 = arith.constant 16 : i32
      %mul3A_655 = arith.muli %scan3A_649, %mul3A_654 : i32
      %get3A_656 = arith.index_cast %mul3A_655 : i32 to index
      %get3A_657 = tpu.vector_load %arg21[%get3A_656] {strides = array<i32>} : memref<640xi32, #tpu.memory_space<vmem>>, vector<16xi32>,
      %mul3A_658 = arith.constant 16 : i32
      %mul3A_659 = arith.muli %scan3A_649, %mul3A_658 : i32
      %add3A_660 = arith.constant 0 : i32
      %add3A_661 = arith.addi %mul3A_659, %add3A_660 : i32
      %broadcast_in_dim3A_662 = vector.broadcast %add3A_661 : i32 to vector<16xi32>
      %gather3A = tpu.vector_load_idx %arg19[%broadcast_in_dim3A_662, %iota3A] : memref<640x16xf32, #tpu.memory_space<vmem>>[vector<16xi32>, vector<16xi32>], vector<16xf32>,
      %gather3A_663 = tpu.vector_load_idx %arg18[%broadcast_in_dim3A_662, %iota3A] : memref<640x16xf32, #tpu.memory_space<vmem>>[vector<16xi32>, vector<16xi32>], vector<16xf32>,
      %mul3A_664 = vector.broadcast %select_n3A : f32 to vector<16xf32>
      %mul3A_665 = arith.mulf %mul3A_664, %gather3A_663 : vector<16xf32>
      %sub3A = arith.subf %gather3A, %mul3A_665 : vector<16xf32>
      %slice3A = vector.extract_strided_slice %get3A_653 {offsets = [0], sizes = [1], strides = [1]} : vector<16xf32> to vector<1xf32>
      %squeeze3A = vector.extract %slice3A[0] : f32 from vector<1xf32>
      %mul3A_666 = vector.broadcast %squeeze3A : f32 to vector<16xf32>
      %mul3A_667 = arith.mulf %sub3A, %mul3A_666 : vector<16xf32>
      %slice3A_668 = vector.extract_strided_slice %get3A_657 {offsets = [0], sizes = [1], strides = [1]} : vector<16xi32> to vector<1xi32>
      %squeeze3A_669 = vector.extract %slice3A_668[0] : i32 from vector<1xi32>
      %mul3A_670 = arith.constant 16 : i32
      %mul3A_671 = arith.muli %squeeze3A_669, %mul3A_670 : i32
      %add3A_672 = vector.broadcast %mul3A_671 : i32 to vector<16xi32>
      %add3A_673 = arith.addi %add3A_672, %iota3A : vector<16xi32>
      tpu.vector_store_idx %arg23[%add3A_673], %mul3A_667 {add = true} : memref<272xf32, #tpu.memory_space<vmem>>[vector<16xi32>], vector<16xf32>,
      %mul3A_674 = arith.constant 16 : i32
      %mul3A_675 = arith.muli %scan3A_649, %mul3A_674 : i32
      %add3A_676 = arith.constant 1 : i32
      %add3A_677 = arith.addi %mul3A_675, %add3A_676 : i32
      %broadcast_in_dim3A_678 = vector.broadcast %add3A_677 : i32 to vector<16xi32>
      %gather3A_679 = tpu.vector_load_idx %arg19[%broadcast_in_dim3A_678, %iota3A] : memref<640x16xf32, #tpu.memory_space<vmem>>[vector<16xi32>, vector<16xi32>], vector<16xf32>,
      %gather3A_680 = tpu.vector_load_idx %arg18[%broadcast_in_dim3A_678, %iota3A] : memref<640x16xf32, #tpu.memory_space<vmem>>[vector<16xi32>, vector<16xi32>], vector<16xf32>,
      %mul3A_681 = vector.broadcast %select_n3A : f32 to vector<16xf32>
      %mul3A_682 = arith.mulf %mul3A_681, %gather3A_680 : vector<16xf32>
      %sub3A_683 = arith.subf %gather3A_679, %mul3A_682 : vector<16xf32>
      %slice3A_684 = vector.extract_strided_slice %get3A_653 {offsets = [1], sizes = [1], strides = [1]} : vector<16xf32> to vector<1xf32>
      %squeeze3A_685 = vector.extract %slice3A_684[0] : f32 from vector<1xf32>
      %mul3A_686 = vector.broadcast %squeeze3A_685 : f32 to vector<16xf32>
      %mul3A_687 = arith.mulf %sub3A_683, %mul3A_686 : vector<16xf32>
      %slice3A_688 = vector.extract_strided_slice %get3A_657 {offsets = [1], sizes = [1], strides = [1]} : vector<16xi32> to vector<1xi32>
      %squeeze3A_689 = vector.extract %slice3A_688[0] : i32 from vector<1xi32>
      %mul3A_690 = arith.constant 16 : i32
      %mul3A_691 = arith.muli %squeeze3A_689, %mul3A_690 : i32
      %add3A_692 = vector.broadcast %mul3A_691 : i32 to vector<16xi32>
      %add3A_693 = arith.addi %add3A_692, %iota3A : vector<16xi32>
      tpu.vector_store_idx %arg23[%add3A_693], %mul3A_687 {add = true} : memref<272xf32, #tpu.memory_space<vmem>>[vector<16xi32>], vector<16xf32>,
      %mul3A_694 = arith.constant 16 : i32
      %mul3A_695 = arith.muli %scan3A_649, %mul3A_694 : i32
      %add3A_696 = arith.constant 2 : i32
      %add3A_697 = arith.addi %mul3A_695, %add3A_696 : i32
      %broadcast_in_dim3A_698 = vector.broadcast %add3A_697 : i32 to vector<16xi32>
      %gather3A_699 = tpu.vector_load_idx %arg19[%broadcast_in_dim3A_698, %iota3A] : memref<640x16xf32, #tpu.memory_space<vmem>>[vector<16xi32>, vector<16xi32>], vector<16xf32>,
      %gather3A_700 = tpu.vector_load_idx %arg18[%broadcast_in_dim3A_698, %iota3A] : memref<640x16xf32, #tpu.memory_space<vmem>>[vector<16xi32>, vector<16xi32>], vector<16xf32>,
      %mul3A_701 = vector.broadcast %select_n3A : f32 to vector<16xf32>
      %mul3A_702 = arith.mulf %mul3A_701, %gather3A_700 : vector<16xf32>
      %sub3A_703 = arith.subf %gather3A_699, %mul3A_702 : vector<16xf32>
      %slice3A_704 = vector.extract_strided_slice %get3A_653 {offsets = [2], sizes = [1], strides = [1]} : vector<16xf32> to vector<1xf32>
      %squeeze3A_705 = vector.extract %slice3A_704[0] : f32 from vector<1xf32>
      %mul3A_706 = vector.broadcast %squeeze3A_705 : f32 to vector<16xf32>
      %mul3A_707 = arith.mulf %sub3A_703, %mul3A_706 : vector<16xf32>
      %slice3A_708 = vector.extract_strided_slice %get3A_657 {offsets = [2], sizes = [1], strides = [1]} : vector<16xi32> to vector<1xi32>
      %squeeze3A_709 = vector.extract %slice3A_708[0] : i32 from vector<1xi32>
      %mul3A_710 = arith.constant 16 : i32
      %mul3A_711 = arith.muli %squeeze3A_709, %mul3A_710 : i32
      %add3A_712 = vector.broadcast %mul3A_711 : i32 to vector<16xi32>
      %add3A_713 = arith.addi %add3A_712, %iota3A : vector<16xi32>
      tpu.vector_store_idx %arg23[%add3A_713], %mul3A_707 {add = true} : memref<272xf32, #tpu.memory_space<vmem>>[vector<16xi32>], vector<16xf32>,
      %mul3A_714 = arith.constant 16 : i32
      %mul3A_715 = arith.muli %scan3A_649, %mul3A_714 : i32
      %add3A_716 = arith.constant 3 : i32
      %add3A_717 = arith.addi %mul3A_715, %add3A_716 : i32
      %broadcast_in_dim3A_718 = vector.broadcast %add3A_717 : i32 to vector<16xi32>
      %gather3A_719 = tpu.vector_load_idx %arg19[%broadcast_in_dim3A_718, %iota3A] : memref<640x16xf32, #tpu.memory_space<vmem>>[vector<16xi32>, vector<16xi32>], vector<16xf32>,
      %gather3A_720 = tpu.vector_load_idx %arg18[%broadcast_in_dim3A_718, %iota3A] : memref<640x16xf32, #tpu.memory_space<vmem>>[vector<16xi32>, vector<16xi32>], vector<16xf32>,
      %mul3A_721 = vector.broadcast %select_n3A : f32 to vector<16xf32>
      %mul3A_722 = arith.mulf %mul3A_721, %gather3A_720 : vector<16xf32>
      %sub3A_723 = arith.subf %gather3A_719, %mul3A_722 : vector<16xf32>
      %slice3A_724 = vector.extract_strided_slice %get3A_653 {offsets = [3], sizes = [1], strides = [1]} : vector<16xf32> to vector<1xf32>
      %squeeze3A_725 = vector.extract %slice3A_724[0] : f32 from vector<1xf32>
      %mul3A_726 = vector.broadcast %squeeze3A_725 : f32 to vector<16xf32>
      %mul3A_727 = arith.mulf %sub3A_723, %mul3A_726 : vector<16xf32>
      %slice3A_728 = vector.extract_strided_slice %get3A_657 {offsets = [3], sizes = [1], strides = [1]} : vector<16xi32> to vector<1xi32>
      %squeeze3A_729 = vector.extract %slice3A_728[0] : i32 from vector<1xi32>
      %mul3A_730 = arith.constant 16 : i32
      %mul3A_731 = arith.muli %squeeze3A_729, %mul3A_730 : i32
      %add3A_732 = vector.broadcast %mul3A_731 : i32 to vector<16xi32>
      %add3A_733 = arith.addi %add3A_732, %iota3A : vector<16xi32>
      tpu.vector_store_idx %arg23[%add3A_733], %mul3A_727 {add = true} : memref<272xf32, #tpu.memory_space<vmem>>[vector<16xi32>], vector<16xf32>,
      %mul3A_734 = arith.constant 16 : i32
      %mul3A_735 = arith.muli %scan3A_649, %mul3A_734 : i32
      %add3A_736 = arith.constant 4 : i32
      %add3A_737 = arith.addi %mul3A_735, %add3A_736 : i32
      %broadcast_in_dim3A_738 = vector.broadcast %add3A_737 : i32 to vector<16xi32>
      %gather3A_739 = tpu.vector_load_idx %arg19[%broadcast_in_dim3A_738, %iota3A] : memref<640x16xf32, #tpu.memory_space<vmem>>[vector<16xi32>, vector<16xi32>], vector<16xf32>,
      %gather3A_740 = tpu.vector_load_idx %arg18[%broadcast_in_dim3A_738, %iota3A] : memref<640x16xf32, #tpu.memory_space<vmem>>[vector<16xi32>, vector<16xi32>], vector<16xf32>,
      %mul3A_741 = vector.broadcast %select_n3A : f32 to vector<16xf32>
      %mul3A_742 = arith.mulf %mul3A_741, %gather3A_740 : vector<16xf32>
      %sub3A_743 = arith.subf %gather3A_739, %mul3A_742 : vector<16xf32>
      %slice3A_744 = vector.extract_strided_slice %get3A_653 {offsets = [4], sizes = [1], strides = [1]} : vector<16xf32> to vector<1xf32>
      %squeeze3A_745 = vector.extract %slice3A_744[0] : f32 from vector<1xf32>
      %mul3A_746 = vector.broadcast %squeeze3A_745 : f32 to vector<16xf32>
      %mul3A_747 = arith.mulf %sub3A_743, %mul3A_746 : vector<16xf32>
      %slice3A_748 = vector.extract_strided_slice %get3A_657 {offsets = [4], sizes = [1], strides = [1]} : vector<16xi32> to vector<1xi32>
      %squeeze3A_749 = vector.extract %slice3A_748[0] : i32 from vector<1xi32>
      %mul3A_750 = arith.constant 16 : i32
      %mul3A_751 = arith.muli %squeeze3A_749, %mul3A_750 : i32
      %add3A_752 = vector.broadcast %mul3A_751 : i32 to vector<16xi32>
      %add3A_753 = arith.addi %add3A_752, %iota3A : vector<16xi32>
      tpu.vector_store_idx %arg23[%add3A_753], %mul3A_747 {add = true} : memref<272xf32, #tpu.memory_space<vmem>>[vector<16xi32>], vector<16xf32>,
      %mul3A_754 = arith.constant 16 : i32
      %mul3A_755 = arith.muli %scan3A_649, %mul3A_754 : i32
      %add3A_756 = arith.constant 5 : i32
      %add3A_757 = arith.addi %mul3A_755, %add3A_756 : i32
      %broadcast_in_dim3A_758 = vector.broadcast %add3A_757 : i32 to vector<16xi32>
      %gather3A_759 = tpu.vector_load_idx %arg19[%broadcast_in_dim3A_758, %iota3A] : memref<640x16xf32, #tpu.memory_space<vmem>>[vector<16xi32>, vector<16xi32>], vector<16xf32>,
      %gather3A_760 = tpu.vector_load_idx %arg18[%broadcast_in_dim3A_758, %iota3A] : memref<640x16xf32, #tpu.memory_space<vmem>>[vector<16xi32>, vector<16xi32>], vector<16xf32>,
      %mul3A_761 = vector.broadcast %select_n3A : f32 to vector<16xf32>
      %mul3A_762 = arith.mulf %mul3A_761, %gather3A_760 : vector<16xf32>
      %sub3A_763 = arith.subf %gather3A_759, %mul3A_762 : vector<16xf32>
      %slice3A_764 = vector.extract_strided_slice %get3A_653 {offsets = [5], sizes = [1], strides = [1]} : vector<16xf32> to vector<1xf32>
      %squeeze3A_765 = vector.extract %slice3A_764[0] : f32 from vector<1xf32>
      %mul3A_766 = vector.broadcast %squeeze3A_765 : f32 to vector<16xf32>
      %mul3A_767 = arith.mulf %sub3A_763, %mul3A_766 : vector<16xf32>
      %slice3A_768 = vector.extract_strided_slice %get3A_657 {offsets = [5], sizes = [1], strides = [1]} : vector<16xi32> to vector<1xi32>
      %squeeze3A_769 = vector.extract %slice3A_768[0] : i32 from vector<1xi32>
      %mul3A_770 = arith.constant 16 : i32
      %mul3A_771 = arith.muli %squeeze3A_769, %mul3A_770 : i32
      %add3A_772 = vector.broadcast %mul3A_771 : i32 to vector<16xi32>
      %add3A_773 = arith.addi %add3A_772, %iota3A : vector<16xi32>
      tpu.vector_store_idx %arg23[%add3A_773], %mul3A_767 {add = true} : memref<272xf32, #tpu.memory_space<vmem>>[vector<16xi32>], vector<16xf32>,
      %mul3A_774 = arith.constant 16 : i32
      %mul3A_775 = arith.muli %scan3A_649, %mul3A_774 : i32
      %add3A_776 = arith.constant 6 : i32
      %add3A_777 = arith.addi %mul3A_775, %add3A_776 : i32
      %broadcast_in_dim3A_778 = vector.broadcast %add3A_777 : i32 to vector<16xi32>
      %gather3A_779 = tpu.vector_load_idx %arg19[%broadcast_in_dim3A_778, %iota3A] : memref<640x16xf32, #tpu.memory_space<vmem>>[vector<16xi32>, vector<16xi32>], vector<16xf32>,
      %gather3A_780 = tpu.vector_load_idx %arg18[%broadcast_in_dim3A_778, %iota3A] : memref<640x16xf32, #tpu.memory_space<vmem>>[vector<16xi32>, vector<16xi32>], vector<16xf32>,
      %mul3A_781 = vector.broadcast %select_n3A : f32 to vector<16xf32>
      %mul3A_782 = arith.mulf %mul3A_781, %gather3A_780 : vector<16xf32>
      %sub3A_783 = arith.subf %gather3A_779, %mul3A_782 : vector<16xf32>
      %slice3A_784 = vector.extract_strided_slice %get3A_653 {offsets = [6], sizes = [1], strides = [1]} : vector<16xf32> to vector<1xf32>
      %squeeze3A_785 = vector.extract %slice3A_784[0] : f32 from vector<1xf32>
      %mul3A_786 = vector.broadcast %squeeze3A_785 : f32 to vector<16xf32>
      %mul3A_787 = arith.mulf %sub3A_783, %mul3A_786 : vector<16xf32>
      %slice3A_788 = vector.extract_strided_slice %get3A_657 {offsets = [6], sizes = [1], strides = [1]} : vector<16xi32> to vector<1xi32>
      %squeeze3A_789 = vector.extract %slice3A_788[0] : i32 from vector<1xi32>
      %mul3A_790 = arith.constant 16 : i32
      %mul3A_791 = arith.muli %squeeze3A_789, %mul3A_790 : i32
      %add3A_792 = vector.broadcast %mul3A_791 : i32 to vector<16xi32>
      %add3A_793 = arith.addi %add3A_792, %iota3A : vector<16xi32>
      tpu.vector_store_idx %arg23[%add3A_793], %mul3A_787 {add = true} : memref<272xf32, #tpu.memory_space<vmem>>[vector<16xi32>], vector<16xf32>,
      %mul3A_794 = arith.constant 16 : i32
      %mul3A_795 = arith.muli %scan3A_649, %mul3A_794 : i32
      %add3A_796 = arith.constant 7 : i32
      %add3A_797 = arith.addi %mul3A_795, %add3A_796 : i32
      %broadcast_in_dim3A_798 = vector.broadcast %add3A_797 : i32 to vector<16xi32>
      %gather3A_799 = tpu.vector_load_idx %arg19[%broadcast_in_dim3A_798, %iota3A] : memref<640x16xf32, #tpu.memory_space<vmem>>[vector<16xi32>, vector<16xi32>], vector<16xf32>,
      %gather3A_800 = tpu.vector_load_idx %arg18[%broadcast_in_dim3A_798, %iota3A] : memref<640x16xf32, #tpu.memory_space<vmem>>[vector<16xi32>, vector<16xi32>], vector<16xf32>,
      %mul3A_801 = vector.broadcast %select_n3A : f32 to vector<16xf32>
      %mul3A_802 = arith.mulf %mul3A_801, %gather3A_800 : vector<16xf32>
      %sub3A_803 = arith.subf %gather3A_799, %mul3A_802 : vector<16xf32>
      %slice3A_804 = vector.extract_strided_slice %get3A_653 {offsets = [7], sizes = [1], strides = [1]} : vector<16xf32> to vector<1xf32>
      %squeeze3A_805 = vector.extract %slice3A_804[0] : f32 from vector<1xf32>
      %mul3A_806 = vector.broadcast %squeeze3A_805 : f32 to vector<16xf32>
      %mul3A_807 = arith.mulf %sub3A_803, %mul3A_806 : vector<16xf32>
      %slice3A_808 = vector.extract_strided_slice %get3A_657 {offsets = [7], sizes = [1], strides = [1]} : vector<16xi32> to vector<1xi32>
      %squeeze3A_809 = vector.extract %slice3A_808[0] : i32 from vector<1xi32>
      %mul3A_810 = arith.constant 16 : i32
      %mul3A_811 = arith.muli %squeeze3A_809, %mul3A_810 : i32
      %add3A_812 = vector.broadcast %mul3A_811 : i32 to vector<16xi32>
      %add3A_813 = arith.addi %add3A_812, %iota3A : vector<16xi32>
      tpu.vector_store_idx %arg23[%add3A_813], %mul3A_807 {add = true} : memref<272xf32, #tpu.memory_space<vmem>>[vector<16xi32>], vector<16xf32>,
      %mul3A_814 = arith.constant 16 : i32
      %mul3A_815 = arith.muli %scan3A_649, %mul3A_814 : i32
      %add3A_816 = arith.constant 8 : i32
      %add3A_817 = arith.addi %mul3A_815, %add3A_816 : i32
      %broadcast_in_dim3A_818 = vector.broadcast %add3A_817 : i32 to vector<16xi32>
      %gather3A_819 = tpu.vector_load_idx %arg19[%broadcast_in_dim3A_818, %iota3A] : memref<640x16xf32, #tpu.memory_space<vmem>>[vector<16xi32>, vector<16xi32>], vector<16xf32>,
      %gather3A_820 = tpu.vector_load_idx %arg18[%broadcast_in_dim3A_818, %iota3A] : memref<640x16xf32, #tpu.memory_space<vmem>>[vector<16xi32>, vector<16xi32>], vector<16xf32>,
      %mul3A_821 = vector.broadcast %select_n3A : f32 to vector<16xf32>
      %mul3A_822 = arith.mulf %mul3A_821, %gather3A_820 : vector<16xf32>
      %sub3A_823 = arith.subf %gather3A_819, %mul3A_822 : vector<16xf32>
      %slice3A_824 = vector.extract_strided_slice %get3A_653 {offsets = [8], sizes = [1], strides = [1]} : vector<16xf32> to vector<1xf32>
      %squeeze3A_825 = vector.extract %slice3A_824[0] : f32 from vector<1xf32>
      %mul3A_826 = vector.broadcast %squeeze3A_825 : f32 to vector<16xf32>
      %mul3A_827 = arith.mulf %sub3A_823, %mul3A_826 : vector<16xf32>
      %slice3A_828 = vector.extract_strided_slice %get3A_657 {offsets = [8], sizes = [1], strides = [1]} : vector<16xi32> to vector<1xi32>
      %squeeze3A_829 = vector.extract %slice3A_828[0] : i32 from vector<1xi32>
      %mul3A_830 = arith.constant 16 : i32
      %mul3A_831 = arith.muli %squeeze3A_829, %mul3A_830 : i32
      %add3A_832 = vector.broadcast %mul3A_831 : i32 to vector<16xi32>
      %add3A_833 = arith.addi %add3A_832, %iota3A : vector<16xi32>
      tpu.vector_store_idx %arg23[%add3A_833], %mul3A_827 {add = true} : memref<272xf32, #tpu.memory_space<vmem>>[vector<16xi32>], vector<16xf32>,
      %mul3A_834 = arith.constant 16 : i32
      %mul3A_835 = arith.muli %scan3A_649, %mul3A_834 : i32
      %add3A_836 = arith.constant 9 : i32
      %add3A_837 = arith.addi %mul3A_835, %add3A_836 : i32
      %broadcast_in_dim3A_838 = vector.broadcast %add3A_837 : i32 to vector<16xi32>
      %gather3A_839 = tpu.vector_load_idx %arg19[%broadcast_in_dim3A_838, %iota3A] : memref<640x16xf32, #tpu.memory_space<vmem>>[vector<16xi32>, vector<16xi32>], vector<16xf32>,
      %gather3A_840 = tpu.vector_load_idx %arg18[%broadcast_in_dim3A_838, %iota3A] : memref<640x16xf32, #tpu.memory_space<vmem>>[vector<16xi32>, vector<16xi32>], vector<16xf32>,
      %mul3A_841 = vector.broadcast %select_n3A : f32 to vector<16xf32>
      %mul3A_842 = arith.mulf %mul3A_841, %gather3A_840 : vector<16xf32>
      %sub3A_843 = arith.subf %gather3A_839, %mul3A_842 : vector<16xf32>
      %slice3A_844 = vector.extract_strided_slice %get3A_653 {offsets = [9], sizes = [1], strides = [1]} : vector<16xf32> to vector<1xf32>
      %squeeze3A_845 = vector.extract %slice3A_844[0] : f32 from vector<1xf32>
      %mul3A_846 = vector.broadcast %squeeze3A_845 : f32 to vector<16xf32>
      %mul3A_847 = arith.mulf %sub3A_843, %mul3A_846 : vector<16xf32>
      %slice3A_848 = vector.extract_strided_slice %get3A_657 {offsets = [9], sizes = [1], strides = [1]} : vector<16xi32> to vector<1xi32>
      %squeeze3A_849 = vector.extract %slice3A_848[0] : i32 from vector<1xi32>
      %mul3A_850 = arith.constant 16 : i32
      %mul3A_851 = arith.muli %squeeze3A_849, %mul3A_850 : i32
      %add3A_852 = vector.broadcast %mul3A_851 : i32 to vector<16xi32>
      %add3A_853 = arith.addi %add3A_852, %iota3A : vector<16xi32>
      tpu.vector_store_idx %arg23[%add3A_853], %mul3A_847 {add = true} : memref<272xf32, #tpu.memory_space<vmem>>[vector<16xi32>], vector<16xf32>,
      %mul3A_854 = arith.constant 16 : i32
      %mul3A_855 = arith.muli %scan3A_649, %mul3A_854 : i32
      %add3A_856 = arith.constant 10 : i32
      %add3A_857 = arith.addi %mul3A_855, %add3A_856 : i32
      %broadcast_in_dim3A_858 = vector.broadcast %add3A_857 : i32 to vector<16xi32>
      %gather3A_859 = tpu.vector_load_idx %arg19[%broadcast_in_dim3A_858, %iota3A] : memref<640x16xf32, #tpu.memory_space<vmem>>[vector<16xi32>, vector<16xi32>], vector<16xf32>,
      %gather3A_860 = tpu.vector_load_idx %arg18[%broadcast_in_dim3A_858, %iota3A] : memref<640x16xf32, #tpu.memory_space<vmem>>[vector<16xi32>, vector<16xi32>], vector<16xf32>,
      %mul3A_861 = vector.broadcast %select_n3A : f32 to vector<16xf32>
      %mul3A_862 = arith.mulf %mul3A_861, %gather3A_860 : vector<16xf32>
      %sub3A_863 = arith.subf %gather3A_859, %mul3A_862 : vector<16xf32>
      %slice3A_864 = vector.extract_strided_slice %get3A_653 {offsets = [10], sizes = [1], strides = [1]} : vector<16xf32> to vector<1xf32>
      %squeeze3A_865 = vector.extract %slice3A_864[0] : f32 from vector<1xf32>
      %mul3A_866 = vector.broadcast %squeeze3A_865 : f32 to vector<16xf32>
      %mul3A_867 = arith.mulf %sub3A_863, %mul3A_866 : vector<16xf32>
      %slice3A_868 = vector.extract_strided_slice %get3A_657 {offsets = [10], sizes = [1], strides = [1]} : vector<16xi32> to vector<1xi32>
      %squeeze3A_869 = vector.extract %slice3A_868[0] : i32 from vector<1xi32>
      %mul3A_870 = arith.constant 16 : i32
      %mul3A_871 = arith.muli %squeeze3A_869, %mul3A_870 : i32
      %add3A_872 = vector.broadcast %mul3A_871 : i32 to vector<16xi32>
      %add3A_873 = arith.addi %add3A_872, %iota3A : vector<16xi32>
      tpu.vector_store_idx %arg23[%add3A_873], %mul3A_867 {add = true} : memref<272xf32, #tpu.memory_space<vmem>>[vector<16xi32>], vector<16xf32>,
      %mul3A_874 = arith.constant 16 : i32
      %mul3A_875 = arith.muli %scan3A_649, %mul3A_874 : i32
      %add3A_876 = arith.constant 11 : i32
      %add3A_877 = arith.addi %mul3A_875, %add3A_876 : i32
      %broadcast_in_dim3A_878 = vector.broadcast %add3A_877 : i32 to vector<16xi32>
      %gather3A_879 = tpu.vector_load_idx %arg19[%broadcast_in_dim3A_878, %iota3A] : memref<640x16xf32, #tpu.memory_space<vmem>>[vector<16xi32>, vector<16xi32>], vector<16xf32>,
      %gather3A_880 = tpu.vector_load_idx %arg18[%broadcast_in_dim3A_878, %iota3A] : memref<640x16xf32, #tpu.memory_space<vmem>>[vector<16xi32>, vector<16xi32>], vector<16xf32>,
      %mul3A_881 = vector.broadcast %select_n3A : f32 to vector<16xf32>
      %mul3A_882 = arith.mulf %mul3A_881, %gather3A_880 : vector<16xf32>
      %sub3A_883 = arith.subf %gather3A_879, %mul3A_882 : vector<16xf32>
      %slice3A_884 = vector.extract_strided_slice %get3A_653 {offsets = [11], sizes = [1], strides = [1]} : vector<16xf32> to vector<1xf32>
      %squeeze3A_885 = vector.extract %slice3A_884[0] : f32 from vector<1xf32>
      %mul3A_886 = vector.broadcast %squeeze3A_885 : f32 to vector<16xf32>
      %mul3A_887 = arith.mulf %sub3A_883, %mul3A_886 : vector<16xf32>
      %slice3A_888 = vector.extract_strided_slice %get3A_657 {offsets = [11], sizes = [1], strides = [1]} : vector<16xi32> to vector<1xi32>
      %squeeze3A_889 = vector.extract %slice3A_888[0] : i32 from vector<1xi32>
      %mul3A_890 = arith.constant 16 : i32
      %mul3A_891 = arith.muli %squeeze3A_889, %mul3A_890 : i32
      %add3A_892 = vector.broadcast %mul3A_891 : i32 to vector<16xi32>
      %add3A_893 = arith.addi %add3A_892, %iota3A : vector<16xi32>
      tpu.vector_store_idx %arg23[%add3A_893], %mul3A_887 {add = true} : memref<272xf32, #tpu.memory_space<vmem>>[vector<16xi32>], vector<16xf32>,
      %mul3A_894 = arith.constant 16 : i32
      %mul3A_895 = arith.muli %scan3A_649, %mul3A_894 : i32
      %add3A_896 = arith.constant 12 : i32
      %add3A_897 = arith.addi %mul3A_895, %add3A_896 : i32
      %broadcast_in_dim3A_898 = vector.broadcast %add3A_897 : i32 to vector<16xi32>
      %gather3A_899 = tpu.vector_load_idx %arg19[%broadcast_in_dim3A_898, %iota3A] : memref<640x16xf32, #tpu.memory_space<vmem>>[vector<16xi32>, vector<16xi32>], vector<16xf32>,
      %gather3A_900 = tpu.vector_load_idx %arg18[%broadcast_in_dim3A_898, %iota3A] : memref<640x16xf32, #tpu.memory_space<vmem>>[vector<16xi32>, vector<16xi32>], vector<16xf32>,
      %mul3A_901 = vector.broadcast %select_n3A : f32 to vector<16xf32>
      %mul3A_902 = arith.mulf %mul3A_901, %gather3A_900 : vector<16xf32>
      %sub3A_903 = arith.subf %gather3A_899, %mul3A_902 : vector<16xf32>
      %slice3A_904 = vector.extract_strided_slice %get3A_653 {offsets = [12], sizes = [1], strides = [1]} : vector<16xf32> to vector<1xf32>
      %squeeze3A_905 = vector.extract %slice3A_904[0] : f32 from vector<1xf32>
      %mul3A_906 = vector.broadcast %squeeze3A_905 : f32 to vector<16xf32>
      %mul3A_907 = arith.mulf %sub3A_903, %mul3A_906 : vector<16xf32>
      %slice3A_908 = vector.extract_strided_slice %get3A_657 {offsets = [12], sizes = [1], strides = [1]} : vector<16xi32> to vector<1xi32>
      %squeeze3A_909 = vector.extract %slice3A_908[0] : i32 from vector<1xi32>
      %mul3A_910 = arith.constant 16 : i32
      %mul3A_911 = arith.muli %squeeze3A_909, %mul3A_910 : i32
      %add3A_912 = vector.broadcast %mul3A_911 : i32 to vector<16xi32>
      %add3A_913 = arith.addi %add3A_912, %iota3A : vector<16xi32>
      tpu.vector_store_idx %arg23[%add3A_913], %mul3A_907 {add = true} : memref<272xf32, #tpu.memory_space<vmem>>[vector<16xi32>], vector<16xf32>,
      %mul3A_914 = arith.constant 16 : i32
      %mul3A_915 = arith.muli %scan3A_649, %mul3A_914 : i32
      %add3A_916 = arith.constant 13 : i32
      %add3A_917 = arith.addi %mul3A_915, %add3A_916 : i32
      %broadcast_in_dim3A_918 = vector.broadcast %add3A_917 : i32 to vector<16xi32>
      %gather3A_919 = tpu.vector_load_idx %arg19[%broadcast_in_dim3A_918, %iota3A] : memref<640x16xf32, #tpu.memory_space<vmem>>[vector<16xi32>, vector<16xi32>], vector<16xf32>,
      %gather3A_920 = tpu.vector_load_idx %arg18[%broadcast_in_dim3A_918, %iota3A] : memref<640x16xf32, #tpu.memory_space<vmem>>[vector<16xi32>, vector<16xi32>], vector<16xf32>,
      %mul3A_921 = vector.broadcast %select_n3A : f32 to vector<16xf32>
      %mul3A_922 = arith.mulf %mul3A_921, %gather3A_920 : vector<16xf32>
      %sub3A_923 = arith.subf %gather3A_919, %mul3A_922 : vector<16xf32>
      %slice3A_924 = vector.extract_strided_slice %get3A_653 {offsets = [13], sizes = [1], strides = [1]} : vector<16xf32> to vector<1xf32>
      %squeeze3A_925 = vector.extract %slice3A_924[0] : f32 from vector<1xf32>
      %mul3A_926 = vector.broadcast %squeeze3A_925 : f32 to vector<16xf32>
      %mul3A_927 = arith.mulf %sub3A_923, %mul3A_926 : vector<16xf32>
      %slice3A_928 = vector.extract_strided_slice %get3A_657 {offsets = [13], sizes = [1], strides = [1]} : vector<16xi32> to vector<1xi32>
      %squeeze3A_929 = vector.extract %slice3A_928[0] : i32 from vector<1xi32>
      %mul3A_930 = arith.constant 16 : i32
      %mul3A_931 = arith.muli %squeeze3A_929, %mul3A_930 : i32
      %add3A_932 = vector.broadcast %mul3A_931 : i32 to vector<16xi32>
      %add3A_933 = arith.addi %add3A_932, %iota3A : vector<16xi32>
      tpu.vector_store_idx %arg23[%add3A_933], %mul3A_927 {add = true} : memref<272xf32, #tpu.memory_space<vmem>>[vector<16xi32>], vector<16xf32>,
      %mul3A_934 = arith.constant 16 : i32
      %mul3A_935 = arith.muli %scan3A_649, %mul3A_934 : i32
      %add3A_936 = arith.constant 14 : i32
      %add3A_937 = arith.addi %mul3A_935, %add3A_936 : i32
      %broadcast_in_dim3A_938 = vector.broadcast %add3A_937 : i32 to vector<16xi32>
      %gather3A_939 = tpu.vector_load_idx %arg19[%broadcast_in_dim3A_938, %iota3A] : memref<640x16xf32, #tpu.memory_space<vmem>>[vector<16xi32>, vector<16xi32>], vector<16xf32>,
      %gather3A_940 = tpu.vector_load_idx %arg18[%broadcast_in_dim3A_938, %iota3A] : memref<640x16xf32, #tpu.memory_space<vmem>>[vector<16xi32>, vector<16xi32>], vector<16xf32>,
      %mul3A_941 = vector.broadcast %select_n3A : f32 to vector<16xf32>
      %mul3A_942 = arith.mulf %mul3A_941, %gather3A_940 : vector<16xf32>
      %sub3A_943 = arith.subf %gather3A_939, %mul3A_942 : vector<16xf32>
      %slice3A_944 = vector.extract_strided_slice %get3A_653 {offsets = [14], sizes = [1], strides = [1]} : vector<16xf32> to vector<1xf32>
      %squeeze3A_945 = vector.extract %slice3A_944[0] : f32 from vector<1xf32>
      %mul3A_946 = vector.broadcast %squeeze3A_945 : f32 to vector<16xf32>
      %mul3A_947 = arith.mulf %sub3A_943, %mul3A_946 : vector<16xf32>
      %slice3A_948 = vector.extract_strided_slice %get3A_657 {offsets = [14], sizes = [1], strides = [1]} : vector<16xi32> to vector<1xi32>
      %squeeze3A_949 = vector.extract %slice3A_948[0] : i32 from vector<1xi32>
      %mul3A_950 = arith.constant 16 : i32
      %mul3A_951 = arith.muli %squeeze3A_949, %mul3A_950 : i32
      %add3A_952 = vector.broadcast %mul3A_951 : i32 to vector<16xi32>
      %add3A_953 = arith.addi %add3A_952, %iota3A : vector<16xi32>
      tpu.vector_store_idx %arg23[%add3A_953], %mul3A_947 {add = true} : memref<272xf32, #tpu.memory_space<vmem>>[vector<16xi32>], vector<16xf32>,
      %mul3A_954 = arith.constant 16 : i32
      %mul3A_955 = arith.muli %scan3A_649, %mul3A_954 : i32
      %add3A_956 = arith.constant 15 : i32
      %add3A_957 = arith.addi %mul3A_955, %add3A_956 : i32
      %broadcast_in_dim3A_958 = vector.broadcast %add3A_957 : i32 to vector<16xi32>
      %gather3A_959 = tpu.vector_load_idx %arg19[%broadcast_in_dim3A_958, %iota3A] : memref<640x16xf32, #tpu.memory_space<vmem>>[vector<16xi32>, vector<16xi32>], vector<16xf32>,
      %gather3A_960 = tpu.vector_load_idx %arg18[%broadcast_in_dim3A_958, %iota3A] : memref<640x16xf32, #tpu.memory_space<vmem>>[vector<16xi32>, vector<16xi32>], vector<16xf32>,
      %mul3A_961 = vector.broadcast %select_n3A : f32 to vector<16xf32>
      %mul3A_962 = arith.mulf %mul3A_961, %gather3A_960 : vector<16xf32>
      %sub3A_963 = arith.subf %gather3A_959, %mul3A_962 : vector<16xf32>
      %slice3A_964 = vector.extract_strided_slice %get3A_653 {offsets = [15], sizes = [1], strides = [1]} : vector<16xf32> to vector<1xf32>
      %squeeze3A_965 = vector.extract %slice3A_964[0] : f32 from vector<1xf32>
      %mul3A_966 = vector.broadcast %squeeze3A_965 : f32 to vector<16xf32>
      %mul3A_967 = arith.mulf %sub3A_963, %mul3A_966 : vector<16xf32>
      %slice3A_968 = vector.extract_strided_slice %get3A_657 {offsets = [15], sizes = [1], strides = [1]} : vector<16xi32> to vector<1xi32>
      %squeeze3A_969 = vector.extract %slice3A_968[0] : i32 from vector<1xi32>
      %mul3A_970 = arith.constant 16 : i32
      %mul3A_971 = arith.muli %squeeze3A_969, %mul3A_970 : i32
      %add3A_972 = vector.broadcast %mul3A_971 : i32 to vector<16xi32>
      %add3A_973 = arith.addi %add3A_972, %iota3A : vector<16xi32>
      tpu.vector_store_idx %arg23[%add3A_973], %mul3A_967 {add = true} : memref<272xf32, #tpu.memory_space<vmem>>[vector<16xi32>], vector<16xf32>,
    }
    %scan3A_648 = arith.constant 40 : i32
    "tpu.region"() ({
      %run_scoped3A_649 = tpu.sem_alloc : memref<!tpu.dma_semaphore, #tpu.memory_space<semaphore_mem>>
      %dma_start3A_650 = arith.constant 0 : i32
      %dma_start3A_651 = tpu.memref_slice %arg8[%arg0, %arg1, %dma_start3A_650] : memref<2x16x272xf32, #tpu.memory_space<hbm>> -> memref<1x1x272xf32, #tpu.memory_space<hbm>>
      %dma_start3A_652 = tpu.memref_squeeze %dma_start3A_651 : memref<1x1x272xf32, #tpu.memory_space<hbm>> -> memref<272xf32, #tpu.memory_space<hbm>>
      %dma_start3A_653 = arith.constant 0 : i32
      %dma_start3A_654 = tpu.memref_slice %arg8[%arg0, %arg1, %dma_start3A_653] : memref<2x16x272xf32, #tpu.memory_space<hbm>> -> memref<1x1x272xf32, #tpu.memory_space<hbm>>
      %dma_start3A_655 = tpu.memref_squeeze %dma_start3A_654 : memref<1x1x272xf32, #tpu.memory_space<hbm>> -> memref<272xf32, #tpu.memory_space<hbm>>
      tpu.enqueue_dma source(%arg23 : memref<272xf32, #tpu.memory_space<vmem>>) target(%dma_start3A_655 : memref<272xf32, #tpu.memory_space<hbm>>) target_semaphore(%run_scoped3A_649 : memref<!tpu.dma_semaphore, #tpu.memory_space<semaphore_mem>>)
      %dma_wait3A_656 = arith.constant 0 : i32
      %dma_wait3A_657 = tpu.memref_slice %arg8[%arg0, %arg1, %dma_wait3A_656] : memref<2x16x272xf32, #tpu.memory_space<hbm>> -> memref<1x1x272xf32, #tpu.memory_space<hbm>>
      %dma_wait3A_658 = tpu.memref_squeeze %dma_wait3A_657 : memref<1x1x272xf32, #tpu.memory_space<hbm>> -> memref<272xf32, #tpu.memory_space<hbm>>
      %dma_wait3A_659 = arith.constant 0 : i32
      %dma_wait3A_660 = tpu.memref_slice %arg8[%arg0, %arg1, %dma_wait3A_659] : memref<2x16x272xf32, #tpu.memory_space<hbm>> -> memref<1x1x272xf32, #tpu.memory_space<hbm>>
      %dma_wait3A_661 = tpu.memref_squeeze %dma_wait3A_660 : memref<1x1x272xf32, #tpu.memory_space<hbm>> -> memref<272xf32, #tpu.memory_space<hbm>>
      tpu.wait_dma2 semaphore(%run_scoped3A_649 : memref<!tpu.dma_semaphore, #tpu.memory_space<semaphore_mem>>) src(%arg23 : memref<272xf32, #tpu.memory_space<vmem>>) dst(%dma_wait3A_661 : memref<272xf32, #tpu.memory_space<hbm>>)
      tpu.yield
    }) : () -> ()
    return
  }
}

#map = affine_map<(d0, d1) -> (0, 0, 0)>
#map1 = affine_map<(d0, d1) -> (0, 0)>
module attributes {stable_mosaic.version = 14 : i64} {
  func.func @_deg_body(%arg0: i32, %arg1: i32, %arg2: memref<2x320x1024xi32, #tpu.memory_space<hbm>>, %arg3: memref<2x10240xf32, #tpu.memory_space<hbm>>, %arg4: memref<10x1024xi32, #tpu.memory_space<vmem>>, %arg5: memref<1024xf32, #tpu.memory_space<vmem>>, %arg6: memref<640xf32, #tpu.memory_space<vmem>>, %arg7: memref<10240xf32, #tpu.memory_space<vmem_shared>>, %arg8: memref<!tpu.dma_semaphore, #tpu.memory_space<semaphore_mem>>, %arg9: memref<!tpu.dma_semaphore, #tpu.memory_space<semaphore_mem>>) attributes {dimension_semantics = [#tpu.dimension_semantics<core_parallel>, #tpu.dimension_semantics<subcore_parallel>], iteration_bounds = array<i64: 2, 16>, scalar_prefetch = 0 : i64, scratch_operands = 6 : i64, tpu.core_type = #tpu.core_type<sc_vector_subcore>, window_params = [{transform_indices = #map}, {transform_indices = #map1}]} {
    %mul3A = arith.constant 2 : i32
    %mul3A_0 = arith.muli %arg1, %mul3A : i32
    %add3A = arith.addi %mul3A_0, %arg0 : i32
    %mul3A_1 = arith.constant 640 : i32
    %mul3A_2 = arith.muli %arg1, %mul3A_1 : i32
    %mul3A_3 = arith.constant 10 : i32
    %mul3A_4 = arith.muli %add3A, %mul3A_3 : i32
    %dma_start3A = arith.constant 1 : i32
    %dma_start3A_5 = arith.constant 0 : i32
    %dma_start3A_6 = tpu.memref_slice %arg2[%dma_start3A, %mul3A_4, %dma_start3A_5] : memref<2x320x1024xi32, #tpu.memory_space<hbm>> -> memref<1x10x1024xi32, #tpu.memory_space<hbm>>
    %dma_start3A_7 = tpu.memref_squeeze %dma_start3A_6 : memref<1x10x1024xi32, #tpu.memory_space<hbm>> -> memref<10x1024xi32, #tpu.memory_space<hbm>>
    %dma_start3A_8 = arith.constant 0 : i32
    %dma_start3A_9 = tpu.memref_slice %arg2[%dma_start3A, %mul3A_4, %dma_start3A_8] : memref<2x320x1024xi32, #tpu.memory_space<hbm>> -> memref<1x10x1024xi32, #tpu.memory_space<hbm>>
    %dma_start3A_10 = tpu.memref_squeeze %dma_start3A_9 : memref<1x10x1024xi32, #tpu.memory_space<hbm>> -> memref<10x1024xi32, #tpu.memory_space<hbm>>
    tpu.enqueue_dma source(%dma_start3A_10 : memref<10x1024xi32, #tpu.memory_space<hbm>>) target(%arg4 : memref<10x1024xi32, #tpu.memory_space<vmem>>) target_semaphore(%arg8 : memref<!tpu.dma_semaphore, #tpu.memory_space<semaphore_mem>>)
    %broadcast_in_dim3A = arith.constant 1.000000e+00 : f32
    %broadcast_in_dim3A_11 = vector.broadcast %broadcast_in_dim3A : f32 to vector<16xf32>
    %swap3A = arith.constant 0 : index
    %swap3A_12 = tpu.vector_load %arg5[%swap3A] {strides = array<i32>} : memref<1024xf32, #tpu.memory_space<vmem>>, vector<16xf32>,
    %swap3A_13 = vector.shape_cast %swap3A_12 : vector<16xf32> to vector<16xf32>
    %swap3A_14 = vector.shape_cast %broadcast_in_dim3A_11 : vector<16xf32> to vector<16xf32>
    tpu.vector_store %arg5[%swap3A], %swap3A_14 {strides = array<i32>} : memref<1024xf32, #tpu.memory_space<vmem>>, vector<16xf32>,
    %broadcast_in_dim3A_15 = arith.constant 1.000000e+00 : f32
    %broadcast_in_dim3A_16 = vector.broadcast %broadcast_in_dim3A_15 : f32 to vector<16xf32>
    %swap3A_17 = arith.constant 16 : index
    %swap3A_18 = tpu.vector_load %arg5[%swap3A_17] {strides = array<i32>} : memref<1024xf32, #tpu.memory_space<vmem>>, vector<16xf32>,
    %swap3A_19 = vector.shape_cast %swap3A_18 : vector<16xf32> to vector<16xf32>
    %swap3A_20 = vector.shape_cast %broadcast_in_dim3A_16 : vector<16xf32> to vector<16xf32>
    tpu.vector_store %arg5[%swap3A_17], %swap3A_20 {strides = array<i32>} : memref<1024xf32, #tpu.memory_space<vmem>>, vector<16xf32>,
    %broadcast_in_dim3A_21 = arith.constant 1.000000e+00 : f32
    %broadcast_in_dim3A_22 = vector.broadcast %broadcast_in_dim3A_21 : f32 to vector<16xf32>
    %swap3A_23 = arith.constant 32 : index
    %swap3A_24 = tpu.vector_load %arg5[%swap3A_23] {strides = array<i32>} : memref<1024xf32, #tpu.memory_space<vmem>>, vector<16xf32>,
    %swap3A_25 = vector.shape_cast %swap3A_24 : vector<16xf32> to vector<16xf32>
    %swap3A_26 = vector.shape_cast %broadcast_in_dim3A_22 : vector<16xf32> to vector<16xf32>
    tpu.vector_store %arg5[%swap3A_23], %swap3A_26 {strides = array<i32>} : memref<1024xf32, #tpu.memory_space<vmem>>, vector<16xf32>,
    %broadcast_in_dim3A_27 = arith.constant 1.000000e+00 : f32
    %broadcast_in_dim3A_28 = vector.broadcast %broadcast_in_dim3A_27 : f32 to vector<16xf32>
    %swap3A_29 = arith.constant 48 : index
    %swap3A_30 = tpu.vector_load %arg5[%swap3A_29] {strides = array<i32>} : memref<1024xf32, #tpu.memory_space<vmem>>, vector<16xf32>,
    %swap3A_31 = vector.shape_cast %swap3A_30 : vector<16xf32> to vector<16xf32>
    %swap3A_32 = vector.shape_cast %broadcast_in_dim3A_28 : vector<16xf32> to vector<16xf32>
    tpu.vector_store %arg5[%swap3A_29], %swap3A_32 {strides = array<i32>} : memref<1024xf32, #tpu.memory_space<vmem>>, vector<16xf32>,
    %broadcast_in_dim3A_33 = arith.constant 1.000000e+00 : f32
    %broadcast_in_dim3A_34 = vector.broadcast %broadcast_in_dim3A_33 : f32 to vector<16xf32>
    %swap3A_35 = arith.constant 64 : index
    %swap3A_36 = tpu.vector_load %arg5[%swap3A_35] {strides = array<i32>} : memref<1024xf32, #tpu.memory_space<vmem>>, vector<16xf32>,
    %swap3A_37 = vector.shape_cast %swap3A_36 : vector<16xf32> to vector<16xf32>
    %swap3A_38 = vector.shape_cast %broadcast_in_dim3A_34 : vector<16xf32> to vector<16xf32>
    tpu.vector_store %arg5[%swap3A_35], %swap3A_38 {strides = array<i32>} : memref<1024xf32, #tpu.memory_space<vmem>>, vector<16xf32>,
    %broadcast_in_dim3A_39 = arith.constant 1.000000e+00 : f32
    %broadcast_in_dim3A_40 = vector.broadcast %broadcast_in_dim3A_39 : f32 to vector<16xf32>
    %swap3A_41 = arith.constant 80 : index
    %swap3A_42 = tpu.vector_load %arg5[%swap3A_41] {strides = array<i32>} : memref<1024xf32, #tpu.memory_space<vmem>>, vector<16xf32>,
    %swap3A_43 = vector.shape_cast %swap3A_42 : vector<16xf32> to vector<16xf32>
    %swap3A_44 = vector.shape_cast %broadcast_in_dim3A_40 : vector<16xf32> to vector<16xf32>
    tpu.vector_store %arg5[%swap3A_41], %swap3A_44 {strides = array<i32>} : memref<1024xf32, #tpu.memory_space<vmem>>, vector<16xf32>,
    %broadcast_in_dim3A_45 = arith.constant 1.000000e+00 : f32
    %broadcast_in_dim3A_46 = vector.broadcast %broadcast_in_dim3A_45 : f32 to vector<16xf32>
    %swap3A_47 = arith.constant 96 : index
    %swap3A_48 = tpu.vector_load %arg5[%swap3A_47] {strides = array<i32>} : memref<1024xf32, #tpu.memory_space<vmem>>, vector<16xf32>,
    %swap3A_49 = vector.shape_cast %swap3A_48 : vector<16xf32> to vector<16xf32>
    %swap3A_50 = vector.shape_cast %broadcast_in_dim3A_46 : vector<16xf32> to vector<16xf32>
    tpu.vector_store %arg5[%swap3A_47], %swap3A_50 {strides = array<i32>} : memref<1024xf32, #tpu.memory_space<vmem>>, vector<16xf32>,
    %broadcast_in_dim3A_51 = arith.constant 1.000000e+00 : f32
    %broadcast_in_dim3A_52 = vector.broadcast %broadcast_in_dim3A_51 : f32 to vector<16xf32>
    %swap3A_53 = arith.constant 112 : index
    %swap3A_54 = tpu.vector_load %arg5[%swap3A_53] {strides = array<i32>} : memref<1024xf32, #tpu.memory_space<vmem>>, vector<16xf32>,
    %swap3A_55 = vector.shape_cast %swap3A_54 : vector<16xf32> to vector<16xf32>
    %swap3A_56 = vector.shape_cast %broadcast_in_dim3A_52 : vector<16xf32> to vector<16xf32>
    tpu.vector_store %arg5[%swap3A_53], %swap3A_56 {strides = array<i32>} : memref<1024xf32, #tpu.memory_space<vmem>>, vector<16xf32>,
    %broadcast_in_dim3A_57 = arith.constant 1.000000e+00 : f32
    %broadcast_in_dim3A_58 = vector.broadcast %broadcast_in_dim3A_57 : f32 to vector<16xf32>
    %swap3A_59 = arith.constant 128 : index
    %swap3A_60 = tpu.vector_load %arg5[%swap3A_59] {strides = array<i32>} : memref<1024xf32, #tpu.memory_space<vmem>>, vector<16xf32>,
    %swap3A_61 = vector.shape_cast %swap3A_60 : vector<16xf32> to vector<16xf32>
    %swap3A_62 = vector.shape_cast %broadcast_in_dim3A_58 : vector<16xf32> to vector<16xf32>
    tpu.vector_store %arg5[%swap3A_59], %swap3A_62 {strides = array<i32>} : memref<1024xf32, #tpu.memory_space<vmem>>, vector<16xf32>,
    %broadcast_in_dim3A_63 = arith.constant 1.000000e+00 : f32
    %broadcast_in_dim3A_64 = vector.broadcast %broadcast_in_dim3A_63 : f32 to vector<16xf32>
    %swap3A_65 = arith.constant 144 : index
    %swap3A_66 = tpu.vector_load %arg5[%swap3A_65] {strides = array<i32>} : memref<1024xf32, #tpu.memory_space<vmem>>, vector<16xf32>,
    %swap3A_67 = vector.shape_cast %swap3A_66 : vector<16xf32> to vector<16xf32>
    %swap3A_68 = vector.shape_cast %broadcast_in_dim3A_64 : vector<16xf32> to vector<16xf32>
    tpu.vector_store %arg5[%swap3A_65], %swap3A_68 {strides = array<i32>} : memref<1024xf32, #tpu.memory_space<vmem>>, vector<16xf32>,
    %broadcast_in_dim3A_69 = arith.constant 1.000000e+00 : f32
    %broadcast_in_dim3A_70 = vector.broadcast %broadcast_in_dim3A_69 : f32 to vector<16xf32>
    %swap3A_71 = arith.constant 160 : index
    %swap3A_72 = tpu.vector_load %arg5[%swap3A_71] {strides = array<i32>} : memref<1024xf32, #tpu.memory_space<vmem>>, vector<16xf32>,
    %swap3A_73 = vector.shape_cast %swap3A_72 : vector<16xf32> to vector<16xf32>
    %swap3A_74 = vector.shape_cast %broadcast_in_dim3A_70 : vector<16xf32> to vector<16xf32>
    tpu.vector_store %arg5[%swap3A_71], %swap3A_74 {strides = array<i32>} : memref<1024xf32, #tpu.memory_space<vmem>>, vector<16xf32>,
    %broadcast_in_dim3A_75 = arith.constant 1.000000e+00 : f32
    %broadcast_in_dim3A_76 = vector.broadcast %broadcast_in_dim3A_75 : f32 to vector<16xf32>
    %swap3A_77 = arith.constant 176 : index
    %swap3A_78 = tpu.vector_load %arg5[%swap3A_77] {strides = array<i32>} : memref<1024xf32, #tpu.memory_space<vmem>>, vector<16xf32>,
    %swap3A_79 = vector.shape_cast %swap3A_78 : vector<16xf32> to vector<16xf32>
    %swap3A_80 = vector.shape_cast %broadcast_in_dim3A_76 : vector<16xf32> to vector<16xf32>
    tpu.vector_store %arg5[%swap3A_77], %swap3A_80 {strides = array<i32>} : memref<1024xf32, #tpu.memory_space<vmem>>, vector<16xf32>,
    %broadcast_in_dim3A_81 = arith.constant 1.000000e+00 : f32
    %broadcast_in_dim3A_82 = vector.broadcast %broadcast_in_dim3A_81 : f32 to vector<16xf32>
    %swap3A_83 = arith.constant 192 : index
    %swap3A_84 = tpu.vector_load %arg5[%swap3A_83] {strides = array<i32>} : memref<1024xf32, #tpu.memory_space<vmem>>, vector<16xf32>,
    %swap3A_85 = vector.shape_cast %swap3A_84 : vector<16xf32> to vector<16xf32>
    %swap3A_86 = vector.shape_cast %broadcast_in_dim3A_82 : vector<16xf32> to vector<16xf32>
    tpu.vector_store %arg5[%swap3A_83], %swap3A_86 {strides = array<i32>} : memref<1024xf32, #tpu.memory_space<vmem>>, vector<16xf32>,
    %broadcast_in_dim3A_87 = arith.constant 1.000000e+00 : f32
    %broadcast_in_dim3A_88 = vector.broadcast %broadcast_in_dim3A_87 : f32 to vector<16xf32>
    %swap3A_89 = arith.constant 208 : index
    %swap3A_90 = tpu.vector_load %arg5[%swap3A_89] {strides = array<i32>} : memref<1024xf32, #tpu.memory_space<vmem>>, vector<16xf32>,
    %swap3A_91 = vector.shape_cast %swap3A_90 : vector<16xf32> to vector<16xf32>
    %swap3A_92 = vector.shape_cast %broadcast_in_dim3A_88 : vector<16xf32> to vector<16xf32>
    tpu.vector_store %arg5[%swap3A_89], %swap3A_92 {strides = array<i32>} : memref<1024xf32, #tpu.memory_space<vmem>>, vector<16xf32>,
    %broadcast_in_dim3A_93 = arith.constant 1.000000e+00 : f32
    %broadcast_in_dim3A_94 = vector.broadcast %broadcast_in_dim3A_93 : f32 to vector<16xf32>
    %swap3A_95 = arith.constant 224 : index
    %swap3A_96 = tpu.vector_load %arg5[%swap3A_95] {strides = array<i32>} : memref<1024xf32, #tpu.memory_space<vmem>>, vector<16xf32>,
    %swap3A_97 = vector.shape_cast %swap3A_96 : vector<16xf32> to vector<16xf32>
    %swap3A_98 = vector.shape_cast %broadcast_in_dim3A_94 : vector<16xf32> to vector<16xf32>
    tpu.vector_store %arg5[%swap3A_95], %swap3A_98 {strides = array<i32>} : memref<1024xf32, #tpu.memory_space<vmem>>, vector<16xf32>,
    %broadcast_in_dim3A_99 = arith.constant 1.000000e+00 : f32
    %broadcast_in_dim3A_100 = vector.broadcast %broadcast_in_dim3A_99 : f32 to vector<16xf32>
    %swap3A_101 = arith.constant 240 : index
    %swap3A_102 = tpu.vector_load %arg5[%swap3A_101] {strides = array<i32>} : memref<1024xf32, #tpu.memory_space<vmem>>, vector<16xf32>,
    %swap3A_103 = vector.shape_cast %swap3A_102 : vector<16xf32> to vector<16xf32>
    %swap3A_104 = vector.shape_cast %broadcast_in_dim3A_100 : vector<16xf32> to vector<16xf32>
    tpu.vector_store %arg5[%swap3A_101], %swap3A_104 {strides = array<i32>} : memref<1024xf32, #tpu.memory_space<vmem>>, vector<16xf32>,
    %broadcast_in_dim3A_105 = arith.constant 1.000000e+00 : f32
    %broadcast_in_dim3A_106 = vector.broadcast %broadcast_in_dim3A_105 : f32 to vector<16xf32>
    %swap3A_107 = arith.constant 256 : index
    %swap3A_108 = tpu.vector_load %arg5[%swap3A_107] {strides = array<i32>} : memref<1024xf32, #tpu.memory_space<vmem>>, vector<16xf32>,
    %swap3A_109 = vector.shape_cast %swap3A_108 : vector<16xf32> to vector<16xf32>
    %swap3A_110 = vector.shape_cast %broadcast_in_dim3A_106 : vector<16xf32> to vector<16xf32>
    tpu.vector_store %arg5[%swap3A_107], %swap3A_110 {strides = array<i32>} : memref<1024xf32, #tpu.memory_space<vmem>>, vector<16xf32>,
    %broadcast_in_dim3A_111 = arith.constant 1.000000e+00 : f32
    %broadcast_in_dim3A_112 = vector.broadcast %broadcast_in_dim3A_111 : f32 to vector<16xf32>
    %swap3A_113 = arith.constant 272 : index
    %swap3A_114 = tpu.vector_load %arg5[%swap3A_113] {strides = array<i32>} : memref<1024xf32, #tpu.memory_space<vmem>>, vector<16xf32>,
    %swap3A_115 = vector.shape_cast %swap3A_114 : vector<16xf32> to vector<16xf32>
    %swap3A_116 = vector.shape_cast %broadcast_in_dim3A_112 : vector<16xf32> to vector<16xf32>
    tpu.vector_store %arg5[%swap3A_113], %swap3A_116 {strides = array<i32>} : memref<1024xf32, #tpu.memory_space<vmem>>, vector<16xf32>,
    %broadcast_in_dim3A_117 = arith.constant 1.000000e+00 : f32
    %broadcast_in_dim3A_118 = vector.broadcast %broadcast_in_dim3A_117 : f32 to vector<16xf32>
    %swap3A_119 = arith.constant 288 : index
    %swap3A_120 = tpu.vector_load %arg5[%swap3A_119] {strides = array<i32>} : memref<1024xf32, #tpu.memory_space<vmem>>, vector<16xf32>,
    %swap3A_121 = vector.shape_cast %swap3A_120 : vector<16xf32> to vector<16xf32>
    %swap3A_122 = vector.shape_cast %broadcast_in_dim3A_118 : vector<16xf32> to vector<16xf32>
    tpu.vector_store %arg5[%swap3A_119], %swap3A_122 {strides = array<i32>} : memref<1024xf32, #tpu.memory_space<vmem>>, vector<16xf32>,
    %broadcast_in_dim3A_123 = arith.constant 1.000000e+00 : f32
    %broadcast_in_dim3A_124 = vector.broadcast %broadcast_in_dim3A_123 : f32 to vector<16xf32>
    %swap3A_125 = arith.constant 304 : index
    %swap3A_126 = tpu.vector_load %arg5[%swap3A_125] {strides = array<i32>} : memref<1024xf32, #tpu.memory_space<vmem>>, vector<16xf32>,
    %swap3A_127 = vector.shape_cast %swap3A_126 : vector<16xf32> to vector<16xf32>
    %swap3A_128 = vector.shape_cast %broadcast_in_dim3A_124 : vector<16xf32> to vector<16xf32>
    tpu.vector_store %arg5[%swap3A_125], %swap3A_128 {strides = array<i32>} : memref<1024xf32, #tpu.memory_space<vmem>>, vector<16xf32>,
    %broadcast_in_dim3A_129 = arith.constant 1.000000e+00 : f32
    %broadcast_in_dim3A_130 = vector.broadcast %broadcast_in_dim3A_129 : f32 to vector<16xf32>
    %swap3A_131 = arith.constant 320 : index
    %swap3A_132 = tpu.vector_load %arg5[%swap3A_131] {strides = array<i32>} : memref<1024xf32, #tpu.memory_space<vmem>>, vector<16xf32>,
    %swap3A_133 = vector.shape_cast %swap3A_132 : vector<16xf32> to vector<16xf32>
    %swap3A_134 = vector.shape_cast %broadcast_in_dim3A_130 : vector<16xf32> to vector<16xf32>
    tpu.vector_store %arg5[%swap3A_131], %swap3A_134 {strides = array<i32>} : memref<1024xf32, #tpu.memory_space<vmem>>, vector<16xf32>,
    %broadcast_in_dim3A_135 = arith.constant 1.000000e+00 : f32
    %broadcast_in_dim3A_136 = vector.broadcast %broadcast_in_dim3A_135 : f32 to vector<16xf32>
    %swap3A_137 = arith.constant 336 : index
    %swap3A_138 = tpu.vector_load %arg5[%swap3A_137] {strides = array<i32>} : memref<1024xf32, #tpu.memory_space<vmem>>, vector<16xf32>,
    %swap3A_139 = vector.shape_cast %swap3A_138 : vector<16xf32> to vector<16xf32>
    %swap3A_140 = vector.shape_cast %broadcast_in_dim3A_136 : vector<16xf32> to vector<16xf32>
    tpu.vector_store %arg5[%swap3A_137], %swap3A_140 {strides = array<i32>} : memref<1024xf32, #tpu.memory_space<vmem>>, vector<16xf32>,
    %broadcast_in_dim3A_141 = arith.constant 1.000000e+00 : f32
    %broadcast_in_dim3A_142 = vector.broadcast %broadcast_in_dim3A_141 : f32 to vector<16xf32>
    %swap3A_143 = arith.constant 352 : index
    %swap3A_144 = tpu.vector_load %arg5[%swap3A_143] {strides = array<i32>} : memref<1024xf32, #tpu.memory_space<vmem>>, vector<16xf32>,
    %swap3A_145 = vector.shape_cast %swap3A_144 : vector<16xf32> to vector<16xf32>
    %swap3A_146 = vector.shape_cast %broadcast_in_dim3A_142 : vector<16xf32> to vector<16xf32>
    tpu.vector_store %arg5[%swap3A_143], %swap3A_146 {strides = array<i32>} : memref<1024xf32, #tpu.memory_space<vmem>>, vector<16xf32>,
    %broadcast_in_dim3A_147 = arith.constant 1.000000e+00 : f32
    %broadcast_in_dim3A_148 = vector.broadcast %broadcast_in_dim3A_147 : f32 to vector<16xf32>
    %swap3A_149 = arith.constant 368 : index
    %swap3A_150 = tpu.vector_load %arg5[%swap3A_149] {strides = array<i32>} : memref<1024xf32, #tpu.memory_space<vmem>>, vector<16xf32>,
    %swap3A_151 = vector.shape_cast %swap3A_150 : vector<16xf32> to vector<16xf32>
    %swap3A_152 = vector.shape_cast %broadcast_in_dim3A_148 : vector<16xf32> to vector<16xf32>
    tpu.vector_store %arg5[%swap3A_149], %swap3A_152 {strides = array<i32>} : memref<1024xf32, #tpu.memory_space<vmem>>, vector<16xf32>,
    %broadcast_in_dim3A_153 = arith.constant 1.000000e+00 : f32
    %broadcast_in_dim3A_154 = vector.broadcast %broadcast_in_dim3A_153 : f32 to vector<16xf32>
    %swap3A_155 = arith.constant 384 : index
    %swap3A_156 = tpu.vector_load %arg5[%swap3A_155] {strides = array<i32>} : memref<1024xf32, #tpu.memory_space<vmem>>, vector<16xf32>,
    %swap3A_157 = vector.shape_cast %swap3A_156 : vector<16xf32> to vector<16xf32>
    %swap3A_158 = vector.shape_cast %broadcast_in_dim3A_154 : vector<16xf32> to vector<16xf32>
    tpu.vector_store %arg5[%swap3A_155], %swap3A_158 {strides = array<i32>} : memref<1024xf32, #tpu.memory_space<vmem>>, vector<16xf32>,
    %broadcast_in_dim3A_159 = arith.constant 1.000000e+00 : f32
    %broadcast_in_dim3A_160 = vector.broadcast %broadcast_in_dim3A_159 : f32 to vector<16xf32>
    %swap3A_161 = arith.constant 400 : index
    %swap3A_162 = tpu.vector_load %arg5[%swap3A_161] {strides = array<i32>} : memref<1024xf32, #tpu.memory_space<vmem>>, vector<16xf32>,
    %swap3A_163 = vector.shape_cast %swap3A_162 : vector<16xf32> to vector<16xf32>
    %swap3A_164 = vector.shape_cast %broadcast_in_dim3A_160 : vector<16xf32> to vector<16xf32>
    tpu.vector_store %arg5[%swap3A_161], %swap3A_164 {strides = array<i32>} : memref<1024xf32, #tpu.memory_space<vmem>>, vector<16xf32>,
    %broadcast_in_dim3A_165 = arith.constant 1.000000e+00 : f32
    %broadcast_in_dim3A_166 = vector.broadcast %broadcast_in_dim3A_165 : f32 to vector<16xf32>
    %swap3A_167 = arith.constant 416 : index
    %swap3A_168 = tpu.vector_load %arg5[%swap3A_167] {strides = array<i32>} : memref<1024xf32, #tpu.memory_space<vmem>>, vector<16xf32>,
    %swap3A_169 = vector.shape_cast %swap3A_168 : vector<16xf32> to vector<16xf32>
    %swap3A_170 = vector.shape_cast %broadcast_in_dim3A_166 : vector<16xf32> to vector<16xf32>
    tpu.vector_store %arg5[%swap3A_167], %swap3A_170 {strides = array<i32>} : memref<1024xf32, #tpu.memory_space<vmem>>, vector<16xf32>,
    %broadcast_in_dim3A_171 = arith.constant 1.000000e+00 : f32
    %broadcast_in_dim3A_172 = vector.broadcast %broadcast_in_dim3A_171 : f32 to vector<16xf32>
    %swap3A_173 = arith.constant 432 : index
    %swap3A_174 = tpu.vector_load %arg5[%swap3A_173] {strides = array<i32>} : memref<1024xf32, #tpu.memory_space<vmem>>, vector<16xf32>,
    %swap3A_175 = vector.shape_cast %swap3A_174 : vector<16xf32> to vector<16xf32>
    %swap3A_176 = vector.shape_cast %broadcast_in_dim3A_172 : vector<16xf32> to vector<16xf32>
    tpu.vector_store %arg5[%swap3A_173], %swap3A_176 {strides = array<i32>} : memref<1024xf32, #tpu.memory_space<vmem>>, vector<16xf32>,
    %broadcast_in_dim3A_177 = arith.constant 1.000000e+00 : f32
    %broadcast_in_dim3A_178 = vector.broadcast %broadcast_in_dim3A_177 : f32 to vector<16xf32>
    %swap3A_179 = arith.constant 448 : index
    %swap3A_180 = tpu.vector_load %arg5[%swap3A_179] {strides = array<i32>} : memref<1024xf32, #tpu.memory_space<vmem>>, vector<16xf32>,
    %swap3A_181 = vector.shape_cast %swap3A_180 : vector<16xf32> to vector<16xf32>
    %swap3A_182 = vector.shape_cast %broadcast_in_dim3A_178 : vector<16xf32> to vector<16xf32>
    tpu.vector_store %arg5[%swap3A_179], %swap3A_182 {strides = array<i32>} : memref<1024xf32, #tpu.memory_space<vmem>>, vector<16xf32>,
    %broadcast_in_dim3A_183 = arith.constant 1.000000e+00 : f32
    %broadcast_in_dim3A_184 = vector.broadcast %broadcast_in_dim3A_183 : f32 to vector<16xf32>
    %swap3A_185 = arith.constant 464 : index
    %swap3A_186 = tpu.vector_load %arg5[%swap3A_185] {strides = array<i32>} : memref<1024xf32, #tpu.memory_space<vmem>>, vector<16xf32>,
    %swap3A_187 = vector.shape_cast %swap3A_186 : vector<16xf32> to vector<16xf32>
    %swap3A_188 = vector.shape_cast %broadcast_in_dim3A_184 : vector<16xf32> to vector<16xf32>
    tpu.vector_store %arg5[%swap3A_185], %swap3A_188 {strides = array<i32>} : memref<1024xf32, #tpu.memory_space<vmem>>, vector<16xf32>,
    %broadcast_in_dim3A_189 = arith.constant 1.000000e+00 : f32
    %broadcast_in_dim3A_190 = vector.broadcast %broadcast_in_dim3A_189 : f32 to vector<16xf32>
    %swap3A_191 = arith.constant 480 : index
    %swap3A_192 = tpu.vector_load %arg5[%swap3A_191] {strides = array<i32>} : memref<1024xf32, #tpu.memory_space<vmem>>, vector<16xf32>,
    %swap3A_193 = vector.shape_cast %swap3A_192 : vector<16xf32> to vector<16xf32>
    %swap3A_194 = vector.shape_cast %broadcast_in_dim3A_190 : vector<16xf32> to vector<16xf32>
    tpu.vector_store %arg5[%swap3A_191], %swap3A_194 {strides = array<i32>} : memref<1024xf32, #tpu.memory_space<vmem>>, vector<16xf32>,
    %broadcast_in_dim3A_195 = arith.constant 1.000000e+00 : f32
    %broadcast_in_dim3A_196 = vector.broadcast %broadcast_in_dim3A_195 : f32 to vector<16xf32>
    %swap3A_197 = arith.constant 496 : index
    %swap3A_198 = tpu.vector_load %arg5[%swap3A_197] {strides = array<i32>} : memref<1024xf32, #tpu.memory_space<vmem>>, vector<16xf32>,
    %swap3A_199 = vector.shape_cast %swap3A_198 : vector<16xf32> to vector<16xf32>
    %swap3A_200 = vector.shape_cast %broadcast_in_dim3A_196 : vector<16xf32> to vector<16xf32>
    tpu.vector_store %arg5[%swap3A_197], %swap3A_200 {strides = array<i32>} : memref<1024xf32, #tpu.memory_space<vmem>>, vector<16xf32>,
    %broadcast_in_dim3A_201 = arith.constant 1.000000e+00 : f32
    %broadcast_in_dim3A_202 = vector.broadcast %broadcast_in_dim3A_201 : f32 to vector<16xf32>
    %swap3A_203 = arith.constant 512 : index
    %swap3A_204 = tpu.vector_load %arg5[%swap3A_203] {strides = array<i32>} : memref<1024xf32, #tpu.memory_space<vmem>>, vector<16xf32>,
    %swap3A_205 = vector.shape_cast %swap3A_204 : vector<16xf32> to vector<16xf32>
    %swap3A_206 = vector.shape_cast %broadcast_in_dim3A_202 : vector<16xf32> to vector<16xf32>
    tpu.vector_store %arg5[%swap3A_203], %swap3A_206 {strides = array<i32>} : memref<1024xf32, #tpu.memory_space<vmem>>, vector<16xf32>,
    %broadcast_in_dim3A_207 = arith.constant 1.000000e+00 : f32
    %broadcast_in_dim3A_208 = vector.broadcast %broadcast_in_dim3A_207 : f32 to vector<16xf32>
    %swap3A_209 = arith.constant 528 : index
    %swap3A_210 = tpu.vector_load %arg5[%swap3A_209] {strides = array<i32>} : memref<1024xf32, #tpu.memory_space<vmem>>, vector<16xf32>,
    %swap3A_211 = vector.shape_cast %swap3A_210 : vector<16xf32> to vector<16xf32>
    %swap3A_212 = vector.shape_cast %broadcast_in_dim3A_208 : vector<16xf32> to vector<16xf32>
    tpu.vector_store %arg5[%swap3A_209], %swap3A_212 {strides = array<i32>} : memref<1024xf32, #tpu.memory_space<vmem>>, vector<16xf32>,
    %broadcast_in_dim3A_213 = arith.constant 1.000000e+00 : f32
    %broadcast_in_dim3A_214 = vector.broadcast %broadcast_in_dim3A_213 : f32 to vector<16xf32>
    %swap3A_215 = arith.constant 544 : index
    %swap3A_216 = tpu.vector_load %arg5[%swap3A_215] {strides = array<i32>} : memref<1024xf32, #tpu.memory_space<vmem>>, vector<16xf32>,
    %swap3A_217 = vector.shape_cast %swap3A_216 : vector<16xf32> to vector<16xf32>
    %swap3A_218 = vector.shape_cast %broadcast_in_dim3A_214 : vector<16xf32> to vector<16xf32>
    tpu.vector_store %arg5[%swap3A_215], %swap3A_218 {strides = array<i32>} : memref<1024xf32, #tpu.memory_space<vmem>>, vector<16xf32>,
    %broadcast_in_dim3A_219 = arith.constant 1.000000e+00 : f32
    %broadcast_in_dim3A_220 = vector.broadcast %broadcast_in_dim3A_219 : f32 to vector<16xf32>
    %swap3A_221 = arith.constant 560 : index
    %swap3A_222 = tpu.vector_load %arg5[%swap3A_221] {strides = array<i32>} : memref<1024xf32, #tpu.memory_space<vmem>>, vector<16xf32>,
    %swap3A_223 = vector.shape_cast %swap3A_222 : vector<16xf32> to vector<16xf32>
    %swap3A_224 = vector.shape_cast %broadcast_in_dim3A_220 : vector<16xf32> to vector<16xf32>
    tpu.vector_store %arg5[%swap3A_221], %swap3A_224 {strides = array<i32>} : memref<1024xf32, #tpu.memory_space<vmem>>, vector<16xf32>,
    %broadcast_in_dim3A_225 = arith.constant 1.000000e+00 : f32
    %broadcast_in_dim3A_226 = vector.broadcast %broadcast_in_dim3A_225 : f32 to vector<16xf32>
    %swap3A_227 = arith.constant 576 : index
    %swap3A_228 = tpu.vector_load %arg5[%swap3A_227] {strides = array<i32>} : memref<1024xf32, #tpu.memory_space<vmem>>, vector<16xf32>,
    %swap3A_229 = vector.shape_cast %swap3A_228 : vector<16xf32> to vector<16xf32>
    %swap3A_230 = vector.shape_cast %broadcast_in_dim3A_226 : vector<16xf32> to vector<16xf32>
    tpu.vector_store %arg5[%swap3A_227], %swap3A_230 {strides = array<i32>} : memref<1024xf32, #tpu.memory_space<vmem>>, vector<16xf32>,
    %broadcast_in_dim3A_231 = arith.constant 1.000000e+00 : f32
    %broadcast_in_dim3A_232 = vector.broadcast %broadcast_in_dim3A_231 : f32 to vector<16xf32>
    %swap3A_233 = arith.constant 592 : index
    %swap3A_234 = tpu.vector_load %arg5[%swap3A_233] {strides = array<i32>} : memref<1024xf32, #tpu.memory_space<vmem>>, vector<16xf32>,
    %swap3A_235 = vector.shape_cast %swap3A_234 : vector<16xf32> to vector<16xf32>
    %swap3A_236 = vector.shape_cast %broadcast_in_dim3A_232 : vector<16xf32> to vector<16xf32>
    tpu.vector_store %arg5[%swap3A_233], %swap3A_236 {strides = array<i32>} : memref<1024xf32, #tpu.memory_space<vmem>>, vector<16xf32>,
    %broadcast_in_dim3A_237 = arith.constant 1.000000e+00 : f32
    %broadcast_in_dim3A_238 = vector.broadcast %broadcast_in_dim3A_237 : f32 to vector<16xf32>
    %swap3A_239 = arith.constant 608 : index
    %swap3A_240 = tpu.vector_load %arg5[%swap3A_239] {strides = array<i32>} : memref<1024xf32, #tpu.memory_space<vmem>>, vector<16xf32>,
    %swap3A_241 = vector.shape_cast %swap3A_240 : vector<16xf32> to vector<16xf32>
    %swap3A_242 = vector.shape_cast %broadcast_in_dim3A_238 : vector<16xf32> to vector<16xf32>
    tpu.vector_store %arg5[%swap3A_239], %swap3A_242 {strides = array<i32>} : memref<1024xf32, #tpu.memory_space<vmem>>, vector<16xf32>,
    %broadcast_in_dim3A_243 = arith.constant 1.000000e+00 : f32
    %broadcast_in_dim3A_244 = vector.broadcast %broadcast_in_dim3A_243 : f32 to vector<16xf32>
    %swap3A_245 = arith.constant 624 : index
    %swap3A_246 = tpu.vector_load %arg5[%swap3A_245] {strides = array<i32>} : memref<1024xf32, #tpu.memory_space<vmem>>, vector<16xf32>,
    %swap3A_247 = vector.shape_cast %swap3A_246 : vector<16xf32> to vector<16xf32>
    %swap3A_248 = vector.shape_cast %broadcast_in_dim3A_244 : vector<16xf32> to vector<16xf32>
    tpu.vector_store %arg5[%swap3A_245], %swap3A_248 {strides = array<i32>} : memref<1024xf32, #tpu.memory_space<vmem>>, vector<16xf32>,
    %broadcast_in_dim3A_249 = arith.constant 1.000000e+00 : f32
    %broadcast_in_dim3A_250 = vector.broadcast %broadcast_in_dim3A_249 : f32 to vector<16xf32>
    %swap3A_251 = arith.constant 640 : index
    %swap3A_252 = tpu.vector_load %arg5[%swap3A_251] {strides = array<i32>} : memref<1024xf32, #tpu.memory_space<vmem>>, vector<16xf32>,
    %swap3A_253 = vector.shape_cast %swap3A_252 : vector<16xf32> to vector<16xf32>
    %swap3A_254 = vector.shape_cast %broadcast_in_dim3A_250 : vector<16xf32> to vector<16xf32>
    tpu.vector_store %arg5[%swap3A_251], %swap3A_254 {strides = array<i32>} : memref<1024xf32, #tpu.memory_space<vmem>>, vector<16xf32>,
    %broadcast_in_dim3A_255 = arith.constant 1.000000e+00 : f32
    %broadcast_in_dim3A_256 = vector.broadcast %broadcast_in_dim3A_255 : f32 to vector<16xf32>
    %swap3A_257 = arith.constant 656 : index
    %swap3A_258 = tpu.vector_load %arg5[%swap3A_257] {strides = array<i32>} : memref<1024xf32, #tpu.memory_space<vmem>>, vector<16xf32>,
    %swap3A_259 = vector.shape_cast %swap3A_258 : vector<16xf32> to vector<16xf32>
    %swap3A_260 = vector.shape_cast %broadcast_in_dim3A_256 : vector<16xf32> to vector<16xf32>
    tpu.vector_store %arg5[%swap3A_257], %swap3A_260 {strides = array<i32>} : memref<1024xf32, #tpu.memory_space<vmem>>, vector<16xf32>,
    %broadcast_in_dim3A_261 = arith.constant 1.000000e+00 : f32
    %broadcast_in_dim3A_262 = vector.broadcast %broadcast_in_dim3A_261 : f32 to vector<16xf32>
    %swap3A_263 = arith.constant 672 : index
    %swap3A_264 = tpu.vector_load %arg5[%swap3A_263] {strides = array<i32>} : memref<1024xf32, #tpu.memory_space<vmem>>, vector<16xf32>,
    %swap3A_265 = vector.shape_cast %swap3A_264 : vector<16xf32> to vector<16xf32>
    %swap3A_266 = vector.shape_cast %broadcast_in_dim3A_262 : vector<16xf32> to vector<16xf32>
    tpu.vector_store %arg5[%swap3A_263], %swap3A_266 {strides = array<i32>} : memref<1024xf32, #tpu.memory_space<vmem>>, vector<16xf32>,
    %broadcast_in_dim3A_267 = arith.constant 1.000000e+00 : f32
    %broadcast_in_dim3A_268 = vector.broadcast %broadcast_in_dim3A_267 : f32 to vector<16xf32>
    %swap3A_269 = arith.constant 688 : index
    %swap3A_270 = tpu.vector_load %arg5[%swap3A_269] {strides = array<i32>} : memref<1024xf32, #tpu.memory_space<vmem>>, vector<16xf32>,
    %swap3A_271 = vector.shape_cast %swap3A_270 : vector<16xf32> to vector<16xf32>
    %swap3A_272 = vector.shape_cast %broadcast_in_dim3A_268 : vector<16xf32> to vector<16xf32>
    tpu.vector_store %arg5[%swap3A_269], %swap3A_272 {strides = array<i32>} : memref<1024xf32, #tpu.memory_space<vmem>>, vector<16xf32>,
    %broadcast_in_dim3A_273 = arith.constant 1.000000e+00 : f32
    %broadcast_in_dim3A_274 = vector.broadcast %broadcast_in_dim3A_273 : f32 to vector<16xf32>
    %swap3A_275 = arith.constant 704 : index
    %swap3A_276 = tpu.vector_load %arg5[%swap3A_275] {strides = array<i32>} : memref<1024xf32, #tpu.memory_space<vmem>>, vector<16xf32>,
    %swap3A_277 = vector.shape_cast %swap3A_276 : vector<16xf32> to vector<16xf32>
    %swap3A_278 = vector.shape_cast %broadcast_in_dim3A_274 : vector<16xf32> to vector<16xf32>
    tpu.vector_store %arg5[%swap3A_275], %swap3A_278 {strides = array<i32>} : memref<1024xf32, #tpu.memory_space<vmem>>, vector<16xf32>,
    %broadcast_in_dim3A_279 = arith.constant 1.000000e+00 : f32
    %broadcast_in_dim3A_280 = vector.broadcast %broadcast_in_dim3A_279 : f32 to vector<16xf32>
    %swap3A_281 = arith.constant 720 : index
    %swap3A_282 = tpu.vector_load %arg5[%swap3A_281] {strides = array<i32>} : memref<1024xf32, #tpu.memory_space<vmem>>, vector<16xf32>,
    %swap3A_283 = vector.shape_cast %swap3A_282 : vector<16xf32> to vector<16xf32>
    %swap3A_284 = vector.shape_cast %broadcast_in_dim3A_280 : vector<16xf32> to vector<16xf32>
    tpu.vector_store %arg5[%swap3A_281], %swap3A_284 {strides = array<i32>} : memref<1024xf32, #tpu.memory_space<vmem>>, vector<16xf32>,
    %broadcast_in_dim3A_285 = arith.constant 1.000000e+00 : f32
    %broadcast_in_dim3A_286 = vector.broadcast %broadcast_in_dim3A_285 : f32 to vector<16xf32>
    %swap3A_287 = arith.constant 736 : index
    %swap3A_288 = tpu.vector_load %arg5[%swap3A_287] {strides = array<i32>} : memref<1024xf32, #tpu.memory_space<vmem>>, vector<16xf32>,
    %swap3A_289 = vector.shape_cast %swap3A_288 : vector<16xf32> to vector<16xf32>
    %swap3A_290 = vector.shape_cast %broadcast_in_dim3A_286 : vector<16xf32> to vector<16xf32>
    tpu.vector_store %arg5[%swap3A_287], %swap3A_290 {strides = array<i32>} : memref<1024xf32, #tpu.memory_space<vmem>>, vector<16xf32>,
    %broadcast_in_dim3A_291 = arith.constant 1.000000e+00 : f32
    %broadcast_in_dim3A_292 = vector.broadcast %broadcast_in_dim3A_291 : f32 to vector<16xf32>
    %swap3A_293 = arith.constant 752 : index
    %swap3A_294 = tpu.vector_load %arg5[%swap3A_293] {strides = array<i32>} : memref<1024xf32, #tpu.memory_space<vmem>>, vector<16xf32>,
    %swap3A_295 = vector.shape_cast %swap3A_294 : vector<16xf32> to vector<16xf32>
    %swap3A_296 = vector.shape_cast %broadcast_in_dim3A_292 : vector<16xf32> to vector<16xf32>
    tpu.vector_store %arg5[%swap3A_293], %swap3A_296 {strides = array<i32>} : memref<1024xf32, #tpu.memory_space<vmem>>, vector<16xf32>,
    %broadcast_in_dim3A_297 = arith.constant 1.000000e+00 : f32
    %broadcast_in_dim3A_298 = vector.broadcast %broadcast_in_dim3A_297 : f32 to vector<16xf32>
    %swap3A_299 = arith.constant 768 : index
    %swap3A_300 = tpu.vector_load %arg5[%swap3A_299] {strides = array<i32>} : memref<1024xf32, #tpu.memory_space<vmem>>, vector<16xf32>,
    %swap3A_301 = vector.shape_cast %swap3A_300 : vector<16xf32> to vector<16xf32>
    %swap3A_302 = vector.shape_cast %broadcast_in_dim3A_298 : vector<16xf32> to vector<16xf32>
    tpu.vector_store %arg5[%swap3A_299], %swap3A_302 {strides = array<i32>} : memref<1024xf32, #tpu.memory_space<vmem>>, vector<16xf32>,
    %broadcast_in_dim3A_303 = arith.constant 1.000000e+00 : f32
    %broadcast_in_dim3A_304 = vector.broadcast %broadcast_in_dim3A_303 : f32 to vector<16xf32>
    %swap3A_305 = arith.constant 784 : index
    %swap3A_306 = tpu.vector_load %arg5[%swap3A_305] {strides = array<i32>} : memref<1024xf32, #tpu.memory_space<vmem>>, vector<16xf32>,
    %swap3A_307 = vector.shape_cast %swap3A_306 : vector<16xf32> to vector<16xf32>
    %swap3A_308 = vector.shape_cast %broadcast_in_dim3A_304 : vector<16xf32> to vector<16xf32>
    tpu.vector_store %arg5[%swap3A_305], %swap3A_308 {strides = array<i32>} : memref<1024xf32, #tpu.memory_space<vmem>>, vector<16xf32>,
    %broadcast_in_dim3A_309 = arith.constant 1.000000e+00 : f32
    %broadcast_in_dim3A_310 = vector.broadcast %broadcast_in_dim3A_309 : f32 to vector<16xf32>
    %swap3A_311 = arith.constant 800 : index
    %swap3A_312 = tpu.vector_load %arg5[%swap3A_311] {strides = array<i32>} : memref<1024xf32, #tpu.memory_space<vmem>>, vector<16xf32>,
    %swap3A_313 = vector.shape_cast %swap3A_312 : vector<16xf32> to vector<16xf32>
    %swap3A_314 = vector.shape_cast %broadcast_in_dim3A_310 : vector<16xf32> to vector<16xf32>
    tpu.vector_store %arg5[%swap3A_311], %swap3A_314 {strides = array<i32>} : memref<1024xf32, #tpu.memory_space<vmem>>, vector<16xf32>,
    %broadcast_in_dim3A_315 = arith.constant 1.000000e+00 : f32
    %broadcast_in_dim3A_316 = vector.broadcast %broadcast_in_dim3A_315 : f32 to vector<16xf32>
    %swap3A_317 = arith.constant 816 : index
    %swap3A_318 = tpu.vector_load %arg5[%swap3A_317] {strides = array<i32>} : memref<1024xf32, #tpu.memory_space<vmem>>, vector<16xf32>,
    %swap3A_319 = vector.shape_cast %swap3A_318 : vector<16xf32> to vector<16xf32>
    %swap3A_320 = vector.shape_cast %broadcast_in_dim3A_316 : vector<16xf32> to vector<16xf32>
    tpu.vector_store %arg5[%swap3A_317], %swap3A_320 {strides = array<i32>} : memref<1024xf32, #tpu.memory_space<vmem>>, vector<16xf32>,
    %broadcast_in_dim3A_321 = arith.constant 1.000000e+00 : f32
    %broadcast_in_dim3A_322 = vector.broadcast %broadcast_in_dim3A_321 : f32 to vector<16xf32>
    %swap3A_323 = arith.constant 832 : index
    %swap3A_324 = tpu.vector_load %arg5[%swap3A_323] {strides = array<i32>} : memref<1024xf32, #tpu.memory_space<vmem>>, vector<16xf32>,
    %swap3A_325 = vector.shape_cast %swap3A_324 : vector<16xf32> to vector<16xf32>
    %swap3A_326 = vector.shape_cast %broadcast_in_dim3A_322 : vector<16xf32> to vector<16xf32>
    tpu.vector_store %arg5[%swap3A_323], %swap3A_326 {strides = array<i32>} : memref<1024xf32, #tpu.memory_space<vmem>>, vector<16xf32>,
    %broadcast_in_dim3A_327 = arith.constant 1.000000e+00 : f32
    %broadcast_in_dim3A_328 = vector.broadcast %broadcast_in_dim3A_327 : f32 to vector<16xf32>
    %swap3A_329 = arith.constant 848 : index
    %swap3A_330 = tpu.vector_load %arg5[%swap3A_329] {strides = array<i32>} : memref<1024xf32, #tpu.memory_space<vmem>>, vector<16xf32>,
    %swap3A_331 = vector.shape_cast %swap3A_330 : vector<16xf32> to vector<16xf32>
    %swap3A_332 = vector.shape_cast %broadcast_in_dim3A_328 : vector<16xf32> to vector<16xf32>
    tpu.vector_store %arg5[%swap3A_329], %swap3A_332 {strides = array<i32>} : memref<1024xf32, #tpu.memory_space<vmem>>, vector<16xf32>,
    %broadcast_in_dim3A_333 = arith.constant 1.000000e+00 : f32
    %broadcast_in_dim3A_334 = vector.broadcast %broadcast_in_dim3A_333 : f32 to vector<16xf32>
    %swap3A_335 = arith.constant 864 : index
    %swap3A_336 = tpu.vector_load %arg5[%swap3A_335] {strides = array<i32>} : memref<1024xf32, #tpu.memory_space<vmem>>, vector<16xf32>,
    %swap3A_337 = vector.shape_cast %swap3A_336 : vector<16xf32> to vector<16xf32>
    %swap3A_338 = vector.shape_cast %broadcast_in_dim3A_334 : vector<16xf32> to vector<16xf32>
    tpu.vector_store %arg5[%swap3A_335], %swap3A_338 {strides = array<i32>} : memref<1024xf32, #tpu.memory_space<vmem>>, vector<16xf32>,
    %broadcast_in_dim3A_339 = arith.constant 1.000000e+00 : f32
    %broadcast_in_dim3A_340 = vector.broadcast %broadcast_in_dim3A_339 : f32 to vector<16xf32>
    %swap3A_341 = arith.constant 880 : index
    %swap3A_342 = tpu.vector_load %arg5[%swap3A_341] {strides = array<i32>} : memref<1024xf32, #tpu.memory_space<vmem>>, vector<16xf32>,
    %swap3A_343 = vector.shape_cast %swap3A_342 : vector<16xf32> to vector<16xf32>
    %swap3A_344 = vector.shape_cast %broadcast_in_dim3A_340 : vector<16xf32> to vector<16xf32>
    tpu.vector_store %arg5[%swap3A_341], %swap3A_344 {strides = array<i32>} : memref<1024xf32, #tpu.memory_space<vmem>>, vector<16xf32>,
    %broadcast_in_dim3A_345 = arith.constant 1.000000e+00 : f32
    %broadcast_in_dim3A_346 = vector.broadcast %broadcast_in_dim3A_345 : f32 to vector<16xf32>
    %swap3A_347 = arith.constant 896 : index
    %swap3A_348 = tpu.vector_load %arg5[%swap3A_347] {strides = array<i32>} : memref<1024xf32, #tpu.memory_space<vmem>>, vector<16xf32>,
    %swap3A_349 = vector.shape_cast %swap3A_348 : vector<16xf32> to vector<16xf32>
    %swap3A_350 = vector.shape_cast %broadcast_in_dim3A_346 : vector<16xf32> to vector<16xf32>
    tpu.vector_store %arg5[%swap3A_347], %swap3A_350 {strides = array<i32>} : memref<1024xf32, #tpu.memory_space<vmem>>, vector<16xf32>,
    %broadcast_in_dim3A_351 = arith.constant 1.000000e+00 : f32
    %broadcast_in_dim3A_352 = vector.broadcast %broadcast_in_dim3A_351 : f32 to vector<16xf32>
    %swap3A_353 = arith.constant 912 : index
    %swap3A_354 = tpu.vector_load %arg5[%swap3A_353] {strides = array<i32>} : memref<1024xf32, #tpu.memory_space<vmem>>, vector<16xf32>,
    %swap3A_355 = vector.shape_cast %swap3A_354 : vector<16xf32> to vector<16xf32>
    %swap3A_356 = vector.shape_cast %broadcast_in_dim3A_352 : vector<16xf32> to vector<16xf32>
    tpu.vector_store %arg5[%swap3A_353], %swap3A_356 {strides = array<i32>} : memref<1024xf32, #tpu.memory_space<vmem>>, vector<16xf32>,
    %broadcast_in_dim3A_357 = arith.constant 1.000000e+00 : f32
    %broadcast_in_dim3A_358 = vector.broadcast %broadcast_in_dim3A_357 : f32 to vector<16xf32>
    %swap3A_359 = arith.constant 928 : index
    %swap3A_360 = tpu.vector_load %arg5[%swap3A_359] {strides = array<i32>} : memref<1024xf32, #tpu.memory_space<vmem>>, vector<16xf32>,
    %swap3A_361 = vector.shape_cast %swap3A_360 : vector<16xf32> to vector<16xf32>
    %swap3A_362 = vector.shape_cast %broadcast_in_dim3A_358 : vector<16xf32> to vector<16xf32>
    tpu.vector_store %arg5[%swap3A_359], %swap3A_362 {strides = array<i32>} : memref<1024xf32, #tpu.memory_space<vmem>>, vector<16xf32>,
    %broadcast_in_dim3A_363 = arith.constant 1.000000e+00 : f32
    %broadcast_in_dim3A_364 = vector.broadcast %broadcast_in_dim3A_363 : f32 to vector<16xf32>
    %swap3A_365 = arith.constant 944 : index
    %swap3A_366 = tpu.vector_load %arg5[%swap3A_365] {strides = array<i32>} : memref<1024xf32, #tpu.memory_space<vmem>>, vector<16xf32>,
    %swap3A_367 = vector.shape_cast %swap3A_366 : vector<16xf32> to vector<16xf32>
    %swap3A_368 = vector.shape_cast %broadcast_in_dim3A_364 : vector<16xf32> to vector<16xf32>
    tpu.vector_store %arg5[%swap3A_365], %swap3A_368 {strides = array<i32>} : memref<1024xf32, #tpu.memory_space<vmem>>, vector<16xf32>,
    %broadcast_in_dim3A_369 = arith.constant 1.000000e+00 : f32
    %broadcast_in_dim3A_370 = vector.broadcast %broadcast_in_dim3A_369 : f32 to vector<16xf32>
    %swap3A_371 = arith.constant 960 : index
    %swap3A_372 = tpu.vector_load %arg5[%swap3A_371] {strides = array<i32>} : memref<1024xf32, #tpu.memory_space<vmem>>, vector<16xf32>,
    %swap3A_373 = vector.shape_cast %swap3A_372 : vector<16xf32> to vector<16xf32>
    %swap3A_374 = vector.shape_cast %broadcast_in_dim3A_370 : vector<16xf32> to vector<16xf32>
    tpu.vector_store %arg5[%swap3A_371], %swap3A_374 {strides = array<i32>} : memref<1024xf32, #tpu.memory_space<vmem>>, vector<16xf32>,
    %broadcast_in_dim3A_375 = arith.constant 1.000000e+00 : f32
    %broadcast_in_dim3A_376 = vector.broadcast %broadcast_in_dim3A_375 : f32 to vector<16xf32>
    %swap3A_377 = arith.constant 976 : index
    %swap3A_378 = tpu.vector_load %arg5[%swap3A_377] {strides = array<i32>} : memref<1024xf32, #tpu.memory_space<vmem>>, vector<16xf32>,
    %swap3A_379 = vector.shape_cast %swap3A_378 : vector<16xf32> to vector<16xf32>
    %swap3A_380 = vector.shape_cast %broadcast_in_dim3A_376 : vector<16xf32> to vector<16xf32>
    tpu.vector_store %arg5[%swap3A_377], %swap3A_380 {strides = array<i32>} : memref<1024xf32, #tpu.memory_space<vmem>>, vector<16xf32>,
    %broadcast_in_dim3A_381 = arith.constant 1.000000e+00 : f32
    %broadcast_in_dim3A_382 = vector.broadcast %broadcast_in_dim3A_381 : f32 to vector<16xf32>
    %swap3A_383 = arith.constant 992 : index
    %swap3A_384 = tpu.vector_load %arg5[%swap3A_383] {strides = array<i32>} : memref<1024xf32, #tpu.memory_space<vmem>>, vector<16xf32>,
    %swap3A_385 = vector.shape_cast %swap3A_384 : vector<16xf32> to vector<16xf32>
    %swap3A_386 = vector.shape_cast %broadcast_in_dim3A_382 : vector<16xf32> to vector<16xf32>
    tpu.vector_store %arg5[%swap3A_383], %swap3A_386 {strides = array<i32>} : memref<1024xf32, #tpu.memory_space<vmem>>, vector<16xf32>,
    %broadcast_in_dim3A_387 = arith.constant 1.000000e+00 : f32
    %broadcast_in_dim3A_388 = vector.broadcast %broadcast_in_dim3A_387 : f32 to vector<16xf32>
    %swap3A_389 = arith.constant 1008 : index
    %swap3A_390 = tpu.vector_load %arg5[%swap3A_389] {strides = array<i32>} : memref<1024xf32, #tpu.memory_space<vmem>>, vector<16xf32>,
    %swap3A_391 = vector.shape_cast %swap3A_390 : vector<16xf32> to vector<16xf32>
    %swap3A_392 = vector.shape_cast %broadcast_in_dim3A_388 : vector<16xf32> to vector<16xf32>
    tpu.vector_store %arg5[%swap3A_389], %swap3A_392 {strides = array<i32>} : memref<1024xf32, #tpu.memory_space<vmem>>, vector<16xf32>,
    %broadcast_in_dim3A_393 = arith.constant 1.000000e+00 : f32
    %broadcast_in_dim3A_394 = vector.broadcast %broadcast_in_dim3A_393 : f32 to vector<16xf32>
    %swap3A_395 = arith.constant 0 : index
    %swap3A_396 = tpu.vector_load %arg6[%swap3A_395] {strides = array<i32>} : memref<640xf32, #tpu.memory_space<vmem>>, vector<16xf32>,
    %swap3A_397 = vector.shape_cast %swap3A_396 : vector<16xf32> to vector<16xf32>
    %swap3A_398 = vector.shape_cast %broadcast_in_dim3A_394 : vector<16xf32> to vector<16xf32>
    tpu.vector_store %arg6[%swap3A_395], %swap3A_398 {strides = array<i32>} : memref<640xf32, #tpu.memory_space<vmem>>, vector<16xf32>,
    %broadcast_in_dim3A_399 = arith.constant 1.000000e+00 : f32
    %broadcast_in_dim3A_400 = vector.broadcast %broadcast_in_dim3A_399 : f32 to vector<16xf32>
    %swap3A_401 = arith.constant 16 : index
    %swap3A_402 = tpu.vector_load %arg6[%swap3A_401] {strides = array<i32>} : memref<640xf32, #tpu.memory_space<vmem>>, vector<16xf32>,
    %swap3A_403 = vector.shape_cast %swap3A_402 : vector<16xf32> to vector<16xf32>
    %swap3A_404 = vector.shape_cast %broadcast_in_dim3A_400 : vector<16xf32> to vector<16xf32>
    tpu.vector_store %arg6[%swap3A_401], %swap3A_404 {strides = array<i32>} : memref<640xf32, #tpu.memory_space<vmem>>, vector<16xf32>,
    %broadcast_in_dim3A_405 = arith.constant 1.000000e+00 : f32
    %broadcast_in_dim3A_406 = vector.broadcast %broadcast_in_dim3A_405 : f32 to vector<16xf32>
    %swap3A_407 = arith.constant 32 : index
    %swap3A_408 = tpu.vector_load %arg6[%swap3A_407] {strides = array<i32>} : memref<640xf32, #tpu.memory_space<vmem>>, vector<16xf32>,
    %swap3A_409 = vector.shape_cast %swap3A_408 : vector<16xf32> to vector<16xf32>
    %swap3A_410 = vector.shape_cast %broadcast_in_dim3A_406 : vector<16xf32> to vector<16xf32>
    tpu.vector_store %arg6[%swap3A_407], %swap3A_410 {strides = array<i32>} : memref<640xf32, #tpu.memory_space<vmem>>, vector<16xf32>,
    %broadcast_in_dim3A_411 = arith.constant 1.000000e+00 : f32
    %broadcast_in_dim3A_412 = vector.broadcast %broadcast_in_dim3A_411 : f32 to vector<16xf32>
    %swap3A_413 = arith.constant 48 : index
    %swap3A_414 = tpu.vector_load %arg6[%swap3A_413] {strides = array<i32>} : memref<640xf32, #tpu.memory_space<vmem>>, vector<16xf32>,
    %swap3A_415 = vector.shape_cast %swap3A_414 : vector<16xf32> to vector<16xf32>
    %swap3A_416 = vector.shape_cast %broadcast_in_dim3A_412 : vector<16xf32> to vector<16xf32>
    tpu.vector_store %arg6[%swap3A_413], %swap3A_416 {strides = array<i32>} : memref<640xf32, #tpu.memory_space<vmem>>, vector<16xf32>,
    %broadcast_in_dim3A_417 = arith.constant 1.000000e+00 : f32
    %broadcast_in_dim3A_418 = vector.broadcast %broadcast_in_dim3A_417 : f32 to vector<16xf32>
    %swap3A_419 = arith.constant 64 : index
    %swap3A_420 = tpu.vector_load %arg6[%swap3A_419] {strides = array<i32>} : memref<640xf32, #tpu.memory_space<vmem>>, vector<16xf32>,
    %swap3A_421 = vector.shape_cast %swap3A_420 : vector<16xf32> to vector<16xf32>
    %swap3A_422 = vector.shape_cast %broadcast_in_dim3A_418 : vector<16xf32> to vector<16xf32>
    tpu.vector_store %arg6[%swap3A_419], %swap3A_422 {strides = array<i32>} : memref<640xf32, #tpu.memory_space<vmem>>, vector<16xf32>,
    %broadcast_in_dim3A_423 = arith.constant 1.000000e+00 : f32
    %broadcast_in_dim3A_424 = vector.broadcast %broadcast_in_dim3A_423 : f32 to vector<16xf32>
    %swap3A_425 = arith.constant 80 : index
    %swap3A_426 = tpu.vector_load %arg6[%swap3A_425] {strides = array<i32>} : memref<640xf32, #tpu.memory_space<vmem>>, vector<16xf32>,
    %swap3A_427 = vector.shape_cast %swap3A_426 : vector<16xf32> to vector<16xf32>
    %swap3A_428 = vector.shape_cast %broadcast_in_dim3A_424 : vector<16xf32> to vector<16xf32>
    tpu.vector_store %arg6[%swap3A_425], %swap3A_428 {strides = array<i32>} : memref<640xf32, #tpu.memory_space<vmem>>, vector<16xf32>,
    %broadcast_in_dim3A_429 = arith.constant 1.000000e+00 : f32
    %broadcast_in_dim3A_430 = vector.broadcast %broadcast_in_dim3A_429 : f32 to vector<16xf32>
    %swap3A_431 = arith.constant 96 : index
    %swap3A_432 = tpu.vector_load %arg6[%swap3A_431] {strides = array<i32>} : memref<640xf32, #tpu.memory_space<vmem>>, vector<16xf32>,
    %swap3A_433 = vector.shape_cast %swap3A_432 : vector<16xf32> to vector<16xf32>
    %swap3A_434 = vector.shape_cast %broadcast_in_dim3A_430 : vector<16xf32> to vector<16xf32>
    tpu.vector_store %arg6[%swap3A_431], %swap3A_434 {strides = array<i32>} : memref<640xf32, #tpu.memory_space<vmem>>, vector<16xf32>,
    %broadcast_in_dim3A_435 = arith.constant 1.000000e+00 : f32
    %broadcast_in_dim3A_436 = vector.broadcast %broadcast_in_dim3A_435 : f32 to vector<16xf32>
    %swap3A_437 = arith.constant 112 : index
    %swap3A_438 = tpu.vector_load %arg6[%swap3A_437] {strides = array<i32>} : memref<640xf32, #tpu.memory_space<vmem>>, vector<16xf32>,
    %swap3A_439 = vector.shape_cast %swap3A_438 : vector<16xf32> to vector<16xf32>
    %swap3A_440 = vector.shape_cast %broadcast_in_dim3A_436 : vector<16xf32> to vector<16xf32>
    tpu.vector_store %arg6[%swap3A_437], %swap3A_440 {strides = array<i32>} : memref<640xf32, #tpu.memory_space<vmem>>, vector<16xf32>,
    %broadcast_in_dim3A_441 = arith.constant 1.000000e+00 : f32
    %broadcast_in_dim3A_442 = vector.broadcast %broadcast_in_dim3A_441 : f32 to vector<16xf32>
    %swap3A_443 = arith.constant 128 : index
    %swap3A_444 = tpu.vector_load %arg6[%swap3A_443] {strides = array<i32>} : memref<640xf32, #tpu.memory_space<vmem>>, vector<16xf32>,
    %swap3A_445 = vector.shape_cast %swap3A_444 : vector<16xf32> to vector<16xf32>
    %swap3A_446 = vector.shape_cast %broadcast_in_dim3A_442 : vector<16xf32> to vector<16xf32>
    tpu.vector_store %arg6[%swap3A_443], %swap3A_446 {strides = array<i32>} : memref<640xf32, #tpu.memory_space<vmem>>, vector<16xf32>,
    %broadcast_in_dim3A_447 = arith.constant 1.000000e+00 : f32
    %broadcast_in_dim3A_448 = vector.broadcast %broadcast_in_dim3A_447 : f32 to vector<16xf32>
    %swap3A_449 = arith.constant 144 : index
    %swap3A_450 = tpu.vector_load %arg6[%swap3A_449] {strides = array<i32>} : memref<640xf32, #tpu.memory_space<vmem>>, vector<16xf32>,
    %swap3A_451 = vector.shape_cast %swap3A_450 : vector<16xf32> to vector<16xf32>
    %swap3A_452 = vector.shape_cast %broadcast_in_dim3A_448 : vector<16xf32> to vector<16xf32>
    tpu.vector_store %arg6[%swap3A_449], %swap3A_452 {strides = array<i32>} : memref<640xf32, #tpu.memory_space<vmem>>, vector<16xf32>,
    %broadcast_in_dim3A_453 = arith.constant 1.000000e+00 : f32
    %broadcast_in_dim3A_454 = vector.broadcast %broadcast_in_dim3A_453 : f32 to vector<16xf32>
    %swap3A_455 = arith.constant 160 : index
    %swap3A_456 = tpu.vector_load %arg6[%swap3A_455] {strides = array<i32>} : memref<640xf32, #tpu.memory_space<vmem>>, vector<16xf32>,
    %swap3A_457 = vector.shape_cast %swap3A_456 : vector<16xf32> to vector<16xf32>
    %swap3A_458 = vector.shape_cast %broadcast_in_dim3A_454 : vector<16xf32> to vector<16xf32>
    tpu.vector_store %arg6[%swap3A_455], %swap3A_458 {strides = array<i32>} : memref<640xf32, #tpu.memory_space<vmem>>, vector<16xf32>,
    %broadcast_in_dim3A_459 = arith.constant 1.000000e+00 : f32
    %broadcast_in_dim3A_460 = vector.broadcast %broadcast_in_dim3A_459 : f32 to vector<16xf32>
    %swap3A_461 = arith.constant 176 : index
    %swap3A_462 = tpu.vector_load %arg6[%swap3A_461] {strides = array<i32>} : memref<640xf32, #tpu.memory_space<vmem>>, vector<16xf32>,
    %swap3A_463 = vector.shape_cast %swap3A_462 : vector<16xf32> to vector<16xf32>
    %swap3A_464 = vector.shape_cast %broadcast_in_dim3A_460 : vector<16xf32> to vector<16xf32>
    tpu.vector_store %arg6[%swap3A_461], %swap3A_464 {strides = array<i32>} : memref<640xf32, #tpu.memory_space<vmem>>, vector<16xf32>,
    %broadcast_in_dim3A_465 = arith.constant 1.000000e+00 : f32
    %broadcast_in_dim3A_466 = vector.broadcast %broadcast_in_dim3A_465 : f32 to vector<16xf32>
    %swap3A_467 = arith.constant 192 : index
    %swap3A_468 = tpu.vector_load %arg6[%swap3A_467] {strides = array<i32>} : memref<640xf32, #tpu.memory_space<vmem>>, vector<16xf32>,
    %swap3A_469 = vector.shape_cast %swap3A_468 : vector<16xf32> to vector<16xf32>
    %swap3A_470 = vector.shape_cast %broadcast_in_dim3A_466 : vector<16xf32> to vector<16xf32>
    tpu.vector_store %arg6[%swap3A_467], %swap3A_470 {strides = array<i32>} : memref<640xf32, #tpu.memory_space<vmem>>, vector<16xf32>,
    %broadcast_in_dim3A_471 = arith.constant 1.000000e+00 : f32
    %broadcast_in_dim3A_472 = vector.broadcast %broadcast_in_dim3A_471 : f32 to vector<16xf32>
    %swap3A_473 = arith.constant 208 : index
    %swap3A_474 = tpu.vector_load %arg6[%swap3A_473] {strides = array<i32>} : memref<640xf32, #tpu.memory_space<vmem>>, vector<16xf32>,
    %swap3A_475 = vector.shape_cast %swap3A_474 : vector<16xf32> to vector<16xf32>
    %swap3A_476 = vector.shape_cast %broadcast_in_dim3A_472 : vector<16xf32> to vector<16xf32>
    tpu.vector_store %arg6[%swap3A_473], %swap3A_476 {strides = array<i32>} : memref<640xf32, #tpu.memory_space<vmem>>, vector<16xf32>,
    %broadcast_in_dim3A_477 = arith.constant 1.000000e+00 : f32
    %broadcast_in_dim3A_478 = vector.broadcast %broadcast_in_dim3A_477 : f32 to vector<16xf32>
    %swap3A_479 = arith.constant 224 : index
    %swap3A_480 = tpu.vector_load %arg6[%swap3A_479] {strides = array<i32>} : memref<640xf32, #tpu.memory_space<vmem>>, vector<16xf32>,
    %swap3A_481 = vector.shape_cast %swap3A_480 : vector<16xf32> to vector<16xf32>
    %swap3A_482 = vector.shape_cast %broadcast_in_dim3A_478 : vector<16xf32> to vector<16xf32>
    tpu.vector_store %arg6[%swap3A_479], %swap3A_482 {strides = array<i32>} : memref<640xf32, #tpu.memory_space<vmem>>, vector<16xf32>,
    %broadcast_in_dim3A_483 = arith.constant 1.000000e+00 : f32
    %broadcast_in_dim3A_484 = vector.broadcast %broadcast_in_dim3A_483 : f32 to vector<16xf32>
    %swap3A_485 = arith.constant 240 : index
    %swap3A_486 = tpu.vector_load %arg6[%swap3A_485] {strides = array<i32>} : memref<640xf32, #tpu.memory_space<vmem>>, vector<16xf32>,
    %swap3A_487 = vector.shape_cast %swap3A_486 : vector<16xf32> to vector<16xf32>
    %swap3A_488 = vector.shape_cast %broadcast_in_dim3A_484 : vector<16xf32> to vector<16xf32>
    tpu.vector_store %arg6[%swap3A_485], %swap3A_488 {strides = array<i32>} : memref<640xf32, #tpu.memory_space<vmem>>, vector<16xf32>,
    %broadcast_in_dim3A_489 = arith.constant 1.000000e+00 : f32
    %broadcast_in_dim3A_490 = vector.broadcast %broadcast_in_dim3A_489 : f32 to vector<16xf32>
    %swap3A_491 = arith.constant 256 : index
    %swap3A_492 = tpu.vector_load %arg6[%swap3A_491] {strides = array<i32>} : memref<640xf32, #tpu.memory_space<vmem>>, vector<16xf32>,
    %swap3A_493 = vector.shape_cast %swap3A_492 : vector<16xf32> to vector<16xf32>
    %swap3A_494 = vector.shape_cast %broadcast_in_dim3A_490 : vector<16xf32> to vector<16xf32>
    tpu.vector_store %arg6[%swap3A_491], %swap3A_494 {strides = array<i32>} : memref<640xf32, #tpu.memory_space<vmem>>, vector<16xf32>,
    %broadcast_in_dim3A_495 = arith.constant 1.000000e+00 : f32
    %broadcast_in_dim3A_496 = vector.broadcast %broadcast_in_dim3A_495 : f32 to vector<16xf32>
    %swap3A_497 = arith.constant 272 : index
    %swap3A_498 = tpu.vector_load %arg6[%swap3A_497] {strides = array<i32>} : memref<640xf32, #tpu.memory_space<vmem>>, vector<16xf32>,
    %swap3A_499 = vector.shape_cast %swap3A_498 : vector<16xf32> to vector<16xf32>
    %swap3A_500 = vector.shape_cast %broadcast_in_dim3A_496 : vector<16xf32> to vector<16xf32>
    tpu.vector_store %arg6[%swap3A_497], %swap3A_500 {strides = array<i32>} : memref<640xf32, #tpu.memory_space<vmem>>, vector<16xf32>,
    %broadcast_in_dim3A_501 = arith.constant 1.000000e+00 : f32
    %broadcast_in_dim3A_502 = vector.broadcast %broadcast_in_dim3A_501 : f32 to vector<16xf32>
    %swap3A_503 = arith.constant 288 : index
    %swap3A_504 = tpu.vector_load %arg6[%swap3A_503] {strides = array<i32>} : memref<640xf32, #tpu.memory_space<vmem>>, vector<16xf32>,
    %swap3A_505 = vector.shape_cast %swap3A_504 : vector<16xf32> to vector<16xf32>
    %swap3A_506 = vector.shape_cast %broadcast_in_dim3A_502 : vector<16xf32> to vector<16xf32>
    tpu.vector_store %arg6[%swap3A_503], %swap3A_506 {strides = array<i32>} : memref<640xf32, #tpu.memory_space<vmem>>, vector<16xf32>,
    %broadcast_in_dim3A_507 = arith.constant 1.000000e+00 : f32
    %broadcast_in_dim3A_508 = vector.broadcast %broadcast_in_dim3A_507 : f32 to vector<16xf32>
    %swap3A_509 = arith.constant 304 : index
    %swap3A_510 = tpu.vector_load %arg6[%swap3A_509] {strides = array<i32>} : memref<640xf32, #tpu.memory_space<vmem>>, vector<16xf32>,
    %swap3A_511 = vector.shape_cast %swap3A_510 : vector<16xf32> to vector<16xf32>
    %swap3A_512 = vector.shape_cast %broadcast_in_dim3A_508 : vector<16xf32> to vector<16xf32>
    tpu.vector_store %arg6[%swap3A_509], %swap3A_512 {strides = array<i32>} : memref<640xf32, #tpu.memory_space<vmem>>, vector<16xf32>,
    %broadcast_in_dim3A_513 = arith.constant 1.000000e+00 : f32
    %broadcast_in_dim3A_514 = vector.broadcast %broadcast_in_dim3A_513 : f32 to vector<16xf32>
    %swap3A_515 = arith.constant 320 : index
    %swap3A_516 = tpu.vector_load %arg6[%swap3A_515] {strides = array<i32>} : memref<640xf32, #tpu.memory_space<vmem>>, vector<16xf32>,
    %swap3A_517 = vector.shape_cast %swap3A_516 : vector<16xf32> to vector<16xf32>
    %swap3A_518 = vector.shape_cast %broadcast_in_dim3A_514 : vector<16xf32> to vector<16xf32>
    tpu.vector_store %arg6[%swap3A_515], %swap3A_518 {strides = array<i32>} : memref<640xf32, #tpu.memory_space<vmem>>, vector<16xf32>,
    %broadcast_in_dim3A_519 = arith.constant 1.000000e+00 : f32
    %broadcast_in_dim3A_520 = vector.broadcast %broadcast_in_dim3A_519 : f32 to vector<16xf32>
    %swap3A_521 = arith.constant 336 : index
    %swap3A_522 = tpu.vector_load %arg6[%swap3A_521] {strides = array<i32>} : memref<640xf32, #tpu.memory_space<vmem>>, vector<16xf32>,
    %swap3A_523 = vector.shape_cast %swap3A_522 : vector<16xf32> to vector<16xf32>
    %swap3A_524 = vector.shape_cast %broadcast_in_dim3A_520 : vector<16xf32> to vector<16xf32>
    tpu.vector_store %arg6[%swap3A_521], %swap3A_524 {strides = array<i32>} : memref<640xf32, #tpu.memory_space<vmem>>, vector<16xf32>,
    %broadcast_in_dim3A_525 = arith.constant 1.000000e+00 : f32
    %broadcast_in_dim3A_526 = vector.broadcast %broadcast_in_dim3A_525 : f32 to vector<16xf32>
    %swap3A_527 = arith.constant 352 : index
    %swap3A_528 = tpu.vector_load %arg6[%swap3A_527] {strides = array<i32>} : memref<640xf32, #tpu.memory_space<vmem>>, vector<16xf32>,
    %swap3A_529 = vector.shape_cast %swap3A_528 : vector<16xf32> to vector<16xf32>
    %swap3A_530 = vector.shape_cast %broadcast_in_dim3A_526 : vector<16xf32> to vector<16xf32>
    tpu.vector_store %arg6[%swap3A_527], %swap3A_530 {strides = array<i32>} : memref<640xf32, #tpu.memory_space<vmem>>, vector<16xf32>,
    %broadcast_in_dim3A_531 = arith.constant 1.000000e+00 : f32
    %broadcast_in_dim3A_532 = vector.broadcast %broadcast_in_dim3A_531 : f32 to vector<16xf32>
    %swap3A_533 = arith.constant 368 : index
    %swap3A_534 = tpu.vector_load %arg6[%swap3A_533] {strides = array<i32>} : memref<640xf32, #tpu.memory_space<vmem>>, vector<16xf32>,
    %swap3A_535 = vector.shape_cast %swap3A_534 : vector<16xf32> to vector<16xf32>
    %swap3A_536 = vector.shape_cast %broadcast_in_dim3A_532 : vector<16xf32> to vector<16xf32>
    tpu.vector_store %arg6[%swap3A_533], %swap3A_536 {strides = array<i32>} : memref<640xf32, #tpu.memory_space<vmem>>, vector<16xf32>,
    %broadcast_in_dim3A_537 = arith.constant 1.000000e+00 : f32
    %broadcast_in_dim3A_538 = vector.broadcast %broadcast_in_dim3A_537 : f32 to vector<16xf32>
    %swap3A_539 = arith.constant 384 : index
    %swap3A_540 = tpu.vector_load %arg6[%swap3A_539] {strides = array<i32>} : memref<640xf32, #tpu.memory_space<vmem>>, vector<16xf32>,
    %swap3A_541 = vector.shape_cast %swap3A_540 : vector<16xf32> to vector<16xf32>
    %swap3A_542 = vector.shape_cast %broadcast_in_dim3A_538 : vector<16xf32> to vector<16xf32>
    tpu.vector_store %arg6[%swap3A_539], %swap3A_542 {strides = array<i32>} : memref<640xf32, #tpu.memory_space<vmem>>, vector<16xf32>,
    %broadcast_in_dim3A_543 = arith.constant 1.000000e+00 : f32
    %broadcast_in_dim3A_544 = vector.broadcast %broadcast_in_dim3A_543 : f32 to vector<16xf32>
    %swap3A_545 = arith.constant 400 : index
    %swap3A_546 = tpu.vector_load %arg6[%swap3A_545] {strides = array<i32>} : memref<640xf32, #tpu.memory_space<vmem>>, vector<16xf32>,
    %swap3A_547 = vector.shape_cast %swap3A_546 : vector<16xf32> to vector<16xf32>
    %swap3A_548 = vector.shape_cast %broadcast_in_dim3A_544 : vector<16xf32> to vector<16xf32>
    tpu.vector_store %arg6[%swap3A_545], %swap3A_548 {strides = array<i32>} : memref<640xf32, #tpu.memory_space<vmem>>, vector<16xf32>,
    %broadcast_in_dim3A_549 = arith.constant 1.000000e+00 : f32
    %broadcast_in_dim3A_550 = vector.broadcast %broadcast_in_dim3A_549 : f32 to vector<16xf32>
    %swap3A_551 = arith.constant 416 : index
    %swap3A_552 = tpu.vector_load %arg6[%swap3A_551] {strides = array<i32>} : memref<640xf32, #tpu.memory_space<vmem>>, vector<16xf32>,
    %swap3A_553 = vector.shape_cast %swap3A_552 : vector<16xf32> to vector<16xf32>
    %swap3A_554 = vector.shape_cast %broadcast_in_dim3A_550 : vector<16xf32> to vector<16xf32>
    tpu.vector_store %arg6[%swap3A_551], %swap3A_554 {strides = array<i32>} : memref<640xf32, #tpu.memory_space<vmem>>, vector<16xf32>,
    %broadcast_in_dim3A_555 = arith.constant 1.000000e+00 : f32
    %broadcast_in_dim3A_556 = vector.broadcast %broadcast_in_dim3A_555 : f32 to vector<16xf32>
    %swap3A_557 = arith.constant 432 : index
    %swap3A_558 = tpu.vector_load %arg6[%swap3A_557] {strides = array<i32>} : memref<640xf32, #tpu.memory_space<vmem>>, vector<16xf32>,
    %swap3A_559 = vector.shape_cast %swap3A_558 : vector<16xf32> to vector<16xf32>
    %swap3A_560 = vector.shape_cast %broadcast_in_dim3A_556 : vector<16xf32> to vector<16xf32>
    tpu.vector_store %arg6[%swap3A_557], %swap3A_560 {strides = array<i32>} : memref<640xf32, #tpu.memory_space<vmem>>, vector<16xf32>,
    %broadcast_in_dim3A_561 = arith.constant 1.000000e+00 : f32
    %broadcast_in_dim3A_562 = vector.broadcast %broadcast_in_dim3A_561 : f32 to vector<16xf32>
    %swap3A_563 = arith.constant 448 : index
    %swap3A_564 = tpu.vector_load %arg6[%swap3A_563] {strides = array<i32>} : memref<640xf32, #tpu.memory_space<vmem>>, vector<16xf32>,
    %swap3A_565 = vector.shape_cast %swap3A_564 : vector<16xf32> to vector<16xf32>
    %swap3A_566 = vector.shape_cast %broadcast_in_dim3A_562 : vector<16xf32> to vector<16xf32>
    tpu.vector_store %arg6[%swap3A_563], %swap3A_566 {strides = array<i32>} : memref<640xf32, #tpu.memory_space<vmem>>, vector<16xf32>,
    %broadcast_in_dim3A_567 = arith.constant 1.000000e+00 : f32
    %broadcast_in_dim3A_568 = vector.broadcast %broadcast_in_dim3A_567 : f32 to vector<16xf32>
    %swap3A_569 = arith.constant 464 : index
    %swap3A_570 = tpu.vector_load %arg6[%swap3A_569] {strides = array<i32>} : memref<640xf32, #tpu.memory_space<vmem>>, vector<16xf32>,
    %swap3A_571 = vector.shape_cast %swap3A_570 : vector<16xf32> to vector<16xf32>
    %swap3A_572 = vector.shape_cast %broadcast_in_dim3A_568 : vector<16xf32> to vector<16xf32>
    tpu.vector_store %arg6[%swap3A_569], %swap3A_572 {strides = array<i32>} : memref<640xf32, #tpu.memory_space<vmem>>, vector<16xf32>,
    %broadcast_in_dim3A_573 = arith.constant 1.000000e+00 : f32
    %broadcast_in_dim3A_574 = vector.broadcast %broadcast_in_dim3A_573 : f32 to vector<16xf32>
    %swap3A_575 = arith.constant 480 : index
    %swap3A_576 = tpu.vector_load %arg6[%swap3A_575] {strides = array<i32>} : memref<640xf32, #tpu.memory_space<vmem>>, vector<16xf32>,
    %swap3A_577 = vector.shape_cast %swap3A_576 : vector<16xf32> to vector<16xf32>
    %swap3A_578 = vector.shape_cast %broadcast_in_dim3A_574 : vector<16xf32> to vector<16xf32>
    tpu.vector_store %arg6[%swap3A_575], %swap3A_578 {strides = array<i32>} : memref<640xf32, #tpu.memory_space<vmem>>, vector<16xf32>,
    %broadcast_in_dim3A_579 = arith.constant 1.000000e+00 : f32
    %broadcast_in_dim3A_580 = vector.broadcast %broadcast_in_dim3A_579 : f32 to vector<16xf32>
    %swap3A_581 = arith.constant 496 : index
    %swap3A_582 = tpu.vector_load %arg6[%swap3A_581] {strides = array<i32>} : memref<640xf32, #tpu.memory_space<vmem>>, vector<16xf32>,
    %swap3A_583 = vector.shape_cast %swap3A_582 : vector<16xf32> to vector<16xf32>
    %swap3A_584 = vector.shape_cast %broadcast_in_dim3A_580 : vector<16xf32> to vector<16xf32>
    tpu.vector_store %arg6[%swap3A_581], %swap3A_584 {strides = array<i32>} : memref<640xf32, #tpu.memory_space<vmem>>, vector<16xf32>,
    %broadcast_in_dim3A_585 = arith.constant 1.000000e+00 : f32
    %broadcast_in_dim3A_586 = vector.broadcast %broadcast_in_dim3A_585 : f32 to vector<16xf32>
    %swap3A_587 = arith.constant 512 : index
    %swap3A_588 = tpu.vector_load %arg6[%swap3A_587] {strides = array<i32>} : memref<640xf32, #tpu.memory_space<vmem>>, vector<16xf32>,
    %swap3A_589 = vector.shape_cast %swap3A_588 : vector<16xf32> to vector<16xf32>
    %swap3A_590 = vector.shape_cast %broadcast_in_dim3A_586 : vector<16xf32> to vector<16xf32>
    tpu.vector_store %arg6[%swap3A_587], %swap3A_590 {strides = array<i32>} : memref<640xf32, #tpu.memory_space<vmem>>, vector<16xf32>,
    %broadcast_in_dim3A_591 = arith.constant 1.000000e+00 : f32
    %broadcast_in_dim3A_592 = vector.broadcast %broadcast_in_dim3A_591 : f32 to vector<16xf32>
    %swap3A_593 = arith.constant 528 : index
    %swap3A_594 = tpu.vector_load %arg6[%swap3A_593] {strides = array<i32>} : memref<640xf32, #tpu.memory_space<vmem>>, vector<16xf32>,
    %swap3A_595 = vector.shape_cast %swap3A_594 : vector<16xf32> to vector<16xf32>
    %swap3A_596 = vector.shape_cast %broadcast_in_dim3A_592 : vector<16xf32> to vector<16xf32>
    tpu.vector_store %arg6[%swap3A_593], %swap3A_596 {strides = array<i32>} : memref<640xf32, #tpu.memory_space<vmem>>, vector<16xf32>,
    %broadcast_in_dim3A_597 = arith.constant 1.000000e+00 : f32
    %broadcast_in_dim3A_598 = vector.broadcast %broadcast_in_dim3A_597 : f32 to vector<16xf32>
    %swap3A_599 = arith.constant 544 : index
    %swap3A_600 = tpu.vector_load %arg6[%swap3A_599] {strides = array<i32>} : memref<640xf32, #tpu.memory_space<vmem>>, vector<16xf32>,
    %swap3A_601 = vector.shape_cast %swap3A_600 : vector<16xf32> to vector<16xf32>
    %swap3A_602 = vector.shape_cast %broadcast_in_dim3A_598 : vector<16xf32> to vector<16xf32>
    tpu.vector_store %arg6[%swap3A_599], %swap3A_602 {strides = array<i32>} : memref<640xf32, #tpu.memory_space<vmem>>, vector<16xf32>,
    %broadcast_in_dim3A_603 = arith.constant 1.000000e+00 : f32
    %broadcast_in_dim3A_604 = vector.broadcast %broadcast_in_dim3A_603 : f32 to vector<16xf32>
    %swap3A_605 = arith.constant 560 : index
    %swap3A_606 = tpu.vector_load %arg6[%swap3A_605] {strides = array<i32>} : memref<640xf32, #tpu.memory_space<vmem>>, vector<16xf32>,
    %swap3A_607 = vector.shape_cast %swap3A_606 : vector<16xf32> to vector<16xf32>
    %swap3A_608 = vector.shape_cast %broadcast_in_dim3A_604 : vector<16xf32> to vector<16xf32>
    tpu.vector_store %arg6[%swap3A_605], %swap3A_608 {strides = array<i32>} : memref<640xf32, #tpu.memory_space<vmem>>, vector<16xf32>,
    %broadcast_in_dim3A_609 = arith.constant 1.000000e+00 : f32
    %broadcast_in_dim3A_610 = vector.broadcast %broadcast_in_dim3A_609 : f32 to vector<16xf32>
    %swap3A_611 = arith.constant 576 : index
    %swap3A_612 = tpu.vector_load %arg6[%swap3A_611] {strides = array<i32>} : memref<640xf32, #tpu.memory_space<vmem>>, vector<16xf32>,
    %swap3A_613 = vector.shape_cast %swap3A_612 : vector<16xf32> to vector<16xf32>
    %swap3A_614 = vector.shape_cast %broadcast_in_dim3A_610 : vector<16xf32> to vector<16xf32>
    tpu.vector_store %arg6[%swap3A_611], %swap3A_614 {strides = array<i32>} : memref<640xf32, #tpu.memory_space<vmem>>, vector<16xf32>,
    %broadcast_in_dim3A_615 = arith.constant 1.000000e+00 : f32
    %broadcast_in_dim3A_616 = vector.broadcast %broadcast_in_dim3A_615 : f32 to vector<16xf32>
    %swap3A_617 = arith.constant 592 : index
    %swap3A_618 = tpu.vector_load %arg6[%swap3A_617] {strides = array<i32>} : memref<640xf32, #tpu.memory_space<vmem>>, vector<16xf32>,
    %swap3A_619 = vector.shape_cast %swap3A_618 : vector<16xf32> to vector<16xf32>
    %swap3A_620 = vector.shape_cast %broadcast_in_dim3A_616 : vector<16xf32> to vector<16xf32>
    tpu.vector_store %arg6[%swap3A_617], %swap3A_620 {strides = array<i32>} : memref<640xf32, #tpu.memory_space<vmem>>, vector<16xf32>,
    %broadcast_in_dim3A_621 = arith.constant 1.000000e+00 : f32
    %broadcast_in_dim3A_622 = vector.broadcast %broadcast_in_dim3A_621 : f32 to vector<16xf32>
    %swap3A_623 = arith.constant 608 : index
    %swap3A_624 = tpu.vector_load %arg6[%swap3A_623] {strides = array<i32>} : memref<640xf32, #tpu.memory_space<vmem>>, vector<16xf32>,
    %swap3A_625 = vector.shape_cast %swap3A_624 : vector<16xf32> to vector<16xf32>
    %swap3A_626 = vector.shape_cast %broadcast_in_dim3A_622 : vector<16xf32> to vector<16xf32>
    tpu.vector_store %arg6[%swap3A_623], %swap3A_626 {strides = array<i32>} : memref<640xf32, #tpu.memory_space<vmem>>, vector<16xf32>,
    %broadcast_in_dim3A_627 = arith.constant 1.000000e+00 : f32
    %broadcast_in_dim3A_628 = vector.broadcast %broadcast_in_dim3A_627 : f32 to vector<16xf32>
    %swap3A_629 = arith.constant 624 : index
    %swap3A_630 = tpu.vector_load %arg6[%swap3A_629] {strides = array<i32>} : memref<640xf32, #tpu.memory_space<vmem>>, vector<16xf32>,
    %swap3A_631 = vector.shape_cast %swap3A_630 : vector<16xf32> to vector<16xf32>
    %swap3A_632 = vector.shape_cast %broadcast_in_dim3A_628 : vector<16xf32> to vector<16xf32>
    tpu.vector_store %arg6[%swap3A_629], %swap3A_632 {strides = array<i32>} : memref<640xf32, #tpu.memory_space<vmem>>, vector<16xf32>,
    "tpu.region"() ({
      %run_scoped3A = tpu.sem_alloc : memref<!tpu.dma_semaphore, #tpu.memory_space<semaphore_mem>>
      %dma_start3A_762 = tpu.memref_slice %arg7[%mul3A_2] : memref<10240xf32, #tpu.memory_space<vmem_shared>> -> memref<640xf32, #tpu.memory_space<vmem_shared>>
      %dma_start3A_763 = tpu.memref_slice %arg7[%mul3A_2] : memref<10240xf32, #tpu.memory_space<vmem_shared>> -> memref<640xf32, #tpu.memory_space<vmem_shared>>
      tpu.enqueue_dma source(%arg6 : memref<640xf32, #tpu.memory_space<vmem>>) target(%dma_start3A_763 : memref<640xf32, #tpu.memory_space<vmem_shared>>) target_semaphore(%run_scoped3A : memref<!tpu.dma_semaphore, #tpu.memory_space<semaphore_mem>>)
      %dma_wait3A_764 = tpu.memref_slice %arg7[%mul3A_2] : memref<10240xf32, #tpu.memory_space<vmem_shared>> -> memref<640xf32, #tpu.memory_space<vmem_shared>>
      %dma_wait3A_765 = tpu.memref_slice %arg7[%mul3A_2] : memref<10240xf32, #tpu.memory_space<vmem_shared>> -> memref<640xf32, #tpu.memory_space<vmem_shared>>
      tpu.wait_dma2 semaphore(%run_scoped3A : memref<!tpu.dma_semaphore, #tpu.memory_space<semaphore_mem>>) src(%arg6 : memref<640xf32, #tpu.memory_space<vmem>>) dst(%dma_wait3A_765 : memref<640xf32, #tpu.memory_space<vmem_shared>>)
      tpu.yield
    }) : () -> ()
    %mul3A_633 = arith.constant 10 : i32
    %mul3A_634 = arith.muli %add3A, %mul3A_633 : i32
    %dma_wait3A = arith.constant 1 : i32
    %dma_wait3A_635 = arith.constant 0 : i32
    %dma_wait3A_636 = tpu.memref_slice %arg2[%dma_wait3A, %mul3A_634, %dma_wait3A_635] : memref<2x320x1024xi32, #tpu.memory_space<hbm>> -> memref<1x10x1024xi32, #tpu.memory_space<hbm>>
    %dma_wait3A_637 = tpu.memref_squeeze %dma_wait3A_636 : memref<1x10x1024xi32, #tpu.memory_space<hbm>> -> memref<10x1024xi32, #tpu.memory_space<hbm>>
    %dma_wait3A_638 = arith.constant 0 : i32
    %dma_wait3A_639 = tpu.memref_slice %arg2[%dma_wait3A, %mul3A_634, %dma_wait3A_638] : memref<2x320x1024xi32, #tpu.memory_space<hbm>> -> memref<1x10x1024xi32, #tpu.memory_space<hbm>>
    %dma_wait3A_640 = tpu.memref_squeeze %dma_wait3A_639 : memref<1x10x1024xi32, #tpu.memory_space<hbm>> -> memref<10x1024xi32, #tpu.memory_space<hbm>>
    tpu.wait_dma2 semaphore(%arg8 : memref<!tpu.dma_semaphore, #tpu.memory_space<semaphore_mem>>) src(%dma_wait3A_640 : memref<10x1024xi32, #tpu.memory_space<hbm>>) dst(%arg4 : memref<10x1024xi32, #tpu.memory_space<vmem>>)
    %barrier3A = arith.constant 0 : index
    tpu.barrier barrier_id(%barrier3A)
    %dma_start3A_641 = arith.constant 0 : i32
    %dma_start3A_642 = arith.constant 0 : i32
    %dma_start3A_643 = tpu.memref_slice %arg4[%dma_start3A_641, %dma_start3A_642] : memref<10x1024xi32, #tpu.memory_space<vmem>> -> memref<1x1024xi32, #tpu.memory_space<vmem>>
    %dma_start3A_644 = tpu.memref_squeeze %dma_start3A_643 : memref<1x1024xi32, #tpu.memory_space<vmem>> -> memref<1024xi32, #tpu.memory_space<vmem>>
    %dma_start3A_645 = arith.constant 0 : i32
    %dma_start3A_646 = tpu.memref_slice %arg7[%dma_start3A_645] : memref<10240xf32, #tpu.memory_space<vmem_shared>> -> memref<10240xf32, #tpu.memory_space<vmem_shared>>
    tpu.enqueue_indirect_dma source(%arg5 : memref<1024xf32, #tpu.memory_space<vmem>>) target(%dma_start3A_646 : memref<10240xf32, #tpu.memory_space<vmem_shared>>) offsets(%dma_start3A_644 : memref<1024xi32, #tpu.memory_space<vmem>>) semaphore(%arg9 : memref<!tpu.dma_semaphore, #tpu.memory_space<semaphore_mem>>) {add = true}
    %dma_start3A_647 = arith.constant 1 : i32
    %dma_start3A_648 = arith.constant 0 : i32
    %dma_start3A_649 = tpu.memref_slice %arg4[%dma_start3A_647, %dma_start3A_648] : memref<10x1024xi32, #tpu.memory_space<vmem>> -> memref<1x1024xi32, #tpu.memory_space<vmem>>
    %dma_start3A_650 = tpu.memref_squeeze %dma_start3A_649 : memref<1x1024xi32, #tpu.memory_space<vmem>> -> memref<1024xi32, #tpu.memory_space<vmem>>
    %dma_start3A_651 = arith.constant 0 : i32
    %dma_start3A_652 = tpu.memref_slice %arg7[%dma_start3A_651] : memref<10240xf32, #tpu.memory_space<vmem_shared>> -> memref<10240xf32, #tpu.memory_space<vmem_shared>>
    tpu.enqueue_indirect_dma source(%arg5 : memref<1024xf32, #tpu.memory_space<vmem>>) target(%dma_start3A_652 : memref<10240xf32, #tpu.memory_space<vmem_shared>>) offsets(%dma_start3A_650 : memref<1024xi32, #tpu.memory_space<vmem>>) semaphore(%arg9 : memref<!tpu.dma_semaphore, #tpu.memory_space<semaphore_mem>>) {add = true}
    %dma_start3A_653 = arith.constant 2 : i32
    %dma_start3A_654 = arith.constant 0 : i32
    %dma_start3A_655 = tpu.memref_slice %arg4[%dma_start3A_653, %dma_start3A_654] : memref<10x1024xi32, #tpu.memory_space<vmem>> -> memref<1x1024xi32, #tpu.memory_space<vmem>>
    %dma_start3A_656 = tpu.memref_squeeze %dma_start3A_655 : memref<1x1024xi32, #tpu.memory_space<vmem>> -> memref<1024xi32, #tpu.memory_space<vmem>>
    %dma_start3A_657 = arith.constant 0 : i32
    %dma_start3A_658 = tpu.memref_slice %arg7[%dma_start3A_657] : memref<10240xf32, #tpu.memory_space<vmem_shared>> -> memref<10240xf32, #tpu.memory_space<vmem_shared>>
    tpu.enqueue_indirect_dma source(%arg5 : memref<1024xf32, #tpu.memory_space<vmem>>) target(%dma_start3A_658 : memref<10240xf32, #tpu.memory_space<vmem_shared>>) offsets(%dma_start3A_656 : memref<1024xi32, #tpu.memory_space<vmem>>) semaphore(%arg9 : memref<!tpu.dma_semaphore, #tpu.memory_space<semaphore_mem>>) {add = true}
    %dma_start3A_659 = arith.constant 3 : i32
    %dma_start3A_660 = arith.constant 0 : i32
    %dma_start3A_661 = tpu.memref_slice %arg4[%dma_start3A_659, %dma_start3A_660] : memref<10x1024xi32, #tpu.memory_space<vmem>> -> memref<1x1024xi32, #tpu.memory_space<vmem>>
    %dma_start3A_662 = tpu.memref_squeeze %dma_start3A_661 : memref<1x1024xi32, #tpu.memory_space<vmem>> -> memref<1024xi32, #tpu.memory_space<vmem>>
    %dma_start3A_663 = arith.constant 0 : i32
    %dma_start3A_664 = tpu.memref_slice %arg7[%dma_start3A_663] : memref<10240xf32, #tpu.memory_space<vmem_shared>> -> memref<10240xf32, #tpu.memory_space<vmem_shared>>
    tpu.enqueue_indirect_dma source(%arg5 : memref<1024xf32, #tpu.memory_space<vmem>>) target(%dma_start3A_664 : memref<10240xf32, #tpu.memory_space<vmem_shared>>) offsets(%dma_start3A_662 : memref<1024xi32, #tpu.memory_space<vmem>>) semaphore(%arg9 : memref<!tpu.dma_semaphore, #tpu.memory_space<semaphore_mem>>) {add = true}
    %dma_start3A_665 = arith.constant 4 : i32
    %dma_start3A_666 = arith.constant 0 : i32
    %dma_start3A_667 = tpu.memref_slice %arg4[%dma_start3A_665, %dma_start3A_666] : memref<10x1024xi32, #tpu.memory_space<vmem>> -> memref<1x1024xi32, #tpu.memory_space<vmem>>
    %dma_start3A_668 = tpu.memref_squeeze %dma_start3A_667 : memref<1x1024xi32, #tpu.memory_space<vmem>> -> memref<1024xi32, #tpu.memory_space<vmem>>
    %dma_start3A_669 = arith.constant 0 : i32
    %dma_start3A_670 = tpu.memref_slice %arg7[%dma_start3A_669] : memref<10240xf32, #tpu.memory_space<vmem_shared>> -> memref<10240xf32, #tpu.memory_space<vmem_shared>>
    tpu.enqueue_indirect_dma source(%arg5 : memref<1024xf32, #tpu.memory_space<vmem>>) target(%dma_start3A_670 : memref<10240xf32, #tpu.memory_space<vmem_shared>>) offsets(%dma_start3A_668 : memref<1024xi32, #tpu.memory_space<vmem>>) semaphore(%arg9 : memref<!tpu.dma_semaphore, #tpu.memory_space<semaphore_mem>>) {add = true}
    %dma_start3A_671 = arith.constant 5 : i32
    %dma_start3A_672 = arith.constant 0 : i32
    %dma_start3A_673 = tpu.memref_slice %arg4[%dma_start3A_671, %dma_start3A_672] : memref<10x1024xi32, #tpu.memory_space<vmem>> -> memref<1x1024xi32, #tpu.memory_space<vmem>>
    %dma_start3A_674 = tpu.memref_squeeze %dma_start3A_673 : memref<1x1024xi32, #tpu.memory_space<vmem>> -> memref<1024xi32, #tpu.memory_space<vmem>>
    %dma_start3A_675 = arith.constant 0 : i32
    %dma_start3A_676 = tpu.memref_slice %arg7[%dma_start3A_675] : memref<10240xf32, #tpu.memory_space<vmem_shared>> -> memref<10240xf32, #tpu.memory_space<vmem_shared>>
    tpu.enqueue_indirect_dma source(%arg5 : memref<1024xf32, #tpu.memory_space<vmem>>) target(%dma_start3A_676 : memref<10240xf32, #tpu.memory_space<vmem_shared>>) offsets(%dma_start3A_674 : memref<1024xi32, #tpu.memory_space<vmem>>) semaphore(%arg9 : memref<!tpu.dma_semaphore, #tpu.memory_space<semaphore_mem>>) {add = true}
    %dma_start3A_677 = arith.constant 6 : i32
    %dma_start3A_678 = arith.constant 0 : i32
    %dma_start3A_679 = tpu.memref_slice %arg4[%dma_start3A_677, %dma_start3A_678] : memref<10x1024xi32, #tpu.memory_space<vmem>> -> memref<1x1024xi32, #tpu.memory_space<vmem>>
    %dma_start3A_680 = tpu.memref_squeeze %dma_start3A_679 : memref<1x1024xi32, #tpu.memory_space<vmem>> -> memref<1024xi32, #tpu.memory_space<vmem>>
    %dma_start3A_681 = arith.constant 0 : i32
    %dma_start3A_682 = tpu.memref_slice %arg7[%dma_start3A_681] : memref<10240xf32, #tpu.memory_space<vmem_shared>> -> memref<10240xf32, #tpu.memory_space<vmem_shared>>
    tpu.enqueue_indirect_dma source(%arg5 : memref<1024xf32, #tpu.memory_space<vmem>>) target(%dma_start3A_682 : memref<10240xf32, #tpu.memory_space<vmem_shared>>) offsets(%dma_start3A_680 : memref<1024xi32, #tpu.memory_space<vmem>>) semaphore(%arg9 : memref<!tpu.dma_semaphore, #tpu.memory_space<semaphore_mem>>) {add = true}
    %dma_start3A_683 = arith.constant 7 : i32
    %dma_start3A_684 = arith.constant 0 : i32
    %dma_start3A_685 = tpu.memref_slice %arg4[%dma_start3A_683, %dma_start3A_684] : memref<10x1024xi32, #tpu.memory_space<vmem>> -> memref<1x1024xi32, #tpu.memory_space<vmem>>
    %dma_start3A_686 = tpu.memref_squeeze %dma_start3A_685 : memref<1x1024xi32, #tpu.memory_space<vmem>> -> memref<1024xi32, #tpu.memory_space<vmem>>
    %dma_start3A_687 = arith.constant 0 : i32
    %dma_start3A_688 = tpu.memref_slice %arg7[%dma_start3A_687] : memref<10240xf32, #tpu.memory_space<vmem_shared>> -> memref<10240xf32, #tpu.memory_space<vmem_shared>>
    tpu.enqueue_indirect_dma source(%arg5 : memref<1024xf32, #tpu.memory_space<vmem>>) target(%dma_start3A_688 : memref<10240xf32, #tpu.memory_space<vmem_shared>>) offsets(%dma_start3A_686 : memref<1024xi32, #tpu.memory_space<vmem>>) semaphore(%arg9 : memref<!tpu.dma_semaphore, #tpu.memory_space<semaphore_mem>>) {add = true}
    %dma_start3A_689 = arith.constant 8 : i32
    %dma_start3A_690 = arith.constant 0 : i32
    %dma_start3A_691 = tpu.memref_slice %arg4[%dma_start3A_689, %dma_start3A_690] : memref<10x1024xi32, #tpu.memory_space<vmem>> -> memref<1x1024xi32, #tpu.memory_space<vmem>>
    %dma_start3A_692 = tpu.memref_squeeze %dma_start3A_691 : memref<1x1024xi32, #tpu.memory_space<vmem>> -> memref<1024xi32, #tpu.memory_space<vmem>>
    %dma_start3A_693 = arith.constant 0 : i32
    %dma_start3A_694 = tpu.memref_slice %arg7[%dma_start3A_693] : memref<10240xf32, #tpu.memory_space<vmem_shared>> -> memref<10240xf32, #tpu.memory_space<vmem_shared>>
    tpu.enqueue_indirect_dma source(%arg5 : memref<1024xf32, #tpu.memory_space<vmem>>) target(%dma_start3A_694 : memref<10240xf32, #tpu.memory_space<vmem_shared>>) offsets(%dma_start3A_692 : memref<1024xi32, #tpu.memory_space<vmem>>) semaphore(%arg9 : memref<!tpu.dma_semaphore, #tpu.memory_space<semaphore_mem>>) {add = true}
    %dma_start3A_695 = arith.constant 9 : i32
    %dma_start3A_696 = arith.constant 0 : i32
    %dma_start3A_697 = tpu.memref_slice %arg4[%dma_start3A_695, %dma_start3A_696] : memref<10x1024xi32, #tpu.memory_space<vmem>> -> memref<1x1024xi32, #tpu.memory_space<vmem>>
    %dma_start3A_698 = tpu.memref_squeeze %dma_start3A_697 : memref<1x1024xi32, #tpu.memory_space<vmem>> -> memref<1024xi32, #tpu.memory_space<vmem>>
    %dma_start3A_699 = arith.constant 0 : i32
    %dma_start3A_700 = tpu.memref_slice %arg7[%dma_start3A_699] : memref<10240xf32, #tpu.memory_space<vmem_shared>> -> memref<10240xf32, #tpu.memory_space<vmem_shared>>
    tpu.enqueue_indirect_dma source(%arg5 : memref<1024xf32, #tpu.memory_space<vmem>>) target(%dma_start3A_700 : memref<10240xf32, #tpu.memory_space<vmem_shared>>) offsets(%dma_start3A_698 : memref<1024xi32, #tpu.memory_space<vmem>>) semaphore(%arg9 : memref<!tpu.dma_semaphore, #tpu.memory_space<semaphore_mem>>) {add = true}
    %dma_wait3A_701 = arith.constant 0 : i32
    %dma_wait3A_702 = arith.constant 0 : i32
    %dma_wait3A_703 = tpu.memref_slice %arg4[%dma_wait3A_701, %dma_wait3A_702] : memref<10x1024xi32, #tpu.memory_space<vmem>> -> memref<1x1024xi32, #tpu.memory_space<vmem>>
    %dma_wait3A_704 = tpu.memref_squeeze %dma_wait3A_703 : memref<1x1024xi32, #tpu.memory_space<vmem>> -> memref<1024xi32, #tpu.memory_space<vmem>>
    %dma_wait3A_705 = arith.constant 0 : i32
    %dma_wait3A_706 = tpu.memref_slice %arg7[%dma_wait3A_705] : memref<10240xf32, #tpu.memory_space<vmem_shared>> -> memref<10240xf32, #tpu.memory_space<vmem_shared>>
    tpu.wait_indirect_dma semaphore(%arg9 : memref<!tpu.dma_semaphore, #tpu.memory_space<semaphore_mem>>) src(%arg5 : memref<1024xf32, #tpu.memory_space<vmem>>) dst(%dma_wait3A_706 : memref<10240xf32, #tpu.memory_space<vmem_shared>>)
    %dma_wait3A_707 = arith.constant 1 : i32
    %dma_wait3A_708 = arith.constant 0 : i32
    %dma_wait3A_709 = tpu.memref_slice %arg4[%dma_wait3A_707, %dma_wait3A_708] : memref<10x1024xi32, #tpu.memory_space<vmem>> -> memref<1x1024xi32, #tpu.memory_space<vmem>>
    %dma_wait3A_710 = tpu.memref_squeeze %dma_wait3A_709 : memref<1x1024xi32, #tpu.memory_space<vmem>> -> memref<1024xi32, #tpu.memory_space<vmem>>
    %dma_wait3A_711 = arith.constant 0 : i32
    %dma_wait3A_712 = tpu.memref_slice %arg7[%dma_wait3A_711] : memref<10240xf32, #tpu.memory_space<vmem_shared>> -> memref<10240xf32, #tpu.memory_space<vmem_shared>>
    tpu.wait_indirect_dma semaphore(%arg9 : memref<!tpu.dma_semaphore, #tpu.memory_space<semaphore_mem>>) src(%arg5 : memref<1024xf32, #tpu.memory_space<vmem>>) dst(%dma_wait3A_712 : memref<10240xf32, #tpu.memory_space<vmem_shared>>)
    %dma_wait3A_713 = arith.constant 2 : i32
    %dma_wait3A_714 = arith.constant 0 : i32
    %dma_wait3A_715 = tpu.memref_slice %arg4[%dma_wait3A_713, %dma_wait3A_714] : memref<10x1024xi32, #tpu.memory_space<vmem>> -> memref<1x1024xi32, #tpu.memory_space<vmem>>
    %dma_wait3A_716 = tpu.memref_squeeze %dma_wait3A_715 : memref<1x1024xi32, #tpu.memory_space<vmem>> -> memref<1024xi32, #tpu.memory_space<vmem>>
    %dma_wait3A_717 = arith.constant 0 : i32
    %dma_wait3A_718 = tpu.memref_slice %arg7[%dma_wait3A_717] : memref<10240xf32, #tpu.memory_space<vmem_shared>> -> memref<10240xf32, #tpu.memory_space<vmem_shared>>
    tpu.wait_indirect_dma semaphore(%arg9 : memref<!tpu.dma_semaphore, #tpu.memory_space<semaphore_mem>>) src(%arg5 : memref<1024xf32, #tpu.memory_space<vmem>>) dst(%dma_wait3A_718 : memref<10240xf32, #tpu.memory_space<vmem_shared>>)
    %dma_wait3A_719 = arith.constant 3 : i32
    %dma_wait3A_720 = arith.constant 0 : i32
    %dma_wait3A_721 = tpu.memref_slice %arg4[%dma_wait3A_719, %dma_wait3A_720] : memref<10x1024xi32, #tpu.memory_space<vmem>> -> memref<1x1024xi32, #tpu.memory_space<vmem>>
    %dma_wait3A_722 = tpu.memref_squeeze %dma_wait3A_721 : memref<1x1024xi32, #tpu.memory_space<vmem>> -> memref<1024xi32, #tpu.memory_space<vmem>>
    %dma_wait3A_723 = arith.constant 0 : i32
    %dma_wait3A_724 = tpu.memref_slice %arg7[%dma_wait3A_723] : memref<10240xf32, #tpu.memory_space<vmem_shared>> -> memref<10240xf32, #tpu.memory_space<vmem_shared>>
    tpu.wait_indirect_dma semaphore(%arg9 : memref<!tpu.dma_semaphore, #tpu.memory_space<semaphore_mem>>) src(%arg5 : memref<1024xf32, #tpu.memory_space<vmem>>) dst(%dma_wait3A_724 : memref<10240xf32, #tpu.memory_space<vmem_shared>>)
    %dma_wait3A_725 = arith.constant 4 : i32
    %dma_wait3A_726 = arith.constant 0 : i32
    %dma_wait3A_727 = tpu.memref_slice %arg4[%dma_wait3A_725, %dma_wait3A_726] : memref<10x1024xi32, #tpu.memory_space<vmem>> -> memref<1x1024xi32, #tpu.memory_space<vmem>>
    %dma_wait3A_728 = tpu.memref_squeeze %dma_wait3A_727 : memref<1x1024xi32, #tpu.memory_space<vmem>> -> memref<1024xi32, #tpu.memory_space<vmem>>
    %dma_wait3A_729 = arith.constant 0 : i32
    %dma_wait3A_730 = tpu.memref_slice %arg7[%dma_wait3A_729] : memref<10240xf32, #tpu.memory_space<vmem_shared>> -> memref<10240xf32, #tpu.memory_space<vmem_shared>>
    tpu.wait_indirect_dma semaphore(%arg9 : memref<!tpu.dma_semaphore, #tpu.memory_space<semaphore_mem>>) src(%arg5 : memref<1024xf32, #tpu.memory_space<vmem>>) dst(%dma_wait3A_730 : memref<10240xf32, #tpu.memory_space<vmem_shared>>)
    %dma_wait3A_731 = arith.constant 5 : i32
    %dma_wait3A_732 = arith.constant 0 : i32
    %dma_wait3A_733 = tpu.memref_slice %arg4[%dma_wait3A_731, %dma_wait3A_732] : memref<10x1024xi32, #tpu.memory_space<vmem>> -> memref<1x1024xi32, #tpu.memory_space<vmem>>
    %dma_wait3A_734 = tpu.memref_squeeze %dma_wait3A_733 : memref<1x1024xi32, #tpu.memory_space<vmem>> -> memref<1024xi32, #tpu.memory_space<vmem>>
    %dma_wait3A_735 = arith.constant 0 : i32
    %dma_wait3A_736 = tpu.memref_slice %arg7[%dma_wait3A_735] : memref<10240xf32, #tpu.memory_space<vmem_shared>> -> memref<10240xf32, #tpu.memory_space<vmem_shared>>
    tpu.wait_indirect_dma semaphore(%arg9 : memref<!tpu.dma_semaphore, #tpu.memory_space<semaphore_mem>>) src(%arg5 : memref<1024xf32, #tpu.memory_space<vmem>>) dst(%dma_wait3A_736 : memref<10240xf32, #tpu.memory_space<vmem_shared>>)
    %dma_wait3A_737 = arith.constant 6 : i32
    %dma_wait3A_738 = arith.constant 0 : i32
    %dma_wait3A_739 = tpu.memref_slice %arg4[%dma_wait3A_737, %dma_wait3A_738] : memref<10x1024xi32, #tpu.memory_space<vmem>> -> memref<1x1024xi32, #tpu.memory_space<vmem>>
    %dma_wait3A_740 = tpu.memref_squeeze %dma_wait3A_739 : memref<1x1024xi32, #tpu.memory_space<vmem>> -> memref<1024xi32, #tpu.memory_space<vmem>>
    %dma_wait3A_741 = arith.constant 0 : i32
    %dma_wait3A_742 = tpu.memref_slice %arg7[%dma_wait3A_741] : memref<10240xf32, #tpu.memory_space<vmem_shared>> -> memref<10240xf32, #tpu.memory_space<vmem_shared>>
    tpu.wait_indirect_dma semaphore(%arg9 : memref<!tpu.dma_semaphore, #tpu.memory_space<semaphore_mem>>) src(%arg5 : memref<1024xf32, #tpu.memory_space<vmem>>) dst(%dma_wait3A_742 : memref<10240xf32, #tpu.memory_space<vmem_shared>>)
    %dma_wait3A_743 = arith.constant 7 : i32
    %dma_wait3A_744 = arith.constant 0 : i32
    %dma_wait3A_745 = tpu.memref_slice %arg4[%dma_wait3A_743, %dma_wait3A_744] : memref<10x1024xi32, #tpu.memory_space<vmem>> -> memref<1x1024xi32, #tpu.memory_space<vmem>>
    %dma_wait3A_746 = tpu.memref_squeeze %dma_wait3A_745 : memref<1x1024xi32, #tpu.memory_space<vmem>> -> memref<1024xi32, #tpu.memory_space<vmem>>
    %dma_wait3A_747 = arith.constant 0 : i32
    %dma_wait3A_748 = tpu.memref_slice %arg7[%dma_wait3A_747] : memref<10240xf32, #tpu.memory_space<vmem_shared>> -> memref<10240xf32, #tpu.memory_space<vmem_shared>>
    tpu.wait_indirect_dma semaphore(%arg9 : memref<!tpu.dma_semaphore, #tpu.memory_space<semaphore_mem>>) src(%arg5 : memref<1024xf32, #tpu.memory_space<vmem>>) dst(%dma_wait3A_748 : memref<10240xf32, #tpu.memory_space<vmem_shared>>)
    %dma_wait3A_749 = arith.constant 8 : i32
    %dma_wait3A_750 = arith.constant 0 : i32
    %dma_wait3A_751 = tpu.memref_slice %arg4[%dma_wait3A_749, %dma_wait3A_750] : memref<10x1024xi32, #tpu.memory_space<vmem>> -> memref<1x1024xi32, #tpu.memory_space<vmem>>
    %dma_wait3A_752 = tpu.memref_squeeze %dma_wait3A_751 : memref<1x1024xi32, #tpu.memory_space<vmem>> -> memref<1024xi32, #tpu.memory_space<vmem>>
    %dma_wait3A_753 = arith.constant 0 : i32
    %dma_wait3A_754 = tpu.memref_slice %arg7[%dma_wait3A_753] : memref<10240xf32, #tpu.memory_space<vmem_shared>> -> memref<10240xf32, #tpu.memory_space<vmem_shared>>
    tpu.wait_indirect_dma semaphore(%arg9 : memref<!tpu.dma_semaphore, #tpu.memory_space<semaphore_mem>>) src(%arg5 : memref<1024xf32, #tpu.memory_space<vmem>>) dst(%dma_wait3A_754 : memref<10240xf32, #tpu.memory_space<vmem_shared>>)
    %dma_wait3A_755 = arith.constant 9 : i32
    %dma_wait3A_756 = arith.constant 0 : i32
    %dma_wait3A_757 = tpu.memref_slice %arg4[%dma_wait3A_755, %dma_wait3A_756] : memref<10x1024xi32, #tpu.memory_space<vmem>> -> memref<1x1024xi32, #tpu.memory_space<vmem>>
    %dma_wait3A_758 = tpu.memref_squeeze %dma_wait3A_757 : memref<1x1024xi32, #tpu.memory_space<vmem>> -> memref<1024xi32, #tpu.memory_space<vmem>>
    %dma_wait3A_759 = arith.constant 0 : i32
    %dma_wait3A_760 = tpu.memref_slice %arg7[%dma_wait3A_759] : memref<10240xf32, #tpu.memory_space<vmem_shared>> -> memref<10240xf32, #tpu.memory_space<vmem_shared>>
    tpu.wait_indirect_dma semaphore(%arg9 : memref<!tpu.dma_semaphore, #tpu.memory_space<semaphore_mem>>) src(%arg5 : memref<1024xf32, #tpu.memory_space<vmem>>) dst(%dma_wait3A_760 : memref<10240xf32, #tpu.memory_space<vmem_shared>>)
    %barrier3A_761 = arith.constant 0 : index
    tpu.barrier barrier_id(%barrier3A_761)
    "tpu.region"() ({
      %run_scoped3A = tpu.sem_alloc : memref<!tpu.dma_semaphore, #tpu.memory_space<semaphore_mem>>
      %dma_start3A_762 = tpu.memref_slice %arg7[%mul3A_2] : memref<10240xf32, #tpu.memory_space<vmem_shared>> -> memref<640xf32, #tpu.memory_space<vmem_shared>>
      %dma_start3A_763 = tpu.memref_slice %arg7[%mul3A_2] : memref<10240xf32, #tpu.memory_space<vmem_shared>> -> memref<640xf32, #tpu.memory_space<vmem_shared>>
      tpu.enqueue_dma source(%dma_start3A_763 : memref<640xf32, #tpu.memory_space<vmem_shared>>) target(%arg6 : memref<640xf32, #tpu.memory_space<vmem>>) target_semaphore(%run_scoped3A : memref<!tpu.dma_semaphore, #tpu.memory_space<semaphore_mem>>)
      %dma_wait3A_764 = tpu.memref_slice %arg7[%mul3A_2] : memref<10240xf32, #tpu.memory_space<vmem_shared>> -> memref<640xf32, #tpu.memory_space<vmem_shared>>
      %dma_wait3A_765 = tpu.memref_slice %arg7[%mul3A_2] : memref<10240xf32, #tpu.memory_space<vmem_shared>> -> memref<640xf32, #tpu.memory_space<vmem_shared>>
      tpu.wait_dma2 semaphore(%run_scoped3A : memref<!tpu.dma_semaphore, #tpu.memory_space<semaphore_mem>>) src(%dma_wait3A_765 : memref<640xf32, #tpu.memory_space<vmem_shared>>) dst(%arg6 : memref<640xf32, #tpu.memory_space<vmem>>)
      tpu.yield
    }) : () -> ()
    "tpu.region"() ({
      %run_scoped3A = tpu.sem_alloc : memref<!tpu.dma_semaphore, #tpu.memory_space<semaphore_mem>>
      %dma_start3A_762 = tpu.memref_slice %arg3[%arg0, %mul3A_2] : memref<2x10240xf32, #tpu.memory_space<hbm>> -> memref<1x640xf32, #tpu.memory_space<hbm>>
      %dma_start3A_763 = tpu.memref_squeeze %dma_start3A_762 : memref<1x640xf32, #tpu.memory_space<hbm>> -> memref<640xf32, #tpu.memory_space<hbm>>
      %dma_start3A_764 = tpu.memref_slice %arg3[%arg0, %mul3A_2] : memref<2x10240xf32, #tpu.memory_space<hbm>> -> memref<1x640xf32, #tpu.memory_space<hbm>>
      %dma_start3A_765 = tpu.memref_squeeze %dma_start3A_764 : memref<1x640xf32, #tpu.memory_space<hbm>> -> memref<640xf32, #tpu.memory_space<hbm>>
      tpu.enqueue_dma source(%arg6 : memref<640xf32, #tpu.memory_space<vmem>>) target(%dma_start3A_765 : memref<640xf32, #tpu.memory_space<hbm>>) target_semaphore(%run_scoped3A : memref<!tpu.dma_semaphore, #tpu.memory_space<semaphore_mem>>)
      %dma_wait3A_766 = tpu.memref_slice %arg3[%arg0, %mul3A_2] : memref<2x10240xf32, #tpu.memory_space<hbm>> -> memref<1x640xf32, #tpu.memory_space<hbm>>
      %dma_wait3A_767 = tpu.memref_squeeze %dma_wait3A_766 : memref<1x640xf32, #tpu.memory_space<hbm>> -> memref<640xf32, #tpu.memory_space<hbm>>
      %dma_wait3A_768 = tpu.memref_slice %arg3[%arg0, %mul3A_2] : memref<2x10240xf32, #tpu.memory_space<hbm>> -> memref<1x640xf32, #tpu.memory_space<hbm>>
      %dma_wait3A_769 = tpu.memref_squeeze %dma_wait3A_768 : memref<1x640xf32, #tpu.memory_space<hbm>> -> memref<640xf32, #tpu.memory_space<hbm>>
      tpu.wait_dma2 semaphore(%run_scoped3A : memref<!tpu.dma_semaphore, #tpu.memory_space<semaphore_mem>>) src(%arg6 : memref<640xf32, #tpu.memory_space<vmem>>) dst(%dma_wait3A_769 : memref<640xf32, #tpu.memory_space<hbm>>)
      tpu.yield
    }) : () -> ()
    return
  }
}

#map = affine_map<(d0, d1) -> (0, 0)>
#map1 = affine_map<(d0, d1) -> (0, 0, 0)>
#map2 = affine_map<(d0, d1) -> (0)>
module attributes {stable_mosaic.version = 14 : i64} {
  func.func @_fused1_body(%arg0: i32, %arg1: i32, %arg2: memref<2x10240xf32, #tpu.memory_space<hbm>>, %arg3: memref<10240x16xf32, #tpu.memory_space<hbm>>, %arg4: memref<2x320x1024xi32, #tpu.memory_space<hbm>>, %arg5: memref<2x10240x16xf32, #tpu.memory_space<hbm>>, %arg6: memref<10240x16xf32, #tpu.memory_space<hbm>>, %arg7: memref<10240xf32, #tpu.memory_space<hbm>>, %arg8: memref<10x1024xi32, #tpu.memory_space<vmem>>, %arg9: memref<10x1024xi32, #tpu.memory_space<vmem>>, %arg10: memref<1024x16xf32, #tpu.memory_space<vmem>>, %arg11: memref<1024x16xf32, #tpu.memory_space<vmem>>, %arg12: memref<1024x16xf32, #tpu.memory_space<vmem>>, %arg13: memref<1024x16xf32, #tpu.memory_space<vmem>>, %arg14: memref<640x16xf32, #tpu.memory_space<vmem>>, %arg15: memref<640x16xf32, #tpu.memory_space<vmem>>, %arg16: memref<640xf32, #tpu.memory_space<vmem>>, %arg17: memref<640xf32, #tpu.memory_space<vmem>>, %arg18: memref<640xf32, #tpu.memory_space<vmem>>, %arg19: memref<10240x16xf32, #tpu.memory_space<vmem_shared>>, %arg20: memref<10240x16xf32, #tpu.memory_space<vmem_shared>>, %arg21: memref<!tpu.dma_semaphore, #tpu.memory_space<semaphore_mem>>, %arg22: memref<!tpu.dma_semaphore, #tpu.memory_space<semaphore_mem>>, %arg23: memref<!tpu.dma_semaphore, #tpu.memory_space<semaphore_mem>>, %arg24: memref<!tpu.dma_semaphore, #tpu.memory_space<semaphore_mem>>, %arg25: memref<!tpu.dma_semaphore, #tpu.memory_space<semaphore_mem>>, %arg26: memref<!tpu.dma_semaphore, #tpu.memory_space<semaphore_mem>>, %arg27: memref<!tpu.dma_semaphore, #tpu.memory_space<semaphore_mem>>, %arg28: memref<!tpu.dma_semaphore, #tpu.memory_space<semaphore_mem>>) attributes {dimension_semantics = [#tpu.dimension_semantics<core_parallel>, #tpu.dimension_semantics<subcore_parallel>], iteration_bounds = array<i64: 2, 16>, scalar_prefetch = 0 : i64, scratch_operands = 21 : i64, tpu.core_type = #tpu.core_type<sc_vector_subcore>, window_params = [{transform_indices = #map}, {transform_indices = #map}, {transform_indices = #map1}, {transform_indices = #map1}, {transform_indices = #map}, {transform_indices = #map2}]} {
    %mul3A = arith.constant 2 : i32
    %mul3A_0 = arith.muli %arg1, %mul3A : i32
    %add3A = arith.addi %mul3A_0, %arg0 : i32
    %mul3A_1 = arith.constant 640 : i32
    %mul3A_2 = arith.muli %arg1, %mul3A_1 : i32
    %iota3A = tpu.iota {dimensions = array<i32: 0>} : vector<16xi32>
    %run_scoped3A = arith.constant 0 : i32
    "tpu.region"() ({
      %run_scoped3A_296 = tpu.sem_alloc : memref<!tpu.dma_semaphore, #tpu.memory_space<semaphore_mem>>
      %dma_start3A_297 = tpu.memref_slice %arg2[%run_scoped3A, %mul3A_2] : memref<2x10240xf32, #tpu.memory_space<hbm>> -> memref<1x640xf32, #tpu.memory_space<hbm>>
      %dma_start3A_298 = tpu.memref_squeeze %dma_start3A_297 : memref<1x640xf32, #tpu.memory_space<hbm>> -> memref<640xf32, #tpu.memory_space<hbm>>
      %dma_start3A_299 = tpu.memref_slice %arg2[%run_scoped3A, %mul3A_2] : memref<2x10240xf32, #tpu.memory_space<hbm>> -> memref<1x640xf32, #tpu.memory_space<hbm>>
      %dma_start3A_300 = tpu.memref_squeeze %dma_start3A_299 : memref<1x640xf32, #tpu.memory_space<hbm>> -> memref<640xf32, #tpu.memory_space<hbm>>
      tpu.enqueue_dma source(%dma_start3A_300 : memref<640xf32, #tpu.memory_space<hbm>>) target(%arg16 : memref<640xf32, #tpu.memory_space<vmem>>) target_semaphore(%run_scoped3A_296 : memref<!tpu.dma_semaphore, #tpu.memory_space<semaphore_mem>>)
      %dma_wait3A_301 = tpu.memref_slice %arg2[%run_scoped3A, %mul3A_2] : memref<2x10240xf32, #tpu.memory_space<hbm>> -> memref<1x640xf32, #tpu.memory_space<hbm>>
      %dma_wait3A_302 = tpu.memref_squeeze %dma_wait3A_301 : memref<1x640xf32, #tpu.memory_space<hbm>> -> memref<640xf32, #tpu.memory_space<hbm>>
      %dma_wait3A_303 = tpu.memref_slice %arg2[%run_scoped3A, %mul3A_2] : memref<2x10240xf32, #tpu.memory_space<hbm>> -> memref<1x640xf32, #tpu.memory_space<hbm>>
      %dma_wait3A_304 = tpu.memref_squeeze %dma_wait3A_303 : memref<1x640xf32, #tpu.memory_space<hbm>> -> memref<640xf32, #tpu.memory_space<hbm>>
      tpu.wait_dma2 semaphore(%run_scoped3A_296 : memref<!tpu.dma_semaphore, #tpu.memory_space<semaphore_mem>>) src(%dma_wait3A_304 : memref<640xf32, #tpu.memory_space<hbm>>) dst(%arg16 : memref<640xf32, #tpu.memory_space<vmem>>)
      tpu.yield
    }) : () -> ()
    %run_scoped3A_3 = arith.constant 1 : i32
    "tpu.region"() ({
      %run_scoped3A_296 = tpu.sem_alloc : memref<!tpu.dma_semaphore, #tpu.memory_space<semaphore_mem>>
      %dma_start3A_297 = tpu.memref_slice %arg2[%run_scoped3A_3, %mul3A_2] : memref<2x10240xf32, #tpu.memory_space<hbm>> -> memref<1x640xf32, #tpu.memory_space<hbm>>
      %dma_start3A_298 = tpu.memref_squeeze %dma_start3A_297 : memref<1x640xf32, #tpu.memory_space<hbm>> -> memref<640xf32, #tpu.memory_space<hbm>>
      %dma_start3A_299 = tpu.memref_slice %arg2[%run_scoped3A_3, %mul3A_2] : memref<2x10240xf32, #tpu.memory_space<hbm>> -> memref<1x640xf32, #tpu.memory_space<hbm>>
      %dma_start3A_300 = tpu.memref_squeeze %dma_start3A_299 : memref<1x640xf32, #tpu.memory_space<hbm>> -> memref<640xf32, #tpu.memory_space<hbm>>
      tpu.enqueue_dma source(%dma_start3A_300 : memref<640xf32, #tpu.memory_space<hbm>>) target(%arg17 : memref<640xf32, #tpu.memory_space<vmem>>) target_semaphore(%run_scoped3A_296 : memref<!tpu.dma_semaphore, #tpu.memory_space<semaphore_mem>>)
      %dma_wait3A_301 = tpu.memref_slice %arg2[%run_scoped3A_3, %mul3A_2] : memref<2x10240xf32, #tpu.memory_space<hbm>> -> memref<1x640xf32, #tpu.memory_space<hbm>>
      %dma_wait3A_302 = tpu.memref_squeeze %dma_wait3A_301 : memref<1x640xf32, #tpu.memory_space<hbm>> -> memref<640xf32, #tpu.memory_space<hbm>>
      %dma_wait3A_303 = tpu.memref_slice %arg2[%run_scoped3A_3, %mul3A_2] : memref<2x10240xf32, #tpu.memory_space<hbm>> -> memref<1x640xf32, #tpu.memory_space<hbm>>
      %dma_wait3A_304 = tpu.memref_squeeze %dma_wait3A_303 : memref<1x640xf32, #tpu.memory_space<hbm>> -> memref<640xf32, #tpu.memory_space<hbm>>
      tpu.wait_dma2 semaphore(%run_scoped3A_296 : memref<!tpu.dma_semaphore, #tpu.memory_space<semaphore_mem>>) src(%dma_wait3A_304 : memref<640xf32, #tpu.memory_space<hbm>>) dst(%arg17 : memref<640xf32, #tpu.memory_space<vmem>>)
      tpu.yield
    }) : () -> ()
    "tpu.region"() ({
      %run_scoped3A_296 = tpu.sem_alloc : memref<!tpu.dma_semaphore, #tpu.memory_space<semaphore_mem>>
      %dma_start3A_297 = arith.constant 0 : i32
      %dma_start3A_298 = tpu.memref_slice %arg3[%mul3A_2, %dma_start3A_297] : memref<10240x16xf32, #tpu.memory_space<hbm>> -> memref<640x16xf32, #tpu.memory_space<hbm>>
      %dma_start3A_299 = arith.constant 0 : i32
      %dma_start3A_300 = tpu.memref_slice %arg3[%mul3A_2, %dma_start3A_299] : memref<10240x16xf32, #tpu.memory_space<hbm>> -> memref<640x16xf32, #tpu.memory_space<hbm>>
      tpu.enqueue_dma source(%dma_start3A_300 : memref<640x16xf32, #tpu.memory_space<hbm>>) target(%arg14 : memref<640x16xf32, #tpu.memory_space<vmem>>) target_semaphore(%run_scoped3A_296 : memref<!tpu.dma_semaphore, #tpu.memory_space<semaphore_mem>>)
      %dma_wait3A_301 = arith.constant 0 : i32
      %dma_wait3A_302 = tpu.memref_slice %arg3[%mul3A_2, %dma_wait3A_301] : memref<10240x16xf32, #tpu.memory_space<hbm>> -> memref<640x16xf32, #tpu.memory_space<hbm>>
      %dma_wait3A_303 = arith.constant 0 : i32
      %dma_wait3A_304 = tpu.memref_slice %arg3[%mul3A_2, %dma_wait3A_303] : memref<10240x16xf32, #tpu.memory_space<hbm>> -> memref<640x16xf32, #tpu.memory_space<hbm>>
      tpu.wait_dma2 semaphore(%run_scoped3A_296 : memref<!tpu.dma_semaphore, #tpu.memory_space<semaphore_mem>>) src(%dma_wait3A_304 : memref<640x16xf32, #tpu.memory_space<hbm>>) dst(%arg14 : memref<640x16xf32, #tpu.memory_space<vmem>>)
      tpu.yield
    }) : () -> ()
    %mul3A_4 = arith.constant 10 : i32
    %mul3A_5 = arith.muli %add3A, %mul3A_4 : i32
    %run_scoped3A_6 = arith.constant 0 : i32
    "tpu.region"() ({
      %run_scoped3A_296 = tpu.sem_alloc : memref<!tpu.dma_semaphore, #tpu.memory_space<semaphore_mem>>
      %dma_start3A_297 = arith.constant 0 : i32
      %dma_start3A_298 = tpu.memref_slice %arg4[%run_scoped3A_6, %mul3A_5, %dma_start3A_297] : memref<2x320x1024xi32, #tpu.memory_space<hbm>> -> memref<1x10x1024xi32, #tpu.memory_space<hbm>>
      %dma_start3A_299 = tpu.memref_squeeze %dma_start3A_298 : memref<1x10x1024xi32, #tpu.memory_space<hbm>> -> memref<10x1024xi32, #tpu.memory_space<hbm>>
      %dma_start3A_300 = arith.constant 0 : i32
      %dma_start3A_301 = tpu.memref_slice %arg4[%run_scoped3A_6, %mul3A_5, %dma_start3A_300] : memref<2x320x1024xi32, #tpu.memory_space<hbm>> -> memref<1x10x1024xi32, #tpu.memory_space<hbm>>
      %dma_start3A_302 = tpu.memref_squeeze %dma_start3A_301 : memref<1x10x1024xi32, #tpu.memory_space<hbm>> -> memref<10x1024xi32, #tpu.memory_space<hbm>>
      tpu.enqueue_dma source(%dma_start3A_302 : memref<10x1024xi32, #tpu.memory_space<hbm>>) target(%arg8 : memref<10x1024xi32, #tpu.memory_space<vmem>>) target_semaphore(%run_scoped3A_296 : memref<!tpu.dma_semaphore, #tpu.memory_space<semaphore_mem>>)
      %dma_wait3A_303 = arith.constant 0 : i32
      %dma_wait3A_304 = tpu.memref_slice %arg4[%run_scoped3A_6, %mul3A_5, %dma_wait3A_303] : memref<2x320x1024xi32, #tpu.memory_space<hbm>> -> memref<1x10x1024xi32, #tpu.memory_space<hbm>>
      %dma_wait3A_305 = tpu.memref_squeeze %dma_wait3A_304 : memref<1x10x1024xi32, #tpu.memory_space<hbm>> -> memref<10x1024xi32, #tpu.memory_space<hbm>>
      %dma_wait3A_306 = arith.constant 0 : i32
      %dma_wait3A_307 = tpu.memref_slice %arg4[%run_scoped3A_6, %mul3A_5, %dma_wait3A_306] : memref<2x320x1024xi32, #tpu.memory_space<hbm>> -> memref<1x10x1024xi32, #tpu.memory_space<hbm>>
      %dma_wait3A_308 = tpu.memref_squeeze %dma_wait3A_307 : memref<1x10x1024xi32, #tpu.memory_space<hbm>> -> memref<10x1024xi32, #tpu.memory_space<hbm>>
      tpu.wait_dma2 semaphore(%run_scoped3A_296 : memref<!tpu.dma_semaphore, #tpu.memory_space<semaphore_mem>>) src(%dma_wait3A_308 : memref<10x1024xi32, #tpu.memory_space<hbm>>) dst(%arg8 : memref<10x1024xi32, #tpu.memory_space<vmem>>)
      tpu.yield
    }) : () -> ()
    %mul3A_7 = arith.constant 10 : i32
    %mul3A_8 = arith.muli %add3A, %mul3A_7 : i32
    %run_scoped3A_9 = arith.constant 1 : i32
    "tpu.region"() ({
      %run_scoped3A_296 = tpu.sem_alloc : memref<!tpu.dma_semaphore, #tpu.memory_space<semaphore_mem>>
      %dma_start3A_297 = arith.constant 0 : i32
      %dma_start3A_298 = tpu.memref_slice %arg4[%run_scoped3A_9, %mul3A_8, %dma_start3A_297] : memref<2x320x1024xi32, #tpu.memory_space<hbm>> -> memref<1x10x1024xi32, #tpu.memory_space<hbm>>
      %dma_start3A_299 = tpu.memref_squeeze %dma_start3A_298 : memref<1x10x1024xi32, #tpu.memory_space<hbm>> -> memref<10x1024xi32, #tpu.memory_space<hbm>>
      %dma_start3A_300 = arith.constant 0 : i32
      %dma_start3A_301 = tpu.memref_slice %arg4[%run_scoped3A_9, %mul3A_8, %dma_start3A_300] : memref<2x320x1024xi32, #tpu.memory_space<hbm>> -> memref<1x10x1024xi32, #tpu.memory_space<hbm>>
      %dma_start3A_302 = tpu.memref_squeeze %dma_start3A_301 : memref<1x10x1024xi32, #tpu.memory_space<hbm>> -> memref<10x1024xi32, #tpu.memory_space<hbm>>
      tpu.enqueue_dma source(%dma_start3A_302 : memref<10x1024xi32, #tpu.memory_space<hbm>>) target(%arg9 : memref<10x1024xi32, #tpu.memory_space<vmem>>) target_semaphore(%run_scoped3A_296 : memref<!tpu.dma_semaphore, #tpu.memory_space<semaphore_mem>>)
      %dma_wait3A_303 = arith.constant 0 : i32
      %dma_wait3A_304 = tpu.memref_slice %arg4[%run_scoped3A_9, %mul3A_8, %dma_wait3A_303] : memref<2x320x1024xi32, #tpu.memory_space<hbm>> -> memref<1x10x1024xi32, #tpu.memory_space<hbm>>
      %dma_wait3A_305 = tpu.memref_squeeze %dma_wait3A_304 : memref<1x10x1024xi32, #tpu.memory_space<hbm>> -> memref<10x1024xi32, #tpu.memory_space<hbm>>
      %dma_wait3A_306 = arith.constant 0 : i32
      %dma_wait3A_307 = tpu.memref_slice %arg4[%run_scoped3A_9, %mul3A_8, %dma_wait3A_306] : memref<2x320x1024xi32, #tpu.memory_space<hbm>> -> memref<1x10x1024xi32, #tpu.memory_space<hbm>>
      %dma_wait3A_308 = tpu.memref_squeeze %dma_wait3A_307 : memref<1x10x1024xi32, #tpu.memory_space<hbm>> -> memref<10x1024xi32, #tpu.memory_space<hbm>>
      tpu.wait_dma2 semaphore(%run_scoped3A_296 : memref<!tpu.dma_semaphore, #tpu.memory_space<semaphore_mem>>) src(%dma_wait3A_308 : memref<10x1024xi32, #tpu.memory_space<hbm>>) dst(%arg9 : memref<10x1024xi32, #tpu.memory_space<vmem>>)
      tpu.yield
    }) : () -> ()
    %scan3A = arith.constant 0 : i32
    %scan3A_10 = arith.constant 0 : i32
    %scan3A_11 = arith.constant 40 : i32
    %scan3A_12 = arith.addi %scan3A_10, %scan3A_11 : i32
    %scan3A_13 = arith.constant 1 : i32
    scf.for %scan3A_296 = %scan3A_10 to %scan3A_12 step %scan3A_13  : i32 {
      %mul3A_297 = arith.constant 16 : i32
      %mul3A_298 = arith.muli %scan3A_296, %mul3A_297 : i32
      %get3A = arith.index_cast %mul3A_298 : i32 to index
      %get3A_299 = tpu.vector_load %arg16[%get3A] {strides = array<i32>} : memref<640xf32, #tpu.memory_space<vmem>>, vector<16xf32>,
      %mul3A_300 = arith.constant 16 : i32
      %mul3A_301 = arith.muli %scan3A_296, %mul3A_300 : i32
      %get3A_302 = arith.index_cast %mul3A_301 : i32 to index
      %get3A_303 = tpu.vector_load %arg17[%get3A_302] {strides = array<i32>} : memref<640xf32, #tpu.memory_space<vmem>>, vector<16xf32>,
      %add3A_304 = arith.addf %get3A_299, %get3A_303 : vector<16xf32>
      %sub3A = arith.constant 1.000000e+00 : f32
      %sub3A_305 = vector.broadcast %sub3A : f32 to vector<16xf32>
      %sub3A_306 = arith.subf %add3A_304, %sub3A_305 : vector<16xf32>
      %bitcast3A = vector.bitcast %sub3A_306 : vector<16xf32> to vector<16xi32>
      %shift_right_arithmetic3A = arith.constant 1 : i32
      %shift_right_arithmetic3A_307 = vector.broadcast %shift_right_arithmetic3A : i32 to vector<16xi32>
      %shift_right_arithmetic3A_308 = arith.shrsi %bitcast3A, %shift_right_arithmetic3A_307 : vector<16xi32>
      %sub3A_309 = arith.constant 1597463007 : i32
      %sub3A_310 = vector.broadcast %sub3A_309 : i32 to vector<16xi32>
      %sub3A_311 = arith.subi %sub3A_310, %shift_right_arithmetic3A_308 : vector<16xi32>
      %bitcast3A_312 = vector.bitcast %sub3A_311 : vector<16xi32> to vector<16xf32>
      %mul3A_313 = arith.constant 5.000000e-01 : f32
      %mul3A_314 = vector.broadcast %mul3A_313 : f32 to vector<16xf32>
      %mul3A_315 = arith.mulf %mul3A_314, %sub3A_306 : vector<16xf32>
      %mul3A_316 = arith.mulf %mul3A_315, %bitcast3A_312 : vector<16xf32>
      %mul3A_317 = arith.mulf %mul3A_316, %bitcast3A_312 : vector<16xf32>
      %sub3A_318 = arith.constant 1.500000e+00 : f32
      %sub3A_319 = vector.broadcast %sub3A_318 : f32 to vector<16xf32>
      %sub3A_320 = arith.subf %sub3A_319, %mul3A_317 : vector<16xf32>
      %mul3A_321 = arith.mulf %bitcast3A_312, %sub3A_320 : vector<16xf32>
      %mul3A_322 = arith.constant 5.000000e-01 : f32
      %mul3A_323 = vector.broadcast %mul3A_322 : f32 to vector<16xf32>
      %mul3A_324 = arith.mulf %mul3A_323, %sub3A_306 : vector<16xf32>
      %mul3A_325 = arith.mulf %mul3A_324, %mul3A_321 : vector<16xf32>
      %mul3A_326 = arith.mulf %mul3A_325, %mul3A_321 : vector<16xf32>
      %sub3A_327 = arith.constant 1.500000e+00 : f32
      %sub3A_328 = vector.broadcast %sub3A_327 : f32 to vector<16xf32>
      %sub3A_329 = arith.subf %sub3A_328, %mul3A_326 : vector<16xf32>
      %mul3A_330 = arith.mulf %mul3A_321, %sub3A_329 : vector<16xf32>
      %mul3A_331 = arith.constant 5.000000e-01 : f32
      %mul3A_332 = vector.broadcast %mul3A_331 : f32 to vector<16xf32>
      %mul3A_333 = arith.mulf %mul3A_332, %sub3A_306 : vector<16xf32>
      %mul3A_334 = arith.mulf %mul3A_333, %mul3A_330 : vector<16xf32>
      %mul3A_335 = arith.mulf %mul3A_334, %mul3A_330 : vector<16xf32>
      %sub3A_336 = arith.constant 1.500000e+00 : f32
      %sub3A_337 = vector.broadcast %sub3A_336 : f32 to vector<16xf32>
      %sub3A_338 = arith.subf %sub3A_337, %mul3A_335 : vector<16xf32>
      %mul3A_339 = arith.mulf %mul3A_330, %sub3A_338 : vector<16xf32>
      %mul3A_340 = arith.constant 16 : i32
      %mul3A_341 = arith.muli %scan3A_296, %mul3A_340 : i32
      %swap3A = arith.index_cast %mul3A_341 : i32 to index
      %swap3A_342 = tpu.vector_load %arg18[%swap3A] {strides = array<i32>} : memref<640xf32, #tpu.memory_space<vmem>>, vector<16xf32>,
      tpu.vector_store %arg18[%swap3A], %mul3A_339 {strides = array<i32>} : memref<640xf32, #tpu.memory_space<vmem>>, vector<16xf32>,
      %mul3A_343 = arith.constant 16 : i32
      %mul3A_344 = arith.muli %scan3A_296, %mul3A_343 : i32
      %add3A_345 = arith.constant 0 : i32
      %add3A_346 = arith.addi %mul3A_344, %add3A_345 : i32
      %broadcast_in_dim3A = vector.broadcast %add3A_346 : i32 to vector<16xi32>
      %gather3A = tpu.vector_load_idx %arg14[%broadcast_in_dim3A, %iota3A] : memref<640x16xf32, #tpu.memory_space<vmem>>[vector<16xi32>, vector<16xi32>], vector<16xf32>,
      %slice3A = vector.extract_strided_slice %mul3A_339 {offsets = [0], sizes = [1], strides = [1]} : vector<16xf32> to vector<1xf32>
      %squeeze3A = vector.extract %slice3A[0] : f32 from vector<1xf32>
      %mul3A_347 = vector.broadcast %squeeze3A : f32 to vector<16xf32>
      %mul3A_348 = arith.mulf %gather3A, %mul3A_347 : vector<16xf32>
      tpu.vector_store_idx %arg15[%broadcast_in_dim3A, %iota3A], %mul3A_348 : memref<640x16xf32, #tpu.memory_space<vmem>>[vector<16xi32>, vector<16xi32>], vector<16xf32>,
      %mul3A_349 = arith.constant 16 : i32
      %mul3A_350 = arith.muli %scan3A_296, %mul3A_349 : i32
      %add3A_351 = arith.constant 1 : i32
      %add3A_352 = arith.addi %mul3A_350, %add3A_351 : i32
      %broadcast_in_dim3A_353 = vector.broadcast %add3A_352 : i32 to vector<16xi32>
      %gather3A_354 = tpu.vector_load_idx %arg14[%broadcast_in_dim3A_353, %iota3A] : memref<640x16xf32, #tpu.memory_space<vmem>>[vector<16xi32>, vector<16xi32>], vector<16xf32>,
      %slice3A_355 = vector.extract_strided_slice %mul3A_339 {offsets = [1], sizes = [1], strides = [1]} : vector<16xf32> to vector<1xf32>
      %squeeze3A_356 = vector.extract %slice3A_355[0] : f32 from vector<1xf32>
      %mul3A_357 = vector.broadcast %squeeze3A_356 : f32 to vector<16xf32>
      %mul3A_358 = arith.mulf %gather3A_354, %mul3A_357 : vector<16xf32>
      tpu.vector_store_idx %arg15[%broadcast_in_dim3A_353, %iota3A], %mul3A_358 : memref<640x16xf32, #tpu.memory_space<vmem>>[vector<16xi32>, vector<16xi32>], vector<16xf32>,
      %mul3A_359 = arith.constant 16 : i32
      %mul3A_360 = arith.muli %scan3A_296, %mul3A_359 : i32
      %add3A_361 = arith.constant 2 : i32
      %add3A_362 = arith.addi %mul3A_360, %add3A_361 : i32
      %broadcast_in_dim3A_363 = vector.broadcast %add3A_362 : i32 to vector<16xi32>
      %gather3A_364 = tpu.vector_load_idx %arg14[%broadcast_in_dim3A_363, %iota3A] : memref<640x16xf32, #tpu.memory_space<vmem>>[vector<16xi32>, vector<16xi32>], vector<16xf32>,
      %slice3A_365 = vector.extract_strided_slice %mul3A_339 {offsets = [2], sizes = [1], strides = [1]} : vector<16xf32> to vector<1xf32>
      %squeeze3A_366 = vector.extract %slice3A_365[0] : f32 from vector<1xf32>
      %mul3A_367 = vector.broadcast %squeeze3A_366 : f32 to vector<16xf32>
      %mul3A_368 = arith.mulf %gather3A_364, %mul3A_367 : vector<16xf32>
      tpu.vector_store_idx %arg15[%broadcast_in_dim3A_363, %iota3A], %mul3A_368 : memref<640x16xf32, #tpu.memory_space<vmem>>[vector<16xi32>, vector<16xi32>], vector<16xf32>,
      %mul3A_369 = arith.constant 16 : i32
      %mul3A_370 = arith.muli %scan3A_296, %mul3A_369 : i32
      %add3A_371 = arith.constant 3 : i32
      %add3A_372 = arith.addi %mul3A_370, %add3A_371 : i32
      %broadcast_in_dim3A_373 = vector.broadcast %add3A_372 : i32 to vector<16xi32>
      %gather3A_374 = tpu.vector_load_idx %arg14[%broadcast_in_dim3A_373, %iota3A] : memref<640x16xf32, #tpu.memory_space<vmem>>[vector<16xi32>, vector<16xi32>], vector<16xf32>,
      %slice3A_375 = vector.extract_strided_slice %mul3A_339 {offsets = [3], sizes = [1], strides = [1]} : vector<16xf32> to vector<1xf32>
      %squeeze3A_376 = vector.extract %slice3A_375[0] : f32 from vector<1xf32>
      %mul3A_377 = vector.broadcast %squeeze3A_376 : f32 to vector<16xf32>
      %mul3A_378 = arith.mulf %gather3A_374, %mul3A_377 : vector<16xf32>
      tpu.vector_store_idx %arg15[%broadcast_in_dim3A_373, %iota3A], %mul3A_378 : memref<640x16xf32, #tpu.memory_space<vmem>>[vector<16xi32>, vector<16xi32>], vector<16xf32>,
      %mul3A_379 = arith.constant 16 : i32
      %mul3A_380 = arith.muli %scan3A_296, %mul3A_379 : i32
      %add3A_381 = arith.constant 4 : i32
      %add3A_382 = arith.addi %mul3A_380, %add3A_381 : i32
      %broadcast_in_dim3A_383 = vector.broadcast %add3A_382 : i32 to vector<16xi32>
      %gather3A_384 = tpu.vector_load_idx %arg14[%broadcast_in_dim3A_383, %iota3A] : memref<640x16xf32, #tpu.memory_space<vmem>>[vector<16xi32>, vector<16xi32>], vector<16xf32>,
      %slice3A_385 = vector.extract_strided_slice %mul3A_339 {offsets = [4], sizes = [1], strides = [1]} : vector<16xf32> to vector<1xf32>
      %squeeze3A_386 = vector.extract %slice3A_385[0] : f32 from vector<1xf32>
      %mul3A_387 = vector.broadcast %squeeze3A_386 : f32 to vector<16xf32>
      %mul3A_388 = arith.mulf %gather3A_384, %mul3A_387 : vector<16xf32>
      tpu.vector_store_idx %arg15[%broadcast_in_dim3A_383, %iota3A], %mul3A_388 : memref<640x16xf32, #tpu.memory_space<vmem>>[vector<16xi32>, vector<16xi32>], vector<16xf32>,
      %mul3A_389 = arith.constant 16 : i32
      %mul3A_390 = arith.muli %scan3A_296, %mul3A_389 : i32
      %add3A_391 = arith.constant 5 : i32
      %add3A_392 = arith.addi %mul3A_390, %add3A_391 : i32
      %broadcast_in_dim3A_393 = vector.broadcast %add3A_392 : i32 to vector<16xi32>
      %gather3A_394 = tpu.vector_load_idx %arg14[%broadcast_in_dim3A_393, %iota3A] : memref<640x16xf32, #tpu.memory_space<vmem>>[vector<16xi32>, vector<16xi32>], vector<16xf32>,
      %slice3A_395 = vector.extract_strided_slice %mul3A_339 {offsets = [5], sizes = [1], strides = [1]} : vector<16xf32> to vector<1xf32>
      %squeeze3A_396 = vector.extract %slice3A_395[0] : f32 from vector<1xf32>
      %mul3A_397 = vector.broadcast %squeeze3A_396 : f32 to vector<16xf32>
      %mul3A_398 = arith.mulf %gather3A_394, %mul3A_397 : vector<16xf32>
      tpu.vector_store_idx %arg15[%broadcast_in_dim3A_393, %iota3A], %mul3A_398 : memref<640x16xf32, #tpu.memory_space<vmem>>[vector<16xi32>, vector<16xi32>], vector<16xf32>,
      %mul3A_399 = arith.constant 16 : i32
      %mul3A_400 = arith.muli %scan3A_296, %mul3A_399 : i32
      %add3A_401 = arith.constant 6 : i32
      %add3A_402 = arith.addi %mul3A_400, %add3A_401 : i32
      %broadcast_in_dim3A_403 = vector.broadcast %add3A_402 : i32 to vector<16xi32>
      %gather3A_404 = tpu.vector_load_idx %arg14[%broadcast_in_dim3A_403, %iota3A] : memref<640x16xf32, #tpu.memory_space<vmem>>[vector<16xi32>, vector<16xi32>], vector<16xf32>,
      %slice3A_405 = vector.extract_strided_slice %mul3A_339 {offsets = [6], sizes = [1], strides = [1]} : vector<16xf32> to vector<1xf32>
      %squeeze3A_406 = vector.extract %slice3A_405[0] : f32 from vector<1xf32>
      %mul3A_407 = vector.broadcast %squeeze3A_406 : f32 to vector<16xf32>
      %mul3A_408 = arith.mulf %gather3A_404, %mul3A_407 : vector<16xf32>
      tpu.vector_store_idx %arg15[%broadcast_in_dim3A_403, %iota3A], %mul3A_408 : memref<640x16xf32, #tpu.memory_space<vmem>>[vector<16xi32>, vector<16xi32>], vector<16xf32>,
      %mul3A_409 = arith.constant 16 : i32
      %mul3A_410 = arith.muli %scan3A_296, %mul3A_409 : i32
      %add3A_411 = arith.constant 7 : i32
      %add3A_412 = arith.addi %mul3A_410, %add3A_411 : i32
      %broadcast_in_dim3A_413 = vector.broadcast %add3A_412 : i32 to vector<16xi32>
      %gather3A_414 = tpu.vector_load_idx %arg14[%broadcast_in_dim3A_413, %iota3A] : memref<640x16xf32, #tpu.memory_space<vmem>>[vector<16xi32>, vector<16xi32>], vector<16xf32>,
      %slice3A_415 = vector.extract_strided_slice %mul3A_339 {offsets = [7], sizes = [1], strides = [1]} : vector<16xf32> to vector<1xf32>
      %squeeze3A_416 = vector.extract %slice3A_415[0] : f32 from vector<1xf32>
      %mul3A_417 = vector.broadcast %squeeze3A_416 : f32 to vector<16xf32>
      %mul3A_418 = arith.mulf %gather3A_414, %mul3A_417 : vector<16xf32>
      tpu.vector_store_idx %arg15[%broadcast_in_dim3A_413, %iota3A], %mul3A_418 : memref<640x16xf32, #tpu.memory_space<vmem>>[vector<16xi32>, vector<16xi32>], vector<16xf32>,
      %mul3A_419 = arith.constant 16 : i32
      %mul3A_420 = arith.muli %scan3A_296, %mul3A_419 : i32
      %add3A_421 = arith.constant 8 : i32
      %add3A_422 = arith.addi %mul3A_420, %add3A_421 : i32
      %broadcast_in_dim3A_423 = vector.broadcast %add3A_422 : i32 to vector<16xi32>
      %gather3A_424 = tpu.vector_load_idx %arg14[%broadcast_in_dim3A_423, %iota3A] : memref<640x16xf32, #tpu.memory_space<vmem>>[vector<16xi32>, vector<16xi32>], vector<16xf32>,
      %slice3A_425 = vector.extract_strided_slice %mul3A_339 {offsets = [8], sizes = [1], strides = [1]} : vector<16xf32> to vector<1xf32>
      %squeeze3A_426 = vector.extract %slice3A_425[0] : f32 from vector<1xf32>
      %mul3A_427 = vector.broadcast %squeeze3A_426 : f32 to vector<16xf32>
      %mul3A_428 = arith.mulf %gather3A_424, %mul3A_427 : vector<16xf32>
      tpu.vector_store_idx %arg15[%broadcast_in_dim3A_423, %iota3A], %mul3A_428 : memref<640x16xf32, #tpu.memory_space<vmem>>[vector<16xi32>, vector<16xi32>], vector<16xf32>,
      %mul3A_429 = arith.constant 16 : i32
      %mul3A_430 = arith.muli %scan3A_296, %mul3A_429 : i32
      %add3A_431 = arith.constant 9 : i32
      %add3A_432 = arith.addi %mul3A_430, %add3A_431 : i32
      %broadcast_in_dim3A_433 = vector.broadcast %add3A_432 : i32 to vector<16xi32>
      %gather3A_434 = tpu.vector_load_idx %arg14[%broadcast_in_dim3A_433, %iota3A] : memref<640x16xf32, #tpu.memory_space<vmem>>[vector<16xi32>, vector<16xi32>], vector<16xf32>,
      %slice3A_435 = vector.extract_strided_slice %mul3A_339 {offsets = [9], sizes = [1], strides = [1]} : vector<16xf32> to vector<1xf32>
      %squeeze3A_436 = vector.extract %slice3A_435[0] : f32 from vector<1xf32>
      %mul3A_437 = vector.broadcast %squeeze3A_436 : f32 to vector<16xf32>
      %mul3A_438 = arith.mulf %gather3A_434, %mul3A_437 : vector<16xf32>
      tpu.vector_store_idx %arg15[%broadcast_in_dim3A_433, %iota3A], %mul3A_438 : memref<640x16xf32, #tpu.memory_space<vmem>>[vector<16xi32>, vector<16xi32>], vector<16xf32>,
      %mul3A_439 = arith.constant 16 : i32
      %mul3A_440 = arith.muli %scan3A_296, %mul3A_439 : i32
      %add3A_441 = arith.constant 10 : i32
      %add3A_442 = arith.addi %mul3A_440, %add3A_441 : i32
      %broadcast_in_dim3A_443 = vector.broadcast %add3A_442 : i32 to vector<16xi32>
      %gather3A_444 = tpu.vector_load_idx %arg14[%broadcast_in_dim3A_443, %iota3A] : memref<640x16xf32, #tpu.memory_space<vmem>>[vector<16xi32>, vector<16xi32>], vector<16xf32>,
      %slice3A_445 = vector.extract_strided_slice %mul3A_339 {offsets = [10], sizes = [1], strides = [1]} : vector<16xf32> to vector<1xf32>
      %squeeze3A_446 = vector.extract %slice3A_445[0] : f32 from vector<1xf32>
      %mul3A_447 = vector.broadcast %squeeze3A_446 : f32 to vector<16xf32>
      %mul3A_448 = arith.mulf %gather3A_444, %mul3A_447 : vector<16xf32>
      tpu.vector_store_idx %arg15[%broadcast_in_dim3A_443, %iota3A], %mul3A_448 : memref<640x16xf32, #tpu.memory_space<vmem>>[vector<16xi32>, vector<16xi32>], vector<16xf32>,
      %mul3A_449 = arith.constant 16 : i32
      %mul3A_450 = arith.muli %scan3A_296, %mul3A_449 : i32
      %add3A_451 = arith.constant 11 : i32
      %add3A_452 = arith.addi %mul3A_450, %add3A_451 : i32
      %broadcast_in_dim3A_453 = vector.broadcast %add3A_452 : i32 to vector<16xi32>
      %gather3A_454 = tpu.vector_load_idx %arg14[%broadcast_in_dim3A_453, %iota3A] : memref<640x16xf32, #tpu.memory_space<vmem>>[vector<16xi32>, vector<16xi32>], vector<16xf32>,
      %slice3A_455 = vector.extract_strided_slice %mul3A_339 {offsets = [11], sizes = [1], strides = [1]} : vector<16xf32> to vector<1xf32>
      %squeeze3A_456 = vector.extract %slice3A_455[0] : f32 from vector<1xf32>
      %mul3A_457 = vector.broadcast %squeeze3A_456 : f32 to vector<16xf32>
      %mul3A_458 = arith.mulf %gather3A_454, %mul3A_457 : vector<16xf32>
      tpu.vector_store_idx %arg15[%broadcast_in_dim3A_453, %iota3A], %mul3A_458 : memref<640x16xf32, #tpu.memory_space<vmem>>[vector<16xi32>, vector<16xi32>], vector<16xf32>,
      %mul3A_459 = arith.constant 16 : i32
      %mul3A_460 = arith.muli %scan3A_296, %mul3A_459 : i32
      %add3A_461 = arith.constant 12 : i32
      %add3A_462 = arith.addi %mul3A_460, %add3A_461 : i32
      %broadcast_in_dim3A_463 = vector.broadcast %add3A_462 : i32 to vector<16xi32>
      %gather3A_464 = tpu.vector_load_idx %arg14[%broadcast_in_dim3A_463, %iota3A] : memref<640x16xf32, #tpu.memory_space<vmem>>[vector<16xi32>, vector<16xi32>], vector<16xf32>,
      %slice3A_465 = vector.extract_strided_slice %mul3A_339 {offsets = [12], sizes = [1], strides = [1]} : vector<16xf32> to vector<1xf32>
      %squeeze3A_466 = vector.extract %slice3A_465[0] : f32 from vector<1xf32>
      %mul3A_467 = vector.broadcast %squeeze3A_466 : f32 to vector<16xf32>
      %mul3A_468 = arith.mulf %gather3A_464, %mul3A_467 : vector<16xf32>
      tpu.vector_store_idx %arg15[%broadcast_in_dim3A_463, %iota3A], %mul3A_468 : memref<640x16xf32, #tpu.memory_space<vmem>>[vector<16xi32>, vector<16xi32>], vector<16xf32>,
      %mul3A_469 = arith.constant 16 : i32
      %mul3A_470 = arith.muli %scan3A_296, %mul3A_469 : i32
      %add3A_471 = arith.constant 13 : i32
      %add3A_472 = arith.addi %mul3A_470, %add3A_471 : i32
      %broadcast_in_dim3A_473 = vector.broadcast %add3A_472 : i32 to vector<16xi32>
      %gather3A_474 = tpu.vector_load_idx %arg14[%broadcast_in_dim3A_473, %iota3A] : memref<640x16xf32, #tpu.memory_space<vmem>>[vector<16xi32>, vector<16xi32>], vector<16xf32>,
      %slice3A_475 = vector.extract_strided_slice %mul3A_339 {offsets = [13], sizes = [1], strides = [1]} : vector<16xf32> to vector<1xf32>
      %squeeze3A_476 = vector.extract %slice3A_475[0] : f32 from vector<1xf32>
      %mul3A_477 = vector.broadcast %squeeze3A_476 : f32 to vector<16xf32>
      %mul3A_478 = arith.mulf %gather3A_474, %mul3A_477 : vector<16xf32>
      tpu.vector_store_idx %arg15[%broadcast_in_dim3A_473, %iota3A], %mul3A_478 : memref<640x16xf32, #tpu.memory_space<vmem>>[vector<16xi32>, vector<16xi32>], vector<16xf32>,
      %mul3A_479 = arith.constant 16 : i32
      %mul3A_480 = arith.muli %scan3A_296, %mul3A_479 : i32
      %add3A_481 = arith.constant 14 : i32
      %add3A_482 = arith.addi %mul3A_480, %add3A_481 : i32
      %broadcast_in_dim3A_483 = vector.broadcast %add3A_482 : i32 to vector<16xi32>
      %gather3A_484 = tpu.vector_load_idx %arg14[%broadcast_in_dim3A_483, %iota3A] : memref<640x16xf32, #tpu.memory_space<vmem>>[vector<16xi32>, vector<16xi32>], vector<16xf32>,
      %slice3A_485 = vector.extract_strided_slice %mul3A_339 {offsets = [14], sizes = [1], strides = [1]} : vector<16xf32> to vector<1xf32>
      %squeeze3A_486 = vector.extract %slice3A_485[0] : f32 from vector<1xf32>
      %mul3A_487 = vector.broadcast %squeeze3A_486 : f32 to vector<16xf32>
      %mul3A_488 = arith.mulf %gather3A_484, %mul3A_487 : vector<16xf32>
      tpu.vector_store_idx %arg15[%broadcast_in_dim3A_483, %iota3A], %mul3A_488 : memref<640x16xf32, #tpu.memory_space<vmem>>[vector<16xi32>, vector<16xi32>], vector<16xf32>,
      %mul3A_489 = arith.constant 16 : i32
      %mul3A_490 = arith.muli %scan3A_296, %mul3A_489 : i32
      %add3A_491 = arith.constant 15 : i32
      %add3A_492 = arith.addi %mul3A_490, %add3A_491 : i32
      %broadcast_in_dim3A_493 = vector.broadcast %add3A_492 : i32 to vector<16xi32>
      %gather3A_494 = tpu.vector_load_idx %arg14[%broadcast_in_dim3A_493, %iota3A] : memref<640x16xf32, #tpu.memory_space<vmem>>[vector<16xi32>, vector<16xi32>], vector<16xf32>,
      %slice3A_495 = vector.extract_strided_slice %mul3A_339 {offsets = [15], sizes = [1], strides = [1]} : vector<16xf32> to vector<1xf32>
      %squeeze3A_496 = vector.extract %slice3A_495[0] : f32 from vector<1xf32>
      %mul3A_497 = vector.broadcast %squeeze3A_496 : f32 to vector<16xf32>
      %mul3A_498 = arith.mulf %gather3A_494, %mul3A_497 : vector<16xf32>
      tpu.vector_store_idx %arg15[%broadcast_in_dim3A_493, %iota3A], %mul3A_498 : memref<640x16xf32, #tpu.memory_space<vmem>>[vector<16xi32>, vector<16xi32>], vector<16xf32>,
    }
    %scan3A_14 = arith.constant 40 : i32
    "tpu.region"() ({
      %run_scoped3A_296 = tpu.sem_alloc : memref<!tpu.dma_semaphore, #tpu.memory_space<semaphore_mem>>
      %dma_start3A_297 = arith.constant 0 : i32
      %dma_start3A_298 = tpu.memref_slice %arg19[%mul3A_2, %dma_start3A_297] : memref<10240x16xf32, #tpu.memory_space<vmem_shared>> -> memref<640x16xf32, #tpu.memory_space<vmem_shared>>
      %dma_start3A_299 = arith.constant 0 : i32
      %dma_start3A_300 = tpu.memref_slice %arg19[%mul3A_2, %dma_start3A_299] : memref<10240x16xf32, #tpu.memory_space<vmem_shared>> -> memref<640x16xf32, #tpu.memory_space<vmem_shared>>
      tpu.enqueue_dma source(%arg15 : memref<640x16xf32, #tpu.memory_space<vmem>>) target(%dma_start3A_300 : memref<640x16xf32, #tpu.memory_space<vmem_shared>>) target_semaphore(%run_scoped3A_296 : memref<!tpu.dma_semaphore, #tpu.memory_space<semaphore_mem>>)
      %dma_wait3A_301 = arith.constant 0 : i32
      %dma_wait3A_302 = tpu.memref_slice %arg19[%mul3A_2, %dma_wait3A_301] : memref<10240x16xf32, #tpu.memory_space<vmem_shared>> -> memref<640x16xf32, #tpu.memory_space<vmem_shared>>
      %dma_wait3A_303 = arith.constant 0 : i32
      %dma_wait3A_304 = tpu.memref_slice %arg19[%mul3A_2, %dma_wait3A_303] : memref<10240x16xf32, #tpu.memory_space<vmem_shared>> -> memref<640x16xf32, #tpu.memory_space<vmem_shared>>
      tpu.wait_dma2 semaphore(%run_scoped3A_296 : memref<!tpu.dma_semaphore, #tpu.memory_space<semaphore_mem>>) src(%arg15 : memref<640x16xf32, #tpu.memory_space<vmem>>) dst(%dma_wait3A_304 : memref<640x16xf32, #tpu.memory_space<vmem_shared>>)
      tpu.yield
    }) : () -> ()
    "tpu.region"() ({
      %run_scoped3A_296 = tpu.sem_alloc : memref<!tpu.dma_semaphore, #tpu.memory_space<semaphore_mem>>
      %dma_start3A_297 = arith.constant 0 : i32
      %dma_start3A_298 = tpu.memref_slice %arg20[%mul3A_2, %dma_start3A_297] : memref<10240x16xf32, #tpu.memory_space<vmem_shared>> -> memref<640x16xf32, #tpu.memory_space<vmem_shared>>
      %dma_start3A_299 = arith.constant 0 : i32
      %dma_start3A_300 = tpu.memref_slice %arg20[%mul3A_2, %dma_start3A_299] : memref<10240x16xf32, #tpu.memory_space<vmem_shared>> -> memref<640x16xf32, #tpu.memory_space<vmem_shared>>
      tpu.enqueue_dma source(%arg15 : memref<640x16xf32, #tpu.memory_space<vmem>>) target(%dma_start3A_300 : memref<640x16xf32, #tpu.memory_space<vmem_shared>>) target_semaphore(%run_scoped3A_296 : memref<!tpu.dma_semaphore, #tpu.memory_space<semaphore_mem>>)
      %dma_wait3A_301 = arith.constant 0 : i32
      %dma_wait3A_302 = tpu.memref_slice %arg20[%mul3A_2, %dma_wait3A_301] : memref<10240x16xf32, #tpu.memory_space<vmem_shared>> -> memref<640x16xf32, #tpu.memory_space<vmem_shared>>
      %dma_wait3A_303 = arith.constant 0 : i32
      %dma_wait3A_304 = tpu.memref_slice %arg20[%mul3A_2, %dma_wait3A_303] : memref<10240x16xf32, #tpu.memory_space<vmem_shared>> -> memref<640x16xf32, #tpu.memory_space<vmem_shared>>
      tpu.wait_dma2 semaphore(%run_scoped3A_296 : memref<!tpu.dma_semaphore, #tpu.memory_space<semaphore_mem>>) src(%arg15 : memref<640x16xf32, #tpu.memory_space<vmem>>) dst(%dma_wait3A_304 : memref<640x16xf32, #tpu.memory_space<vmem_shared>>)
      tpu.yield
    }) : () -> ()
    %eq3A = arith.constant 0 : i32
    %eq3A_15 = arith.cmpi eq, %arg0, %eq3A : i32
    %convert_element_type3A = arith.extui %eq3A_15 : i1 to i32
    %cond3A = arith.constant 0 : i32
    %cond3A_16 = arith.cmpi ne, %convert_element_type3A, %cond3A : i32
    scf.if %cond3A_16 {
      "tpu.region"() ({
        %run_scoped3A_296 = tpu.sem_alloc : memref<!tpu.dma_semaphore, #tpu.memory_space<semaphore_mem>>
        %dma_start3A_297 = arith.constant 0 : i32
        %dma_start3A_298 = tpu.memref_slice %arg6[%mul3A_2, %dma_start3A_297] : memref<10240x16xf32, #tpu.memory_space<hbm>> -> memref<640x16xf32, #tpu.memory_space<hbm>>
        %dma_start3A_299 = arith.constant 0 : i32
        %dma_start3A_300 = tpu.memref_slice %arg6[%mul3A_2, %dma_start3A_299] : memref<10240x16xf32, #tpu.memory_space<hbm>> -> memref<640x16xf32, #tpu.memory_space<hbm>>
        tpu.enqueue_dma source(%arg15 : memref<640x16xf32, #tpu.memory_space<vmem>>) target(%dma_start3A_300 : memref<640x16xf32, #tpu.memory_space<hbm>>) target_semaphore(%run_scoped3A_296 : memref<!tpu.dma_semaphore, #tpu.memory_space<semaphore_mem>>)
        %dma_wait3A_301 = arith.constant 0 : i32
        %dma_wait3A_302 = tpu.memref_slice %arg6[%mul3A_2, %dma_wait3A_301] : memref<10240x16xf32, #tpu.memory_space<hbm>> -> memref<640x16xf32, #tpu.memory_space<hbm>>
        %dma_wait3A_303 = arith.constant 0 : i32
        %dma_wait3A_304 = tpu.memref_slice %arg6[%mul3A_2, %dma_wait3A_303] : memref<10240x16xf32, #tpu.memory_space<hbm>> -> memref<640x16xf32, #tpu.memory_space<hbm>>
        tpu.wait_dma2 semaphore(%run_scoped3A_296 : memref<!tpu.dma_semaphore, #tpu.memory_space<semaphore_mem>>) src(%arg15 : memref<640x16xf32, #tpu.memory_space<vmem>>) dst(%dma_wait3A_304 : memref<640x16xf32, #tpu.memory_space<hbm>>)
        tpu.yield
      }) : () -> ()
      "tpu.region"() ({
        %run_scoped3A_296 = tpu.sem_alloc : memref<!tpu.dma_semaphore, #tpu.memory_space<semaphore_mem>>
        %dma_start3A_297 = tpu.memref_slice %arg7[%mul3A_2] : memref<10240xf32, #tpu.memory_space<hbm>> -> memref<640xf32, #tpu.memory_space<hbm>>
        %dma_start3A_298 = tpu.memref_slice %arg7[%mul3A_2] : memref<10240xf32, #tpu.memory_space<hbm>> -> memref<640xf32, #tpu.memory_space<hbm>>
        tpu.enqueue_dma source(%arg18 : memref<640xf32, #tpu.memory_space<vmem>>) target(%dma_start3A_298 : memref<640xf32, #tpu.memory_space<hbm>>) target_semaphore(%run_scoped3A_296 : memref<!tpu.dma_semaphore, #tpu.memory_space<semaphore_mem>>)
        %dma_wait3A_299 = tpu.memref_slice %arg7[%mul3A_2] : memref<10240xf32, #tpu.memory_space<hbm>> -> memref<640xf32, #tpu.memory_space<hbm>>
        %dma_wait3A_300 = tpu.memref_slice %arg7[%mul3A_2] : memref<10240xf32, #tpu.memory_space<hbm>> -> memref<640xf32, #tpu.memory_space<hbm>>
        tpu.wait_dma2 semaphore(%run_scoped3A_296 : memref<!tpu.dma_semaphore, #tpu.memory_space<semaphore_mem>>) src(%arg18 : memref<640xf32, #tpu.memory_space<vmem>>) dst(%dma_wait3A_300 : memref<640xf32, #tpu.memory_space<hbm>>)
        tpu.yield
      }) : () -> ()
    } else {
    }
    %barrier3A = arith.constant 0 : index
    tpu.barrier barrier_id(%barrier3A)
    %dma_start3A = arith.constant 0 : i32
    %dma_start3A_17 = arith.constant 0 : i32
    %dma_start3A_18 = tpu.memref_slice %arg8[%dma_start3A, %dma_start3A_17] : memref<10x1024xi32, #tpu.memory_space<vmem>> -> memref<1x1024xi32, #tpu.memory_space<vmem>>
    %dma_start3A_19 = tpu.memref_squeeze %dma_start3A_18 : memref<1x1024xi32, #tpu.memory_space<vmem>> -> memref<1024xi32, #tpu.memory_space<vmem>>
    %dma_start3A_20 = arith.constant 0 : i32
    %dma_start3A_21 = arith.constant 0 : i32
    %dma_start3A_22 = tpu.memref_slice %arg19[%dma_start3A_20, %dma_start3A_21] : memref<10240x16xf32, #tpu.memory_space<vmem_shared>> -> memref<10240x16xf32, #tpu.memory_space<vmem_shared>>
    tpu.enqueue_indirect_dma source(%dma_start3A_22 : memref<10240x16xf32, #tpu.memory_space<vmem_shared>>) target(%arg10 : memref<1024x16xf32, #tpu.memory_space<vmem>>) offsets(%dma_start3A_19 : memref<1024xi32, #tpu.memory_space<vmem>>) semaphore(%arg21 : memref<!tpu.dma_semaphore, #tpu.memory_space<semaphore_mem>>)
    %dma_start3A_23 = arith.constant 1 : i32
    %dma_start3A_24 = arith.constant 0 : i32
    %dma_start3A_25 = tpu.memref_slice %arg8[%dma_start3A_23, %dma_start3A_24] : memref<10x1024xi32, #tpu.memory_space<vmem>> -> memref<1x1024xi32, #tpu.memory_space<vmem>>
    %dma_start3A_26 = tpu.memref_squeeze %dma_start3A_25 : memref<1x1024xi32, #tpu.memory_space<vmem>> -> memref<1024xi32, #tpu.memory_space<vmem>>
    %dma_start3A_27 = arith.constant 0 : i32
    %dma_start3A_28 = arith.constant 0 : i32
    %dma_start3A_29 = tpu.memref_slice %arg19[%dma_start3A_27, %dma_start3A_28] : memref<10240x16xf32, #tpu.memory_space<vmem_shared>> -> memref<10240x16xf32, #tpu.memory_space<vmem_shared>>
    tpu.enqueue_indirect_dma source(%dma_start3A_29 : memref<10240x16xf32, #tpu.memory_space<vmem_shared>>) target(%arg11 : memref<1024x16xf32, #tpu.memory_space<vmem>>) offsets(%dma_start3A_26 : memref<1024xi32, #tpu.memory_space<vmem>>) semaphore(%arg22 : memref<!tpu.dma_semaphore, #tpu.memory_space<semaphore_mem>>)
    %dma_wait3A = arith.constant 0 : i32
    %dma_wait3A_30 = arith.constant 0 : i32
    %dma_wait3A_31 = tpu.memref_slice %arg8[%dma_wait3A, %dma_wait3A_30] : memref<10x1024xi32, #tpu.memory_space<vmem>> -> memref<1x1024xi32, #tpu.memory_space<vmem>>
    %dma_wait3A_32 = tpu.memref_squeeze %dma_wait3A_31 : memref<1x1024xi32, #tpu.memory_space<vmem>> -> memref<1024xi32, #tpu.memory_space<vmem>>
    %dma_wait3A_33 = arith.constant 0 : i32
    %dma_wait3A_34 = arith.constant 0 : i32
    %dma_wait3A_35 = tpu.memref_slice %arg19[%dma_wait3A_33, %dma_wait3A_34] : memref<10240x16xf32, #tpu.memory_space<vmem_shared>> -> memref<10240x16xf32, #tpu.memory_space<vmem_shared>>
    tpu.wait_indirect_dma semaphore(%arg21 : memref<!tpu.dma_semaphore, #tpu.memory_space<semaphore_mem>>) src(%dma_wait3A_35 : memref<10240x16xf32, #tpu.memory_space<vmem_shared>>) dst(%arg10 : memref<1024x16xf32, #tpu.memory_space<vmem>>)
    %dma_start3A_36 = arith.constant 0 : i32
    %dma_start3A_37 = arith.constant 0 : i32
    %dma_start3A_38 = tpu.memref_slice %arg9[%dma_start3A_36, %dma_start3A_37] : memref<10x1024xi32, #tpu.memory_space<vmem>> -> memref<1x1024xi32, #tpu.memory_space<vmem>>
    %dma_start3A_39 = tpu.memref_squeeze %dma_start3A_38 : memref<1x1024xi32, #tpu.memory_space<vmem>> -> memref<1024xi32, #tpu.memory_space<vmem>>
    %dma_start3A_40 = arith.constant 0 : i32
    %dma_start3A_41 = arith.constant 0 : i32
    %dma_start3A_42 = tpu.memref_slice %arg20[%dma_start3A_40, %dma_start3A_41] : memref<10240x16xf32, #tpu.memory_space<vmem_shared>> -> memref<10240x16xf32, #tpu.memory_space<vmem_shared>>
    tpu.enqueue_indirect_dma source(%arg10 : memref<1024x16xf32, #tpu.memory_space<vmem>>) target(%dma_start3A_42 : memref<10240x16xf32, #tpu.memory_space<vmem_shared>>) offsets(%dma_start3A_39 : memref<1024xi32, #tpu.memory_space<vmem>>) semaphore(%arg25 : memref<!tpu.dma_semaphore, #tpu.memory_space<semaphore_mem>>) {add = true}
    %dma_start3A_43 = arith.constant 2 : i32
    %dma_start3A_44 = arith.constant 0 : i32
    %dma_start3A_45 = tpu.memref_slice %arg8[%dma_start3A_43, %dma_start3A_44] : memref<10x1024xi32, #tpu.memory_space<vmem>> -> memref<1x1024xi32, #tpu.memory_space<vmem>>
    %dma_start3A_46 = tpu.memref_squeeze %dma_start3A_45 : memref<1x1024xi32, #tpu.memory_space<vmem>> -> memref<1024xi32, #tpu.memory_space<vmem>>
    %dma_start3A_47 = arith.constant 0 : i32
    %dma_start3A_48 = arith.constant 0 : i32
    %dma_start3A_49 = tpu.memref_slice %arg19[%dma_start3A_47, %dma_start3A_48] : memref<10240x16xf32, #tpu.memory_space<vmem_shared>> -> memref<10240x16xf32, #tpu.memory_space<vmem_shared>>
    tpu.enqueue_indirect_dma source(%dma_start3A_49 : memref<10240x16xf32, #tpu.memory_space<vmem_shared>>) target(%arg12 : memref<1024x16xf32, #tpu.memory_space<vmem>>) offsets(%dma_start3A_46 : memref<1024xi32, #tpu.memory_space<vmem>>) semaphore(%arg23 : memref<!tpu.dma_semaphore, #tpu.memory_space<semaphore_mem>>)
    %dma_wait3A_50 = arith.constant 1 : i32
    %dma_wait3A_51 = arith.constant 0 : i32
    %dma_wait3A_52 = tpu.memref_slice %arg8[%dma_wait3A_50, %dma_wait3A_51] : memref<10x1024xi32, #tpu.memory_space<vmem>> -> memref<1x1024xi32, #tpu.memory_space<vmem>>
    %dma_wait3A_53 = tpu.memref_squeeze %dma_wait3A_52 : memref<1x1024xi32, #tpu.memory_space<vmem>> -> memref<1024xi32, #tpu.memory_space<vmem>>
    %dma_wait3A_54 = arith.constant 0 : i32
    %dma_wait3A_55 = arith.constant 0 : i32
    %dma_wait3A_56 = tpu.memref_slice %arg19[%dma_wait3A_54, %dma_wait3A_55] : memref<10240x16xf32, #tpu.memory_space<vmem_shared>> -> memref<10240x16xf32, #tpu.memory_space<vmem_shared>>
    tpu.wait_indirect_dma semaphore(%arg22 : memref<!tpu.dma_semaphore, #tpu.memory_space<semaphore_mem>>) src(%dma_wait3A_56 : memref<10240x16xf32, #tpu.memory_space<vmem_shared>>) dst(%arg11 : memref<1024x16xf32, #tpu.memory_space<vmem>>)
    %dma_start3A_57 = arith.constant 1 : i32
    %dma_start3A_58 = arith.constant 0 : i32
    %dma_start3A_59 = tpu.memref_slice %arg9[%dma_start3A_57, %dma_start3A_58] : memref<10x1024xi32, #tpu.memory_space<vmem>> -> memref<1x1024xi32, #tpu.memory_space<vmem>>
    %dma_start3A_60 = tpu.memref_squeeze %dma_start3A_59 : memref<1x1024xi32, #tpu.memory_space<vmem>> -> memref<1024xi32, #tpu.memory_space<vmem>>
    %dma_start3A_61 = arith.constant 0 : i32
    %dma_start3A_62 = arith.constant 0 : i32
    %dma_start3A_63 = tpu.memref_slice %arg20[%dma_start3A_61, %dma_start3A_62] : memref<10240x16xf32, #tpu.memory_space<vmem_shared>> -> memref<10240x16xf32, #tpu.memory_space<vmem_shared>>
    tpu.enqueue_indirect_dma source(%arg11 : memref<1024x16xf32, #tpu.memory_space<vmem>>) target(%dma_start3A_63 : memref<10240x16xf32, #tpu.memory_space<vmem_shared>>) offsets(%dma_start3A_60 : memref<1024xi32, #tpu.memory_space<vmem>>) semaphore(%arg26 : memref<!tpu.dma_semaphore, #tpu.memory_space<semaphore_mem>>) {add = true}
    %dma_start3A_64 = arith.constant 3 : i32
    %dma_start3A_65 = arith.constant 0 : i32
    %dma_start3A_66 = tpu.memref_slice %arg8[%dma_start3A_64, %dma_start3A_65] : memref<10x1024xi32, #tpu.memory_space<vmem>> -> memref<1x1024xi32, #tpu.memory_space<vmem>>
    %dma_start3A_67 = tpu.memref_squeeze %dma_start3A_66 : memref<1x1024xi32, #tpu.memory_space<vmem>> -> memref<1024xi32, #tpu.memory_space<vmem>>
    %dma_start3A_68 = arith.constant 0 : i32
    %dma_start3A_69 = arith.constant 0 : i32
    %dma_start3A_70 = tpu.memref_slice %arg19[%dma_start3A_68, %dma_start3A_69] : memref<10240x16xf32, #tpu.memory_space<vmem_shared>> -> memref<10240x16xf32, #tpu.memory_space<vmem_shared>>
    tpu.enqueue_indirect_dma source(%dma_start3A_70 : memref<10240x16xf32, #tpu.memory_space<vmem_shared>>) target(%arg13 : memref<1024x16xf32, #tpu.memory_space<vmem>>) offsets(%dma_start3A_67 : memref<1024xi32, #tpu.memory_space<vmem>>) semaphore(%arg24 : memref<!tpu.dma_semaphore, #tpu.memory_space<semaphore_mem>>)
    %dma_wait3A_71 = arith.constant 2 : i32
    %dma_wait3A_72 = arith.constant 0 : i32
    %dma_wait3A_73 = tpu.memref_slice %arg8[%dma_wait3A_71, %dma_wait3A_72] : memref<10x1024xi32, #tpu.memory_space<vmem>> -> memref<1x1024xi32, #tpu.memory_space<vmem>>
    %dma_wait3A_74 = tpu.memref_squeeze %dma_wait3A_73 : memref<1x1024xi32, #tpu.memory_space<vmem>> -> memref<1024xi32, #tpu.memory_space<vmem>>
    %dma_wait3A_75 = arith.constant 0 : i32
    %dma_wait3A_76 = arith.constant 0 : i32
    %dma_wait3A_77 = tpu.memref_slice %arg19[%dma_wait3A_75, %dma_wait3A_76] : memref<10240x16xf32, #tpu.memory_space<vmem_shared>> -> memref<10240x16xf32, #tpu.memory_space<vmem_shared>>
    tpu.wait_indirect_dma semaphore(%arg23 : memref<!tpu.dma_semaphore, #tpu.memory_space<semaphore_mem>>) src(%dma_wait3A_77 : memref<10240x16xf32, #tpu.memory_space<vmem_shared>>) dst(%arg12 : memref<1024x16xf32, #tpu.memory_space<vmem>>)
    %dma_start3A_78 = arith.constant 2 : i32
    %dma_start3A_79 = arith.constant 0 : i32
    %dma_start3A_80 = tpu.memref_slice %arg9[%dma_start3A_78, %dma_start3A_79] : memref<10x1024xi32, #tpu.memory_space<vmem>> -> memref<1x1024xi32, #tpu.memory_space<vmem>>
    %dma_start3A_81 = tpu.memref_squeeze %dma_start3A_80 : memref<1x1024xi32, #tpu.memory_space<vmem>> -> memref<1024xi32, #tpu.memory_space<vmem>>
    %dma_start3A_82 = arith.constant 0 : i32
    %dma_start3A_83 = arith.constant 0 : i32
    %dma_start3A_84 = tpu.memref_slice %arg20[%dma_start3A_82, %dma_start3A_83] : memref<10240x16xf32, #tpu.memory_space<vmem_shared>> -> memref<10240x16xf32, #tpu.memory_space<vmem_shared>>
    tpu.enqueue_indirect_dma source(%arg12 : memref<1024x16xf32, #tpu.memory_space<vmem>>) target(%dma_start3A_84 : memref<10240x16xf32, #tpu.memory_space<vmem_shared>>) offsets(%dma_start3A_81 : memref<1024xi32, #tpu.memory_space<vmem>>) semaphore(%arg27 : memref<!tpu.dma_semaphore, #tpu.memory_space<semaphore_mem>>) {add = true}
    %dma_wait3A_85 = arith.constant 0 : i32
    %dma_wait3A_86 = arith.constant 0 : i32
    %dma_wait3A_87 = tpu.memref_slice %arg9[%dma_wait3A_85, %dma_wait3A_86] : memref<10x1024xi32, #tpu.memory_space<vmem>> -> memref<1x1024xi32, #tpu.memory_space<vmem>>
    %dma_wait3A_88 = tpu.memref_squeeze %dma_wait3A_87 : memref<1x1024xi32, #tpu.memory_space<vmem>> -> memref<1024xi32, #tpu.memory_space<vmem>>
    %dma_wait3A_89 = arith.constant 0 : i32
    %dma_wait3A_90 = arith.constant 0 : i32
    %dma_wait3A_91 = tpu.memref_slice %arg20[%dma_wait3A_89, %dma_wait3A_90] : memref<10240x16xf32, #tpu.memory_space<vmem_shared>> -> memref<10240x16xf32, #tpu.memory_space<vmem_shared>>
    tpu.wait_indirect_dma semaphore(%arg25 : memref<!tpu.dma_semaphore, #tpu.memory_space<semaphore_mem>>) src(%arg10 : memref<1024x16xf32, #tpu.memory_space<vmem>>) dst(%dma_wait3A_91 : memref<10240x16xf32, #tpu.memory_space<vmem_shared>>)
    %dma_start3A_92 = arith.constant 4 : i32
    %dma_start3A_93 = arith.constant 0 : i32
    %dma_start3A_94 = tpu.memref_slice %arg8[%dma_start3A_92, %dma_start3A_93] : memref<10x1024xi32, #tpu.memory_space<vmem>> -> memref<1x1024xi32, #tpu.memory_space<vmem>>
    %dma_start3A_95 = tpu.memref_squeeze %dma_start3A_94 : memref<1x1024xi32, #tpu.memory_space<vmem>> -> memref<1024xi32, #tpu.memory_space<vmem>>
    %dma_start3A_96 = arith.constant 0 : i32
    %dma_start3A_97 = arith.constant 0 : i32
    %dma_start3A_98 = tpu.memref_slice %arg19[%dma_start3A_96, %dma_start3A_97] : memref<10240x16xf32, #tpu.memory_space<vmem_shared>> -> memref<10240x16xf32, #tpu.memory_space<vmem_shared>>
    tpu.enqueue_indirect_dma source(%dma_start3A_98 : memref<10240x16xf32, #tpu.memory_space<vmem_shared>>) target(%arg10 : memref<1024x16xf32, #tpu.memory_space<vmem>>) offsets(%dma_start3A_95 : memref<1024xi32, #tpu.memory_space<vmem>>) semaphore(%arg21 : memref<!tpu.dma_semaphore, #tpu.memory_space<semaphore_mem>>)
    %dma_wait3A_99 = arith.constant 3 : i32
    %dma_wait3A_100 = arith.constant 0 : i32
    %dma_wait3A_101 = tpu.memref_slice %arg8[%dma_wait3A_99, %dma_wait3A_100] : memref<10x1024xi32, #tpu.memory_space<vmem>> -> memref<1x1024xi32, #tpu.memory_space<vmem>>
    %dma_wait3A_102 = tpu.memref_squeeze %dma_wait3A_101 : memref<1x1024xi32, #tpu.memory_space<vmem>> -> memref<1024xi32, #tpu.memory_space<vmem>>
    %dma_wait3A_103 = arith.constant 0 : i32
    %dma_wait3A_104 = arith.constant 0 : i32
    %dma_wait3A_105 = tpu.memref_slice %arg19[%dma_wait3A_103, %dma_wait3A_104] : memref<10240x16xf32, #tpu.memory_space<vmem_shared>> -> memref<10240x16xf32, #tpu.memory_space<vmem_shared>>
    tpu.wait_indirect_dma semaphore(%arg24 : memref<!tpu.dma_semaphore, #tpu.memory_space<semaphore_mem>>) src(%dma_wait3A_105 : memref<10240x16xf32, #tpu.memory_space<vmem_shared>>) dst(%arg13 : memref<1024x16xf32, #tpu.memory_space<vmem>>)
    %dma_start3A_106 = arith.constant 3 : i32
    %dma_start3A_107 = arith.constant 0 : i32
    %dma_start3A_108 = tpu.memref_slice %arg9[%dma_start3A_106, %dma_start3A_107] : memref<10x1024xi32, #tpu.memory_space<vmem>> -> memref<1x1024xi32, #tpu.memory_space<vmem>>
    %dma_start3A_109 = tpu.memref_squeeze %dma_start3A_108 : memref<1x1024xi32, #tpu.memory_space<vmem>> -> memref<1024xi32, #tpu.memory_space<vmem>>
    %dma_start3A_110 = arith.constant 0 : i32
    %dma_start3A_111 = arith.constant 0 : i32
    %dma_start3A_112 = tpu.memref_slice %arg20[%dma_start3A_110, %dma_start3A_111] : memref<10240x16xf32, #tpu.memory_space<vmem_shared>> -> memref<10240x16xf32, #tpu.memory_space<vmem_shared>>
    tpu.enqueue_indirect_dma source(%arg13 : memref<1024x16xf32, #tpu.memory_space<vmem>>) target(%dma_start3A_112 : memref<10240x16xf32, #tpu.memory_space<vmem_shared>>) offsets(%dma_start3A_109 : memref<1024xi32, #tpu.memory_space<vmem>>) semaphore(%arg28 : memref<!tpu.dma_semaphore, #tpu.memory_space<semaphore_mem>>) {add = true}
    %dma_wait3A_113 = arith.constant 1 : i32
    %dma_wait3A_114 = arith.constant 0 : i32
    %dma_wait3A_115 = tpu.memref_slice %arg9[%dma_wait3A_113, %dma_wait3A_114] : memref<10x1024xi32, #tpu.memory_space<vmem>> -> memref<1x1024xi32, #tpu.memory_space<vmem>>
    %dma_wait3A_116 = tpu.memref_squeeze %dma_wait3A_115 : memref<1x1024xi32, #tpu.memory_space<vmem>> -> memref<1024xi32, #tpu.memory_space<vmem>>
    %dma_wait3A_117 = arith.constant 0 : i32
    %dma_wait3A_118 = arith.constant 0 : i32
    %dma_wait3A_119 = tpu.memref_slice %arg20[%dma_wait3A_117, %dma_wait3A_118] : memref<10240x16xf32, #tpu.memory_space<vmem_shared>> -> memref<10240x16xf32, #tpu.memory_space<vmem_shared>>
    tpu.wait_indirect_dma semaphore(%arg26 : memref<!tpu.dma_semaphore, #tpu.memory_space<semaphore_mem>>) src(%arg11 : memref<1024x16xf32, #tpu.memory_space<vmem>>) dst(%dma_wait3A_119 : memref<10240x16xf32, #tpu.memory_space<vmem_shared>>)
    %dma_start3A_120 = arith.constant 5 : i32
    %dma_start3A_121 = arith.constant 0 : i32
    %dma_start3A_122 = tpu.memref_slice %arg8[%dma_start3A_120, %dma_start3A_121] : memref<10x1024xi32, #tpu.memory_space<vmem>> -> memref<1x1024xi32, #tpu.memory_space<vmem>>
    %dma_start3A_123 = tpu.memref_squeeze %dma_start3A_122 : memref<1x1024xi32, #tpu.memory_space<vmem>> -> memref<1024xi32, #tpu.memory_space<vmem>>
    %dma_start3A_124 = arith.constant 0 : i32
    %dma_start3A_125 = arith.constant 0 : i32
    %dma_start3A_126 = tpu.memref_slice %arg19[%dma_start3A_124, %dma_start3A_125] : memref<10240x16xf32, #tpu.memory_space<vmem_shared>> -> memref<10240x16xf32, #tpu.memory_space<vmem_shared>>
    tpu.enqueue_indirect_dma source(%dma_start3A_126 : memref<10240x16xf32, #tpu.memory_space<vmem_shared>>) target(%arg11 : memref<1024x16xf32, #tpu.memory_space<vmem>>) offsets(%dma_start3A_123 : memref<1024xi32, #tpu.memory_space<vmem>>) semaphore(%arg22 : memref<!tpu.dma_semaphore, #tpu.memory_space<semaphore_mem>>)
    %dma_wait3A_127 = arith.constant 4 : i32
    %dma_wait3A_128 = arith.constant 0 : i32
    %dma_wait3A_129 = tpu.memref_slice %arg8[%dma_wait3A_127, %dma_wait3A_128] : memref<10x1024xi32, #tpu.memory_space<vmem>> -> memref<1x1024xi32, #tpu.memory_space<vmem>>
    %dma_wait3A_130 = tpu.memref_squeeze %dma_wait3A_129 : memref<1x1024xi32, #tpu.memory_space<vmem>> -> memref<1024xi32, #tpu.memory_space<vmem>>
    %dma_wait3A_131 = arith.constant 0 : i32
    %dma_wait3A_132 = arith.constant 0 : i32
    %dma_wait3A_133 = tpu.memref_slice %arg19[%dma_wait3A_131, %dma_wait3A_132] : memref<10240x16xf32, #tpu.memory_space<vmem_shared>> -> memref<10240x16xf32, #tpu.memory_space<vmem_shared>>
    tpu.wait_indirect_dma semaphore(%arg21 : memref<!tpu.dma_semaphore, #tpu.memory_space<semaphore_mem>>) src(%dma_wait3A_133 : memref<10240x16xf32, #tpu.memory_space<vmem_shared>>) dst(%arg10 : memref<1024x16xf32, #tpu.memory_space<vmem>>)
    %dma_start3A_134 = arith.constant 4 : i32
    %dma_start3A_135 = arith.constant 0 : i32
    %dma_start3A_136 = tpu.memref_slice %arg9[%dma_start3A_134, %dma_start3A_135] : memref<10x1024xi32, #tpu.memory_space<vmem>> -> memref<1x1024xi32, #tpu.memory_space<vmem>>
    %dma_start3A_137 = tpu.memref_squeeze %dma_start3A_136 : memref<1x1024xi32, #tpu.memory_space<vmem>> -> memref<1024xi32, #tpu.memory_space<vmem>>
    %dma_start3A_138 = arith.constant 0 : i32
    %dma_start3A_139 = arith.constant 0 : i32
    %dma_start3A_140 = tpu.memref_slice %arg20[%dma_start3A_138, %dma_start3A_139] : memref<10240x16xf32, #tpu.memory_space<vmem_shared>> -> memref<10240x16xf32, #tpu.memory_space<vmem_shared>>
    tpu.enqueue_indirect_dma source(%arg10 : memref<1024x16xf32, #tpu.memory_space<vmem>>) target(%dma_start3A_140 : memref<10240x16xf32, #tpu.memory_space<vmem_shared>>) offsets(%dma_start3A_137 : memref<1024xi32, #tpu.memory_space<vmem>>) semaphore(%arg25 : memref<!tpu.dma_semaphore, #tpu.memory_space<semaphore_mem>>) {add = true}
    %dma_wait3A_141 = arith.constant 2 : i32
    %dma_wait3A_142 = arith.constant 0 : i32
    %dma_wait3A_143 = tpu.memref_slice %arg9[%dma_wait3A_141, %dma_wait3A_142] : memref<10x1024xi32, #tpu.memory_space<vmem>> -> memref<1x1024xi32, #tpu.memory_space<vmem>>
    %dma_wait3A_144 = tpu.memref_squeeze %dma_wait3A_143 : memref<1x1024xi32, #tpu.memory_space<vmem>> -> memref<1024xi32, #tpu.memory_space<vmem>>
    %dma_wait3A_145 = arith.constant 0 : i32
    %dma_wait3A_146 = arith.constant 0 : i32
    %dma_wait3A_147 = tpu.memref_slice %arg20[%dma_wait3A_145, %dma_wait3A_146] : memref<10240x16xf32, #tpu.memory_space<vmem_shared>> -> memref<10240x16xf32, #tpu.memory_space<vmem_shared>>
    tpu.wait_indirect_dma semaphore(%arg27 : memref<!tpu.dma_semaphore, #tpu.memory_space<semaphore_mem>>) src(%arg12 : memref<1024x16xf32, #tpu.memory_space<vmem>>) dst(%dma_wait3A_147 : memref<10240x16xf32, #tpu.memory_space<vmem_shared>>)
    %dma_start3A_148 = arith.constant 6 : i32
    %dma_start3A_149 = arith.constant 0 : i32
    %dma_start3A_150 = tpu.memref_slice %arg8[%dma_start3A_148, %dma_start3A_149] : memref<10x1024xi32, #tpu.memory_space<vmem>> -> memref<1x1024xi32, #tpu.memory_space<vmem>>
    %dma_start3A_151 = tpu.memref_squeeze %dma_start3A_150 : memref<1x1024xi32, #tpu.memory_space<vmem>> -> memref<1024xi32, #tpu.memory_space<vmem>>
    %dma_start3A_152 = arith.constant 0 : i32
    %dma_start3A_153 = arith.constant 0 : i32
    %dma_start3A_154 = tpu.memref_slice %arg19[%dma_start3A_152, %dma_start3A_153] : memref<10240x16xf32, #tpu.memory_space<vmem_shared>> -> memref<10240x16xf32, #tpu.memory_space<vmem_shared>>
    tpu.enqueue_indirect_dma source(%dma_start3A_154 : memref<10240x16xf32, #tpu.memory_space<vmem_shared>>) target(%arg12 : memref<1024x16xf32, #tpu.memory_space<vmem>>) offsets(%dma_start3A_151 : memref<1024xi32, #tpu.memory_space<vmem>>) semaphore(%arg23 : memref<!tpu.dma_semaphore, #tpu.memory_space<semaphore_mem>>)
    %dma_wait3A_155 = arith.constant 5 : i32
    %dma_wait3A_156 = arith.constant 0 : i32
    %dma_wait3A_157 = tpu.memref_slice %arg8[%dma_wait3A_155, %dma_wait3A_156] : memref<10x1024xi32, #tpu.memory_space<vmem>> -> memref<1x1024xi32, #tpu.memory_space<vmem>>
    %dma_wait3A_158 = tpu.memref_squeeze %dma_wait3A_157 : memref<1x1024xi32, #tpu.memory_space<vmem>> -> memref<1024xi32, #tpu.memory_space<vmem>>
    %dma_wait3A_159 = arith.constant 0 : i32
    %dma_wait3A_160 = arith.constant 0 : i32
    %dma_wait3A_161 = tpu.memref_slice %arg19[%dma_wait3A_159, %dma_wait3A_160] : memref<10240x16xf32, #tpu.memory_space<vmem_shared>> -> memref<10240x16xf32, #tpu.memory_space<vmem_shared>>
    tpu.wait_indirect_dma semaphore(%arg22 : memref<!tpu.dma_semaphore, #tpu.memory_space<semaphore_mem>>) src(%dma_wait3A_161 : memref<10240x16xf32, #tpu.memory_space<vmem_shared>>) dst(%arg11 : memref<1024x16xf32, #tpu.memory_space<vmem>>)
    %dma_start3A_162 = arith.constant 5 : i32
    %dma_start3A_163 = arith.constant 0 : i32
    %dma_start3A_164 = tpu.memref_slice %arg9[%dma_start3A_162, %dma_start3A_163] : memref<10x1024xi32, #tpu.memory_space<vmem>> -> memref<1x1024xi32, #tpu.memory_space<vmem>>
    %dma_start3A_165 = tpu.memref_squeeze %dma_start3A_164 : memref<1x1024xi32, #tpu.memory_space<vmem>> -> memref<1024xi32, #tpu.memory_space<vmem>>
    %dma_start3A_166 = arith.constant 0 : i32
    %dma_start3A_167 = arith.constant 0 : i32
    %dma_start3A_168 = tpu.memref_slice %arg20[%dma_start3A_166, %dma_start3A_167] : memref<10240x16xf32, #tpu.memory_space<vmem_shared>> -> memref<10240x16xf32, #tpu.memory_space<vmem_shared>>
    tpu.enqueue_indirect_dma source(%arg11 : memref<1024x16xf32, #tpu.memory_space<vmem>>) target(%dma_start3A_168 : memref<10240x16xf32, #tpu.memory_space<vmem_shared>>) offsets(%dma_start3A_165 : memref<1024xi32, #tpu.memory_space<vmem>>) semaphore(%arg26 : memref<!tpu.dma_semaphore, #tpu.memory_space<semaphore_mem>>) {add = true}
    %dma_wait3A_169 = arith.constant 3 : i32
    %dma_wait3A_170 = arith.constant 0 : i32
    %dma_wait3A_171 = tpu.memref_slice %arg9[%dma_wait3A_169, %dma_wait3A_170] : memref<10x1024xi32, #tpu.memory_space<vmem>> -> memref<1x1024xi32, #tpu.memory_space<vmem>>
    %dma_wait3A_172 = tpu.memref_squeeze %dma_wait3A_171 : memref<1x1024xi32, #tpu.memory_space<vmem>> -> memref<1024xi32, #tpu.memory_space<vmem>>
    %dma_wait3A_173 = arith.constant 0 : i32
    %dma_wait3A_174 = arith.constant 0 : i32
    %dma_wait3A_175 = tpu.memref_slice %arg20[%dma_wait3A_173, %dma_wait3A_174] : memref<10240x16xf32, #tpu.memory_space<vmem_shared>> -> memref<10240x16xf32, #tpu.memory_space<vmem_shared>>
    tpu.wait_indirect_dma semaphore(%arg28 : memref<!tpu.dma_semaphore, #tpu.memory_space<semaphore_mem>>) src(%arg13 : memref<1024x16xf32, #tpu.memory_space<vmem>>) dst(%dma_wait3A_175 : memref<10240x16xf32, #tpu.memory_space<vmem_shared>>)
    %dma_start3A_176 = arith.constant 7 : i32
    %dma_start3A_177 = arith.constant 0 : i32
    %dma_start3A_178 = tpu.memref_slice %arg8[%dma_start3A_176, %dma_start3A_177] : memref<10x1024xi32, #tpu.memory_space<vmem>> -> memref<1x1024xi32, #tpu.memory_space<vmem>>
    %dma_start3A_179 = tpu.memref_squeeze %dma_start3A_178 : memref<1x1024xi32, #tpu.memory_space<vmem>> -> memref<1024xi32, #tpu.memory_space<vmem>>
    %dma_start3A_180 = arith.constant 0 : i32
    %dma_start3A_181 = arith.constant 0 : i32
    %dma_start3A_182 = tpu.memref_slice %arg19[%dma_start3A_180, %dma_start3A_181] : memref<10240x16xf32, #tpu.memory_space<vmem_shared>> -> memref<10240x16xf32, #tpu.memory_space<vmem_shared>>
    tpu.enqueue_indirect_dma source(%dma_start3A_182 : memref<10240x16xf32, #tpu.memory_space<vmem_shared>>) target(%arg13 : memref<1024x16xf32, #tpu.memory_space<vmem>>) offsets(%dma_start3A_179 : memref<1024xi32, #tpu.memory_space<vmem>>) semaphore(%arg24 : memref<!tpu.dma_semaphore, #tpu.memory_space<semaphore_mem>>)
    %dma_wait3A_183 = arith.constant 6 : i32
    %dma_wait3A_184 = arith.constant 0 : i32
    %dma_wait3A_185 = tpu.memref_slice %arg8[%dma_wait3A_183, %dma_wait3A_184] : memref<10x1024xi32, #tpu.memory_space<vmem>> -> memref<1x1024xi32, #tpu.memory_space<vmem>>
    %dma_wait3A_186 = tpu.memref_squeeze %dma_wait3A_185 : memref<1x1024xi32, #tpu.memory_space<vmem>> -> memref<1024xi32, #tpu.memory_space<vmem>>
    %dma_wait3A_187 = arith.constant 0 : i32
    %dma_wait3A_188 = arith.constant 0 : i32
    %dma_wait3A_189 = tpu.memref_slice %arg19[%dma_wait3A_187, %dma_wait3A_188] : memref<10240x16xf32, #tpu.memory_space<vmem_shared>> -> memref<10240x16xf32, #tpu.memory_space<vmem_shared>>
    tpu.wait_indirect_dma semaphore(%arg23 : memref<!tpu.dma_semaphore, #tpu.memory_space<semaphore_mem>>) src(%dma_wait3A_189 : memref<10240x16xf32, #tpu.memory_space<vmem_shared>>) dst(%arg12 : memref<1024x16xf32, #tpu.memory_space<vmem>>)
    %dma_start3A_190 = arith.constant 6 : i32
    %dma_start3A_191 = arith.constant 0 : i32
    %dma_start3A_192 = tpu.memref_slice %arg9[%dma_start3A_190, %dma_start3A_191] : memref<10x1024xi32, #tpu.memory_space<vmem>> -> memref<1x1024xi32, #tpu.memory_space<vmem>>
    %dma_start3A_193 = tpu.memref_squeeze %dma_start3A_192 : memref<1x1024xi32, #tpu.memory_space<vmem>> -> memref<1024xi32, #tpu.memory_space<vmem>>
    %dma_start3A_194 = arith.constant 0 : i32
    %dma_start3A_195 = arith.constant 0 : i32
    %dma_start3A_196 = tpu.memref_slice %arg20[%dma_start3A_194, %dma_start3A_195] : memref<10240x16xf32, #tpu.memory_space<vmem_shared>> -> memref<10240x16xf32, #tpu.memory_space<vmem_shared>>
    tpu.enqueue_indirect_dma source(%arg12 : memref<1024x16xf32, #tpu.memory_space<vmem>>) target(%dma_start3A_196 : memref<10240x16xf32, #tpu.memory_space<vmem_shared>>) offsets(%dma_start3A_193 : memref<1024xi32, #tpu.memory_space<vmem>>) semaphore(%arg27 : memref<!tpu.dma_semaphore, #tpu.memory_space<semaphore_mem>>) {add = true}
    %dma_wait3A_197 = arith.constant 4 : i32
    %dma_wait3A_198 = arith.constant 0 : i32
    %dma_wait3A_199 = tpu.memref_slice %arg9[%dma_wait3A_197, %dma_wait3A_198] : memref<10x1024xi32, #tpu.memory_space<vmem>> -> memref<1x1024xi32, #tpu.memory_space<vmem>>
    %dma_wait3A_200 = tpu.memref_squeeze %dma_wait3A_199 : memref<1x1024xi32, #tpu.memory_space<vmem>> -> memref<1024xi32, #tpu.memory_space<vmem>>
    %dma_wait3A_201 = arith.constant 0 : i32
    %dma_wait3A_202 = arith.constant 0 : i32
    %dma_wait3A_203 = tpu.memref_slice %arg20[%dma_wait3A_201, %dma_wait3A_202] : memref<10240x16xf32, #tpu.memory_space<vmem_shared>> -> memref<10240x16xf32, #tpu.memory_space<vmem_shared>>
    tpu.wait_indirect_dma semaphore(%arg25 : memref<!tpu.dma_semaphore, #tpu.memory_space<semaphore_mem>>) src(%arg10 : memref<1024x16xf32, #tpu.memory_space<vmem>>) dst(%dma_wait3A_203 : memref<10240x16xf32, #tpu.memory_space<vmem_shared>>)
    %dma_start3A_204 = arith.constant 8 : i32
    %dma_start3A_205 = arith.constant 0 : i32
    %dma_start3A_206 = tpu.memref_slice %arg8[%dma_start3A_204, %dma_start3A_205] : memref<10x1024xi32, #tpu.memory_space<vmem>> -> memref<1x1024xi32, #tpu.memory_space<vmem>>
    %dma_start3A_207 = tpu.memref_squeeze %dma_start3A_206 : memref<1x1024xi32, #tpu.memory_space<vmem>> -> memref<1024xi32, #tpu.memory_space<vmem>>
    %dma_start3A_208 = arith.constant 0 : i32
    %dma_start3A_209 = arith.constant 0 : i32
    %dma_start3A_210 = tpu.memref_slice %arg19[%dma_start3A_208, %dma_start3A_209] : memref<10240x16xf32, #tpu.memory_space<vmem_shared>> -> memref<10240x16xf32, #tpu.memory_space<vmem_shared>>
    tpu.enqueue_indirect_dma source(%dma_start3A_210 : memref<10240x16xf32, #tpu.memory_space<vmem_shared>>) target(%arg10 : memref<1024x16xf32, #tpu.memory_space<vmem>>) offsets(%dma_start3A_207 : memref<1024xi32, #tpu.memory_space<vmem>>) semaphore(%arg21 : memref<!tpu.dma_semaphore, #tpu.memory_space<semaphore_mem>>)
    %dma_wait3A_211 = arith.constant 7 : i32
    %dma_wait3A_212 = arith.constant 0 : i32
    %dma_wait3A_213 = tpu.memref_slice %arg8[%dma_wait3A_211, %dma_wait3A_212] : memref<10x1024xi32, #tpu.memory_space<vmem>> -> memref<1x1024xi32, #tpu.memory_space<vmem>>
    %dma_wait3A_214 = tpu.memref_squeeze %dma_wait3A_213 : memref<1x1024xi32, #tpu.memory_space<vmem>> -> memref<1024xi32, #tpu.memory_space<vmem>>
    %dma_wait3A_215 = arith.constant 0 : i32
    %dma_wait3A_216 = arith.constant 0 : i32
    %dma_wait3A_217 = tpu.memref_slice %arg19[%dma_wait3A_215, %dma_wait3A_216] : memref<10240x16xf32, #tpu.memory_space<vmem_shared>> -> memref<10240x16xf32, #tpu.memory_space<vmem_shared>>
    tpu.wait_indirect_dma semaphore(%arg24 : memref<!tpu.dma_semaphore, #tpu.memory_space<semaphore_mem>>) src(%dma_wait3A_217 : memref<10240x16xf32, #tpu.memory_space<vmem_shared>>) dst(%arg13 : memref<1024x16xf32, #tpu.memory_space<vmem>>)
    %dma_start3A_218 = arith.constant 7 : i32
    %dma_start3A_219 = arith.constant 0 : i32
    %dma_start3A_220 = tpu.memref_slice %arg9[%dma_start3A_218, %dma_start3A_219] : memref<10x1024xi32, #tpu.memory_space<vmem>> -> memref<1x1024xi32, #tpu.memory_space<vmem>>
    %dma_start3A_221 = tpu.memref_squeeze %dma_start3A_220 : memref<1x1024xi32, #tpu.memory_space<vmem>> -> memref<1024xi32, #tpu.memory_space<vmem>>
    %dma_start3A_222 = arith.constant 0 : i32
    %dma_start3A_223 = arith.constant 0 : i32
    %dma_start3A_224 = tpu.memref_slice %arg20[%dma_start3A_222, %dma_start3A_223] : memref<10240x16xf32, #tpu.memory_space<vmem_shared>> -> memref<10240x16xf32, #tpu.memory_space<vmem_shared>>
    tpu.enqueue_indirect_dma source(%arg13 : memref<1024x16xf32, #tpu.memory_space<vmem>>) target(%dma_start3A_224 : memref<10240x16xf32, #tpu.memory_space<vmem_shared>>) offsets(%dma_start3A_221 : memref<1024xi32, #tpu.memory_space<vmem>>) semaphore(%arg28 : memref<!tpu.dma_semaphore, #tpu.memory_space<semaphore_mem>>) {add = true}
    %dma_wait3A_225 = arith.constant 5 : i32
    %dma_wait3A_226 = arith.constant 0 : i32
    %dma_wait3A_227 = tpu.memref_slice %arg9[%dma_wait3A_225, %dma_wait3A_226] : memref<10x1024xi32, #tpu.memory_space<vmem>> -> memref<1x1024xi32, #tpu.memory_space<vmem>>
    %dma_wait3A_228 = tpu.memref_squeeze %dma_wait3A_227 : memref<1x1024xi32, #tpu.memory_space<vmem>> -> memref<1024xi32, #tpu.memory_space<vmem>>
    %dma_wait3A_229 = arith.constant 0 : i32
    %dma_wait3A_230 = arith.constant 0 : i32
    %dma_wait3A_231 = tpu.memref_slice %arg20[%dma_wait3A_229, %dma_wait3A_230] : memref<10240x16xf32, #tpu.memory_space<vmem_shared>> -> memref<10240x16xf32, #tpu.memory_space<vmem_shared>>
    tpu.wait_indirect_dma semaphore(%arg26 : memref<!tpu.dma_semaphore, #tpu.memory_space<semaphore_mem>>) src(%arg11 : memref<1024x16xf32, #tpu.memory_space<vmem>>) dst(%dma_wait3A_231 : memref<10240x16xf32, #tpu.memory_space<vmem_shared>>)
    %dma_start3A_232 = arith.constant 9 : i32
    %dma_start3A_233 = arith.constant 0 : i32
    %dma_start3A_234 = tpu.memref_slice %arg8[%dma_start3A_232, %dma_start3A_233] : memref<10x1024xi32, #tpu.memory_space<vmem>> -> memref<1x1024xi32, #tpu.memory_space<vmem>>
    %dma_start3A_235 = tpu.memref_squeeze %dma_start3A_234 : memref<1x1024xi32, #tpu.memory_space<vmem>> -> memref<1024xi32, #tpu.memory_space<vmem>>
    %dma_start3A_236 = arith.constant 0 : i32
    %dma_start3A_237 = arith.constant 0 : i32
    %dma_start3A_238 = tpu.memref_slice %arg19[%dma_start3A_236, %dma_start3A_237] : memref<10240x16xf32, #tpu.memory_space<vmem_shared>> -> memref<10240x16xf32, #tpu.memory_space<vmem_shared>>
    tpu.enqueue_indirect_dma source(%dma_start3A_238 : memref<10240x16xf32, #tpu.memory_space<vmem_shared>>) target(%arg11 : memref<1024x16xf32, #tpu.memory_space<vmem>>) offsets(%dma_start3A_235 : memref<1024xi32, #tpu.memory_space<vmem>>) semaphore(%arg22 : memref<!tpu.dma_semaphore, #tpu.memory_space<semaphore_mem>>)
    %dma_wait3A_239 = arith.constant 8 : i32
    %dma_wait3A_240 = arith.constant 0 : i32
    %dma_wait3A_241 = tpu.memref_slice %arg8[%dma_wait3A_239, %dma_wait3A_240] : memref<10x1024xi32, #tpu.memory_space<vmem>> -> memref<1x1024xi32, #tpu.memory_space<vmem>>
    %dma_wait3A_242 = tpu.memref_squeeze %dma_wait3A_241 : memref<1x1024xi32, #tpu.memory_space<vmem>> -> memref<1024xi32, #tpu.memory_space<vmem>>
    %dma_wait3A_243 = arith.constant 0 : i32
    %dma_wait3A_244 = arith.constant 0 : i32
    %dma_wait3A_245 = tpu.memref_slice %arg19[%dma_wait3A_243, %dma_wait3A_244] : memref<10240x16xf32, #tpu.memory_space<vmem_shared>> -> memref<10240x16xf32, #tpu.memory_space<vmem_shared>>
    tpu.wait_indirect_dma semaphore(%arg21 : memref<!tpu.dma_semaphore, #tpu.memory_space<semaphore_mem>>) src(%dma_wait3A_245 : memref<10240x16xf32, #tpu.memory_space<vmem_shared>>) dst(%arg10 : memref<1024x16xf32, #tpu.memory_space<vmem>>)
    %dma_start3A_246 = arith.constant 8 : i32
    %dma_start3A_247 = arith.constant 0 : i32
    %dma_start3A_248 = tpu.memref_slice %arg9[%dma_start3A_246, %dma_start3A_247] : memref<10x1024xi32, #tpu.memory_space<vmem>> -> memref<1x1024xi32, #tpu.memory_space<vmem>>
    %dma_start3A_249 = tpu.memref_squeeze %dma_start3A_248 : memref<1x1024xi32, #tpu.memory_space<vmem>> -> memref<1024xi32, #tpu.memory_space<vmem>>
    %dma_start3A_250 = arith.constant 0 : i32
    %dma_start3A_251 = arith.constant 0 : i32
    %dma_start3A_252 = tpu.memref_slice %arg20[%dma_start3A_250, %dma_start3A_251] : memref<10240x16xf32, #tpu.memory_space<vmem_shared>> -> memref<10240x16xf32, #tpu.memory_space<vmem_shared>>
    tpu.enqueue_indirect_dma source(%arg10 : memref<1024x16xf32, #tpu.memory_space<vmem>>) target(%dma_start3A_252 : memref<10240x16xf32, #tpu.memory_space<vmem_shared>>) offsets(%dma_start3A_249 : memref<1024xi32, #tpu.memory_space<vmem>>) semaphore(%arg25 : memref<!tpu.dma_semaphore, #tpu.memory_space<semaphore_mem>>) {add = true}
    %dma_wait3A_253 = arith.constant 9 : i32
    %dma_wait3A_254 = arith.constant 0 : i32
    %dma_wait3A_255 = tpu.memref_slice %arg8[%dma_wait3A_253, %dma_wait3A_254] : memref<10x1024xi32, #tpu.memory_space<vmem>> -> memref<1x1024xi32, #tpu.memory_space<vmem>>
    %dma_wait3A_256 = tpu.memref_squeeze %dma_wait3A_255 : memref<1x1024xi32, #tpu.memory_space<vmem>> -> memref<1024xi32, #tpu.memory_space<vmem>>
    %dma_wait3A_257 = arith.constant 0 : i32
    %dma_wait3A_258 = arith.constant 0 : i32
    %dma_wait3A_259 = tpu.memref_slice %arg19[%dma_wait3A_257, %dma_wait3A_258] : memref<10240x16xf32, #tpu.memory_space<vmem_shared>> -> memref<10240x16xf32, #tpu.memory_space<vmem_shared>>
    tpu.wait_indirect_dma semaphore(%arg22 : memref<!tpu.dma_semaphore, #tpu.memory_space<semaphore_mem>>) src(%dma_wait3A_259 : memref<10240x16xf32, #tpu.memory_space<vmem_shared>>) dst(%arg11 : memref<1024x16xf32, #tpu.memory_space<vmem>>)
    %dma_start3A_260 = arith.constant 9 : i32
    %dma_start3A_261 = arith.constant 0 : i32
    %dma_start3A_262 = tpu.memref_slice %arg9[%dma_start3A_260, %dma_start3A_261] : memref<10x1024xi32, #tpu.memory_space<vmem>> -> memref<1x1024xi32, #tpu.memory_space<vmem>>
    %dma_start3A_263 = tpu.memref_squeeze %dma_start3A_262 : memref<1x1024xi32, #tpu.memory_space<vmem>> -> memref<1024xi32, #tpu.memory_space<vmem>>
    %dma_start3A_264 = arith.constant 0 : i32
    %dma_start3A_265 = arith.constant 0 : i32
    %dma_start3A_266 = tpu.memref_slice %arg20[%dma_start3A_264, %dma_start3A_265] : memref<10240x16xf32, #tpu.memory_space<vmem_shared>> -> memref<10240x16xf32, #tpu.memory_space<vmem_shared>>
    tpu.enqueue_indirect_dma source(%arg11 : memref<1024x16xf32, #tpu.memory_space<vmem>>) target(%dma_start3A_266 : memref<10240x16xf32, #tpu.memory_space<vmem_shared>>) offsets(%dma_start3A_263 : memref<1024xi32, #tpu.memory_space<vmem>>) semaphore(%arg26 : memref<!tpu.dma_semaphore, #tpu.memory_space<semaphore_mem>>) {add = true}
    %dma_wait3A_267 = arith.constant 6 : i32
    %dma_wait3A_268 = arith.constant 0 : i32
    %dma_wait3A_269 = tpu.memref_slice %arg9[%dma_wait3A_267, %dma_wait3A_268] : memref<10x1024xi32, #tpu.memory_space<vmem>> -> memref<1x1024xi32, #tpu.memory_space<vmem>>
    %dma_wait3A_270 = tpu.memref_squeeze %dma_wait3A_269 : memref<1x1024xi32, #tpu.memory_space<vmem>> -> memref<1024xi32, #tpu.memory_space<vmem>>
    %dma_wait3A_271 = arith.constant 0 : i32
    %dma_wait3A_272 = arith.constant 0 : i32
    %dma_wait3A_273 = tpu.memref_slice %arg20[%dma_wait3A_271, %dma_wait3A_272] : memref<10240x16xf32, #tpu.memory_space<vmem_shared>> -> memref<10240x16xf32, #tpu.memory_space<vmem_shared>>
    tpu.wait_indirect_dma semaphore(%arg27 : memref<!tpu.dma_semaphore, #tpu.memory_space<semaphore_mem>>) src(%arg12 : memref<1024x16xf32, #tpu.memory_space<vmem>>) dst(%dma_wait3A_273 : memref<10240x16xf32, #tpu.memory_space<vmem_shared>>)
    %dma_wait3A_274 = arith.constant 7 : i32
    %dma_wait3A_275 = arith.constant 0 : i32
    %dma_wait3A_276 = tpu.memref_slice %arg9[%dma_wait3A_274, %dma_wait3A_275] : memref<10x1024xi32, #tpu.memory_space<vmem>> -> memref<1x1024xi32, #tpu.memory_space<vmem>>
    %dma_wait3A_277 = tpu.memref_squeeze %dma_wait3A_276 : memref<1x1024xi32, #tpu.memory_space<vmem>> -> memref<1024xi32, #tpu.memory_space<vmem>>
    %dma_wait3A_278 = arith.constant 0 : i32
    %dma_wait3A_279 = arith.constant 0 : i32
    %dma_wait3A_280 = tpu.memref_slice %arg20[%dma_wait3A_278, %dma_wait3A_279] : memref<10240x16xf32, #tpu.memory_space<vmem_shared>> -> memref<10240x16xf32, #tpu.memory_space<vmem_shared>>
    tpu.wait_indirect_dma semaphore(%arg28 : memref<!tpu.dma_semaphore, #tpu.memory_space<semaphore_mem>>) src(%arg13 : memref<1024x16xf32, #tpu.memory_space<vmem>>) dst(%dma_wait3A_280 : memref<10240x16xf32, #tpu.memory_space<vmem_shared>>)
    %dma_wait3A_281 = arith.constant 8 : i32
    %dma_wait3A_282 = arith.constant 0 : i32
    %dma_wait3A_283 = tpu.memref_slice %arg9[%dma_wait3A_281, %dma_wait3A_282] : memref<10x1024xi32, #tpu.memory_space<vmem>> -> memref<1x1024xi32, #tpu.memory_space<vmem>>
    %dma_wait3A_284 = tpu.memref_squeeze %dma_wait3A_283 : memref<1x1024xi32, #tpu.memory_space<vmem>> -> memref<1024xi32, #tpu.memory_space<vmem>>
    %dma_wait3A_285 = arith.constant 0 : i32
    %dma_wait3A_286 = arith.constant 0 : i32
    %dma_wait3A_287 = tpu.memref_slice %arg20[%dma_wait3A_285, %dma_wait3A_286] : memref<10240x16xf32, #tpu.memory_space<vmem_shared>> -> memref<10240x16xf32, #tpu.memory_space<vmem_shared>>
    tpu.wait_indirect_dma semaphore(%arg25 : memref<!tpu.dma_semaphore, #tpu.memory_space<semaphore_mem>>) src(%arg10 : memref<1024x16xf32, #tpu.memory_space<vmem>>) dst(%dma_wait3A_287 : memref<10240x16xf32, #tpu.memory_space<vmem_shared>>)
    %dma_wait3A_288 = arith.constant 9 : i32
    %dma_wait3A_289 = arith.constant 0 : i32
    %dma_wait3A_290 = tpu.memref_slice %arg9[%dma_wait3A_288, %dma_wait3A_289] : memref<10x1024xi32, #tpu.memory_space<vmem>> -> memref<1x1024xi32, #tpu.memory_space<vmem>>
    %dma_wait3A_291 = tpu.memref_squeeze %dma_wait3A_290 : memref<1x1024xi32, #tpu.memory_space<vmem>> -> memref<1024xi32, #tpu.memory_space<vmem>>
    %dma_wait3A_292 = arith.constant 0 : i32
    %dma_wait3A_293 = arith.constant 0 : i32
    %dma_wait3A_294 = tpu.memref_slice %arg20[%dma_wait3A_292, %dma_wait3A_293] : memref<10240x16xf32, #tpu.memory_space<vmem_shared>> -> memref<10240x16xf32, #tpu.memory_space<vmem_shared>>
    tpu.wait_indirect_dma semaphore(%arg26 : memref<!tpu.dma_semaphore, #tpu.memory_space<semaphore_mem>>) src(%arg11 : memref<1024x16xf32, #tpu.memory_space<vmem>>) dst(%dma_wait3A_294 : memref<10240x16xf32, #tpu.memory_space<vmem_shared>>)
    %barrier3A_295 = arith.constant 0 : index
    tpu.barrier barrier_id(%barrier3A_295)
    "tpu.region"() ({
      %run_scoped3A_296 = tpu.sem_alloc : memref<!tpu.dma_semaphore, #tpu.memory_space<semaphore_mem>>
      %dma_start3A_297 = arith.constant 0 : i32
      %dma_start3A_298 = tpu.memref_slice %arg20[%mul3A_2, %dma_start3A_297] : memref<10240x16xf32, #tpu.memory_space<vmem_shared>> -> memref<640x16xf32, #tpu.memory_space<vmem_shared>>
      %dma_start3A_299 = arith.constant 0 : i32
      %dma_start3A_300 = tpu.memref_slice %arg20[%mul3A_2, %dma_start3A_299] : memref<10240x16xf32, #tpu.memory_space<vmem_shared>> -> memref<640x16xf32, #tpu.memory_space<vmem_shared>>
      tpu.enqueue_dma source(%dma_start3A_300 : memref<640x16xf32, #tpu.memory_space<vmem_shared>>) target(%arg14 : memref<640x16xf32, #tpu.memory_space<vmem>>) target_semaphore(%run_scoped3A_296 : memref<!tpu.dma_semaphore, #tpu.memory_space<semaphore_mem>>)
      %dma_wait3A_301 = arith.constant 0 : i32
      %dma_wait3A_302 = tpu.memref_slice %arg20[%mul3A_2, %dma_wait3A_301] : memref<10240x16xf32, #tpu.memory_space<vmem_shared>> -> memref<640x16xf32, #tpu.memory_space<vmem_shared>>
      %dma_wait3A_303 = arith.constant 0 : i32
      %dma_wait3A_304 = tpu.memref_slice %arg20[%mul3A_2, %dma_wait3A_303] : memref<10240x16xf32, #tpu.memory_space<vmem_shared>> -> memref<640x16xf32, #tpu.memory_space<vmem_shared>>
      tpu.wait_dma2 semaphore(%run_scoped3A_296 : memref<!tpu.dma_semaphore, #tpu.memory_space<semaphore_mem>>) src(%dma_wait3A_304 : memref<640x16xf32, #tpu.memory_space<vmem_shared>>) dst(%arg14 : memref<640x16xf32, #tpu.memory_space<vmem>>)
      tpu.yield
    }) : () -> ()
    "tpu.region"() ({
      %run_scoped3A_296 = tpu.sem_alloc : memref<!tpu.dma_semaphore, #tpu.memory_space<semaphore_mem>>
      %dma_start3A_297 = arith.constant 0 : i32
      %dma_start3A_298 = tpu.memref_slice %arg5[%arg0, %mul3A_2, %dma_start3A_297] : memref<2x10240x16xf32, #tpu.memory_space<hbm>> -> memref<1x640x16xf32, #tpu.memory_space<hbm>>
      %dma_start3A_299 = tpu.memref_squeeze %dma_start3A_298 : memref<1x640x16xf32, #tpu.memory_space<hbm>> -> memref<640x16xf32, #tpu.memory_space<hbm>>
      %dma_start3A_300 = arith.constant 0 : i32
      %dma_start3A_301 = tpu.memref_slice %arg5[%arg0, %mul3A_2, %dma_start3A_300] : memref<2x10240x16xf32, #tpu.memory_space<hbm>> -> memref<1x640x16xf32, #tpu.memory_space<hbm>>
      %dma_start3A_302 = tpu.memref_squeeze %dma_start3A_301 : memref<1x640x16xf32, #tpu.memory_space<hbm>> -> memref<640x16xf32, #tpu.memory_space<hbm>>
      tpu.enqueue_dma source(%arg14 : memref<640x16xf32, #tpu.memory_space<vmem>>) target(%dma_start3A_302 : memref<640x16xf32, #tpu.memory_space<hbm>>) target_semaphore(%run_scoped3A_296 : memref<!tpu.dma_semaphore, #tpu.memory_space<semaphore_mem>>)
      %dma_wait3A_303 = arith.constant 0 : i32
      %dma_wait3A_304 = tpu.memref_slice %arg5[%arg0, %mul3A_2, %dma_wait3A_303] : memref<2x10240x16xf32, #tpu.memory_space<hbm>> -> memref<1x640x16xf32, #tpu.memory_space<hbm>>
      %dma_wait3A_305 = tpu.memref_squeeze %dma_wait3A_304 : memref<1x640x16xf32, #tpu.memory_space<hbm>> -> memref<640x16xf32, #tpu.memory_space<hbm>>
      %dma_wait3A_306 = arith.constant 0 : i32
      %dma_wait3A_307 = tpu.memref_slice %arg5[%arg0, %mul3A_2, %dma_wait3A_306] : memref<2x10240x16xf32, #tpu.memory_space<hbm>> -> memref<1x640x16xf32, #tpu.memory_space<hbm>>
      %dma_wait3A_308 = tpu.memref_squeeze %dma_wait3A_307 : memref<1x640x16xf32, #tpu.memory_space<hbm>> -> memref<640x16xf32, #tpu.memory_space<hbm>>
      tpu.wait_dma2 semaphore(%run_scoped3A_296 : memref<!tpu.dma_semaphore, #tpu.memory_space<semaphore_mem>>) src(%arg14 : memref<640x16xf32, #tpu.memory_space<vmem>>) dst(%dma_wait3A_308 : memref<640x16xf32, #tpu.memory_space<hbm>>)
      tpu.yield
    }) : () -> ()
    return
  }
}

module attributes {stable_mosaic.version = 14 : i64} {
  func.func @_mm_body(%arg0: memref<10000x128xf32, #tpu.memory_space<vmem>>, %arg1: memref<128x16xf32, #tpu.memory_space<vmem>>, %arg2: memref<10240x16xf32, #tpu.memory_space<vmem>>) attributes {dimension_semantics = [], scalar_prefetch = 0 : i64, scratch_operands = 0 : i64, tpu.core_type = #tpu.core_type<tc>} {
    %get3A = arith.constant 0 : index
    %get3A_0 = arith.constant 0 : index
    %get3A_1 = vector.load %arg0[%get3A, %get3A_0] : memref<10000x128xf32, #tpu.memory_space<vmem>>, vector<10000x128xf32>
    %get3A_2 = arith.constant 0 : index
    %get3A_3 = arith.constant 0 : index
    %get3A_4 = vector.load %arg1[%get3A_2, %get3A_3] : memref<128x16xf32, #tpu.memory_space<vmem>>, vector<128x16xf32>
    %dot_general3A = arith.constant dense<0.000000e+00> : vector<10000x16xf32>
    %dot_general3A_5 = tpu.matmul %get3A_1, %get3A_4, %dot_general3A {dimension_numbers = #tpu.dot_dimension_numbers<[1], [0], [0], [1], [0, 0, 1, 1], [], []>, transpose_lhs_hint = false} : vector<10000x128xf32>, vector<128x16xf32>, vector<10000x16xf32> -> vector<10000x16xf32>
    %broadcast_in_dim3A = arith.constant 0.000000e+00 : f32
    %broadcast_in_dim3A_6 = vector.broadcast %broadcast_in_dim3A : f32 to vector<240x16xf32>
    %concatenate3A = tpu.concatenate %dot_general3A_5, %broadcast_in_dim3A_6 in 0 : vector<10000x16xf32>, vector<240x16xf32> -> vector<10240x16xf32>
    %swap3A = arith.constant 0 : index
    %swap3A_7 = arith.constant 0 : index
    %swap3A_8 = vector.load %arg2[%swap3A, %swap3A_7] : memref<10240x16xf32, #tpu.memory_space<vmem>>, vector<10240x16xf32>
    tpu.vector_store %arg2[%swap3A, %swap3A_7], %concatenate3A {strides = array<i32>} : memref<10240x16xf32, #tpu.memory_space<vmem>>, vector<10240x16xf32>,
    return
  }
}

module attributes {stable_mosaic.version = 14 : i64} {
  func.func @_final_body(%arg0: memref<32x17x16xf32, #tpu.memory_space<vmem>>, %arg1: memref<1x10000xi32, #tpu.memory_space<vmem>>, %arg2: memref<16x128xf32, #tpu.memory_space<vmem>>, %arg3: memref<1x128xf32, #tpu.memory_space<vmem>>, %arg4: memref<16x128xf32, #tpu.memory_space<vmem>>) attributes {dimension_semantics = [], scalar_prefetch = 0 : i64, scratch_operands = 0 : i64, tpu.core_type = #tpu.core_type<tc>} {
    %get3A = arith.constant 0 : index
    %get3A_0 = arith.constant 0 : index
    %get3A_1 = arith.constant 0 : index
    %get3A_2 = vector.load %arg0[%get3A, %get3A_0, %get3A_1] : memref<32x17x16xf32, #tpu.memory_space<vmem>>, vector<32x17x16xf32>
    %reduce_sum3A = arith.constant dense<0.000000e+00> : vector<17x16xf32>
    %reduce_sum3A_3 = vector.multi_reduction <add>, %get3A_2, %reduce_sum3A [0] : vector<32x17x16xf32> to vector<17x16xf32>
    %slice3A = vector.extract_strided_slice %reduce_sum3A_3 {offsets = [0, 0], sizes = [16, 16], strides = [1, 1]} : vector<17x16xf32> to vector<16x16xf32>
    %iota3A = tpu.iota {dimensions = array<i32: 0>} : vector<16x10000xi32>
    %get3A_4 = arith.constant 0 : index
    %get3A_5 = arith.constant 0 : index
    %get3A_6 = vector.load %arg1[%get3A_4, %get3A_5] : memref<1x10000xi32, #tpu.memory_space<vmem>>, vector<1x10000xi32>
    %eq3A = vector.broadcast %get3A_6 : vector<1x10000xi32> to vector<16x10000xi32>
    %eq3A_7 = arith.cmpi eq, %iota3A, %eq3A : vector<16x10000xi32>
    %convert_element_type3A = arith.extui %eq3A_7 : vector<16x10000xi1> to vector<16x10000xi32>
    %convert_element_type3A_8 = arith.sitofp %convert_element_type3A : vector<16x10000xi32> to vector<16x10000xf32>
    %reduce_sum3A_9 = arith.constant dense<0.000000e+00> : vector<16xf32>
    %reduce_sum3A_10 = vector.multi_reduction <add>, %convert_element_type3A_8, %reduce_sum3A_9 [1] : vector<16x10000xf32> to vector<16xf32>
    %broadcast_in_dim3A = vector.shape_cast %reduce_sum3A_10 : vector<16xf32> to vector<16x1xf32>
    %get3A_11 = arith.constant 0 : index
    %get3A_12 = arith.constant 0 : index
    %get3A_13 = vector.load %arg2[%get3A_11, %get3A_12] : memref<16x128xf32, #tpu.memory_space<vmem>>, vector<16x128xf32>
    %dot_general3A = arith.constant dense<0.000000e+00> : vector<16x128xf32>
    %dot_general3A_14 = tpu.matmul %slice3A, %get3A_13, %dot_general3A {dimension_numbers = #tpu.dot_dimension_numbers<[1], [0], [0], [1], [0, 0, 1, 1], [], []>, transpose_lhs_hint = false} : vector<16x16xf32>, vector<16x128xf32>, vector<16x128xf32> -> vector<16x128xf32>
    %get3A_15 = arith.constant 0 : index
    %get3A_16 = arith.constant 0 : index
    %get3A_17 = vector.load %arg3[%get3A_15, %get3A_16] : memref<1x128xf32, #tpu.memory_space<vmem>>, vector<1x128xf32>
    %mul3A = vector.broadcast %broadcast_in_dim3A : vector<16x1xf32> to vector<16x128xf32>
    %mul3A_18 = vector.broadcast %get3A_17 : vector<1x128xf32> to vector<16x128xf32>
    %mul3A_19 = arith.mulf %mul3A, %mul3A_18 : vector<16x128xf32>
    %add3A = arith.addf %dot_general3A_14, %mul3A_19 : vector<16x128xf32>
    %swap3A = arith.constant 0 : index
    %swap3A_20 = arith.constant 0 : index
    %swap3A_21 = vector.load %arg4[%swap3A, %swap3A_20] : memref<16x128xf32, #tpu.memory_space<vmem>>, vector<16x128xf32>
    tpu.vector_store %arg4[%swap3A, %swap3A_20], %add3A {strides = array<i32>} : memref<16x128xf32, #tpu.memory_space<vmem>>, vector<16x128xf32>,
    return
  }
}

</mosaic_0001>

<sc_bundles>
// kernel: _run.10.cloned.1.call-start
scs
__scs_entry_jumppad:
0x0: {  	(pc) =	sbr.rel $0x88, $3  }
0x1: {  	(tag) =	ssettag $0x0;
	lr =	simm.s32 $0x1  }
0x2: {  	[smem:$0x3F9A] =	sst lr;
	_ =	strace $0xD0000000  }
0x3: {  	_ = 	snop  }
0x4: {  	_ = 	snop  }
0x5: {  	_ = 	snop  }
0x6: {  	_ = 	snop  }
0x7: {  	_ = 	snop  }
__scs_overlays_trampoline_lowered:
0x8: {  	[smem:$0x3FA9] =	sst s0  }
0x9: {  	[smem:$0x3FAA] =	sst s1  }
0xa: {  	[smem:$0x3FAB] =	sst s2  }
0xb: {  	[smem:$0x3FAC] =	sst s3  }
0xc: {  	[smem:$0x3FAD] =	sst s4  }
0xd: {  	[smem:$0x3FAE] =	sst s5  }
0xe: {  	[smem:$0x3FAF] =	sst s6  }
0xf: {  	[smem:$0x3FB0] =	sst s7  }
0x10: {  	[smem:$0x3FB1] =	sst s8  }
0x11: {  	[smem:$0x3FB2] =	sst s9;
	s0 =	simm.s32 @!p0 $0x0  }
0x12: {  	s1 =	sld [smem:$0x3F98];
	s0 =	simm.s32 @p0 $0x1  }
0x13: {  	[smem:$0x3FB3] =	sst s0;
	s0 =	simm.s32 @!p1 $0x0  }
0x14: {  	s2 =	sld [smem:$0x3F97];
	s0 =	simm.s32 @p1 $0x1  }
0x15: {  	[smem:$0x3FB4] =	sst s0;
	s0 =	simm.s32 @!p2 $0x0  }
0x16: {  	s3 =	sld [smem:$0x3FDB];
	s0 =	simm.s32 @p2 $0x1  }
0x17: {  	s4 =	simm.s32 $0x1BF5;
	[smem:$0x3FB6] =	sst s0  }
0x18: {  	s0 =	sld [smem:$0x3F99];
	_ =	swait.ge [sflag:s4], $0x0  }
0x19: {  	s7 =	sld [smem:$0x3F9A]  }
0x1a: {  	s8 =	sadd.s32 $0xFFFFE003, lr  }
0x1b: {  	s9 =	sadd.s32 $0xFFFFFEF7, lr;
	s5 =	simm.s32 $0xFFFFFFFF;
	p2 =	slt.u32 s8, $0xFFFFF086  }
0x1c: {  	p1 =	slt.u32 s9, $0xF7A;
	s5 =	simm.s32 @!p2 $0x0  }
0x1d: {  	s5 =	simm.s32 @p1 $0x1;
	p0 =	seq.s32 s7, s2  }
0x1e: {  	s7 =	smul.u32 @!p0 $0xF7A, s2;
	p2 =	seq.s32 @!p0 s5, $0x0  }
0x1f: {  	s9 =	smul.u32 $0xF7A, s1;
	s8 =	simm.s32 @!p0 $0x1BF5;
	p2 =	por !p2, p0  }
0x20: {  	[sflag:s8] =	ssyncset.s32 @!p0 $0xFFFFF086;
	s6 =	sadd.s32 @!p0 s3, s7;
	s7 =	simm.s32 @!p0 $0x108  }
0x21: {  	s3 =	sadd.s32 s3, s9;
	s6 =	sadd.s32 @!p0 $0x88, s6;
	s7 =	simm.s32 @p2 $0x1082  }
0x22: {  	[simem:s7], [sflag:s8] =	dma.local @!p0 [hbm:s6], $0xF7A  }
0x23: {  	s9 =	sor.u32 $0xD0000000, s2;
	s6 =	simm.s32 $0x108;
	_ =	swait.ge @!p0 [sflag:s8], $0x0  }
0x24: {  	s3 =	sadd.s32 $0x88, s3;
	s6 =	simm.s32 @!p1 $0x1082;
	[sflag:s4] =	ssyncset.s32 $0xFFFFF086  }
0x25: {  	[simem:s6], [sflag:s4] =	dma.local [hbm:s3], $0xF7A  }
0x26: {  	[smem:$0x3F9A] =	sst s1;
	(tag) =	ssettag s2;
	_ =	strace s9  }
0x27: {  	s1 =	sld [smem:$0x3FAA]  }
0x28: {  	s2 =	sld [smem:$0x3FAB]  }
0x29: {  	s4 =	sld [smem:$0x3FAD]  }
0x2a: {  	p0 =	seq.s32 s5, $0x0;
	s5 =	sld [smem:$0x3FAE]  }
0x2b: {  	s6 =	sld [smem:$0x3FAF]  }
0x2c: {  	s7 =	sld [smem:$0x3FB0]  }
0x2d: {  	s3 =	simm.s32 $0x108;
	s8 =	sld [smem:$0x3FB1]  }
0x2e: {  	s3 =	simm.s32 @!p0 $0x1082;
	s9 =	sld [smem:$0x3FB2]  }
0x2f: {  	lr =	sadd.s32 s0, s3;
	s0 =	sld [smem:$0x3FA9]  }
0x30: {  	s3 =	sld [smem:$0x3FAC]  }
0x31: {  	[smem:$0x3FB5] =	sst s10  }
0x32: {  	s10 =	sld [smem:$0x3FB3];
	_ =	sdelay $0x3  }
0x33: {  	p0 =	seq.s32 s10, $0x1;
	s10 =	sld [smem:$0x3FB5];
	_ =	sdelay $0x3  }
0x34: {  	[smem:$0x3FB5] =	sst s10  }
0x35: {  	s10 =	sld [smem:$0x3FB4];
	_ =	sdelay $0x3  }
0x36: {  	p1 =	seq.s32 s10, $0x1;
	s10 =	sld [smem:$0x3FB5];
	_ =	sdelay $0x3  }
0x37: {  	[smem:$0x3FB5] =	sst s10  }
0x38: {  	s10 =	sld [smem:$0x3FB6]  }
0x39: {  	_ = 	snop;
	(pc) =	sbr.ind lr, $3  }
0x3a: {  	_ = 	snop  }
0x3b: {  	_ = 	snop  }
0x3c: {  	p2 =	seq.s32 s10, $0x1;
	s10 =	sld [smem:$0x3FB5]  }
0x3d: {  	_ =	shalt  }
0x3e: {  	_ =	shalt  }
0x3f: {  	_ =	shalt  }
0x40: {  	_ =	shalt  }
0x41: {  	_ =	shalt  }
0x42: {  	_ =	shalt  }
0x43: {  	_ =	shalt  }
0x44: {  	_ =	shalt  }
0x45: {  	_ =	shalt  }
0x46: {  	_ =	shalt  }
0x47: {  	_ =	shalt  }
0x48: {  	_ =	shalt  }
0x49: {  	_ =	shalt  }
0x4a: {  	_ =	shalt  }
0x4b: {  	_ =	shalt  }
0x4c: {  	_ =	shalt  }
0x4d: {  	_ =	shalt  }
0x4e: {  	_ =	shalt  }
0x4f: {  	_ =	shalt  }
0x50: {  	_ =	shalt  }
0x51: {  	_ =	shalt  }
0x52: {  	_ =	shalt  }
0x53: {  	_ =	shalt  }
0x54: {  	_ =	shalt  }
0x55: {  	_ =	shalt  }
0x56: {  	_ =	shalt  }
0x57: {  	_ =	shalt  }
0x58: {  	_ =	shalt  }
0x59: {  	_ =	shalt  }
0x5a: {  	_ =	shalt  }
0x5b: {  	_ =	shalt  }
0x5c: {  	_ =	shalt  }
0x5d: {  	_ =	shalt  }
0x5e: {  	_ =	shalt  }
0x5f: {  	_ =	shalt  }
0x60: {  	_ =	shalt  }
0x61: {  	_ =	shalt  }
0x62: {  	_ =	shalt  }
0x63: {  	_ =	shalt  }
0x64: {  	_ =	shalt  }
0x65: {  	_ =	shalt  }
0x66: {  	_ =	shalt  }
0x67: {  	_ =	shalt  }
0x68: {  	_ =	shalt  }
0x69: {  	_ =	shalt  }
0x6a: {  	_ =	shalt  }
0x6b: {  	_ =	shalt  }
0x6c: {  	_ =	shalt  }
0x6d: {  	_ =	shalt  }
0x6e: {  	_ =	shalt  }
0x6f: {  	_ =	shalt  }
0x70: {  	_ =	shalt  }
0x71: {  	_ =	shalt  }
0x72: {  	_ =	shalt  }
0x73: {  	_ =	shalt  }
0x74: {  	_ =	shalt  }
0x75: {  	_ =	shalt  }
0x76: {  	_ =	shalt  }
0x77: {  	_ =	shalt  }
0x78: {  	_ =	shalt  }
0x79: {  	_ =	shalt  }
0x7a: {  	_ =	shalt  }
0x7b: {  	_ =	shalt  }
0x7c: {  	_ =	shalt  }
0x7d: {  	_ =	shalt  }
0x7e: {  	_ =	shalt  }
0x7f: {  	_ =	shalt  }
0x80: {  	_ =	shalt  }
0x81: {  	_ =	shalt  }
0x82: {  	_ =	shalt  }
0x83: {  	_ =	shalt  }
0x84: {  	_ =	shalt  }
0x85: {  	_ =	shalt  }
0x86: {  	_ =	shalt  }
0x87: {  	_ =	shalt  }
.Lfunc_end0:
.L_simem_size_0:
called_computation.1_lowered:
.L_overlay_start_0:
0x88: {  	s2 =	sld [smem:$0x3FD9]  }
0x89: {  	s3 =	sld [smem:$0x3FFE];
	_ =	sdelay $0x1  }
0x8a: {  	s1 =	srdreg.scid  }
0x8b: {  	s0 =	sand.u32 $0x1, s1  }
0x8c: {  	s16 =	sshll.u32 s0, $0xA;
	s2 =	sadd.s32 s3, s2  }
0x8d: {  	s2 =	sadd.s32 s2, s16  }
0x8e: {  	[smem:$0x3FC1] =	sst s2  }
0x8f: {  	_ = 	snop  }
0x90: {  	(tm) =	ssettm $0x1  }
0x91: {  	s17 =	sld [smem:$0x3FFB];
	_ =	sdelay $0x3  }
0x92: {  	_ =	strace s17  }
0x93: {  	s2 =	sld [smem:$0x3FFC];
	_ =	sdelay $0x3  }
0x94: {  	_ =	strace s2  }
0x95: {  	s2 =	sld [smem:$0x3FFD];
	_ =	sdelay $0x3  }
0x96: {  	_ =	strace s2  }
0x97: {  	_ =	strace $0x8FFFFFFF  }
0x98: {  	s18 =	sld [smem:$0x3FDB];
	_ =	sdelay $0x1  }
0x99: {  	s19 =	simm.s32 $_scs_section_size  }
0x9a: {  	s4 =	simm.s32 $_size__tile_overlayer_lowered;
	s5 =	simm.s32 $_tile_overlayer_lowered  }
0x9b: {  	s22 =	simm.s32 $0x1BFF;
	s21 =	sshll.u32 s5, $0x1;
	s2 =	sadd.s32 s19, s18  }
0x9c: {  	s6 =	simm.s32 $0x0;
	s20 =	sshll.u32 s4, $0x1;
	s4 =	sadd.s32 s21, s2  }
0x9d: {  	[timem:s6], [sflag:s22] =	dma.local [hbm:s4], s20  }
0x9e: {  	_ =	swait.ge [sflag:s22], s20  }
0x9f: {  	s3 =	ssub.s32 $0x0, s20;
	[sflag:s22] =	ssyncset.done $0x0  }
0xa0: {  	[sflag:s22] =	ssyncadd.s32 s3;
	_ =	sdelay $0x1  }
0xa1: {  	s23 =	simm.s32 $0x1B8B  }
0xa2: {  	_ =	swait.ge [sflag:s23], $0x1  }
0xa3: {  	[sflag:s23] =	ssyncset.done $0x0  }
0xa4: {  	s25 =	simm.s32 $0x1B8E;
	s24 =	sld [smem:$0x3FFE];
	[sflag:s23] =	ssyncadd.s32 $0xFFFFFFFF  }
0xa5: {  	s26 =	simm.s32 $execute0_lowered;
	[smem:$0x3FD2] =	sst s25  }
0xa6: {  	s4 =	sshll.u32 s26, $0x1;
	_ =	strace $0x80000049;
	[dreg:$0x1] =	wrdreg $0xFFFFFFFF  }
0xa7: {  	s28 =	simm.s32 $_size_execute0_lowered;
	s2 =	sadd.s32 s2, s4;
	[dreg:$0x0] =	wrdreg $0x0  }
0xa8: {  	s4 =	sshll.u32 s28, $0x1;
	[dreg:$0x2] =	wrdreg s2  }
0xa9: {  	[dreg:$0x3] =	wrdreg s4  }
0xaa: {  	[dreg:$0x4] =	wrdreg $0xC0  }
0xab: {  	_ =	task [dreg:s6], $0x5FFFF  }
0xac: {  	[dreg:$0x1] =	wrdreg $0xFFFFFFFF  }
0xad: {  	[dreg:$0x0] =	wrdreg $0x60  }
0xae: {  	[dreg:$0x2] =	wrdreg s24  }
0xaf: {  	[dreg:$0x3] =	wrdreg $0x1A7800  }
0xb0: {  	[dreg:$0x4] =	wrdreg $0x1CF800  }
0xb1: {  	[dreg:$0x5] =	wrdreg $0x9  }
0xb2: {  	_ =	task.clear_ibuf [dreg:s6], $0x6FFFF;
	_ =	strace $0x90000049  }
0xb3: {  	s29 =	simm.s32 $0x9;
	_ =	strace $0x8000004B  }
0xb4: {  	_ =	swait.ge [sflag:s29], $0x1  }
0xb5: {  	[sflag:s29] =	ssyncadd.s32 $0xFFFFFFFF  }
0xb6: {  	_ =	strace $0x9000004B  }
0xb7: {  	_ =	sfence  }
0xb8: {  	s30 =	sld [smem:$0x0];
	_ =	sdelay $0x2  }
0xb9: {  	s31 =	sshll.u32 s1, $0xD;
	s1 =	sshrl.u32 s1, $0x2  }
0xba: {  	s3 =	sand.u32 $0x4000, s31;
	s1 =	sadd.s32 s1, s30  }
0xbb: {  	s0 =	sor.u32 s3, s0;
	s1 =	sshll.u32 s1, $0x11  }
0xbc: {  	s0 =	sor.u32 s1, s0  }
0xbd: {  	s0 =	sadd.s32 $0x8F2B, s0  }
0xbe: {  	[sflag:s0] =	ssyncadd.remote.s32 $0x1  }
0xbf: {  	_ =	sfence.sel $0xFFFF  }
0xc0: {  	[dreg:$0x0] =	wrdreg $0xFFFFFFFF;
	(pc) =	sbr.abs _section_cstart, $3  }
0xc1: {  	[dreg:$0x1] =	wrdreg $0xFFFFFFFF  }
0xc2: {  	_ =	task.clear_ibuf [dreg:s6], $0x2FFFF;
	_ =	strace $0x9FFFFFFF  }
0xc3: {  	(tm) =	ssettm $0x7FFFFFFF  }
tec
execute0_lowered:
.L_overlay_start_1:
0x0: {  	(tag) =	ssettag $0x1  }
0x1: {  	s0 =	rddreg [dreg:$0x0]  }
0x2: {  	s1 =	rddreg [dreg:$0x1];
	s2 =	srdreg.scid  }
0x3: {  	s8 =	stileid.u32;
	s3 =	rddreg [dreg:$0x2];
	s16 =	simm.s32 $0x9  }
0x4: {  	s17 =	simm.s32 $0x15000;
	s19 =	simm.s32 $0x17800;
	s28 =	simm.s32 $0x4  }
0x5: {  	s2 =	sand.u32 $0x1, s2;
	s4 =	sshll.u32 s8, $0x1;
	s5 =	smul.u32 $0x2800, s8  }
0x6: {  	s29 =	simm.s32 $0x8;
	s8 =	smul.u32 $0x280, s8;
	s6 =	sor.u32 s2, s4  }
0x7: {  	s7 =	smul.u32 $0x28000, s2;
	s4 =	simm.s32 $0x0;
	s10 =	ssub.s32 $0x2, s2  }
0x8: {  	p0 =	sne.s32 s2, $0x0;
	s2 =	simm.s32 $0x6;
	s6 =	smul.u32 $0x2800, s6  }
0x9: {  	[smem:$0x7FF] =	sst s4;
	s9 =	sshrl.u32 s5, $0x3;
	s8 =	sshrl.u32 s8, $0x3  }
0xa: {  	s25 =	sadd.s32 s5, s1;
	s7 =	sadd.s32 s5, s7;
	_ =	strace $0x8000004A  }
0xb: {  	s9 =	sadd.s32 s9, s0;
	[dreg:$0x9] =	wrdreg s25;
	s5 =	sadd.s32 s5, s3  }
0xc: {  	s6 =	sshrl.u32 s6, $0x3;
	s7 =	sshrl.u32 s7, $0x3;
	s23 =	sadd.s32 $0x16A00, s9  }
0xd: {  	[dreg:$0xa] =	wrdreg s5;
	s26 =	sadd.s32 $0x25A00, s9;
	s6 =	sadd.s32 s6, s0  }
0xe: {  	s7 =	sadd.s32 s7, s0;
	s0 =	sadd.s32 s8, s0;
	[dreg:$0x6] =	wrdreg s23  }
0xf: {  	s20 =	sshrl.u32 s10, $0x1;
	[dreg:$0xb] =	wrdreg s26;
	s21 =	sadd.s32 $0x16000, s0  }
0x10: {  	s5 =	simm.s32 $0x0;
	s22 =	sadd.s32 $0x16500, s0;
	[dreg:$0x4] =	wrdreg s21  }
0x11: {  	s8 =	ssub.s32 s10, s20;
	s24 =	sadd.s32 $0x2000, s6;
	[dreg:$0x5] =	wrdreg s22  }
0x12: {  	s10 =	simm.s32 $0x2800;
	s6 =	sadd.s32 $0xC000, s6;
	[dreg:$0x7] =	wrdreg s24  }
0x13: {  	s20 =	simm.s32 $0x400;
	s0 =	sadd.s32 $0x2AA00, s0;
	[dreg:$0x8] =	wrdreg s6  }
0x14: {  	s23 =	simm.s32 $0x1;
	s30 =	sadd.s32 $0x1BA00, s7;
	[dreg:$0xc] =	wrdreg s0  }
0x15: {  	s26 =	simm.s32 $0x2;
	s31 =	smax.u32 s8, $0x1;
	[dreg:$0xd] =	wrdreg s30  }
0x16: {  	v0 =	vlaneseq.u32;
	[dreg:$0xe] =	wrdreg s31;
	s0 =	simm.s32 $0x5;
	s24 =	simm.s32 $0x7  }
.LBB2_1:
0x17: {  	s6 =	simm.s32 $0x1A000;
	s7 =	rddreg [dreg:$0x4]  }
0x18: {  	[tilespmem:s6], [sflag:$0x9] =	stream.linear.gather [hbm4b:s7+s4], $0x280, $0x38;
	[tilespmem:$0x1F780] =	vst v63  }
0x19: {  	_ =	swait.ge [sflag:s16], $0x280  }
0x1a: {  	[sflag:s16] =	ssyncset.done $0x0  }
0x1b: {  	s7 =	simm.s32 $0x1A280;
	s8 =	rddreg [dreg:$0x5];
	[sflag:s16] =	ssyncadd.s32 $0xFFFFFD80  }
0x1c: {  	[tilespmem:s7], [sflag:$0x9] =	stream.linear.gather [hbm4b:s8+s4], $0x280, $0x38;
	[tilespmem:$0x1F780] =	vst v63  }
0x1d: {  	_ =	swait.ge [sflag:s16], $0x280  }
0x1e: {  	[sflag:s16] =	ssyncset.done $0x0  }
0x1f: {  	s18 =	rddreg [dreg:$0x6];
	[sflag:s16] =	ssyncadd.s32 $0xFFFFFD80  }
0x20: {  	[tilespmem:s17], [sflag:$0x9] =	stream.linear.gather [hbm4b:s18+s4], $0x2800, $0x38;
	[tilespmem:$0x1F780] =	vst v63  }
0x21: {  	_ =	swait.ge [sflag:s16], $0x2800  }
0x22: {  	[sflag:s16] =	ssyncset.done $0x0  }
0x23: {  	s21 =	rddreg [dreg:$0x7];
	[sflag:s16] =	ssyncadd.s32 $0xFFFFD800  }
0x24: {  	[tilespmem:s4], [sflag:$0x9] =	stream.linear.gather [hbm4b:s21+s4], $0x2800, $0x38;
	[tilespmem:$0x1F780] =	vst v63  }
0x25: {  	_ =	swait.ge [sflag:s16], $0x2800  }
0x26: {  	[sflag:s16] =	ssyncset.done $0x0  }
0x27: {  	s22 =	rddreg [dreg:$0x8];
	[sflag:s16] =	ssyncadd.s32 $0xFFFFD800  }
0x28: {  	[tilespmem:s10], [sflag:$0x9] =	stream.linear.gather [hbm4b:s22+s4], $0x2800, $0x38;
	[tilespmem:$0x1F780] =	vst v63  }
0x29: {  	_ =	swait.ge [sflag:s16], $0x2800  }
0x2a: {  	[sflag:s16] =	ssyncset.done $0x0  }
0x2b: {  	[sflag:s16] =	ssyncadd.s32 $0xFFFFD800  }
0x2c: {  	v1 =	vld [tilespmem:s6+$0x0]  }
0x2d: {  	v2 =	vld [tilespmem:s7+$0x0];
	_ =	sdelay $0x4  }
0x2e: {  	v1 =	vadd.f32 v2, v1;
	_ =	sdelay $0x1  }
0x2f: {  	v1 =	vadd.f32 $-1.000000000e+00, v1;
	_ =	sdelay $0x1  }
0x30: {  	v2 =	vshra.s32 v1, $0x1;
	v1 =	vmul.f32 $5.000000000e-01, v1  }
0x31: {  	v2 =	vsub.s32 $0x5F3759DF, v2  }
0x32: {  	v3 =	vmul.f32 v2, v1;
	_ =	sdelay $0x1  }
0x33: {  	v3 =	vmul.f32 v2, v3;
	_ =	sdelay $0x1  }
0x34: {  	v3 =	vsub.f32 $1.500000000e+00, v3;
	_ =	sdelay $0x1  }
0x35: {  	v2 =	vmul.f32 v2, v3;
	_ =	sdelay $0x1  }
0x36: {  	v3 =	vmul.f32 v2, v1;
	_ =	sdelay $0x1  }
0x37: {  	v3 =	vmul.f32 v3, v2;
	_ =	sdelay $0x1  }
0x38: {  	v3 =	vsub.f32 $1.500000000e+00, v3;
	_ =	sdelay $0x1  }
0x39: {  	v2 =	vmul.f32 v3, v2;
	_ =	sdelay $0x1  }
0x3a: {  	v1 =	vmul.f32 v2, v1;
	_ =	sdelay $0x1  }
0x3b: {  	v1 =	vmul.f32 v1, v2  }
0x3c: {  	s25 =	simm.s32 $0x0  }
0x3d: {  	v3 =	vor.u32 s25, v0;
	v1 =	vsub.f32 $1.500000000e+00, v1;
	_ =	sdelay $0x1  }
0x3e: {  	v1 =	vmul.f32 v1, v2  }
0x3f: {  	s8 =	simm.s32 $0x1A500  }
0x40: {  	[tilespmem:s8+$0x0] =	vst v1  }
0x41: {  	v2 =	vld.idx.msk [tilespmem:v3+s17+$0x0], $0xffff;
	_ =	sdelay $0x1  }
0x42: {  	s9 =	simm.s32 $0x10  }
0x43: {  	v5 =	vor.u32 s9, v0;
	v4 =	vbroadcast v1, $0x0;
	_ =	sdelay $0x1  }
0x44: {  	v2 =	vmul.f32 v4, v2;
	_ =	sdelay $0x1  }
0x45: {  	[tilespmem:v3+s19+$0x0] =	vst.idx.msk $0xffff, v2  }
0x46: {  	v2 =	vld.idx.msk [tilespmem:v5+s17+$0x0], $0xffff;
	_ =	sdelay $0x1  }
0x47: {  	s30 =	simm.s32 $0x20  }
0x48: {  	v50 =	vor.u32 s30, v0;
	v3 =	vbroadcast v1, $0x1;
	_ =	sdelay $0x1  }
0x49: {  	v2 =	vmul.f32 v3, v2;
	_ =	sdelay $0x1  }
0x4a: {  	[tilespmem:v5+s19+$0x0] =	vst.idx.msk $0xffff, v2  }
0x4b: {  	v2 =	vld.idx.msk [tilespmem:v50+s17+$0x0], $0xffff;
	_ =	sdelay $0x1  }
0x4c: {  	s31 =	simm.s32 $0x30  }
0x4d: {  	v51 =	vor.u32 s31, v0;
	v3 =	vbroadcast v1, $0x2;
	_ =	sdelay $0x1  }
0x4e: {  	v2 =	vmul.f32 v3, v2;
	_ =	sdelay $0x1  }
0x4f: {  	[tilespmem:v50+s19+$0x0] =	vst.idx.msk $0xffff, v2  }
0x50: {  	v2 =	vld.idx.msk [tilespmem:v51+s17+$0x0], $0xffff;
	_ =	sdelay $0x1  }
0x51: {  	s10 =	simm.s32 $0x40  }
0x52: {  	v52 =	vor.u32 s10, v0;
	v3 =	vbroadcast v1, $0x3;
	_ =	sdelay $0x1  }
0x53: {  	v2 =	vmul.f32 v3, v2;
	_ =	sdelay $0x1  }
0x54: {  	[tilespmem:v51+s19+$0x0] =	vst.idx.msk $0xffff, v2  }
0x55: {  	v2 =	vld.idx.msk [tilespmem:v52+s17+$0x0], $0xffff;
	_ =	sdelay $0x1  }
0x56: {  	s11 =	simm.s32 $0x50  }
0x57: {  	v53 =	vor.u32 s11, v0;
	v3 =	vbroadcast v1, $0x4;
	_ =	sdelay $0x1  }
0x58: {  	v2 =	vmul.f32 v3, v2;
	_ =	sdelay $0x1  }
0x59: {  	[tilespmem:v52+s19+$0x0] =	vst.idx.msk $0xffff, v2  }
0x5a: {  	v2 =	vld.idx.msk [tilespmem:v53+s17+$0x0], $0xffff;
	_ =	sdelay $0x1  }
0x5b: {  	s12 =	simm.s32 $0x60  }
0x5c: {  	v54 =	vor.u32 s12, v0;
	v3 =	vbroadcast v1, $0x5;
	_ =	sdelay $0x1  }
0x5d: {  	v2 =	vmul.f32 v3, v2;
	_ =	sdelay $0x1  }
0x5e: {  	[tilespmem:v53+s19+$0x0] =	vst.idx.msk $0xffff, v2  }
0x5f: {  	v2 =	vld.idx.msk [tilespmem:v54+s17+$0x0], $0xffff;
	_ =	sdelay $0x1  }
0x60: {  	s13 =	simm.s32 $0x70  }
0x61: {  	v55 =	vor.u32 s13, v0;
	v3 =	vbroadcast v1, $0x6;
	_ =	sdelay $0x1  }
0x62: {  	v2 =	vmul.f32 v3, v2;
	_ =	sdelay $0x1  }
0x63: {  	[tilespmem:v54+s19+$0x0] =	vst.idx.msk $0xffff, v2  }
0x64: {  	v2 =	vld.idx.msk [tilespmem:v55+s17+$0x0], $0xffff;
	_ =	sdelay $0x1  }
0x65: {  	s14 =	simm.s32 $0x80  }
0x66: {  	v56 =	vor.u32 s14, v0;
	v3 =	vbroadcast v1, $0x7;
	_ =	sdelay $0x1  }
0x67: {  	v2 =	vmul.f32 v3, v2;
	_ =	sdelay $0x1  }
0x68: {  	[tilespmem:v55+s19+$0x0] =	vst.idx.msk $0xffff, v2  }
0x69: {  	v2 =	vld.idx.msk [tilespmem:v56+s17+$0x0], $0xffff;
	_ =	sdelay $0x1  }
0x6a: {  	s15 =	simm.s32 $0x90  }
0x6b: {  	v57 =	vor.u32 s15, v0;
	v3 =	vbroadcast v1, $0x8;
	_ =	sdelay $0x1  }
0x6c: {  	v2 =	vmul.f32 v3, v2;
	_ =	sdelay $0x1  }
0x6d: {  	[tilespmem:v56+s19+$0x0] =	vst.idx.msk $0xffff, v2  }
0x6e: {  	v2 =	vld.idx.msk [tilespmem:v57+s17+$0x0], $0xffff;
	_ =	sdelay $0x1  }
0x6f: {  	s18 =	simm.s32 $0xA0  }
0x70: {  	v58 =	vor.u32 s18, v0;
	v3 =	vbroadcast v1, $0x9;
	_ =	sdelay $0x1  }
0x71: {  	v2 =	vmul.f32 v2, v3;
	_ =	sdelay $0x1  }
0x72: {  	[tilespmem:v57+s19+$0x0] =	vst.idx.msk $0xffff, v2  }
0x73: {  	v2 =	vld.idx.msk [tilespmem:v58+s17+$0x0], $0xffff;
	_ =	sdelay $0x1  }
0x74: {  	s21 =	simm.s32 $0xB0  }
0x75: {  	v59 =	vor.u32 s21, v0;
	v3 =	vbroadcast v1, $0xA;
	_ =	sdelay $0x1  }
0x76: {  	v2 =	vmul.f32 v2, v3;
	_ =	sdelay $0x1  }
0x77: {  	[tilespmem:v58+s19+$0x0] =	vst.idx.msk $0xffff, v2  }
0x78: {  	v2 =	vld.idx.msk [tilespmem:v59+s17+$0x0], $0xffff;
	_ =	sdelay $0x1  }
0x79: {  	s22 =	simm.s32 $0xC0  }
0x7a: {  	v60 =	vor.u32 s22, v0;
	v3 =	vbroadcast v1, $0xB;
	_ =	sdelay $0x1  }
0x7b: {  	v2 =	vmul.f32 v2, v3;
	_ =	sdelay $0x1  }
0x7c: {  	[tilespmem:v59+s19+$0x0] =	vst.idx.msk $0xffff, v2  }
0x7d: {  	v2 =	vld.idx.msk [tilespmem:v60+s17+$0x0], $0xffff;
	_ =	sdelay $0x1  }
0x7e: {  	s25 =	simm.s32 $0xD0  }
0x7f: {  	v61 =	vor.u32 s25, v0;
	v3 =	vbroadcast v1, $0xC;
	_ =	sdelay $0x1  }
0x80: {  	v2 =	vmul.f32 v2, v3;
	_ =	sdelay $0x1  }
0x81: {  	[tilespmem:v60+s19+$0x0] =	vst.idx.msk $0xffff, v2  }
0x82: {  	v2 =	vld.idx.msk [tilespmem:v61+s17+$0x0], $0xffff;
	_ =	sdelay $0x1  }
0x83: {  	s30 =	simm.s32 $0xE0  }
0x84: {  	v62 =	vor.u32 s30, v0;
	v3 =	vbroadcast v1, $0xD;
	_ =	sdelay $0x1  }
0x85: {  	v2 =	vmul.f32 v2, v3;
	_ =	sdelay $0x1  }
0x86: {  	[tilespmem:v61+s19+$0x0] =	vst.idx.msk $0xffff, v2  }
0x87: {  	v3 =	vld.idx.msk [tilespmem:v62+s17+$0x0], $0xffff;
	_ =	sdelay $0x1  }
0x88: {  	s31 =	simm.s32 $0xF0  }
0x89: {  	v63 =	vbroadcast v1, $0xE;
	v2 =	vor.u32 s31, v0;
	_ =	sdelay $0x1  }
0x8a: {  	v3 =	vmul.f32 v3, v63;
	_ =	sdelay $0x1  }
0x8b: {  	[tilespmem:v62+s19+$0x0] =	vst.idx.msk $0xffff, v3  }
0x8c: {  	v3 =	vld.idx.msk [tilespmem:v2+s17+$0x0], $0xffff;
	_ =	sdelay $0x2  }
0x8d: {  	v1 =	vbroadcast v1, $0xF;
	_ =	sdelay $0x1  }
0x8e: {  	s18 =	simm.s32 $0x1F;
	v1 =	vmul.f32 v3, v1  }
.LBB2_2:
0x8f: {  	_ = 	snop  }
0x90: {  	s6 =	sadd.s32 $0x10, s6;
	s7 =	sadd.s32 $0x10, s7;
	s8 =	sadd.s32 $0x10, s8;
	[tilespmem:v2+s19+$0x0] =	vst.idx.msk $0xffff, v1  }
0x91: {  	p1 =	sne.s32 s18, $0x27F;
	s9 =	smov.u32 s18;
	s18 =	sadd.s32 $0x10, s18;
	v1 =	vld [tilespmem:s6+$0x0]  }
0x92: {  	v2 =	vld [tilespmem:s7+$0x0];
	_ =	sdelay $0x4  }
0x93: {  	v1 =	vadd.f32 v2, v1;
	_ =	sdelay $0x1  }
0x94: {  	v1 =	vadd.f32 $-1.000000000e+00, v1;
	_ =	sdelay $0x1  }
0x95: {  	v2 =	vshra.s32 v1, $0x1;
	v1 =	vmul.f32 $5.000000000e-01, v1  }
0x96: {  	v2 =	vsub.s32 $0x5F3759DF, v2  }
0x97: {  	v3 =	vmul.f32 v2, v1;
	_ =	sdelay $0x1  }
0x98: {  	v3 =	vmul.f32 v2, v3;
	_ =	sdelay $0x1  }
0x99: {  	v3 =	vsub.f32 $1.500000000e+00, v3;
	_ =	sdelay $0x1  }
0x9a: {  	v2 =	vmul.f32 v2, v3;
	_ =	sdelay $0x1  }
0x9b: {  	v3 =	vmul.f32 v2, v1;
	_ =	sdelay $0x1  }
0x9c: {  	v3 =	vmul.f32 v3, v2;
	_ =	sdelay $0x1  }
0x9d: {  	v3 =	vsub.f32 $1.500000000e+00, v3;
	_ =	sdelay $0x1  }
0x9e: {  	v2 =	vmul.f32 v3, v2;
	_ =	sdelay $0x1  }
0x9f: {  	v1 =	vmul.f32 v2, v1;
	_ =	sdelay $0x1  }
0xa0: {  	s9 =	sshll.u32 s9, $0x4;
	v1 =	vmul.f32 v1, v2  }
0xa1: {  	s10 =	sadd.s32 $0xFFFFFF10, s9;
	s21 =	sadd.s32 $0xFFFFFF20, s9;
	s22 =	sadd.s32 $0xFFFFFF40, s9  }
0xa2: {  	s31 =	sadd.s32 $0xFFFFFF30, s9;
	s30 =	sadd.s32 $0xFFFFFF50, s9;
	s25 =	sadd.s32 $0xFFFFFF90, s9;
	v3 =	vor.u32 s10, v0;
	v1 =	vsub.f32 $1.500000000e+00, v1  }
0xa3: {  	s11 =	sadd.s32 $0xFFFFFFA0, s9;
	s15 =	sadd.s32 $0xFFFFFFB0, s9;
	s14 =	sadd.s32 $0xFFFFFFC0, s9  }
0xa4: {  	s13 =	sadd.s32 $0xFFFFFFD0, s9;
	s12 =	sadd.s32 $0xFFFFFFE0, s9;
	s10 =	sadd.s32 $0xFFFFFFF0, s9;
	v1 =	vmul.f32 v1, v2  }
0xa5: {  	_ = 	snop  }
0xa6: {  	[tilespmem:s8+$0x0] =	vst v1  }
0xa7: {  	v2 =	vld.idx.msk [tilespmem:v3+s17+$0x0], $0xffff;
	_ =	sdelay $0x3  }
0xa8: {  	v5 =	vor.u32 s21, v0;
	v4 =	vbroadcast v1, $0x0;
	_ =	sdelay $0x1  }
0xa9: {  	v2 =	vmul.f32 v4, v2;
	_ =	sdelay $0x1  }
0xaa: {  	[tilespmem:v3+s19+$0x0] =	vst.idx.msk $0xffff, v2  }
0xab: {  	v2 =	vld.idx.msk [tilespmem:v5+s17+$0x0], $0xffff;
	_ =	sdelay $0x3  }
0xac: {  	v4 =	vor.u32 s31, v0;
	v3 =	vbroadcast v1, $0x1;
	_ =	sdelay $0x1  }
0xad: {  	v2 =	vmul.f32 v3, v2;
	_ =	sdelay $0x1  }
0xae: {  	[tilespmem:v5+s19+$0x0] =	vst.idx.msk $0xffff, v2  }
0xaf: {  	v2 =	vld.idx.msk [tilespmem:v4+s17+$0x0], $0xffff;
	_ =	sdelay $0x3  }
0xb0: {  	v3 =	vbroadcast v1, $0x2;
	v5 =	vor.u32 s22, v0;
	_ =	sdelay $0x1  }
0xb1: {  	v2 =	vmul.f32 v3, v2;
	_ =	sdelay $0x1  }
0xb2: {  	[tilespmem:v4+s19+$0x0] =	vst.idx.msk $0xffff, v2  }
0xb3: {  	v2 =	vld.idx.msk [tilespmem:v5+s17+$0x0], $0xffff;
	_ =	sdelay $0x3  }
0xb4: {  	v3 =	vbroadcast v1, $0x3;
	v4 =	vor.u32 s30, v0;
	_ =	sdelay $0x1  }
0xb5: {  	v2 =	vmul.f32 v3, v2;
	_ =	sdelay $0x1  }
0xb6: {  	[tilespmem:v5+s19+$0x0] =	vst.idx.msk $0xffff, v2  }
0xb7: {  	v2 =	vld.idx.msk [tilespmem:v4+s17+$0x0], $0xffff;
	_ =	sdelay $0x2  }
0xb8: {  	s21 =	sadd.s32 $0xFFFFFF60, s9  }
0xb9: {  	v3 =	vbroadcast v1, $0x4;
	v5 =	vor.u32 s21, v0;
	_ =	sdelay $0x1  }
0xba: {  	v2 =	vmul.f32 v3, v2;
	_ =	sdelay $0x1  }
0xbb: {  	[tilespmem:v4+s19+$0x0] =	vst.idx.msk $0xffff, v2  }
0xbc: {  	v2 =	vld.idx.msk [tilespmem:v5+s17+$0x0], $0xffff;
	_ =	sdelay $0x2  }
0xbd: {  	s21 =	sadd.s32 $0xFFFFFF70, s9  }
0xbe: {  	v3 =	vbroadcast v1, $0x5;
	v4 =	vor.u32 s21, v0;
	_ =	sdelay $0x1  }
0xbf: {  	v2 =	vmul.f32 v3, v2;
	_ =	sdelay $0x1  }
0xc0: {  	[tilespmem:v5+s19+$0x0] =	vst.idx.msk $0xffff, v2  }
0xc1: {  	v2 =	vld.idx.msk [tilespmem:v4+s17+$0x0], $0xffff;
	_ =	sdelay $0x2  }
0xc2: {  	s21 =	sadd.s32 $0xFFFFFF80, s9  }
0xc3: {  	v3 =	vbroadcast v1, $0x6;
	v5 =	vor.u32 s21, v0;
	_ =	sdelay $0x1  }
0xc4: {  	v2 =	vmul.f32 v3, v2;
	_ =	sdelay $0x1  }
0xc5: {  	[tilespmem:v4+s19+$0x0] =	vst.idx.msk $0xffff, v2  }
0xc6: {  	v2 =	vld.idx.msk [tilespmem:v5+s17+$0x0], $0xffff;
	_ =	sdelay $0x3  }
0xc7: {  	v3 =	vbroadcast v1, $0x7;
	v4 =	vor.u32 s25, v0;
	_ =	sdelay $0x1  }
0xc8: {  	v2 =	vmul.f32 v3, v2;
	_ =	sdelay $0x1  }
0xc9: {  	[tilespmem:v5+s19+$0x0] =	vst.idx.msk $0xffff, v2  }
0xca: {  	v2 =	vld.idx.msk [tilespmem:v4+s17+$0x0], $0xffff;
	_ =	sdelay $0x3  }
0xcb: {  	v3 =	vbroadcast v1, $0x8;
	v5 =	vor.u32 s11, v0;
	_ =	sdelay $0x1  }
0xcc: {  	v2 =	vmul.f32 v3, v2;
	_ =	sdelay $0x1  }
0xcd: {  	[tilespmem:v4+s19+$0x0] =	vst.idx.msk $0xffff, v2  }
0xce: {  	v2 =	vld.idx.msk [tilespmem:v5+s17+$0x0], $0xffff;
	_ =	sdelay $0x3  }
0xcf: {  	v3 =	vbroadcast v1, $0x9;
	v4 =	vor.u32 s15, v0;
	_ =	sdelay $0x1  }
0xd0: {  	v2 =	vmul.f32 v2, v3;
	_ =	sdelay $0x1  }
0xd1: {  	[tilespmem:v5+s19+$0x0] =	vst.idx.msk $0xffff, v2  }
0xd2: {  	v2 =	vld.idx.msk [tilespmem:v4+s17+$0x0], $0xffff;
	_ =	sdelay $0x3  }
0xd3: {  	v3 =	vbroadcast v1, $0xA;
	v5 =	vor.u32 s14, v0;
	_ =	sdelay $0x1  }
0xd4: {  	v2 =	vmul.f32 v2, v3;
	_ =	sdelay $0x1  }
0xd5: {  	[tilespmem:v4+s19+$0x0] =	vst.idx.msk $0xffff, v2  }
0xd6: {  	v2 =	vld.idx.msk [tilespmem:v5+s17+$0x0], $0xffff;
	_ =	sdelay $0x3  }
0xd7: {  	v3 =	vbroadcast v1, $0xB;
	v4 =	vor.u32 s13, v0;
	_ =	sdelay $0x1  }
0xd8: {  	v2 =	vmul.f32 v2, v3;
	_ =	sdelay $0x1  }
0xd9: {  	[tilespmem:v5+s19+$0x0] =	vst.idx.msk $0xffff, v2  }
0xda: {  	v2 =	vld.idx.msk [tilespmem:v4+s17+$0x0], $0xffff;
	_ =	sdelay $0x3  }
0xdb: {  	v3 =	vbroadcast v1, $0xC;
	v5 =	vor.u32 s12, v0;
	_ =	sdelay $0x1  }
0xdc: {  	v2 =	vmul.f32 v2, v3;
	_ =	sdelay $0x1  }
0xdd: {  	[tilespmem:v4+s19+$0x0] =	vst.idx.msk $0xffff, v2  }
0xde: {  	v2 =	vld.idx.msk [tilespmem:v5+s17+$0x0], $0xffff;
	_ =	sdelay $0x3  }
0xdf: {  	v3 =	vbroadcast v1, $0xD;
	v4 =	vor.u32 s10, v0;
	_ =	sdelay $0x1  }
0xe0: {  	v2 =	vmul.f32 v2, v3;
	_ =	sdelay $0x1  }
0xe1: {  	[tilespmem:v5+s19+$0x0] =	vst.idx.msk $0xffff, v2  }
0xe2: {  	v3 =	vld.idx.msk [tilespmem:v4+s17+$0x0], $0xffff;
	_ =	sdelay $0x3  }
0xe3: {  	v5 =	vbroadcast v1, $0xE;
	v2 =	vor.u32 s9, v0;
	_ =	sdelay $0x1  }
0xe4: {  	v3 =	vmul.f32 v3, v5;
	_ =	sdelay $0x1  }
0xe5: {  	[tilespmem:v4+s19+$0x0] =	vst.idx.msk $0xffff, v3  }
0xe6: {  	v3 =	vld.idx.msk [tilespmem:v2+s17+$0x0], $0xffff;
	_ =	sdelay $0x1  }
.Ltmp0:
0xe7: {  	(pc) =	sbr.rel @p1 .LBB2_2-.Ltmp0, $3  }
0xe8: {  	_ = 	snop  }
0xe9: {  	v1 =	vbroadcast v1, $0xF;
	_ =	sdelay $0x1  }
0xea: {  	v1 =	vmul.f32 v3, v1  }
0xeb: {  	_ =	sdelay $0x3  }
0xec: {  	s6 =	rddreg [dreg:$0x9];
	[tilespmem:v2+s19+$0x0] =	vst.idx.msk $0xffff, v1  }
0xed: {  	[spmem:s6] =	stream.linear.scatter [tilespmem:s19], [sflag:$0x9], $0x2800, $0x38;
	[tilespmem:$0x1F780] =	vst v63  }
0xee: {  	_ =	swait.ge [sflag:s16], $0x2800  }
0xef: {  	[sflag:s16] =	ssyncset.done $0x0  }
0xf0: {  	s9 =	rddreg [dreg:$0xa];
	[sflag:s16] =	ssyncadd.s32 $0xFFFFD800  }
0xf1: {  	[spmem:s9] =	stream.linear.scatter [tilespmem:s19], [sflag:$0x9], $0x2800, $0x38;
	[tilespmem:$0x1F780] =	vst v63  }
0xf2: {  	_ =	swait.ge [sflag:s16], $0x2800  }
0xf3: {  	s7 =	simm.s32 @!p0 $0x17800;
	[sflag:s16] =	ssyncset.done $0x0  }
0xf4: {  	s6 =	simm.s32 @!p0 $0x0;
	s8 =	rddreg [dreg:$0xb];
	[sflag:s16] =	ssyncadd.s32 $0xFFFFD800  }
0xf5: {  	[hbm4b:s8+s6] =	stream.linear.scatter @!p0 [tilespmem:s7], [sflag:$0x9], $0x2800, $0x38;
	[tilespmem:$0x1F780] =	vst v63  }
0xf6: {  	s7 =	simm.s32 @!p0 $0x9  }
0xf7: {  	_ =	swait.ge @!p0 [sflag:s7], $0x2800  }
0xf8: {  	[sflag:s7] =	ssyncset.done @!p0 $0x0  }
0xf9: {  	s8 =	simm.s32 @!p0 $0x1A500;
	s10 =	rddreg [dreg:$0xc];
	[sflag:s7] =	ssyncadd.s32 @!p0 $0xFFFFD800  }
0xfa: {  	[hbm4b:s10+s6] =	stream.linear.scatter @!p0 [tilespmem:s8], [sflag:$0x9], $0x280, $0x38;
	[tilespmem:$0x1F780] =	vst v63  }
0xfb: {  	_ =	swait.ge @!p0 [sflag:s7], $0x280  }
0xfc: {  	[sflag:s7] =	ssyncset.done @!p0 $0x0  }
0xfd: {  	[sflag:s7] =	ssyncadd.s32 @!p0 $0xFFFFFD80  }
0xfe: {  	s6 =	simm.s32 $0x5000;
	[bflag:$0x0] =	sbarrier.arrive $0xFFFF  }
0xff: {  	[tilespmem:s6], [sflag:$0x1] =	stream.indirect.gather [spmem:s1], $0x10, s4, s20, $0xb8;
	[tilespmem:$0x1F780] =	vst v63  }
0x100: {  	s7 =	simm.s32 $0x9000  }
0x101: {  	[tilespmem:s7], [sflag:$0x2] =	stream.indirect.gather [spmem:s1], $0x10, s20, s20, $0xb8;
	[tilespmem:$0x1F780] =	vst v63  }
0x102: {  	_ =	swait.ge [sflag:s23], $0x4000  }
0x103: {  	[sflag:s23] =	ssyncset.done $0x0  }
0x104: {  	s10 =	simm.s32 $0x2800;
	[sflag:s23] =	ssyncadd.s32 $0xFFFFC000  }
0x105: {  	[spmem:s3] =	stream.indirect.scatter.add.f32 [tilespmem:s6], [sflag:$0x5], $0x10, s10, s20, $0xb8;
	[tilespmem:$0x1F780] =	vst v63  }
0x106: {  	s31 =	simm.s32 $0x800;
	s11 =	simm.s32 $0xD000  }
0x107: {  	[tilespmem:s11], [sflag:$0x3] =	stream.indirect.gather [spmem:s1], $0x10, s31, s20, $0xb8;
	[tilespmem:$0x1F780] =	vst v63  }
0x108: {  	_ =	swait.ge [sflag:s26], $0x4000  }
0x109: {  	[sflag:s26] =	ssyncset.done $0x0  }
0x10a: {  	s12 =	simm.s32 $0x2C00;
	[sflag:s26] =	ssyncadd.s32 $0xFFFFC000  }
0x10b: {  	[spmem:s3] =	stream.indirect.scatter.add.f32 [tilespmem:s7], [sflag:$0x6], $0x10, s12, s20, $0xb8;
	[tilespmem:$0x1F780] =	vst v63  }
0x10c: {  	s13 =	simm.s32 $0xC00;
	s14 =	simm.s32 $0x3;
	s12 =	simm.s32 $0x11000  }
0x10d: {  	[tilespmem:s12], [sflag:$0x4] =	stream.indirect.gather [spmem:s1], $0x10, s13, s20, $0xb8;
	[tilespmem:$0x1F780] =	vst v63  }
0x10e: {  	_ =	swait.ge [sflag:s14], $0x4000  }
0x10f: {  	[sflag:s14] =	ssyncset.done $0x0  }
0x110: {  	s13 =	simm.s32 $0x3000;
	[sflag:s14] =	ssyncadd.s32 $0xFFFFC000  }
0x111: {  	[spmem:s3] =	stream.indirect.scatter.add.f32 [tilespmem:s11], [sflag:$0x7], $0x10, s13, s20, $0xb8;
	[tilespmem:$0x1F780] =	vst v63  }
0x112: {  	_ =	swait.ge [sflag:s0], $0x4000  }
0x113: {  	[sflag:s0] =	ssyncset.done $0x0  }
0x114: {  	s15 =	simm.s32 $0x1000;
	[sflag:s0] =	ssyncadd.s32 $0xFFFFC000  }
0x115: {  	[tilespmem:s6], [sflag:$0x1] =	stream.indirect.gather [spmem:s1], $0x10, s15, s20, $0xb8;
	[tilespmem:$0x1F780] =	vst v63  }
0x116: {  	_ =	swait.ge [sflag:s28], $0x4000  }
0x117: {  	[sflag:s28] =	ssyncset.done $0x0  }
0x118: {  	s18 =	simm.s32 $0x3400;
	[sflag:s28] =	ssyncadd.s32 $0xFFFFC000  }
0x119: {  	[spmem:s3] =	stream.indirect.scatter.add.f32 [tilespmem:s12], [sflag:$0x8], $0x10, s18, s20, $0xb8;
	[tilespmem:$0x1F780] =	vst v63  }
0x11a: {  	_ =	swait.ge [sflag:s2], $0x4000  }
0x11b: {  	[sflag:s2] =	ssyncset.done $0x0  }
0x11c: {  	s21 =	simm.s32 $0x1400;
	[sflag:s2] =	ssyncadd.s32 $0xFFFFC000  }
0x11d: {  	[tilespmem:s7], [sflag:$0x2] =	stream.indirect.gather [spmem:s1], $0x10, s21, s20, $0xb8;
	[tilespmem:$0x1F780] =	vst v63  }
0x11e: {  	_ =	swait.ge [sflag:s23], $0x4000  }
0x11f: {  	[sflag:s23] =	ssyncset.done $0x0  }
0x120: {  	s22 =	simm.s32 $0x3800;
	[sflag:s23] =	ssyncadd.s32 $0xFFFFC000  }
0x121: {  	[spmem:s3] =	stream.indirect.scatter.add.f32 [tilespmem:s6], [sflag:$0x5], $0x10, s22, s20, $0xb8;
	[tilespmem:$0x1F780] =	vst v63  }
0x122: {  	_ =	swait.ge [sflag:s24], $0x4000  }
0x123: {  	[sflag:s24] =	ssyncset.done $0x0  }
0x124: {  	s25 =	simm.s32 $0x1800;
	[sflag:s24] =	ssyncadd.s32 $0xFFFFC000  }
0x125: {  	[tilespmem:s11], [sflag:$0x3] =	stream.indirect.gather [spmem:s1], $0x10, s25, s20, $0xb8;
	[tilespmem:$0x1F780] =	vst v63  }
0x126: {  	_ =	swait.ge [sflag:s26], $0x4000  }
0x127: {  	[sflag:s26] =	ssyncset.done $0x0  }
0x128: {  	s30 =	simm.s32 $0x3C00;
	[sflag:s26] =	ssyncadd.s32 $0xFFFFC000  }
0x129: {  	[spmem:s3] =	stream.indirect.scatter.add.f32 [tilespmem:s7], [sflag:$0x6], $0x10, s30, s20, $0xb8;
	[tilespmem:$0x1F780] =	vst v63  }
0x12a: {  	_ =	swait.ge [sflag:s29], $0x4000  }
0x12b: {  	[sflag:s29] =	ssyncset.done $0x0  }
0x12c: {  	s31 =	simm.s32 $0x1C00;
	[sflag:s29] =	ssyncadd.s32 $0xFFFFC000  }
0x12d: {  	[tilespmem:s12], [sflag:$0x4] =	stream.indirect.gather [spmem:s1], $0x10, s31, s20, $0xb8;
	[tilespmem:$0x1F780] =	vst v63  }
0x12e: {  	_ =	swait.ge [sflag:s14], $0x4000  }
0x12f: {  	[sflag:s14] =	ssyncset.done $0x0  }
0x130: {  	[sflag:s14] =	ssyncadd.s32 $0xFFFFC000;
	s14 =	simm.s32 $0x4000  }
0x131: {  	[spmem:s3] =	stream.indirect.scatter.add.f32 [tilespmem:s11], [sflag:$0x7], $0x10, s14, s20, $0xb8;
	[tilespmem:$0x1F780] =	vst v63  }
0x132: {  	_ =	swait.ge [sflag:s0], $0x4000  }
0x133: {  	[sflag:s0] =	ssyncset.done $0x0  }
0x134: {  	s15 =	simm.s32 $0x2000;
	[sflag:s0] =	ssyncadd.s32 $0xFFFFC000  }
0x135: {  	[tilespmem:s6], [sflag:$0x1] =	stream.indirect.gather [spmem:s1], $0x10, s15, s20, $0xb8;
	[tilespmem:$0x1F780] =	vst v63  }
0x136: {  	_ =	swait.ge [sflag:s28], $0x4000  }
0x137: {  	[sflag:s28] =	ssyncset.done $0x0  }
0x138: {  	s18 =	simm.s32 $0x4400;
	[sflag:s28] =	ssyncadd.s32 $0xFFFFC000  }
0x139: {  	[spmem:s3] =	stream.indirect.scatter.add.f32 [tilespmem:s12], [sflag:$0x8], $0x10, s18, s20, $0xb8;
	[tilespmem:$0x1F780] =	vst v63  }
0x13a: {  	_ =	swait.ge [sflag:s2], $0x4000  }
0x13b: {  	[sflag:s2] =	ssyncset.done $0x0  }
0x13c: {  	s21 =	simm.s32 $0x2400;
	[sflag:s2] =	ssyncadd.s32 $0xFFFFC000  }
0x13d: {  	[tilespmem:s7], [sflag:$0x2] =	stream.indirect.gather [spmem:s1], $0x10, s21, s20, $0xb8;
	[tilespmem:$0x1F780] =	vst v63  }
0x13e: {  	_ =	swait.ge [sflag:s23], $0x4000  }
0x13f: {  	[sflag:s23] =	ssyncset.done $0x0  }
0x140: {  	s22 =	simm.s32 $0x4800;
	[sflag:s23] =	ssyncadd.s32 $0xFFFFC000  }
0x141: {  	[spmem:s3] =	stream.indirect.scatter.add.f32 [tilespmem:s6], [sflag:$0x5], $0x10, s22, s20, $0xb8;
	[tilespmem:$0x1F780] =	vst v63  }
0x142: {  	_ =	swait.ge [sflag:s26], $0x4000  }
0x143: {  	[sflag:s26] =	ssyncset.done $0x0  }
0x144: {  	s25 =	simm.s32 $0x4C00;
	[sflag:s26] =	ssyncadd.s32 $0xFFFFC000  }
0x145: {  	[spmem:s3] =	stream.indirect.scatter.add.f32 [tilespmem:s7], [sflag:$0x6], $0x10, s25, s20, $0xb8;
	[tilespmem:$0x1F780] =	vst v63  }
0x146: {  	_ =	swait.ge [sflag:s24], $0x4000  }
0x147: {  	[sflag:s24] =	ssyncset.done $0x0  }
0x148: {  	[sflag:s24] =	ssyncadd.s32 $0xFFFFC000  }
0x149: {  	_ =	swait.ge [sflag:s29], $0x4000  }
0x14a: {  	[sflag:s29] =	ssyncset.done $0x0  }
0x14b: {  	[sflag:s29] =	ssyncadd.s32 $0xFFFFC000  }
0x14c: {  	_ =	swait.ge [sflag:s0], $0x4000  }
0x14d: {  	[sflag:s0] =	ssyncset.done $0x0  }
0x14e: {  	[sflag:s0] =	ssyncadd.s32 $0xFFFFC000  }
0x14f: {  	_ =	swait.ge [sflag:s2], $0x4000  }
0x150: {  	[sflag:s2] =	ssyncset.done $0x0  }
0x151: {  	[sflag:s2] =	ssyncadd.s32 $0xFFFFC000  }
0x152: {  	[bflag:$0x0] =	sbarrier.arrive $0xFFFF  }
0x153: {  	[tilespmem:s17], [sflag:$0x9] =	stream.linear.gather [spmem:s9], $0x2800, $0x38;
	[tilespmem:$0x1F780] =	vst v63  }
0x154: {  	_ =	swait.ge [sflag:s16], $0x2800  }
0x155: {  	[sflag:s16] =	ssyncset.done $0x0  }
0x156: {  	s30 =	rddreg [dreg:$0xd];
	[sflag:s16] =	ssyncadd.s32 $0xFFFFD800  }
0x157: {  	[hbm4b:s30+s4] =	stream.linear.scatter [tilespmem:s17], [sflag:$0x9], $0x2800, $0x38;
	[tilespmem:$0x1F780] =	vst v63  }
0x158: {  	_ =	swait.ge [sflag:s16], $0x2800  }
0x159: {  	s5 =	sadd.s32 $0x1, s5;
	s31 =	rddreg [dreg:$0xe]  }
0x15a: {  	p1 =	sne.s32 s5, s31  }
.Ltmp1:
0x15b: {  	_ = 	snop;
	(pc) =	sbr.rel @p1 .LBB2_1-.Ltmp1, $3  }
0x15c: {  	_ =	sdelay $0x1  }
0x15d: {  	[sflag:s16] =	ssyncset.done $0x0  }
0x15e: {  	[sflag:s16] =	ssyncadd.s32 $0xFFFFD800  }
0x15f: {  	_ =	sfence.sel $0x180000  }
0x160: {  	[bflag:$0x0] =	sbarrier.arrive $0xFFFF  }
0x161: {  	_ =	strace $0x9000004A  }
0x162: {  	s0 =	stileid.u32;
	[bflag:$0x2] =	sbarrier.arrive $0xFFFF  }
0x163: {  	p0 =	sne.s32 s0, $0x0;
	s0 =	rddreg [dreg:$0x3]  }
0x164: {  	s0 =	sadd.s32 @!p0 $0x100000, s0  }
0x165: {  	[sflag:s0] =	ssyncadd.tile.s32 @!p0 $0x1;
	_ =	shalt  }
.Lfunc_end2:
_tile_overlayer_lowered:
.L_overlay_start_2:
0x166: {  	(tag) =	ssettag $0x2  }
0x167: {  	s0 =	rddreg [dreg:$0x0];
	s2 =	stileid.u32  }
0x168: {  	s1 =	rddreg [dreg:$0x1];
	p0 =	sne.s32 s2, $0x0  }
0x169: {  	s3 =	rddreg [dreg:$0x2];
	[bflag:$0x3] =	sbarrier.arrive $0xFFFF;
	s2 =	simm.s32 @!p0 $0x1C09  }
0x16a: {  	[timem:s3], [sflag:s2] =	dma.local @!p0 [hbm:s0], s1  }
0x16b: {  	s0 =	simm.s32 @!p0 $0x9  }
0x16c: {  	_ =	swait.ge @!p0 [sflag:s0], s1  }
0x16d: {  	s1 =	ssub.s32 @!p0 $0x0, s1;
	[sflag:s0] =	ssyncset.done @!p0 $0x0  }
0x16e: {  	[sflag:s0] =	ssyncadd.s32 @!p0 s1  }
0x16f: {  	[bflag:$0x3] =	sbarrier.arrive $0xFFFF  }
0x170: {  	_ =	shalt  }

// kernel: _run.13.cloned.1.call-start
scs
__scs_entry_jumppad:
0x0: {  	(pc) =	sbr.rel $0x88, $3  }
0x1: {  	(tag) =	ssettag $0x0;
	lr =	simm.s32 $0x1  }
0x2: {  	[smem:$0x3F9A] =	sst lr;
	_ =	strace $0xD0000000  }
0x3: {  	_ = 	snop  }
0x4: {  	_ = 	snop  }
0x5: {  	_ = 	snop  }
0x6: {  	_ = 	snop  }
0x7: {  	_ = 	snop  }
__scs_overlays_trampoline_lowered:
0x8: {  	[smem:$0x3FA9] =	sst s0  }
0x9: {  	[smem:$0x3FAA] =	sst s1  }
0xa: {  	[smem:$0x3FAB] =	sst s2  }
0xb: {  	[smem:$0x3FAC] =	sst s3  }
0xc: {  	[smem:$0x3FAD] =	sst s4  }
0xd: {  	[smem:$0x3FAE] =	sst s5  }
0xe: {  	[smem:$0x3FAF] =	sst s6  }
0xf: {  	[smem:$0x3FB0] =	sst s7  }
0x10: {  	[smem:$0x3FB1] =	sst s8  }
0x11: {  	[smem:$0x3FB2] =	sst s9;
	s0 =	simm.s32 @!p0 $0x0  }
0x12: {  	s1 =	sld [smem:$0x3F98];
	s0 =	simm.s32 @p0 $0x1  }
0x13: {  	[smem:$0x3FB3] =	sst s0;
	s0 =	simm.s32 @!p1 $0x0  }
0x14: {  	s2 =	sld [smem:$0x3F97];
	s0 =	simm.s32 @p1 $0x1  }
0x15: {  	[smem:$0x3FB4] =	sst s0;
	s0 =	simm.s32 @!p2 $0x0  }
0x16: {  	s3 =	sld [smem:$0x3FDB];
	s0 =	simm.s32 @p2 $0x1  }
0x17: {  	s4 =	simm.s32 $0x1BF5;
	[smem:$0x3FB6] =	sst s0  }
0x18: {  	s0 =	sld [smem:$0x3F99];
	_ =	swait.ge [sflag:s4], $0x0  }
0x19: {  	s7 =	sld [smem:$0x3F9A]  }
0x1a: {  	s8 =	sadd.s32 $0xFFFFE003, lr  }
0x1b: {  	s9 =	sadd.s32 $0xFFFFFEF7, lr;
	s5 =	simm.s32 $0xFFFFFFFF;
	p2 =	slt.u32 s8, $0xFFFFF086  }
0x1c: {  	p1 =	slt.u32 s9, $0xF7A;
	s5 =	simm.s32 @!p2 $0x0  }
0x1d: {  	s5 =	simm.s32 @p1 $0x1;
	p0 =	seq.s32 s7, s2  }
0x1e: {  	s7 =	smul.u32 @!p0 $0xF7A, s2;
	p2 =	seq.s32 @!p0 s5, $0x0  }
0x1f: {  	s9 =	smul.u32 $0xF7A, s1;
	s8 =	simm.s32 @!p0 $0x1BF5;
	p2 =	por !p2, p0  }
0x20: {  	[sflag:s8] =	ssyncset.s32 @!p0 $0xFFFFF086;
	s6 =	sadd.s32 @!p0 s3, s7;
	s7 =	simm.s32 @!p0 $0x108  }
0x21: {  	s3 =	sadd.s32 s3, s9;
	s6 =	sadd.s32 @!p0 $0x88, s6;
	s7 =	simm.s32 @p2 $0x1082  }
0x22: {  	[simem:s7], [sflag:s8] =	dma.local @!p0 [hbm:s6], $0xF7A  }
0x23: {  	s9 =	sor.u32 $0xD0000000, s2;
	s6 =	simm.s32 $0x108;
	_ =	swait.ge @!p0 [sflag:s8], $0x0  }
0x24: {  	s3 =	sadd.s32 $0x88, s3;
	s6 =	simm.s32 @!p1 $0x1082;
	[sflag:s4] =	ssyncset.s32 $0xFFFFF086  }
0x25: {  	[simem:s6], [sflag:s4] =	dma.local [hbm:s3], $0xF7A  }
0x26: {  	[smem:$0x3F9A] =	sst s1;
	(tag) =	ssettag s2;
	_ =	strace s9  }
0x27: {  	s1 =	sld [smem:$0x3FAA]  }
0x28: {  	s2 =	sld [smem:$0x3FAB]  }
0x29: {  	s4 =	sld [smem:$0x3FAD]  }
0x2a: {  	p0 =	seq.s32 s5, $0x0;
	s5 =	sld [smem:$0x3FAE]  }
0x2b: {  	s6 =	sld [smem:$0x3FAF]  }
0x2c: {  	s7 =	sld [smem:$0x3FB0]  }
0x2d: {  	s3 =	simm.s32 $0x108;
	s8 =	sld [smem:$0x3FB1]  }
0x2e: {  	s3 =	simm.s32 @!p0 $0x1082;
	s9 =	sld [smem:$0x3FB2]  }
0x2f: {  	lr =	sadd.s32 s0, s3;
	s0 =	sld [smem:$0x3FA9]  }
0x30: {  	s3 =	sld [smem:$0x3FAC]  }
0x31: {  	[smem:$0x3FB5] =	sst s10  }
0x32: {  	s10 =	sld [smem:$0x3FB3];
	_ =	sdelay $0x3  }
0x33: {  	p0 =	seq.s32 s10, $0x1;
	s10 =	sld [smem:$0x3FB5];
	_ =	sdelay $0x3  }
0x34: {  	[smem:$0x3FB5] =	sst s10  }
0x35: {  	s10 =	sld [smem:$0x3FB4];
	_ =	sdelay $0x3  }
0x36: {  	p1 =	seq.s32 s10, $0x1;
	s10 =	sld [smem:$0x3FB5];
	_ =	sdelay $0x3  }
0x37: {  	[smem:$0x3FB5] =	sst s10  }
0x38: {  	s10 =	sld [smem:$0x3FB6]  }
0x39: {  	_ = 	snop;
	(pc) =	sbr.ind lr, $3  }
0x3a: {  	_ = 	snop  }
0x3b: {  	_ = 	snop  }
0x3c: {  	p2 =	seq.s32 s10, $0x1;
	s10 =	sld [smem:$0x3FB5]  }
0x3d: {  	_ =	shalt  }
0x3e: {  	_ =	shalt  }
0x3f: {  	_ =	shalt  }
0x40: {  	_ =	shalt  }
0x41: {  	_ =	shalt  }
0x42: {  	_ =	shalt  }
0x43: {  	_ =	shalt  }
0x44: {  	_ =	shalt  }
0x45: {  	_ =	shalt  }
0x46: {  	_ =	shalt  }
0x47: {  	_ =	shalt  }
0x48: {  	_ =	shalt  }
0x49: {  	_ =	shalt  }
0x4a: {  	_ =	shalt  }
0x4b: {  	_ =	shalt  }
0x4c: {  	_ =	shalt  }
0x4d: {  	_ =	shalt  }
0x4e: {  	_ =	shalt  }
0x4f: {  	_ =	shalt  }
0x50: {  	_ =	shalt  }
0x51: {  	_ =	shalt  }
0x52: {  	_ =	shalt  }
0x53: {  	_ =	shalt  }
0x54: {  	_ =	shalt  }
0x55: {  	_ =	shalt  }
0x56: {  	_ =	shalt  }
0x57: {  	_ =	shalt  }
0x58: {  	_ =	shalt  }
0x59: {  	_ =	shalt  }
0x5a: {  	_ =	shalt  }
0x5b: {  	_ =	shalt  }
0x5c: {  	_ =	shalt  }
0x5d: {  	_ =	shalt  }
0x5e: {  	_ =	shalt  }
0x5f: {  	_ =	shalt  }
0x60: {  	_ =	shalt  }
0x61: {  	_ =	shalt  }
0x62: {  	_ =	shalt  }
0x63: {  	_ =	shalt  }
0x64: {  	_ =	shalt  }
0x65: {  	_ =	shalt  }
0x66: {  	_ =	shalt  }
0x67: {  	_ =	shalt  }
0x68: {  	_ =	shalt  }
0x69: {  	_ =	shalt  }
0x6a: {  	_ =	shalt  }
0x6b: {  	_ =	shalt  }
0x6c: {  	_ =	shalt  }
0x6d: {  	_ =	shalt  }
0x6e: {  	_ =	shalt  }
0x6f: {  	_ =	shalt  }
0x70: {  	_ =	shalt  }
0x71: {  	_ =	shalt  }
0x72: {  	_ =	shalt  }
0x73: {  	_ =	shalt  }
0x74: {  	_ =	shalt  }
0x75: {  	_ =	shalt  }
0x76: {  	_ =	shalt  }
0x77: {  	_ =	shalt  }
0x78: {  	_ =	shalt  }
0x79: {  	_ =	shalt  }
0x7a: {  	_ =	shalt  }
0x7b: {  	_ =	shalt  }
0x7c: {  	_ =	shalt  }
0x7d: {  	_ =	shalt  }
0x7e: {  	_ =	shalt  }
0x7f: {  	_ =	shalt  }
0x80: {  	_ =	shalt  }
0x81: {  	_ =	shalt  }
0x82: {  	_ =	shalt  }
0x83: {  	_ =	shalt  }
0x84: {  	_ =	shalt  }
0x85: {  	_ =	shalt  }
0x86: {  	_ =	shalt  }
0x87: {  	_ =	shalt  }
.Lfunc_end0:
.L_simem_size_0:
called_computation.2_lowered:
.L_overlay_start_0:
0x88: {  	s2 =	sld [smem:$0x3FD9]  }
0x89: {  	s3 =	sld [smem:$0x3FFE];
	_ =	sdelay $0x1  }
0x8a: {  	s1 =	srdreg.scid  }
0x8b: {  	s0 =	sand.u32 $0x1, s1  }
0x8c: {  	s17 =	sshll.u32 s0, $0xA;
	s2 =	sadd.s32 s3, s2  }
0x8d: {  	s2 =	sadd.s32 s2, s17  }
0x8e: {  	[smem:$0x3FC1] =	sst s2  }
0x8f: {  	_ = 	snop  }
0x90: {  	s2 =	sld [smem:$0x3FC5];
	(tm) =	ssettm $0x1  }
0x91: {  	s18 =	sld [smem:$0x3FFB];
	_ =	sdelay $0x3  }
0x92: {  	_ =	strace s18  }
0x93: {  	s3 =	sld [smem:$0x3FFC];
	_ =	sdelay $0x3  }
0x94: {  	_ =	strace s3  }
0x95: {  	s3 =	sld [smem:$0x3FFD];
	_ =	sdelay $0x3  }
0x96: {  	_ =	strace s3  }
0x97: {  	_ =	strace $0x8FFFFFFF  }
0x98: {  	s19 =	sld [smem:$0x3FDB];
	_ =	sdelay $0x1  }
0x99: {  	s4 =	simm.s32 $_scs_section_size  }
0x9a: {  	s5 =	simm.s32 $_size__tile_overlayer_lowered;
	s6 =	simm.s32 $_tile_overlayer_lowered  }
0x9b: {  	s22 =	simm.s32 $0x1BFF;
	s21 =	sshll.u32 s6, $0x1;
	s3 =	sadd.s32 s4, s19  }
0x9c: {  	s7 =	simm.s32 $0x0;
	s20 =	sshll.u32 s5, $0x1;
	s5 =	sadd.s32 s21, s3  }
0x9d: {  	[timem:s7], [sflag:s22] =	dma.local [hbm:s5], s20  }
0x9e: {  	_ =	swait.ge [sflag:s22], s20  }
0x9f: {  	s4 =	ssub.s32 $0x0, s20;
	[sflag:s22] =	ssyncset.done $0x0  }
0xa0: {  	[sflag:s22] =	ssyncadd.s32 s4;
	_ =	sdelay $0x1  }
0xa1: {  	s23 =	simm.s32 $0x1B8B  }
0xa2: {  	_ =	swait.ge [sflag:s23], $0x1  }
0xa3: {  	[sflag:s23] =	ssyncset.done $0x0  }
0xa4: {  	s25 =	simm.s32 $0x1B8E;
	s24 =	sld [smem:$0x3FFE];
	[sflag:s23] =	ssyncadd.s32 $0xFFFFFFFF  }
0xa5: {  	s26 =	simm.s32 $execute0_lowered;
	[smem:$0x3FD2] =	sst s25  }
0xa6: {  	s5 =	sshll.u32 s26, $0x1;
	_ =	strace $0x8000004C;
	[dreg:$0x1] =	wrdreg $0xFFFFFFFF  }
0xa7: {  	s28 =	simm.s32 $_size_execute0_lowered;
	s3 =	sadd.s32 s3, s5;
	[dreg:$0x0] =	wrdreg $0x0  }
0xa8: {  	s5 =	sshll.u32 s28, $0x1;
	[dreg:$0x2] =	wrdreg s3  }
0xa9: {  	[dreg:$0x3] =	wrdreg s5  }
0xaa: {  	[dreg:$0x4] =	wrdreg $0xC0  }
0xab: {  	_ =	task [dreg:s7], $0x5FFFF  }
0xac: {  	[dreg:$0x1] =	wrdreg $0xFFFFFFFF  }
0xad: {  	[dreg:$0x0] =	wrdreg $0x60  }
0xae: {  	[dreg:$0x2] =	wrdreg s24  }
0xaf: {  	[dreg:$0x3] =	wrdreg s2  }
0xb0: {  	[dreg:$0x4] =	wrdreg $0x19E200  }
0xb1: {  	[dreg:$0x5] =	wrdreg $0x1C6200  }
0xb2: {  	[dreg:$0x6] =	wrdreg $0x9  }
0xb3: {  	_ =	task.clear_ibuf [dreg:s7], $0x7FFFF;
	_ =	strace $0x9000004C  }
0xb4: {  	s29 =	simm.s32 $0x9;
	_ =	strace $0x8000004E  }
0xb5: {  	_ =	swait.ge [sflag:s29], $0x1  }
0xb6: {  	[sflag:s29] =	ssyncadd.s32 $0xFFFFFFFF  }
0xb7: {  	_ =	strace $0x9000004E  }
0xb8: {  	_ =	sfence  }
0xb9: {  	s30 =	sld [smem:$0x0];
	_ =	sdelay $0x2  }
0xba: {  	s31 =	sshll.u32 s1, $0xD;
	s1 =	sshrl.u32 s1, $0x2  }
0xbb: {  	s3 =	sand.u32 $0x4000, s31;
	s1 =	sadd.s32 s1, s30  }
0xbc: {  	s0 =	sor.u32 s3, s0;
	s1 =	sshll.u32 s1, $0x11  }
0xbd: {  	s0 =	sor.u32 s1, s0  }
0xbe: {  	s0 =	sadd.s32 $0x8F2B, s0  }
0xbf: {  	[sflag:s0] =	ssyncadd.remote.s32 $0x1  }
0xc0: {  	_ =	sfence.sel $0xFFFF  }
0xc1: {  	[dreg:$0x0] =	wrdreg $0xFFFFFFFF;
	(pc) =	sbr.abs _section_cstart, $3  }
0xc2: {  	[dreg:$0x1] =	wrdreg $0xFFFFFFFF  }
0xc3: {  	_ =	task.clear_ibuf [dreg:s7], $0x2FFFF;
	_ =	strace $0x9FFFFFFF  }
0xc4: {  	(tm) =	ssettm $0x7FFFFFFF  }
0xc5: {  	_ =	shalt  }
tec
execute0_lowered:
.L_overlay_start_1:
0x0: {  	(tag) =	ssettag $0x1  }
0x1: {  	s0 =	rddreg [dreg:$0x0]  }
0x2: {  	s3 =	rddreg [dreg:$0x2]  }
0x3: {  	s4 =	rddreg [dreg:$0x3];
	s9 =	stileid.u32  }
0x4: {  	s12 =	simm.s32 $0x0;
	s2 =	srdreg.scid;
	s1 =	smul.u32 $0x2800, s9  }
0x5: {  	s18 =	simm.s32 $0xD000;
	[smem:$0x7FF] =	sst s12;
	s6 =	smul.u32 $0x280, s9  }
0x6: {  	s2 =	sand.u32 $0x1, s2;
	s5 =	sshll.u32 s9, $0x1;
	s9 =	smul.u32 $0x110, s9  }
0x7: {  	s19 =	simm.s32 $0x9;
	_ =	strace $0x8000004D;
	s7 =	smul.u32 $0x1100, s2  }
0x8: {  	s5 =	sor.u32 s2, s5;
	s20 =	ssub.s32 $0x2, s2;
	p0 =	seq.s32 s2, $0x0  }
0x9: {  	s8 =	sshrl.u32 s1, $0x3;
	s10 =	sshrl.u32 s6, $0x3;
	s5 =	smul.u32 $0x2800, s5  }
0xa: {  	s11 =	sshrl.u32 s20, $0x1;
	s29 =	sadd.s32 s1, s3;
	s1 =	sadd.s32 s1, s4  }
0xb: {  	s8 =	sadd.s32 s8, s0;
	s10 =	sadd.s32 s10, s0;
	[dreg:$0xc] =	wrdreg s29  }
0xc: {  	s7 =	sadd.s32 s9, s7;
	s9 =	ssub.s32 s20, s11;
	[dreg:$0xd] =	wrdreg s1  }
0xd: {  	s20 =	simm.s32 $0xF800;
	s11 =	simm.s32 $0x2800;
	s1 =	simm.s32 $0x0  }
0xe: {  	s5 =	sshrl.u32 s5, $0x3;
	s7 =	sshrl.u32 s7, $0x3;
	s21 =	sadd.s32 $0x1BA00, s8  }
0xf: {  	s22 =	sadd.s32 $0x20A00, s8;
	s23 =	sadd.s32 $0x25A00, s8;
	[dreg:$0x5] =	wrdreg s21  }
0x10: {  	s24 =	sadd.s32 $0x2AA00, s10;
	s25 =	sadd.s32 $0x2B000, s10;
	[dreg:$0x6] =	wrdreg s22  }
0x11: {  	s31 =	smax.u32 s9, $0x1;
	s8 =	simm.s32 $0x8;
	[dreg:$0x7] =	wrdreg s23  }
0x12: {  	s9 =	simm.s32 $0x17000;
	s10 =	simm.s32 $0x19D10;
	[dreg:$0x8] =	wrdreg s24  }
0x13: {  	s5 =	sadd.s32 s5, s0;
	s7 =	sadd.s32 s7, s0;
	[dreg:$0x9] =	wrdreg s25  }
0x14: {  	s0 =	simm.f32 $1.000000000e+00;
	[dreg:$0xf] =	wrdreg s31;
	s26 =	sadd.s32 $0x2000, s5  }
0x15: {  	s21 =	simm.s32 $0x12000;
	s28 =	sadd.s32 $0xC000, s5;
	[dreg:$0xa] =	wrdreg s26  }
0x16: {  	s0 =	simm.s32 @!p0 $0x0;
	s30 =	sadd.s32 $0x16000, s7;
	[dreg:$0xb] =	wrdreg s28  }
0x17: {  	v1 =	vlaneseq.u32;
	v2 =	vimm.f32 $0.0e+00;
	s25 =	simm.s32 $0x14800;
	[dreg:$0xe] =	wrdreg s30;
	s26 =	simm.s32 $0x200;
	v0 =	vmov s0  }
.LBB2_1:
0x18: {  	[dreg:$0x10] =	wrdreg s1  }
0x19: {  	s0 =	rddreg [dreg:$0x5]  }
0x1a: {  	[tilespmem:s18], [sflag:$0x9] =	stream.linear.gather [hbm4b:s0+s12], $0x2800, $0x38;
	[tilespmem:$0x1EE20] =	vst v63  }
0x1b: {  	_ =	swait.ge [sflag:s19], $0x2800  }
0x1c: {  	[sflag:s19] =	ssyncset.done $0x0  }
0x1d: {  	s17 =	rddreg [dreg:$0x6];
	[sflag:s19] =	ssyncadd.s32 $0xFFFFD800  }
0x1e: {  	[tilespmem:s20], [sflag:$0x9] =	stream.linear.gather [hbm4b:s17+s12], $0x2800, $0x38;
	[tilespmem:$0x1EE20] =	vst v63  }
0x1f: {  	_ =	swait.ge [sflag:s19], $0x2800  }
0x20: {  	[sflag:s19] =	ssyncset.done $0x0  }
0x21: {  	s22 =	rddreg [dreg:$0x7];
	[sflag:s19] =	ssyncadd.s32 $0xFFFFD800  }
0x22: {  	[tilespmem:s21], [sflag:$0x9] =	stream.linear.gather [hbm4b:s22+s12], $0x2800, $0x38;
	[tilespmem:$0x1EE20] =	vst v63  }
0x23: {  	_ =	swait.ge [sflag:s19], $0x2800  }
0x24: {  	[sflag:s19] =	ssyncset.done $0x0  }
0x25: {  	s0 =	simm.s32 $0x19800;
	s23 =	rddreg [dreg:$0x8];
	[sflag:s19] =	ssyncadd.s32 $0xFFFFD800  }
0x26: {  	[tilespmem:s0], [sflag:$0x9] =	stream.linear.gather [hbm4b:s23+s12], $0x280, $0x38;
	[tilespmem:$0x1EE20] =	vst v63  }
0x27: {  	_ =	swait.ge [sflag:s19], $0x280  }
0x28: {  	[sflag:s19] =	ssyncset.done $0x0  }
0x29: {  	s2 =	simm.s32 $0x19A80;
	s24 =	rddreg [dreg:$0x9];
	[sflag:s19] =	ssyncadd.s32 $0xFFFFFD80  }
0x2a: {  	[tilespmem:s2], [sflag:$0x9] =	stream.linear.gather [hbm4b:s24+s12], $0x280, $0x38;
	[tilespmem:$0x1EE20] =	vst v63  }
0x2b: {  	_ =	swait.ge [sflag:s19], $0x280  }
0x2c: {  	[sflag:s19] =	ssyncset.done $0x0  }
0x2d: {  	[sflag:s19] =	ssyncadd.s32 $0xFFFFFD80  }
0x2e: {  	s29 =	simm.s32 $0x19D00;
	s28 =	rddreg [dreg:$0x1]  }
0x2f: {  	[tilespmem:s29], [sflag:$0x9] =	stream.linear.gather [hbm4b:s28+s12], $0x10, $0x38;
	[tilespmem:$0x1EE20] =	vst v63  }
0x30: {  	_ =	swait.ge [sflag:s19], $0x10  }
0x31: {  	[sflag:s19] =	ssyncset.done $0x0  }
0x32: {  	s30 =	rddreg [dreg:$0xa];
	[sflag:s19] =	ssyncadd.s32 $0xFFFFFFF0  }
0x33: {  	[tilespmem:s12], [sflag:$0x9] =	stream.linear.gather [hbm4b:s30+s12], $0x2800, $0x38;
	[tilespmem:$0x1EE20] =	vst v63  }
0x34: {  	_ =	swait.ge [sflag:s19], $0x2800  }
0x35: {  	[sflag:s19] =	ssyncset.done $0x0  }
0x36: {  	s31 =	rddreg [dreg:$0xb];
	[sflag:s19] =	ssyncadd.s32 $0xFFFFD800  }
0x37: {  	[tilespmem:s11], [sflag:$0x9] =	stream.linear.gather [hbm4b:s31+s12], $0x2800, $0x38;
	[tilespmem:$0x1EE20] =	vst v63  }
0x38: {  	_ =	swait.ge [sflag:s19], $0x2800  }
0x39: {  	[sflag:s19] =	ssyncset.done $0x0  }
0x3a: {  	[sflag:s19] =	ssyncadd.s32 $0xFFFFD800  }
0x3b: {  	s1 =	simm.s32 $0xF;
	v3 =	vld [tilespmem:$0x19D00]  }
.LBB2_2:
0x3c: {  	s2 =	sadd.s32 $0xFFFFFFF1, s1  }
0x3d: {  	s5 =	sshll.u32 s2, $0x4  }
0x3e: {  	v5 =	vor.u32 s5, v1;
	_ =	sdelay $0x4  }
0x3f: {  	v6 =	vld.idx.msk [tilespmem:v5+s18+$0x0], $0xffff  }
0x40: {  	v7 =	vld.idx.msk [tilespmem:v5+s20+$0x0], $0xffff  }
0x41: {  	v4 =	vld [tilespmem:s0+$0x0]  }
0x42: {  	v8 =	vld.idx.msk [tilespmem:v5+s21+$0x0], $0xffff;
	_ =	sdelay $0x2  }
0x43: {  	v6 =	vadd.f32 v7, v6;
	_ =	sdelay $0x1  }
0x44: {  	v19 =	vbroadcast v4, $0x0;
	v6 =	vsub.f32 v6, v8;
	_ =	sdelay $0x1  }
0x45: {  	v6 =	vmul.f32 v6, v19;
	_ =	sdelay $0x1  }
0x46: {  	s5 =	sshll.u32 s1, $0x4;
	v6 =	vadd.f32 v6, v3  }
0x47: {  	s2 =	sadd.s32 s6, s2;
	s7 =	sadd.s32 $0xFFFFFF20, s5  }
0x48: {  	p0 =	slt.u32 s2, $0x2710;
	v20 =	vor.u32 s7, v1;
	v6 =	vmax.f32 v6, $0.0e+00  }
0x49: {  	v6 =	vpsel !p0, $0x0, v6  }
0x4a: {  	v6 =	vmul.f32 v6, v19;
	_ =	sdelay $0x1  }
0x4b: {  	[tilespmem:v5+s25+$0x0] =	vst.idx.msk $0xffff, v6  }
0x4c: {  	v5 =	vld.idx.msk [tilespmem:v20+s18+$0x0], $0xffff  }
0x4d: {  	v6 =	vld.idx.msk [tilespmem:v20+s20+$0x0], $0xffff;
	_ =	sdelay $0x1  }
0x4e: {  	v21 =	vld.idx.msk [tilespmem:v20+s21+$0x0], $0xffff;
	_ =	sdelay $0x2  }
0x4f: {  	v5 =	vadd.f32 v6, v5;
	_ =	sdelay $0x1  }
0x50: {  	v22 =	vbroadcast v4, $0x1;
	v5 =	vsub.f32 v5, v21;
	_ =	sdelay $0x1  }
0x51: {  	v5 =	vmul.f32 v5, v22;
	_ =	sdelay $0x1  }
0x52: {  	v5 =	vadd.f32 v5, v3  }
0x53: {  	s7 =	sadd.s32 $0xFFFFFF30, s5  }
0x54: {  	v23 =	vor.u32 s7, v1;
	v5 =	vmax.f32 v5, $0.0e+00  }
0x55: {  	v5 =	vpsel !p0, $0x0, v5  }
0x56: {  	v5 =	vmul.f32 v5, v22;
	_ =	sdelay $0x1  }
0x57: {  	[tilespmem:v20+s25+$0x0] =	vst.idx.msk $0xffff, v5  }
0x58: {  	v5 =	vld.idx.msk [tilespmem:v23+s18+$0x0], $0xffff  }
0x59: {  	v24 =	vld.idx.msk [tilespmem:v23+s20+$0x0], $0xffff;
	_ =	sdelay $0x1  }
0x5a: {  	v8 =	vld.idx.msk [tilespmem:v23+s21+$0x0], $0xffff;
	_ =	sdelay $0x2  }
0x5b: {  	v5 =	vadd.f32 v24, v5;
	_ =	sdelay $0x1  }
0x5c: {  	v25 =	vbroadcast v4, $0x2;
	v5 =	vsub.f32 v5, v8;
	_ =	sdelay $0x1  }
0x5d: {  	v5 =	vmul.f32 v5, v25;
	_ =	sdelay $0x1  }
0x5e: {  	v5 =	vadd.f32 v5, v3  }
0x5f: {  	s13 =	sadd.s32 $0xFFFFFF40, s5  }
0x60: {  	v26 =	vor.u32 s13, v1;
	v5 =	vmax.f32 v5, $0.0e+00  }
0x61: {  	v5 =	vpsel !p0, $0x0, v5  }
0x62: {  	v5 =	vmul.f32 v5, v25;
	_ =	sdelay $0x1  }
0x63: {  	[tilespmem:v23+s25+$0x0] =	vst.idx.msk $0xffff, v5  }
0x64: {  	v5 =	vld.idx.msk [tilespmem:v26+s18+$0x0], $0xffff  }
0x65: {  	v27 =	vld.idx.msk [tilespmem:v26+s20+$0x0], $0xffff;
	_ =	sdelay $0x1  }
0x66: {  	v7 =	vld.idx.msk [tilespmem:v26+s21+$0x0], $0xffff;
	_ =	sdelay $0x2  }
0x67: {  	v5 =	vadd.f32 v27, v5;
	_ =	sdelay $0x1  }
0x68: {  	v28 =	vbroadcast v4, $0x3;
	v5 =	vsub.f32 v5, v7;
	_ =	sdelay $0x1  }
0x69: {  	v5 =	vmul.f32 v5, v28;
	_ =	sdelay $0x1  }
0x6a: {  	v5 =	vadd.f32 v5, v3  }
0x6b: {  	s14 =	sadd.s32 $0xFFFFFF50, s5  }
0x6c: {  	v29 =	vor.u32 s14, v1;
	v5 =	vmax.f32 v5, $0.0e+00  }
0x6d: {  	v5 =	vpsel !p0, $0x0, v5  }
0x6e: {  	v5 =	vmul.f32 v5, v28;
	_ =	sdelay $0x1  }
0x6f: {  	[tilespmem:v26+s25+$0x0] =	vst.idx.msk $0xffff, v5  }
0x70: {  	v5 =	vld.idx.msk [tilespmem:v29+s18+$0x0], $0xffff  }
0x71: {  	v30 =	vld.idx.msk [tilespmem:v29+s20+$0x0], $0xffff;
	_ =	sdelay $0x1  }
0x72: {  	v8 =	vld.idx.msk [tilespmem:v29+s21+$0x0], $0xffff;
	_ =	sdelay $0x2  }
0x73: {  	v5 =	vadd.f32 v30, v5;
	_ =	sdelay $0x1  }
0x74: {  	v31 =	vbroadcast v4, $0x4;
	v5 =	vsub.f32 v5, v8;
	_ =	sdelay $0x1  }
0x75: {  	v5 =	vmul.f32 v5, v31;
	_ =	sdelay $0x1  }
0x76: {  	v5 =	vadd.f32 v5, v3  }
0x77: {  	s15 =	sadd.s32 $0xFFFFFF60, s5  }
0x78: {  	v32 =	vor.u32 s15, v1;
	v5 =	vmax.f32 v5, $0.0e+00  }
0x79: {  	v5 =	vpsel !p0, $0x0, v5  }
0x7a: {  	v5 =	vmul.f32 v5, v31;
	_ =	sdelay $0x1  }
0x7b: {  	[tilespmem:v29+s25+$0x0] =	vst.idx.msk $0xffff, v5  }
0x7c: {  	v5 =	vld.idx.msk [tilespmem:v32+s18+$0x0], $0xffff  }
0x7d: {  	v33 =	vld.idx.msk [tilespmem:v32+s20+$0x0], $0xffff;
	_ =	sdelay $0x1  }
0x7e: {  	v7 =	vld.idx.msk [tilespmem:v32+s21+$0x0], $0xffff;
	_ =	sdelay $0x2  }
0x7f: {  	v5 =	vadd.f32 v33, v5;
	_ =	sdelay $0x1  }
0x80: {  	v34 =	vbroadcast v4, $0x5;
	v5 =	vsub.f32 v5, v7;
	_ =	sdelay $0x1  }
0x81: {  	v5 =	vmul.f32 v5, v34;
	_ =	sdelay $0x1  }
0x82: {  	v5 =	vadd.f32 v5, v3  }
0x83: {  	s16 =	sadd.s32 $0xFFFFFF70, s5  }
0x84: {  	v35 =	vor.u32 s16, v1;
	v5 =	vmax.f32 v5, $0.0e+00  }
0x85: {  	v5 =	vpsel !p0, $0x0, v5  }
0x86: {  	v5 =	vmul.f32 v5, v34;
	_ =	sdelay $0x1  }
0x87: {  	[tilespmem:v32+s25+$0x0] =	vst.idx.msk $0xffff, v5  }
0x88: {  	v5 =	vld.idx.msk [tilespmem:v35+s18+$0x0], $0xffff  }
0x89: {  	v36 =	vld.idx.msk [tilespmem:v35+s20+$0x0], $0xffff;
	_ =	sdelay $0x1  }
0x8a: {  	v8 =	vld.idx.msk [tilespmem:v35+s21+$0x0], $0xffff;
	_ =	sdelay $0x2  }
0x8b: {  	v5 =	vadd.f32 v36, v5;
	_ =	sdelay $0x1  }
0x8c: {  	v37 =	vbroadcast v4, $0x6;
	v5 =	vsub.f32 v5, v8;
	_ =	sdelay $0x1  }
0x8d: {  	v5 =	vmul.f32 v5, v37;
	_ =	sdelay $0x1  }
0x8e: {  	v5 =	vadd.f32 v5, v3  }
0x8f: {  	s17 =	sadd.s32 $0xFFFFFF80, s5  }
0x90: {  	v38 =	vor.u32 s17, v1;
	v5 =	vmax.f32 v5, $0.0e+00  }
0x91: {  	v5 =	vpsel !p0, $0x0, v5  }
0x92: {  	v5 =	vmul.f32 v5, v37;
	_ =	sdelay $0x1  }
0x93: {  	[tilespmem:v35+s25+$0x0] =	vst.idx.msk $0xffff, v5  }
0x94: {  	v5 =	vld.idx.msk [tilespmem:v38+s18+$0x0], $0xffff  }
0x95: {  	v39 =	vld.idx.msk [tilespmem:v38+s20+$0x0], $0xffff;
	_ =	sdelay $0x1  }
0x96: {  	v7 =	vld.idx.msk [tilespmem:v38+s21+$0x0], $0xffff;
	_ =	sdelay $0x2  }
0x97: {  	v5 =	vadd.f32 v39, v5;
	_ =	sdelay $0x1  }
0x98: {  	v40 =	vbroadcast v4, $0x7;
	v5 =	vsub.f32 v5, v7;
	_ =	sdelay $0x1  }
0x99: {  	v5 =	vmul.f32 v5, v40;
	_ =	sdelay $0x1  }
0x9a: {  	v5 =	vadd.f32 v5, v3  }
0x9b: {  	s22 =	sadd.s32 $0xFFFFFF90, s5  }
0x9c: {  	v41 =	vor.u32 s22, v1;
	v5 =	vmax.f32 v5, $0.0e+00  }
0x9d: {  	v5 =	vpsel !p0, $0x0, v5  }
0x9e: {  	v5 =	vmul.f32 v5, v40;
	_ =	sdelay $0x1  }
0x9f: {  	[tilespmem:v38+s25+$0x0] =	vst.idx.msk $0xffff, v5  }
0xa0: {  	v5 =	vld.idx.msk [tilespmem:v41+s18+$0x0], $0xffff  }
0xa1: {  	v42 =	vld.idx.msk [tilespmem:v41+s20+$0x0], $0xffff;
	_ =	sdelay $0x1  }
0xa2: {  	v8 =	vld.idx.msk [tilespmem:v41+s21+$0x0], $0xffff;
	_ =	sdelay $0x2  }
0xa3: {  	v5 =	vadd.f32 v42, v5;
	_ =	sdelay $0x1  }
0xa4: {  	v43 =	vbroadcast v4, $0x8;
	v5 =	vsub.f32 v5, v8;
	_ =	sdelay $0x1  }
0xa5: {  	v5 =	vmul.f32 v5, v43;
	_ =	sdelay $0x1  }
0xa6: {  	v5 =	vadd.f32 v5, v3  }
0xa7: {  	s23 =	sadd.s32 $0xFFFFFFA0, s5  }
0xa8: {  	v44 =	vor.u32 s23, v1;
	v5 =	vmax.f32 v5, $0.0e+00  }
0xa9: {  	v5 =	vpsel !p0, $0x0, v5  }
0xaa: {  	v5 =	vmul.f32 v5, v43;
	_ =	sdelay $0x1  }
0xab: {  	[tilespmem:v41+s25+$0x0] =	vst.idx.msk $0xffff, v5  }
0xac: {  	v5 =	vld.idx.msk [tilespmem:v44+s18+$0x0], $0xffff  }
0xad: {  	v45 =	vld.idx.msk [tilespmem:v44+s20+$0x0], $0xffff;
	_ =	sdelay $0x1  }
0xae: {  	v7 =	vld.idx.msk [tilespmem:v44+s21+$0x0], $0xffff;
	_ =	sdelay $0x2  }
0xaf: {  	v5 =	vadd.f32 v45, v5;
	_ =	sdelay $0x1  }
0xb0: {  	v46 =	vbroadcast v4, $0x9;
	v5 =	vsub.f32 v5, v7;
	_ =	sdelay $0x1  }
0xb1: {  	v5 =	vmul.f32 v5, v46;
	_ =	sdelay $0x1  }
0xb2: {  	v5 =	vadd.f32 v5, v3  }
0xb3: {  	s24 =	sadd.s32 $0xFFFFFFB0, s5  }
0xb4: {  	v47 =	vor.u32 s24, v1;
	v5 =	vmax.f32 v5, $0.0e+00  }
0xb5: {  	v5 =	vpsel !p0, $0x0, v5  }
0xb6: {  	v5 =	vmul.f32 v5, v46;
	_ =	sdelay $0x1  }
0xb7: {  	[tilespmem:v44+s25+$0x0] =	vst.idx.msk $0xffff, v5  }
0xb8: {  	v5 =	vld.idx.msk [tilespmem:v47+s18+$0x0], $0xffff  }
0xb9: {  	v48 =	vld.idx.msk [tilespmem:v47+s20+$0x0], $0xffff;
	_ =	sdelay $0x1  }
0xba: {  	v8 =	vld.idx.msk [tilespmem:v47+s21+$0x0], $0xffff;
	_ =	sdelay $0x2  }
0xbb: {  	v5 =	vadd.f32 v48, v5;
	_ =	sdelay $0x1  }
0xbc: {  	v49 =	vbroadcast v4, $0xA;
	v5 =	vsub.f32 v5, v8;
	_ =	sdelay $0x1  }
0xbd: {  	v5 =	vmul.f32 v5, v49;
	_ =	sdelay $0x1  }
0xbe: {  	v5 =	vadd.f32 v5, v3  }
0xbf: {  	s28 =	sadd.s32 $0xFFFFFFC0, s5  }
0xc0: {  	v50 =	vor.u32 s28, v1;
	v5 =	vmax.f32 v5, $0.0e+00  }
0xc1: {  	v5 =	vpsel !p0, $0x0, v5  }
0xc2: {  	v5 =	vmul.f32 v5, v49;
	_ =	sdelay $0x1  }
0xc3: {  	[tilespmem:v47+s25+$0x0] =	vst.idx.msk $0xffff, v5  }
0xc4: {  	v5 =	vld.idx.msk [tilespmem:v50+s18+$0x0], $0xffff  }
0xc5: {  	v51 =	vld.idx.msk [tilespmem:v50+s20+$0x0], $0xffff;
	_ =	sdelay $0x1  }
0xc6: {  	v7 =	vld.idx.msk [tilespmem:v50+s21+$0x0], $0xffff;
	_ =	sdelay $0x2  }
0xc7: {  	v5 =	vadd.f32 v51, v5;
	_ =	sdelay $0x1  }
0xc8: {  	v52 =	vbroadcast v4, $0xB;
	v5 =	vsub.f32 v5, v7;
	_ =	sdelay $0x1  }
0xc9: {  	v5 =	vmul.f32 v5, v52;
	_ =	sdelay $0x1  }
0xca: {  	v5 =	vadd.f32 v5, v3  }
0xcb: {  	s29 =	sadd.s32 $0xFFFFFFD0, s5  }
0xcc: {  	v53 =	vor.u32 s29, v1;
	v5 =	vmax.f32 v5, $0.0e+00  }
0xcd: {  	v5 =	vpsel !p0, $0x0, v5  }
0xce: {  	v5 =	vmul.f32 v5, v52;
	_ =	sdelay $0x1  }
0xcf: {  	[tilespmem:v50+s25+$0x0] =	vst.idx.msk $0xffff, v5  }
0xd0: {  	v5 =	vld.idx.msk [tilespmem:v53+s18+$0x0], $0xffff  }
0xd1: {  	v54 =	vld.idx.msk [tilespmem:v53+s20+$0x0], $0xffff;
	_ =	sdelay $0x1  }
0xd2: {  	v8 =	vld.idx.msk [tilespmem:v53+s21+$0x0], $0xffff;
	_ =	sdelay $0x2  }
0xd3: {  	v5 =	vadd.f32 v54, v5;
	_ =	sdelay $0x1  }
0xd4: {  	v55 =	vbroadcast v4, $0xC;
	v5 =	vsub.f32 v5, v8;
	_ =	sdelay $0x1  }
0xd5: {  	v5 =	vmul.f32 v5, v55;
	_ =	sdelay $0x1  }
0xd6: {  	v5 =	vadd.f32 v5, v3  }
0xd7: {  	s30 =	sadd.s32 $0xFFFFFFE0, s5  }
0xd8: {  	v56 =	vor.u32 s30, v1;
	v5 =	vmax.f32 v5, $0.0e+00  }
0xd9: {  	v5 =	vpsel !p0, $0x0, v5  }
0xda: {  	v5 =	vmul.f32 v5, v55;
	_ =	sdelay $0x1  }
0xdb: {  	[tilespmem:v53+s25+$0x0] =	vst.idx.msk $0xffff, v5  }
0xdc: {  	v5 =	vld.idx.msk [tilespmem:v56+s18+$0x0], $0xffff  }
0xdd: {  	v57 =	vld.idx.msk [tilespmem:v56+s20+$0x0], $0xffff;
	_ =	sdelay $0x1  }
0xde: {  	v7 =	vld.idx.msk [tilespmem:v56+s21+$0x0], $0xffff;
	_ =	sdelay $0x2  }
0xdf: {  	v5 =	vadd.f32 v57, v5;
	_ =	sdelay $0x1  }
0xe0: {  	v58 =	vbroadcast v4, $0xD;
	v5 =	vsub.f32 v5, v7;
	_ =	sdelay $0x1  }
0xe1: {  	v5 =	vmul.f32 v5, v58;
	_ =	sdelay $0x1  }
0xe2: {  	v5 =	vadd.f32 v5, v3  }
0xe3: {  	s31 =	sadd.s32 $0xFFFFFFF0, s5  }
0xe4: {  	v59 =	vor.u32 s31, v1;
	v5 =	vmax.f32 v5, $0.0e+00  }
0xe5: {  	v5 =	vpsel !p0, $0x0, v5  }
0xe6: {  	v5 =	vmul.f32 v5, v58;
	_ =	sdelay $0x1  }
0xe7: {  	[tilespmem:v56+s25+$0x0] =	vst.idx.msk $0xffff, v5  }
0xe8: {  	v5 =	vld.idx.msk [tilespmem:v59+s18+$0x0], $0xffff  }
0xe9: {  	v60 =	vld.idx.msk [tilespmem:v59+s20+$0x0], $0xffff;
	_ =	sdelay $0x1  }
0xea: {  	v8 =	vld.idx.msk [tilespmem:v59+s21+$0x0], $0xffff;
	_ =	sdelay $0x2  }
0xeb: {  	v5 =	vadd.f32 v60, v5;
	_ =	sdelay $0x1  }
0xec: {  	v61 =	vbroadcast v4, $0xE;
	v5 =	vsub.f32 v5, v8;
	_ =	sdelay $0x1  }
0xed: {  	v5 =	vmul.f32 v5, v61;
	_ =	sdelay $0x1  }
0xee: {  	v5 =	vadd.f32 v5, v3;
	_ =	sdelay $0x1  }
0xef: {  	v62 =	vor.u32 s5, v1;
	v5 =	vmax.f32 v5, $0.0e+00  }
0xf0: {  	v5 =	vpsel !p0, $0x0, v5  }
0xf1: {  	v5 =	vmul.f32 v5, v61;
	_ =	sdelay $0x1  }
0xf2: {  	[tilespmem:v59+s25+$0x0] =	vst.idx.msk $0xffff, v5  }
0xf3: {  	v5 =	vld.idx.msk [tilespmem:v62+s18+$0x0], $0xffff  }
0xf4: {  	v63 =	vld.idx.msk [tilespmem:v62+s20+$0x0], $0xffff;
	_ =	sdelay $0x1  }
0xf5: {  	v7 =	vld.idx.msk [tilespmem:v62+s21+$0x0], $0xffff;
	_ =	sdelay $0x2  }
0xf6: {  	v5 =	vadd.f32 v63, v5;
	_ =	sdelay $0x1  }
0xf7: {  	v4 =	vbroadcast v4, $0xF;
	v5 =	vsub.f32 v5, v7;
	_ =	sdelay $0x1  }
0xf8: {  	v5 =	vmul.f32 v5, v4;
	_ =	sdelay $0x1  }
0xf9: {  	v5 =	vadd.f32 v5, v3;
	_ =	sdelay $0x1  }
0xfa: {  	v5 =	vmax.f32 v5, $0.0e+00  }
0xfb: {  	v5 =	vpsel !p0, $0x0, v5;
	p0 =	sne.s32 s1, $0x27F  }
.Ltmp0:
0xfc: {  	_ = 	snop;
	(pc) =	sbr.rel @p0 .LBB2_2-.Ltmp0, $3  }
0xfd: {  	_ = 	snop  }
0xfe: {  	v4 =	vmul.f32 v5, v4;
	_ =	sdelay $0x1  }
0xff: {  	s0 =	sadd.s32 $0x10, s0;
	s1 =	sadd.s32 $0x10, s1;
	[tilespmem:v62+s25+$0x0] =	vst.idx.msk $0xffff, v4  }
0x100: {  	s0 =	rddreg [dreg:$0xc]  }
0x101: {  	[spmem:s0] =	stream.linear.scatter [tilespmem:s25], [sflag:$0x9], $0x2800, $0x38;
	[tilespmem:$0x1EE20] =	vst v63  }
0x102: {  	_ =	swait.ge [sflag:s19], $0x2800  }
0x103: {  	[sflag:s19] =	ssyncset.done $0x0  }
0x104: {  	s0 =	rddreg [dreg:$0xd];
	[sflag:s19] =	ssyncadd.s32 $0xFFFFD800  }
0x105: {  	[spmem:s0] =	stream.linear.scatter [tilespmem:s25], [sflag:$0x9], $0x2800, $0x38;
	[tilespmem:$0x1EE20] =	vst v63  }
0x106: {  	_ =	swait.ge [sflag:s19], $0x2800  }
0x107: {  	[sflag:s19] =	ssyncset.done $0x0  }
0x108: {  	[sflag:s19] =	ssyncadd.s32 $0xFFFFD800  }
0x109: {  	s1 =	simm.s32 $0x5000;
	[bflag:$0x0] =	sbarrier.arrive $0xFFFF  }
0x10a: {  	[tilespmem:s1], [sflag:$0x1] =	stream.indirect.gather [spmem:s3], $0x10, s12, s26, $0xb8;
	[tilespmem:$0x1EE20] =	vst v63  }
0x10b: {  	s2 =	simm.s32 $0x7000;
	s5 =	simm.s32 $0x1  }
0x10c: {  	[tilespmem:s2], [sflag:$0x2] =	stream.indirect.gather [spmem:s3], $0x10, s26, s26, $0xb8;
	[tilespmem:$0x1EE20] =	vst v63  }
0x10d: {  	_ =	swait.ge [sflag:s5], $0x2000  }
0x10e: {  	[sflag:s5] =	ssyncset.done $0x0  }
0x10f: {  	[sflag:s5] =	ssyncadd.s32 $0xFFFFE000  }
0x110: {  	[spmem:s4] =	stream.indirect.scatter.add.f32 [tilespmem:s1], [sflag:$0x5], $0x10, s11, s26, $0xb8;
	[tilespmem:$0x1EE20] =	vst v63  }
0x111: {  	s7 =	simm.s32 $0x400;
	s11 =	simm.s32 $0x9000  }
0x112: {  	[tilespmem:s11], [sflag:$0x3] =	stream.indirect.gather [spmem:s3], $0x10, s7, s26, $0xb8;
	[tilespmem:$0x1EE20] =	vst v63  }
0x113: {  	s7 =	simm.s32 $0x2  }
0x114: {  	_ =	swait.ge [sflag:s7], $0x2000  }
0x115: {  	[sflag:s7] =	ssyncset.done $0x0  }
0x116: {  	s16 =	simm.s32 $0x2A00;
	[sflag:s7] =	ssyncadd.s32 $0xFFFFE000  }
0x117: {  	[spmem:s4] =	stream.indirect.scatter.add.f32 [tilespmem:s2], [sflag:$0x6], $0x10, s16, s26, $0xb8;
	[tilespmem:$0x1EE20] =	vst v63  }
0x118: {  	s17 =	simm.s32 $0x600;
	s13 =	simm.s32 $0xB000;
	s12 =	simm.s32 $0x3  }
0x119: {  	[tilespmem:s13], [sflag:$0x4] =	stream.indirect.gather [spmem:s3], $0x10, s17, s26, $0xb8;
	[tilespmem:$0x1EE20] =	vst v63  }
0x11a: {  	_ =	swait.ge [sflag:s12], $0x2000  }
0x11b: {  	[sflag:s12] =	ssyncset.done $0x0  }
0x11c: {  	s14 =	simm.s32 $0x2C00;
	[sflag:s12] =	ssyncadd.s32 $0xFFFFE000  }
0x11d: {  	[spmem:s4] =	stream.indirect.scatter.add.f32 [tilespmem:s11], [sflag:$0x7], $0x10, s14, s26, $0xb8;
	[tilespmem:$0x1EE20] =	vst v63  }
0x11e: {  	s14 =	simm.s32 $0x5  }
0x11f: {  	_ =	swait.ge [sflag:s14], $0x2000  }
0x120: {  	[sflag:s14] =	ssyncset.done $0x0  }
0x121: {  	s15 =	simm.s32 $0x800;
	[sflag:s14] =	ssyncadd.s32 $0xFFFFE000  }
0x122: {  	[tilespmem:s1], [sflag:$0x1] =	stream.indirect.gather [spmem:s3], $0x10, s15, s26, $0xb8;
	[tilespmem:$0x1EE20] =	vst v63  }
0x123: {  	s15 =	simm.s32 $0x4  }
0x124: {  	_ =	swait.ge [sflag:s15], $0x2000  }
0x125: {  	[sflag:s15] =	ssyncset.done $0x0  }
0x126: {  	s16 =	simm.s32 $0x2E00;
	[sflag:s15] =	ssyncadd.s32 $0xFFFFE000  }
0x127: {  	[spmem:s4] =	stream.indirect.scatter.add.f32 [tilespmem:s13], [sflag:$0x8], $0x10, s16, s26, $0xb8;
	[tilespmem:$0x1EE20] =	vst v63  }
0x128: {  	s16 =	simm.s32 $0x6  }
0x129: {  	_ =	swait.ge [sflag:s16], $0x2000  }
0x12a: {  	[sflag:s16] =	ssyncset.done $0x0  }
0x12b: {  	s17 =	simm.s32 $0xA00;
	[sflag:s16] =	ssyncadd.s32 $0xFFFFE000  }
0x12c: {  	[tilespmem:s2], [sflag:$0x2] =	stream.indirect.gather [spmem:s3], $0x10, s17, s26, $0xb8;
	[tilespmem:$0x1EE20] =	vst v63  }
0x12d: {  	_ =	swait.ge [sflag:s5], $0x2000  }
0x12e: {  	[sflag:s5] =	ssyncset.done $0x0  }
0x12f: {  	s22 =	simm.s32 $0x3000;
	s17 =	simm.s32 $0x7;
	[sflag:s5] =	ssyncadd.s32 $0xFFFFE000  }
0x130: {  	[spmem:s4] =	stream.indirect.scatter.add.f32 [tilespmem:s1], [sflag:$0x5], $0x10, s22, s26, $0xb8;
	[tilespmem:$0x1EE20] =	vst v63  }
0x131: {  	_ =	swait.ge [sflag:s17], $0x2000  }
0x132: {  	[sflag:s17] =	ssyncset.done $0x0  }
0x133: {  	s22 =	simm.s32 $0xC00;
	[sflag:s17] =	ssyncadd.s32 $0xFFFFE000  }
0x134: {  	[tilespmem:s11], [sflag:$0x3] =	stream.indirect.gather [spmem:s3], $0x10, s22, s26, $0xb8;
	[tilespmem:$0x1EE20] =	vst v63  }
0x135: {  	_ =	swait.ge [sflag:s7], $0x2000  }
0x136: {  	[sflag:s7] =	ssyncset.done $0x0  }
0x137: {  	s23 =	simm.s32 $0x3200;
	[sflag:s7] =	ssyncadd.s32 $0xFFFFE000  }
0x138: {  	[spmem:s4] =	stream.indirect.scatter.add.f32 [tilespmem:s2], [sflag:$0x6], $0x10, s23, s26, $0xb8;
	[tilespmem:$0x1EE20] =	vst v63  }
0x139: {  	_ =	swait.ge [sflag:s8], $0x2000  }
0x13a: {  	[sflag:s8] =	ssyncset.done $0x0  }
0x13b: {  	s24 =	simm.s32 $0xE00;
	[sflag:s8] =	ssyncadd.s32 $0xFFFFE000  }
0x13c: {  	[tilespmem:s13], [sflag:$0x4] =	stream.indirect.gather [spmem:s3], $0x10, s24, s26, $0xb8;
	[tilespmem:$0x1EE20] =	vst v63  }
0x13d: {  	_ =	swait.ge [sflag:s12], $0x2000  }
0x13e: {  	[sflag:s12] =	ssyncset.done $0x0  }
0x13f: {  	s28 =	simm.s32 $0x3400;
	[sflag:s12] =	ssyncadd.s32 $0xFFFFE000  }
0x140: {  	[spmem:s4] =	stream.indirect.scatter.add.f32 [tilespmem:s11], [sflag:$0x7], $0x10, s28, s26, $0xb8;
	[tilespmem:$0x1EE20] =	vst v63  }
0x141: {  	_ =	swait.ge [sflag:s14], $0x2000  }
0x142: {  	[sflag:s14] =	ssyncset.done $0x0  }
0x143: {  	s30 =	simm.s32 $0x1000;
	[sflag:s14] =	ssyncadd.s32 $0xFFFFE000  }
0x144: {  	[tilespmem:s1], [sflag:$0x1] =	stream.indirect.gather [spmem:s3], $0x10, s30, s26, $0xb8;
	[tilespmem:$0x1EE20] =	vst v63  }
0x145: {  	_ =	swait.ge [sflag:s15], $0x2000  }
0x146: {  	[sflag:s15] =	ssyncset.done $0x0  }
0x147: {  	s23 =	simm.s32 $0x3600;
	[sflag:s15] =	ssyncadd.s32 $0xFFFFE000  }
0x148: {  	[spmem:s4] =	stream.indirect.scatter.add.f32 [tilespmem:s13], [sflag:$0x8], $0x10, s23, s26, $0xb8;
	[tilespmem:$0x1EE20] =	vst v63  }
0x149: {  	_ =	swait.ge [sflag:s16], $0x2000  }
0x14a: {  	[sflag:s16] =	ssyncset.done $0x0  }
0x14b: {  	s24 =	simm.s32 $0x1200;
	[sflag:s16] =	ssyncadd.s32 $0xFFFFE000  }
0x14c: {  	[tilespmem:s2], [sflag:$0x2] =	stream.indirect.gather [spmem:s3], $0x10, s24, s26, $0xb8;
	[tilespmem:$0x1EE20] =	vst v63  }
0x14d: {  	_ =	swait.ge [sflag:s5], $0x2000  }
0x14e: {  	[sflag:s5] =	ssyncset.done $0x0  }
0x14f: {  	s28 =	simm.s32 $0x3800;
	[sflag:s5] =	ssyncadd.s32 $0xFFFFE000  }
0x150: {  	[spmem:s4] =	stream.indirect.scatter.add.f32 [tilespmem:s1], [sflag:$0x5], $0x10, s28, s26, $0xb8;
	[tilespmem:$0x1EE20] =	vst v63  }
0x151: {  	_ =	swait.ge [sflag:s17], $0x2000  }
0x152: {  	[sflag:s17] =	ssyncset.done $0x0  }
0x153: {  	s30 =	simm.s32 $0x1400;
	[sflag:s17] =	ssyncadd.s32 $0xFFFFE000  }
0x154: {  	[tilespmem:s11], [sflag:$0x3] =	stream.indirect.gather [spmem:s3], $0x10, s30, s26, $0xb8;
	[tilespmem:$0x1EE20] =	vst v63  }
0x155: {  	_ =	swait.ge [sflag:s7], $0x2000  }
0x156: {  	[sflag:s7] =	ssyncset.done $0x0  }
0x157: {  	s23 =	simm.s32 $0x3A00;
	[sflag:s7] =	ssyncadd.s32 $0xFFFFE000  }
0x158: {  	[spmem:s4] =	stream.indirect.scatter.add.f32 [tilespmem:s2], [sflag:$0x6], $0x10, s23, s26, $0xb8;
	[tilespmem:$0x1EE20] =	vst v63  }
0x159: {  	_ =	swait.ge [sflag:s8], $0x2000  }
0x15a: {  	[sflag:s8] =	ssyncset.done $0x0  }
0x15b: {  	s24 =	simm.s32 $0x1600;
	[sflag:s8] =	ssyncadd.s32 $0xFFFFE000  }
0x15c: {  	[tilespmem:s13], [sflag:$0x4] =	stream.indirect.gather [spmem:s3], $0x10, s24, s26, $0xb8;
	[tilespmem:$0x1EE20] =	vst v63  }
0x15d: {  	_ =	swait.ge [sflag:s12], $0x2000  }
0x15e: {  	[sflag:s12] =	ssyncset.done $0x0  }
0x15f: {  	s28 =	simm.s32 $0x3C00;
	[sflag:s12] =	ssyncadd.s32 $0xFFFFE000  }
0x160: {  	[spmem:s4] =	stream.indirect.scatter.add.f32 [tilespmem:s11], [sflag:$0x7], $0x10, s28, s26, $0xb8;
	[tilespmem:$0x1EE20] =	vst v63  }
0x161: {  	_ =	swait.ge [sflag:s14], $0x2000  }
0x162: {  	[sflag:s14] =	ssyncset.done $0x0  }
0x163: {  	s30 =	simm.s32 $0x1800;
	[sflag:s14] =	ssyncadd.s32 $0xFFFFE000  }
0x164: {  	[tilespmem:s1], [sflag:$0x1] =	stream.indirect.gather [spmem:s3], $0x10, s30, s26, $0xb8;
	[tilespmem:$0x1EE20] =	vst v63  }
0x165: {  	_ =	swait.ge [sflag:s15], $0x2000  }
0x166: {  	[sflag:s15] =	ssyncset.done $0x0  }
0x167: {  	s23 =	simm.s32 $0x3E00;
	[sflag:s15] =	ssyncadd.s32 $0xFFFFE000  }
0x168: {  	[spmem:s4] =	stream.indirect.scatter.add.f32 [tilespmem:s13], [sflag:$0x8], $0x10, s23, s26, $0xb8;
	[tilespmem:$0x1EE20] =	vst v63  }
0x169: {  	_ =	swait.ge [sflag:s16], $0x2000  }
0x16a: {  	[sflag:s16] =	ssyncset.done $0x0  }
0x16b: {  	s24 =	simm.s32 $0x1A00;
	[sflag:s16] =	ssyncadd.s32 $0xFFFFE000  }
0x16c: {  	[tilespmem:s2], [sflag:$0x2] =	stream.indirect.gather [spmem:s3], $0x10, s24, s26, $0xb8;
	[tilespmem:$0x1EE20] =	vst v63  }
0x16d: {  	_ =	swait.ge [sflag:s5], $0x2000  }
0x16e: {  	[sflag:s5] =	ssyncset.done $0x0  }
0x16f: {  	s28 =	simm.s32 $0x4000;
	[sflag:s5] =	ssyncadd.s32 $0xFFFFE000  }
0x170: {  	[spmem:s4] =	stream.indirect.scatter.add.f32 [tilespmem:s1], [sflag:$0x5], $0x10, s28, s26, $0xb8;
	[tilespmem:$0x1EE20] =	vst v63  }
0x171: {  	_ =	swait.ge [sflag:s17], $0x2000  }
0x172: {  	[sflag:s17] =	ssyncset.done $0x0  }
0x173: {  	s30 =	simm.s32 $0x1C00;
	[sflag:s17] =	ssyncadd.s32 $0xFFFFE000  }
0x174: {  	[tilespmem:s11], [sflag:$0x3] =	stream.indirect.gather [spmem:s3], $0x10, s30, s26, $0xb8;
	[tilespmem:$0x1EE20] =	vst v63  }
0x175: {  	_ =	swait.ge [sflag:s7], $0x2000  }
0x176: {  	[sflag:s7] =	ssyncset.done $0x0  }
0x177: {  	s23 =	simm.s32 $0x4200;
	[sflag:s7] =	ssyncadd.s32 $0xFFFFE000  }
0x178: {  	[spmem:s4] =	stream.indirect.scatter.add.f32 [tilespmem:s2], [sflag:$0x6], $0x10, s23, s26, $0xb8;
	[tilespmem:$0x1EE20] =	vst v63  }
0x179: {  	_ =	swait.ge [sflag:s8], $0x2000  }
0x17a: {  	[sflag:s8] =	ssyncset.done $0x0  }
0x17b: {  	s24 =	simm.s32 $0x1E00;
	[sflag:s8] =	ssyncadd.s32 $0xFFFFE000  }
0x17c: {  	[tilespmem:s13], [sflag:$0x4] =	stream.indirect.gather [spmem:s3], $0x10, s24, s26, $0xb8;
	[tilespmem:$0x1EE20] =	vst v63  }
0x17d: {  	_ =	swait.ge [sflag:s12], $0x2000  }
0x17e: {  	[sflag:s12] =	ssyncset.done $0x0  }
0x17f: {  	s28 =	simm.s32 $0x4400;
	[sflag:s12] =	ssyncadd.s32 $0xFFFFE000  }
0x180: {  	[spmem:s4] =	stream.indirect.scatter.add.f32 [tilespmem:s11], [sflag:$0x7], $0x10, s28, s26, $0xb8;
	[tilespmem:$0x1EE20] =	vst v63  }
0x181: {  	_ =	swait.ge [sflag:s14], $0x2000  }
0x182: {  	[sflag:s14] =	ssyncset.done $0x0  }
0x183: {  	s30 =	simm.s32 $0x2000;
	[sflag:s14] =	ssyncadd.s32 $0xFFFFE000  }
0x184: {  	[tilespmem:s1], [sflag:$0x1] =	stream.indirect.gather [spmem:s3], $0x10, s30, s26, $0xb8;
	[tilespmem:$0x1EE20] =	vst v63  }
0x185: {  	_ =	swait.ge [sflag:s15], $0x2000  }
0x186: {  	[sflag:s15] =	ssyncset.done $0x0  }
0x187: {  	s23 =	simm.s32 $0x4600;
	[sflag:s15] =	ssyncadd.s32 $0xFFFFE000  }
0x188: {  	[spmem:s4] =	stream.indirect.scatter.add.f32 [tilespmem:s13], [sflag:$0x8], $0x10, s23, s26, $0xb8;
	[tilespmem:$0x1EE20] =	vst v63  }
0x189: {  	_ =	swait.ge [sflag:s16], $0x2000  }
0x18a: {  	[sflag:s16] =	ssyncset.done $0x0  }
0x18b: {  	s24 =	simm.s32 $0x2200;
	[sflag:s16] =	ssyncadd.s32 $0xFFFFE000  }
0x18c: {  	[tilespmem:s2], [sflag:$0x2] =	stream.indirect.gather [spmem:s3], $0x10, s24, s26, $0xb8;
	[tilespmem:$0x1EE20] =	vst v63  }
0x18d: {  	_ =	swait.ge [sflag:s5], $0x2000  }
0x18e: {  	[sflag:s5] =	ssyncset.done $0x0  }
0x18f: {  	s28 =	simm.s32 $0x4800;
	[sflag:s5] =	ssyncadd.s32 $0xFFFFE000  }
0x190: {  	[spmem:s4] =	stream.indirect.scatter.add.f32 [tilespmem:s1], [sflag:$0x5], $0x10, s28, s26, $0xb8;
	[tilespmem:$0x1EE20] =	vst v63  }
0x191: {  	_ =	swait.ge [sflag:s17], $0x2000  }
0x192: {  	[sflag:s17] =	ssyncset.done $0x0  }
0x193: {  	s30 =	simm.s32 $0x2400;
	[sflag:s17] =	ssyncadd.s32 $0xFFFFE000  }
0x194: {  	[tilespmem:s11], [sflag:$0x3] =	stream.indirect.gather [spmem:s3], $0x10, s30, s26, $0xb8;
	[tilespmem:$0x1EE20] =	vst v63  }
0x195: {  	_ =	swait.ge [sflag:s7], $0x2000  }
0x196: {  	[sflag:s7] =	ssyncset.done $0x0  }
0x197: {  	s5 =	simm.s32 $0x4A00;
	[sflag:s7] =	ssyncadd.s32 $0xFFFFE000  }
0x198: {  	[spmem:s4] =	stream.indirect.scatter.add.f32 [tilespmem:s2], [sflag:$0x6], $0x10, s5, s26, $0xb8;
	[tilespmem:$0x1EE20] =	vst v63  }
0x199: {  	_ =	swait.ge [sflag:s8], $0x2000  }
0x19a: {  	[sflag:s8] =	ssyncset.done $0x0  }
0x19b: {  	s7 =	simm.s32 $0x2600;
	[sflag:s8] =	ssyncadd.s32 $0xFFFFE000  }
0x19c: {  	[tilespmem:s13], [sflag:$0x4] =	stream.indirect.gather [spmem:s3], $0x10, s7, s26, $0xb8;
	[tilespmem:$0x1EE20] =	vst v63  }
0x19d: {  	_ =	swait.ge [sflag:s12], $0x2000  }
0x19e: {  	[sflag:s12] =	ssyncset.done $0x0  }
0x19f: {  	[sflag:s12] =	ssyncadd.s32 $0xFFFFE000;
	s12 =	simm.s32 $0x4C00  }
0x1a0: {  	[spmem:s4] =	stream.indirect.scatter.add.f32 [tilespmem:s11], [sflag:$0x7], $0x10, s12, s26, $0xb8;
	[tilespmem:$0x1EE20] =	vst v63  }
0x1a1: {  	_ =	swait.ge [sflag:s15], $0x2000  }
0x1a2: {  	[sflag:s15] =	ssyncset.done $0x0  }
0x1a3: {  	s22 =	simm.s32 $0x4E00;
	[sflag:s15] =	ssyncadd.s32 $0xFFFFE000  }
0x1a4: {  	[spmem:s4] =	stream.indirect.scatter.add.f32 [tilespmem:s13], [sflag:$0x8], $0x10, s22, s26, $0xb8;
	[tilespmem:$0x1EE20] =	vst v63  }
0x1a5: {  	_ =	swait.ge [sflag:s14], $0x2000  }
0x1a6: {  	[sflag:s14] =	ssyncset.done $0x0  }
0x1a7: {  	[sflag:s14] =	ssyncadd.s32 $0xFFFFE000  }
0x1a8: {  	_ =	swait.ge [sflag:s16], $0x2000  }
0x1a9: {  	[sflag:s16] =	ssyncset.done $0x0  }
0x1aa: {  	[sflag:s16] =	ssyncadd.s32 $0xFFFFE000  }
0x1ab: {  	_ =	swait.ge [sflag:s17], $0x2000  }
0x1ac: {  	[sflag:s17] =	ssyncset.done $0x0  }
0x1ad: {  	[sflag:s17] =	ssyncadd.s32 $0xFFFFE000  }
0x1ae: {  	_ =	swait.ge [sflag:s8], $0x2000  }
0x1af: {  	[sflag:s8] =	ssyncset.done $0x0  }
0x1b0: {  	[sflag:s8] =	ssyncadd.s32 $0xFFFFE000  }
0x1b1: {  	[bflag:$0x0] =	sbarrier.arrive $0xFFFF  }
0x1b2: {  	[tilespmem:s9], [sflag:$0x9] =	stream.linear.gather [spmem:s0], $0x2800, $0x38;
	[tilespmem:$0x1EE20] =	vst v63  }
0x1b3: {  	_ =	swait.ge [sflag:s19], $0x2800  }
0x1b4: {  	[sflag:s19] =	ssyncset.done $0x0  }
0x1b5: {  	[sflag:s19] =	ssyncadd.s32 $0xFFFFD800  }
0x1b6: {  	[tilespmem:$0x19D10] =	vst v2  }
0x1b7: {  	[tilespmem:$0x19D20] =	vst v2  }
0x1b8: {  	[tilespmem:$0x19D30] =	vst v2  }
0x1b9: {  	[tilespmem:$0x19D40] =	vst v2  }
0x1ba: {  	[tilespmem:$0x19D50] =	vst v2  }
0x1bb: {  	[tilespmem:$0x19D60] =	vst v2  }
0x1bc: {  	[tilespmem:$0x19D70] =	vst v2  }
0x1bd: {  	[tilespmem:$0x19D80] =	vst v2  }
0x1be: {  	[tilespmem:$0x19D90] =	vst v2  }
0x1bf: {  	[tilespmem:$0x19DA0] =	vst v2  }
0x1c0: {  	[tilespmem:$0x19DB0] =	vst v2  }
0x1c1: {  	[tilespmem:$0x19DC0] =	vst v2  }
0x1c2: {  	[tilespmem:$0x19DD0] =	vst v2  }
0x1c3: {  	s23 =	simm.s32 $0x0;
	[tilespmem:$0x19DE0] =	vst v2  }
0x1c4: {  	v3 =	vor.u32 s23, v1;
	[tilespmem:$0x19DF0] =	vst v2  }
0x1c5: {  	[tilespmem:$0x19E00] =	vst v2  }
0x1c6: {  	s24 =	simm.s32 $0x19A80;
	[tilespmem:$0x19E10] =	vst v2  }
0x1c7: {  	v4 =	vld [tilespmem:s24+$0x0];
	_ =	sdelay $0x1  }
0x1c8: {  	v5 =	vld.idx.msk [tilespmem:v3+s25+$0x0], $0xffff  }
0x1c9: {  	s28 =	simm.s32 $0x19800;
	v6 =	vld.idx.msk [tilespmem:v3+s9+$0x0], $0xffff  }
0x1ca: {  	v3 =	vld [tilespmem:s28+$0x0]  }
0x1cb: {  	v4 =	vshll.u32 v4, $0x4  }
0x1cc: {  	v7 =	vbroadcast v4, $0x0  }
0x1cd: {  	v5 =	vmul.f32 v5, v0  }
0x1ce: {  	s30 =	simm.s32 $0x10;
	v7 =	vor.u32 v1, v7  }
0x1cf: {  	v8 =	vor.u32 s30, v1;
	v5 =	vsub.f32 v6, v5;
	v6 =	vbroadcast v3, $0x0;
	_ =	sdelay $0x1  }
0x1d0: {  	v5 =	vmul.f32 v5, v6;
	_ =	sdelay $0x1  }
0x1d1: {  	[tilespmem:v7+s10+$0x0] =	vst.idx.add.f32.msk $0xffff, v5  }
0x1d2: {  	v5 =	vld.idx.msk [tilespmem:v8+s25+$0x0], $0xffff;
	_ =	sdelay $0x1  }
0x1d3: {  	v6 =	vld.idx.msk [tilespmem:v8+s9+$0x0], $0xffff;
	_ =	sdelay $0x1  }
0x1d4: {  	v7 =	vbroadcast v4, $0x1  }
0x1d5: {  	v5 =	vmul.f32 v5, v0  }
0x1d6: {  	s1 =	simm.s32 $0x20;
	v7 =	vor.u32 v1, v7  }
0x1d7: {  	v51 =	vor.u32 s1, v1;
	v5 =	vsub.f32 v6, v5;
	v6 =	vbroadcast v3, $0x1;
	_ =	sdelay $0x1  }
0x1d8: {  	v5 =	vmul.f32 v5, v6;
	_ =	sdelay $0x1  }
0x1d9: {  	[tilespmem:v7+s10+$0x0] =	vst.idx.add.f32.msk $0xffff, v5  }
0x1da: {  	v5 =	vld.idx.msk [tilespmem:v51+s25+$0x0], $0xffff;
	_ =	sdelay $0x1  }
0x1db: {  	v6 =	vld.idx.msk [tilespmem:v51+s9+$0x0], $0xffff;
	_ =	sdelay $0x1  }
0x1dc: {  	v7 =	vbroadcast v4, $0x2  }
0x1dd: {  	v5 =	vmul.f32 v5, v0  }
0x1de: {  	s2 =	simm.s32 $0x30;
	v7 =	vor.u32 v1, v7  }
0x1df: {  	v52 =	vor.u32 s2, v1;
	v5 =	vsub.f32 v6, v5;
	v6 =	vbroadcast v3, $0x2;
	_ =	sdelay $0x1  }
0x1e0: {  	v5 =	vmul.f32 v5, v6;
	_ =	sdelay $0x1  }
0x1e1: {  	[tilespmem:v7+s10+$0x0] =	vst.idx.add.f32.msk $0xffff, v5  }
0x1e2: {  	v5 =	vld.idx.msk [tilespmem:v52+s25+$0x0], $0xffff;
	_ =	sdelay $0x1  }
0x1e3: {  	v6 =	vld.idx.msk [tilespmem:v52+s9+$0x0], $0xffff;
	_ =	sdelay $0x1  }
0x1e4: {  	v7 =	vbroadcast v4, $0x3  }
0x1e5: {  	v5 =	vmul.f32 v5, v0  }
0x1e6: {  	s5 =	simm.s32 $0x40;
	v7 =	vor.u32 v1, v7  }
0x1e7: {  	v53 =	vor.u32 s5, v1;
	v5 =	vsub.f32 v6, v5;
	v6 =	vbroadcast v3, $0x3;
	_ =	sdelay $0x1  }
0x1e8: {  	v5 =	vmul.f32 v5, v6;
	_ =	sdelay $0x1  }
0x1e9: {  	[tilespmem:v7+s10+$0x0] =	vst.idx.add.f32.msk $0xffff, v5  }
0x1ea: {  	v5 =	vld.idx.msk [tilespmem:v53+s25+$0x0], $0xffff;
	_ =	sdelay $0x1  }
0x1eb: {  	v6 =	vld.idx.msk [tilespmem:v53+s9+$0x0], $0xffff;
	_ =	sdelay $0x1  }
0x1ec: {  	v7 =	vbroadcast v4, $0x4  }
0x1ed: {  	v5 =	vmul.f32 v5, v0  }
0x1ee: {  	s7 =	simm.s32 $0x50;
	v7 =	vor.u32 v1, v7  }
0x1ef: {  	v54 =	vor.u32 s7, v1;
	v5 =	vsub.f32 v6, v5;
	v6 =	vbroadcast v3, $0x4;
	_ =	sdelay $0x1  }
0x1f0: {  	v5 =	vmul.f32 v5, v6;
	_ =	sdelay $0x1  }
0x1f1: {  	[tilespmem:v7+s10+$0x0] =	vst.idx.add.f32.msk $0xffff, v5  }
0x1f2: {  	v5 =	vld.idx.msk [tilespmem:v54+s25+$0x0], $0xffff;
	_ =	sdelay $0x1  }
0x1f3: {  	v6 =	vld.idx.msk [tilespmem:v54+s9+$0x0], $0xffff;
	_ =	sdelay $0x1  }
0x1f4: {  	v7 =	vbroadcast v4, $0x5  }
0x1f5: {  	v5 =	vmul.f32 v5, v0  }
0x1f6: {  	s11 =	simm.s32 $0x60;
	v7 =	vor.u32 v1, v7  }
0x1f7: {  	v55 =	vor.u32 s11, v1;
	v5 =	vsub.f32 v6, v5;
	v6 =	vbroadcast v3, $0x5;
	_ =	sdelay $0x1  }
0x1f8: {  	v5 =	vmul.f32 v5, v6;
	_ =	sdelay $0x1  }
0x1f9: {  	[tilespmem:v7+s10+$0x0] =	vst.idx.add.f32.msk $0xffff, v5  }
0x1fa: {  	v5 =	vld.idx.msk [tilespmem:v55+s25+$0x0], $0xffff;
	_ =	sdelay $0x1  }
0x1fb: {  	v6 =	vld.idx.msk [tilespmem:v55+s9+$0x0], $0xffff;
	_ =	sdelay $0x1  }
0x1fc: {  	v7 =	vbroadcast v4, $0x6  }
0x1fd: {  	v5 =	vmul.f32 v5, v0  }
0x1fe: {  	s12 =	simm.s32 $0x70;
	v7 =	vor.u32 v1, v7  }
0x1ff: {  	v56 =	vor.u32 s12, v1;
	v5 =	vsub.f32 v6, v5;
	v6 =	vbroadcast v3, $0x6;
	_ =	sdelay $0x1  }
0x200: {  	v5 =	vmul.f32 v5, v6;
	_ =	sdelay $0x1  }
0x201: {  	[tilespmem:v7+s10+$0x0] =	vst.idx.add.f32.msk $0xffff, v5  }
0x202: {  	v5 =	vld.idx.msk [tilespmem:v56+s25+$0x0], $0xffff;
	_ =	sdelay $0x1  }
0x203: {  	v6 =	vld.idx.msk [tilespmem:v56+s9+$0x0], $0xffff;
	_ =	sdelay $0x1  }
0x204: {  	v7 =	vbroadcast v4, $0x7  }
0x205: {  	v5 =	vmul.f32 v5, v0  }
0x206: {  	s13 =	simm.s32 $0x80;
	v7 =	vor.u32 v1, v7  }
0x207: {  	v57 =	vor.u32 s13, v1;
	v5 =	vsub.f32 v6, v5;
	v6 =	vbroadcast v3, $0x7;
	_ =	sdelay $0x1  }
0x208: {  	v5 =	vmul.f32 v5, v6;
	_ =	sdelay $0x1  }
0x209: {  	[tilespmem:v7+s10+$0x0] =	vst.idx.add.f32.msk $0xffff, v5  }
0x20a: {  	v5 =	vld.idx.msk [tilespmem:v57+s25+$0x0], $0xffff;
	_ =	sdelay $0x1  }
0x20b: {  	v6 =	vld.idx.msk [tilespmem:v57+s9+$0x0], $0xffff;
	_ =	sdelay $0x1  }
0x20c: {  	v7 =	vbroadcast v4, $0x8  }
0x20d: {  	v5 =	vmul.f32 v5, v0  }
0x20e: {  	s14 =	simm.s32 $0x90;
	v7 =	vor.u32 v1, v7  }
0x20f: {  	v58 =	vor.u32 s14, v1;
	v5 =	vsub.f32 v6, v5;
	v6 =	vbroadcast v3, $0x8;
	_ =	sdelay $0x1  }
0x210: {  	v5 =	vmul.f32 v5, v6;
	_ =	sdelay $0x1  }
0x211: {  	[tilespmem:v7+s10+$0x0] =	vst.idx.add.f32.msk $0xffff, v5  }
0x212: {  	v5 =	vld.idx.msk [tilespmem:v58+s25+$0x0], $0xffff;
	_ =	sdelay $0x1  }
0x213: {  	v6 =	vld.idx.msk [tilespmem:v58+s9+$0x0], $0xffff;
	_ =	sdelay $0x1  }
0x214: {  	v7 =	vbroadcast v4, $0x9  }
0x215: {  	v5 =	vmul.f32 v5, v0  }
0x216: {  	s15 =	simm.s32 $0xA0;
	v7 =	vor.u32 v1, v7  }
0x217: {  	v59 =	vor.u32 s15, v1;
	v5 =	vsub.f32 v6, v5;
	v6 =	vbroadcast v3, $0x9;
	_ =	sdelay $0x1  }
0x218: {  	v5 =	vmul.f32 v5, v6;
	_ =	sdelay $0x1  }
0x219: {  	[tilespmem:v7+s10+$0x0] =	vst.idx.add.f32.msk $0xffff, v5  }
0x21a: {  	v5 =	vld.idx.msk [tilespmem:v59+s25+$0x0], $0xffff;
	_ =	sdelay $0x1  }
0x21b: {  	v6 =	vld.idx.msk [tilespmem:v59+s9+$0x0], $0xffff;
	_ =	sdelay $0x1  }
0x21c: {  	v7 =	vbroadcast v4, $0xA  }
0x21d: {  	v5 =	vmul.f32 v5, v0  }
0x21e: {  	s16 =	simm.s32 $0xB0;
	v7 =	vor.u32 v1, v7  }
0x21f: {  	v60 =	vor.u32 s16, v1;
	v5 =	vsub.f32 v6, v5;
	v6 =	vbroadcast v3, $0xA;
	_ =	sdelay $0x1  }
0x220: {  	v5 =	vmul.f32 v5, v6;
	_ =	sdelay $0x1  }
0x221: {  	[tilespmem:v7+s10+$0x0] =	vst.idx.add.f32.msk $0xffff, v5  }
0x222: {  	v5 =	vld.idx.msk [tilespmem:v60+s25+$0x0], $0xffff;
	_ =	sdelay $0x1  }
0x223: {  	v6 =	vld.idx.msk [tilespmem:v60+s9+$0x0], $0xffff;
	_ =	sdelay $0x1  }
0x224: {  	v7 =	vbroadcast v4, $0xB  }
0x225: {  	v5 =	vmul.f32 v5, v0  }
0x226: {  	s17 =	simm.s32 $0xC0;
	v7 =	vor.u32 v1, v7  }
0x227: {  	v61 =	vor.u32 s17, v1;
	v5 =	vsub.f32 v6, v5;
	v6 =	vbroadcast v3, $0xB;
	_ =	sdelay $0x1  }
0x228: {  	v5 =	vmul.f32 v5, v6;
	_ =	sdelay $0x1  }
0x229: {  	[tilespmem:v7+s10+$0x0] =	vst.idx.add.f32.msk $0xffff, v5  }
0x22a: {  	v5 =	vld.idx.msk [tilespmem:v61+s25+$0x0], $0xffff;
	_ =	sdelay $0x1  }
0x22b: {  	v6 =	vld.idx.msk [tilespmem:v61+s9+$0x0], $0xffff;
	_ =	sdelay $0x1  }
0x22c: {  	v7 =	vbroadcast v4, $0xC  }
0x22d: {  	v5 =	vmul.f32 v5, v0  }
0x22e: {  	s22 =	simm.s32 $0xD0;
	v7 =	vor.u32 v1, v7  }
0x22f: {  	v62 =	vor.u32 s22, v1;
	v5 =	vsub.f32 v6, v5;
	v6 =	vbroadcast v3, $0xC;
	_ =	sdelay $0x1  }
0x230: {  	v5 =	vmul.f32 v5, v6;
	_ =	sdelay $0x1  }
0x231: {  	[tilespmem:v7+s10+$0x0] =	vst.idx.add.f32.msk $0xffff, v5  }
0x232: {  	v5 =	vld.idx.msk [tilespmem:v62+s25+$0x0], $0xffff;
	_ =	sdelay $0x1  }
0x233: {  	v6 =	vld.idx.msk [tilespmem:v62+s9+$0x0], $0xffff;
	_ =	sdelay $0x1  }
0x234: {  	v7 =	vbroadcast v4, $0xD  }
0x235: {  	v5 =	vmul.f32 v5, v0  }
0x236: {  	s23 =	simm.s32 $0xE0;
	v7 =	vor.u32 v1, v7  }
0x237: {  	v63 =	vor.u32 s23, v1;
	v5 =	vsub.f32 v6, v5;
	v6 =	vbroadcast v3, $0xD;
	_ =	sdelay $0x1  }
0x238: {  	v5 =	vmul.f32 v5, v6;
	_ =	sdelay $0x1  }
0x239: {  	[tilespmem:v7+s10+$0x0] =	vst.idx.add.f32.msk $0xffff, v5  }
0x23a: {  	v5 =	vld.idx.msk [tilespmem:v63+s25+$0x0], $0xffff;
	_ =	sdelay $0x1  }
0x23b: {  	v6 =	vld.idx.msk [tilespmem:v63+s9+$0x0], $0xffff  }
0x23c: {  	(v2sf) =	vpush v4, $0xF  }
0x23d: {  	v4 =	vbroadcast v4, $0xE  }
0x23e: {  	v5 =	vmul.f32 v5, v0  }
0x23f: {  	s24 =	simm.s32 $0xF0;
	v4 =	vor.u32 v1, v4  }
0x240: {  	v7 =	vor.u32 s24, v1;
	v5 =	vsub.f32 v6, v5;
	v6 =	vbroadcast v3, $0xE;
	_ =	sdelay $0x1  }
0x241: {  	v5 =	vmul.f32 v5, v6;
	_ =	sdelay $0x1  }
0x242: {  	[tilespmem:v4+s10+$0x0] =	vst.idx.add.f32.msk $0xffff, v5  }
0x243: {  	v4 =	vld.idx.msk [tilespmem:v7+s25+$0x0], $0xffff;
	_ =	sdelay $0x1  }
0x244: {  	v5 =	vld.idx.msk [tilespmem:v7+s9+$0x0], $0xffff;
	_ =	sdelay $0x2  }
0x245: {  	v4 =	vmul.f32 v4, v0  }
0x246: {  	s31 =	simm.s32 $0x160;
	s28 =	spop (v2sf)  }
0x247: {  	s29 =	simm.s32 $0x190;
	s1 =	simm.s32 $0x170;
	s30 =	simm.s32 $0x100;
	v5 =	vsub.f32 v5, v4;
	v4 =	vor.u32 s28, v1  }
0x248: {  	s2 =	simm.s32 $0x140;
	s5 =	simm.s32 $0x1A0;
	s7 =	simm.s32 $0x120;
	v6 =	vbroadcast v3, $0xF  }
0x249: {  	s12 =	simm.s32 $0x1F0;
	s11 =	simm.s32 $0x180;
	s13 =	simm.s32 $0x19810;
	v3 =	vor.u32 s30, v1  }
0x24a: {  	s22 =	simm.s32 $0x150;
	s14 =	simm.s32 $0x2F;
	s16 =	simm.s32 $0x19A90;
	v5 =	vmul.f32 v5, v6  }
0x24b: {  	s17 =	simm.s32 $0x1B0;
	s0 =	simm.s32 $0x110;
	s24 =	simm.s32 $0x130  }
.LBB2_4:
0x24c: {  	s30 =	sadd.s32 $0xFFFFFFD0, s12;
	s23 =	sadd.s32 $0xFFFFFFE0, s12;
	s28 =	sadd.s32 $0xFFFFFFF0, s12;
	[tilespmem:v4+s10+$0x0] =	vst.idx.add.f32.msk $0xffff, v5  }
0x24d: {  	p0 =	sne.s32 s14, $0x27F;
	s15 =	smov.u32 s14;
	s14 =	sadd.s32 $0x10, s14;
	v4 =	vld [tilespmem:s16+$0x0]  }
0x24e: {  	v5 =	vld.idx.msk [tilespmem:v3+s25+$0x0], $0xffff;
	_ =	sdelay $0x1  }
0x24f: {  	v6 =	vld.idx.msk [tilespmem:v3+s9+$0x0], $0xffff  }
0x250: {  	v3 =	vld [tilespmem:s13+$0x0]  }
0x251: {  	v4 =	vshll.u32 v4, $0x4  }
0x252: {  	v7 =	vbroadcast v4, $0x0;
	v13 =	vbroadcast v4, $0x1;
	(v2sf) =	vpush v4, $0xF  }
0x253: {  	v5 =	vmul.f32 v5, v0;
	v14 =	vbroadcast v4, $0x2  }
0x254: {  	v15 =	vbroadcast v4, $0x3;
	v16 =	vbroadcast v4, $0x4;
	v7 =	vor.u32 v1, v7  }
0x255: {  	v17 =	vor.u32 s0, v1;
	v5 =	vsub.f32 v6, v5;
	v6 =	vbroadcast v3, $0x0  }
0x256: {  	v18 =	vbroadcast v4, $0x5;
	v12 =	vbroadcast v4, $0x6  }
0x257: {  	v11 =	vbroadcast v4, $0x7;
	v5 =	vmul.f32 v5, v6  }
0x258: {  	v10 =	vbroadcast v4, $0x8;
	v9 =	vbroadcast v4, $0x9  }
0x259: {  	v8 =	vbroadcast v4, $0xA;
	[tilespmem:v7+s10+$0x0] =	vst.idx.add.f32.msk $0xffff, v5;
	v7 =	vbroadcast v4, $0xB  }
0x25a: {  	v6 =	vbroadcast v4, $0xC;
	v5 =	vbroadcast v4, $0xD;
	v19 =	vld.idx.msk [tilespmem:v17+s25+$0x0], $0xffff  }
0x25b: {  	v4 =	vbroadcast v4, $0xE  }
0x25c: {  	v17 =	vld.idx.msk [tilespmem:v17+s9+$0x0], $0xffff;
	_ =	sdelay $0x3  }
0x25d: {  	v19 =	vmul.f32 v19, v0  }
0x25e: {  	v13 =	vor.u32 v1, v13;
	s0 =	spop (v2sf)  }
0x25f: {  	v20 =	vor.u32 s7, v1;
	v17 =	vsub.f32 v17, v19;
	v19 =	vbroadcast v3, $0x1;
	_ =	sdelay $0x1  }
0x260: {  	v17 =	vmul.f32 v17, v19;
	_ =	sdelay $0x1  }
0x261: {  	[tilespmem:v13+s10+$0x0] =	vst.idx.add.f32.msk $0xffff, v17  }
0x262: {  	v13 =	vld.idx.msk [tilespmem:v20+s25+$0x0], $0xffff;
	_ =	sdelay $0x1  }
0x263: {  	v17 =	vld.idx.msk [tilespmem:v20+s9+$0x0], $0xffff;
	_ =	sdelay $0x3  }
0x264: {  	v13 =	vmul.f32 v13, v0  }
0x265: {  	v14 =	vor.u32 v1, v14  }
0x266: {  	v19 =	vor.u32 s24, v1;
	v13 =	vsub.f32 v17, v13;
	v17 =	vbroadcast v3, $0x2;
	_ =	sdelay $0x1  }
0x267: {  	v13 =	vmul.f32 v13, v17;
	_ =	sdelay $0x1  }
0x268: {  	[tilespmem:v14+s10+$0x0] =	vst.idx.add.f32.msk $0xffff, v13  }
0x269: {  	v13 =	vld.idx.msk [tilespmem:v19+s25+$0x0], $0xffff;
	_ =	sdelay $0x1  }
0x26a: {  	v14 =	vld.idx.msk [tilespmem:v19+s9+$0x0], $0xffff;
	_ =	sdelay $0x3  }
0x26b: {  	v13 =	vmul.f32 v13, v0  }
0x26c: {  	v15 =	vor.u32 v1, v15  }
0x26d: {  	v17 =	vor.u32 s2, v1;
	v13 =	vsub.f32 v14, v13;
	v14 =	vbroadcast v3, $0x3;
	_ =	sdelay $0x1  }
0x26e: {  	v13 =	vmul.f32 v13, v14;
	_ =	sdelay $0x1  }
0x26f: {  	[tilespmem:v15+s10+$0x0] =	vst.idx.add.f32.msk $0xffff, v13  }
0x270: {  	v13 =	vld.idx.msk [tilespmem:v17+s25+$0x0], $0xffff;
	_ =	sdelay $0x1  }
0x271: {  	v14 =	vld.idx.msk [tilespmem:v17+s9+$0x0], $0xffff;
	_ =	sdelay $0x3  }
0x272: {  	v13 =	vmul.f32 v13, v0  }
0x273: {  	v15 =	vor.u32 v1, v16  }
0x274: {  	v16 =	vor.u32 s22, v1;
	v13 =	vsub.f32 v14, v13;
	v14 =	vbroadcast v3, $0x4;
	_ =	sdelay $0x1  }
0x275: {  	v13 =	vmul.f32 v13, v14;
	_ =	sdelay $0x1  }
0x276: {  	[tilespmem:v15+s10+$0x0] =	vst.idx.add.f32.msk $0xffff, v13  }
0x277: {  	v13 =	vld.idx.msk [tilespmem:v16+s25+$0x0], $0xffff;
	_ =	sdelay $0x1  }
0x278: {  	v14 =	vld.idx.msk [tilespmem:v16+s9+$0x0], $0xffff;
	_ =	sdelay $0x3  }
0x279: {  	v13 =	vmul.f32 v13, v0  }
0x27a: {  	v15 =	vor.u32 v1, v18  }
0x27b: {  	v16 =	vor.u32 s31, v1;
	v13 =	vsub.f32 v14, v13;
	v14 =	vbroadcast v3, $0x5;
	_ =	sdelay $0x1  }
0x27c: {  	v13 =	vmul.f32 v13, v14;
	_ =	sdelay $0x1  }
0x27d: {  	[tilespmem:v15+s10+$0x0] =	vst.idx.add.f32.msk $0xffff, v13  }
0x27e: {  	v13 =	vld.idx.msk [tilespmem:v16+s25+$0x0], $0xffff;
	_ =	sdelay $0x1  }
0x27f: {  	v14 =	vld.idx.msk [tilespmem:v16+s9+$0x0], $0xffff;
	_ =	sdelay $0x3  }
0x280: {  	v13 =	vmul.f32 v13, v0  }
0x281: {  	v12 =	vor.u32 v1, v12  }
0x282: {  	v15 =	vor.u32 s1, v1;
	v13 =	vsub.f32 v14, v13;
	v14 =	vbroadcast v3, $0x6;
	_ =	sdelay $0x1  }
0x283: {  	v13 =	vmul.f32 v13, v14;
	_ =	sdelay $0x1  }
0x284: {  	[tilespmem:v12+s10+$0x0] =	vst.idx.add.f32.msk $0xffff, v13  }
0x285: {  	v12 =	vld.idx.msk [tilespmem:v15+s25+$0x0], $0xffff;
	_ =	sdelay $0x1  }
0x286: {  	v13 =	vld.idx.msk [tilespmem:v15+s9+$0x0], $0xffff;
	_ =	sdelay $0x3  }
0x287: {  	v12 =	vmul.f32 v12, v0  }
0x288: {  	v11 =	vor.u32 v1, v11  }
0x289: {  	v14 =	vor.u32 s11, v1;
	v12 =	vsub.f32 v13, v12;
	v13 =	vbroadcast v3, $0x7;
	_ =	sdelay $0x1  }
0x28a: {  	v12 =	vmul.f32 v12, v13;
	_ =	sdelay $0x1  }
0x28b: {  	[tilespmem:v11+s10+$0x0] =	vst.idx.add.f32.msk $0xffff, v12  }
0x28c: {  	v11 =	vld.idx.msk [tilespmem:v14+s25+$0x0], $0xffff;
	_ =	sdelay $0x1  }
0x28d: {  	v12 =	vld.idx.msk [tilespmem:v14+s9+$0x0], $0xffff;
	_ =	sdelay $0x3  }
0x28e: {  	v11 =	vmul.f32 v11, v0  }
0x28f: {  	v10 =	vor.u32 v1, v10  }
0x290: {  	v13 =	vor.u32 s29, v1;
	v11 =	vsub.f32 v12, v11;
	v12 =	vbroadcast v3, $0x8;
	_ =	sdelay $0x1  }
0x291: {  	v11 =	vmul.f32 v11, v12;
	_ =	sdelay $0x1  }
0x292: {  	[tilespmem:v10+s10+$0x0] =	vst.idx.add.f32.msk $0xffff, v11  }
0x293: {  	v10 =	vld.idx.msk [tilespmem:v13+s25+$0x0], $0xffff  }
0x294: {  	v11 =	vld.idx.msk [tilespmem:v13+s9+$0x0], $0xffff;
	_ =	sdelay $0x4  }
0x295: {  	v10 =	vmul.f32 v10, v0  }
0x296: {  	v9 =	vor.u32 v1, v9  }
0x297: {  	v12 =	vor.u32 s5, v1;
	v10 =	vsub.f32 v11, v10;
	v11 =	vbroadcast v3, $0x9;
	_ =	sdelay $0x1  }
0x298: {  	v10 =	vmul.f32 v10, v11;
	_ =	sdelay $0x1  }
0x299: {  	[tilespmem:v9+s10+$0x0] =	vst.idx.add.f32.msk $0xffff, v10  }
0x29a: {  	v9 =	vld.idx.msk [tilespmem:v12+s25+$0x0], $0xffff  }
0x29b: {  	v10 =	vld.idx.msk [tilespmem:v12+s9+$0x0], $0xffff;
	_ =	sdelay $0x4  }
0x29c: {  	v9 =	vmul.f32 v9, v0  }
0x29d: {  	v8 =	vor.u32 v1, v8  }
0x29e: {  	v11 =	vor.u32 s17, v1;
	v9 =	vsub.f32 v10, v9;
	v10 =	vbroadcast v3, $0xA;
	_ =	sdelay $0x1  }
0x29f: {  	v9 =	vmul.f32 v9, v10;
	_ =	sdelay $0x1  }
0x2a0: {  	[tilespmem:v8+s10+$0x0] =	vst.idx.add.f32.msk $0xffff, v9  }
0x2a1: {  	v8 =	vld.idx.msk [tilespmem:v11+s25+$0x0], $0xffff  }
0x2a2: {  	v9 =	vld.idx.msk [tilespmem:v11+s9+$0x0], $0xffff;
	_ =	sdelay $0x4  }
0x2a3: {  	v8 =	vmul.f32 v8, v0  }
0x2a4: {  	v7 =	vor.u32 v1, v7  }
0x2a5: {  	v10 =	vor.u32 s30, v1;
	v8 =	vsub.f32 v9, v8;
	v9 =	vbroadcast v3, $0xB;
	_ =	sdelay $0x1  }
0x2a6: {  	v8 =	vmul.f32 v8, v9;
	_ =	sdelay $0x1  }
0x2a7: {  	[tilespmem:v7+s10+$0x0] =	vst.idx.add.f32.msk $0xffff, v8  }
0x2a8: {  	v7 =	vld.idx.msk [tilespmem:v10+s25+$0x0], $0xffff  }
0x2a9: {  	v8 =	vld.idx.msk [tilespmem:v10+s9+$0x0], $0xffff;
	_ =	sdelay $0x4  }
0x2aa: {  	v7 =	vmul.f32 v7, v0  }
0x2ab: {  	v6 =	vor.u32 v1, v6  }
0x2ac: {  	v9 =	vor.u32 s23, v1;
	v7 =	vsub.f32 v8, v7;
	v8 =	vbroadcast v3, $0xC;
	_ =	sdelay $0x1  }
0x2ad: {  	v7 =	vmul.f32 v7, v8;
	_ =	sdelay $0x1  }
0x2ae: {  	[tilespmem:v6+s10+$0x0] =	vst.idx.add.f32.msk $0xffff, v7  }
0x2af: {  	v6 =	vld.idx.msk [tilespmem:v9+s25+$0x0], $0xffff  }
0x2b0: {  	v7 =	vld.idx.msk [tilespmem:v9+s9+$0x0], $0xffff;
	_ =	sdelay $0x4  }
0x2b1: {  	v6 =	vmul.f32 v6, v0  }
0x2b2: {  	v5 =	vor.u32 v1, v5  }
0x2b3: {  	v8 =	vor.u32 s28, v1;
	v6 =	vsub.f32 v7, v6;
	v7 =	vbroadcast v3, $0xD;
	_ =	sdelay $0x1  }
0x2b4: {  	v6 =	vmul.f32 v6, v7;
	_ =	sdelay $0x1  }
0x2b5: {  	[tilespmem:v5+s10+$0x0] =	vst.idx.add.f32.msk $0xffff, v6  }
0x2b6: {  	v5 =	vld.idx.msk [tilespmem:v8+s25+$0x0], $0xffff  }
0x2b7: {  	v6 =	vld.idx.msk [tilespmem:v8+s9+$0x0], $0xffff;
	_ =	sdelay $0x4  }
0x2b8: {  	v5 =	vmul.f32 v5, v0  }
0x2b9: {  	v4 =	vor.u32 v1, v4  }
0x2ba: {  	v7 =	vor.u32 s12, v1;
	v5 =	vsub.f32 v6, v5;
	v6 =	vbroadcast v3, $0xE;
	_ =	sdelay $0x1  }
0x2bb: {  	v5 =	vmul.f32 v5, v6;
	_ =	sdelay $0x1  }
0x2bc: {  	[tilespmem:v4+s10+$0x0] =	vst.idx.add.f32.msk $0xffff, v5  }
0x2bd: {  	v4 =	vld.idx.msk [tilespmem:v7+s25+$0x0], $0xffff  }
0x2be: {  	v5 =	vld.idx.msk [tilespmem:v7+s9+$0x0], $0xffff;
	_ =	sdelay $0x4  }
0x2bf: {  	s16 =	sadd.s32 $0x10, s16;
	v6 =	vmul.f32 v4, v0  }
.Ltmp1:
0x2c0: {  	s13 =	sadd.s32 $0x10, s13;
	s12 =	sshll.u32 s15, $0x4;
	v4 =	vor.u32 s0, v1;
	(pc) =	sbr.rel @p0 .LBB2_4-.Ltmp1, $4  }
0x2c1: {  	s1 =	sadd.s32 $0xFFFFFF10, s12;
	s7 =	sadd.s32 $0xFFFFFF30, s12;
	s0 =	sadd.s32 $0xFFFFFF20, s12;
	v5 =	vsub.f32 v5, v6;
	v6 =	vbroadcast v3, $0xF  }
0x2c2: {  	s24 =	sadd.s32 $0xFFFFFF40, s12;
	s2 =	sadd.s32 $0xFFFFFF50, s12;
	s22 =	sadd.s32 $0xFFFFFF60, s12;
	v3 =	vor.u32 s1, v1  }
0x2c3: {  	s31 =	sadd.s32 $0xFFFFFF70, s12;
	s11 =	sadd.s32 $0xFFFFFF90, s12;
	s1 =	sadd.s32 $0xFFFFFF80, s12;
	v5 =	vmul.f32 v5, v6  }
0x2c4: {  	s29 =	sadd.s32 $0xFFFFFFA0, s12;
	s5 =	sadd.s32 $0xFFFFFFB0, s12;
	s17 =	sadd.s32 $0xFFFFFFC0, s12  }
0x2c5: {  	_ =	sdelay $0x3  }
0x2c6: {  	[tilespmem:v4+s10+$0x0] =	vst.idx.add.f32.msk $0xffff, v5  }
0x2c7: {  	v4 =	vld [tilespmem:s16+$0x0];
	_ =	sdelay $0x1  }
0x2c8: {  	v5 =	vld.idx.msk [tilespmem:v3+s25+$0x0], $0xffff  }
0x2c9: {  	v6 =	vld.idx.msk [tilespmem:v3+s9+$0x0], $0xffff  }
0x2ca: {  	v3 =	vld [tilespmem:s13+$0x0]  }
0x2cb: {  	v4 =	vshll.u32 v4, $0x4  }
0x2cc: {  	v7 =	vbroadcast v4, $0x0  }
0x2cd: {  	v5 =	vmul.f32 v5, v0  }
0x2ce: {  	v7 =	vor.u32 v1, v7  }
0x2cf: {  	v8 =	vor.u32 s0, v1;
	v59 =	vbroadcast v3, $0x0;
	v5 =	vsub.f32 v6, v5;
	_ =	sdelay $0x1  }
0x2d0: {  	v5 =	vmul.f32 v5, v59;
	_ =	sdelay $0x1  }
0x2d1: {  	[tilespmem:v7+s10+$0x0] =	vst.idx.add.f32.msk $0xffff, v5  }
0x2d2: {  	v5 =	vld.idx.msk [tilespmem:v8+s25+$0x0], $0xffff;
	_ =	sdelay $0x1  }
0x2d3: {  	v60 =	vld.idx.msk [tilespmem:v8+s9+$0x0], $0xffff;
	_ =	sdelay $0x1  }
0x2d4: {  	v61 =	vbroadcast v4, $0x1  }
0x2d5: {  	v5 =	vmul.f32 v5, v0  }
0x2d6: {  	v7 =	vor.u32 v1, v61  }
0x2d7: {  	v63 =	vor.u32 s7, v1;
	v62 =	vbroadcast v3, $0x1;
	v5 =	vsub.f32 v60, v5;
	_ =	sdelay $0x1  }
0x2d8: {  	v5 =	vmul.f32 v5, v62;
	_ =	sdelay $0x1  }
0x2d9: {  	[tilespmem:v7+s10+$0x0] =	vst.idx.add.f32.msk $0xffff, v5  }
0x2da: {  	v5 =	vld.idx.msk [tilespmem:v63+s25+$0x0], $0xffff;
	_ =	sdelay $0x1  }
0x2db: {  	v12 =	vld.idx.msk [tilespmem:v63+s9+$0x0], $0xffff;
	_ =	sdelay $0x1  }
0x2dc: {  	v13 =	vbroadcast v4, $0x2  }
0x2dd: {  	v5 =	vmul.f32 v5, v0  }
0x2de: {  	v7 =	vor.u32 v1, v13  }
0x2df: {  	v15 =	vor.u32 s24, v1;
	v14 =	vbroadcast v3, $0x2;
	v5 =	vsub.f32 v12, v5;
	_ =	sdelay $0x1  }
0x2e0: {  	v5 =	vmul.f32 v5, v14;
	_ =	sdelay $0x1  }
0x2e1: {  	[tilespmem:v7+s10+$0x0] =	vst.idx.add.f32.msk $0xffff, v5  }
0x2e2: {  	v5 =	vld.idx.msk [tilespmem:v15+s25+$0x0], $0xffff;
	_ =	sdelay $0x1  }
0x2e3: {  	v16 =	vld.idx.msk [tilespmem:v15+s9+$0x0], $0xffff;
	_ =	sdelay $0x1  }
0x2e4: {  	v17 =	vbroadcast v4, $0x3  }
0x2e5: {  	v5 =	vmul.f32 v5, v0  }
0x2e6: {  	v7 =	vor.u32 v1, v17  }
0x2e7: {  	v19 =	vor.u32 s2, v1;
	v18 =	vbroadcast v3, $0x3;
	v5 =	vsub.f32 v16, v5;
	_ =	sdelay $0x1  }
0x2e8: {  	v5 =	vmul.f32 v5, v18;
	_ =	sdelay $0x1  }
0x2e9: {  	[tilespmem:v7+s10+$0x0] =	vst.idx.add.f32.msk $0xffff, v5  }
0x2ea: {  	v5 =	vld.idx.msk [tilespmem:v19+s25+$0x0], $0xffff;
	_ =	sdelay $0x1  }
0x2eb: {  	v20 =	vld.idx.msk [tilespmem:v19+s9+$0x0], $0xffff;
	_ =	sdelay $0x1  }
0x2ec: {  	v21 =	vbroadcast v4, $0x4  }
0x2ed: {  	v5 =	vmul.f32 v5, v0  }
0x2ee: {  	v7 =	vor.u32 v1, v21  }
0x2ef: {  	v23 =	vor.u32 s22, v1;
	v22 =	vbroadcast v3, $0x4;
	v5 =	vsub.f32 v20, v5;
	_ =	sdelay $0x1  }
0x2f0: {  	v5 =	vmul.f32 v5, v22;
	_ =	sdelay $0x1  }
0x2f1: {  	[tilespmem:v7+s10+$0x0] =	vst.idx.add.f32.msk $0xffff, v5  }
0x2f2: {  	v5 =	vld.idx.msk [tilespmem:v23+s25+$0x0], $0xffff;
	_ =	sdelay $0x1  }
0x2f3: {  	v24 =	vld.idx.msk [tilespmem:v23+s9+$0x0], $0xffff;
	_ =	sdelay $0x1  }
0x2f4: {  	v25 =	vbroadcast v4, $0x5  }
0x2f5: {  	v5 =	vmul.f32 v5, v0  }
0x2f6: {  	v7 =	vor.u32 v1, v25  }
0x2f7: {  	v27 =	vor.u32 s31, v1;
	v26 =	vbroadcast v3, $0x5;
	v5 =	vsub.f32 v24, v5;
	_ =	sdelay $0x1  }
0x2f8: {  	v5 =	vmul.f32 v5, v26;
	_ =	sdelay $0x1  }
0x2f9: {  	[tilespmem:v7+s10+$0x0] =	vst.idx.add.f32.msk $0xffff, v5  }
0x2fa: {  	v5 =	vld.idx.msk [tilespmem:v27+s25+$0x0], $0xffff;
	_ =	sdelay $0x1  }
0x2fb: {  	v28 =	vld.idx.msk [tilespmem:v27+s9+$0x0], $0xffff;
	_ =	sdelay $0x1  }
0x2fc: {  	v29 =	vbroadcast v4, $0x6  }
0x2fd: {  	v5 =	vmul.f32 v5, v0  }
0x2fe: {  	v7 =	vor.u32 v1, v29  }
0x2ff: {  	v31 =	vor.u32 s1, v1;
	v30 =	vbroadcast v3, $0x6;
	v5 =	vsub.f32 v28, v5;
	_ =	sdelay $0x1  }
0x300: {  	v5 =	vmul.f32 v5, v30;
	_ =	sdelay $0x1  }
0x301: {  	[tilespmem:v7+s10+$0x0] =	vst.idx.add.f32.msk $0xffff, v5  }
0x302: {  	v5 =	vld.idx.msk [tilespmem:v31+s25+$0x0], $0xffff;
	_ =	sdelay $0x1  }
0x303: {  	v32 =	vld.idx.msk [tilespmem:v31+s9+$0x0], $0xffff;
	_ =	sdelay $0x1  }
0x304: {  	v33 =	vbroadcast v4, $0x7  }
0x305: {  	v5 =	vmul.f32 v5, v0  }
0x306: {  	v7 =	vor.u32 v1, v33  }
0x307: {  	v35 =	vor.u32 s11, v1;
	v34 =	vbroadcast v3, $0x7;
	v5 =	vsub.f32 v32, v5;
	_ =	sdelay $0x1  }
0x308: {  	v5 =	vmul.f32 v5, v34;
	_ =	sdelay $0x1  }
0x309: {  	[tilespmem:v7+s10+$0x0] =	vst.idx.add.f32.msk $0xffff, v5  }
0x30a: {  	v5 =	vld.idx.msk [tilespmem:v35+s25+$0x0], $0xffff;
	_ =	sdelay $0x1  }
0x30b: {  	v36 =	vld.idx.msk [tilespmem:v35+s9+$0x0], $0xffff;
	_ =	sdelay $0x1  }
0x30c: {  	v37 =	vbroadcast v4, $0x8  }
0x30d: {  	v5 =	vmul.f32 v5, v0  }
0x30e: {  	v7 =	vor.u32 v1, v37  }
0x30f: {  	v39 =	vor.u32 s29, v1;
	v38 =	vbroadcast v3, $0x8;
	v5 =	vsub.f32 v36, v5;
	_ =	sdelay $0x1  }
0x310: {  	v5 =	vmul.f32 v5, v38;
	_ =	sdelay $0x1  }
0x311: {  	[tilespmem:v7+s10+$0x0] =	vst.idx.add.f32.msk $0xffff, v5  }
0x312: {  	v5 =	vld.idx.msk [tilespmem:v39+s25+$0x0], $0xffff;
	_ =	sdelay $0x1  }
0x313: {  	v40 =	vld.idx.msk [tilespmem:v39+s9+$0x0], $0xffff;
	_ =	sdelay $0x1  }
0x314: {  	v41 =	vbroadcast v4, $0x9  }
0x315: {  	v5 =	vmul.f32 v5, v0  }
0x316: {  	v7 =	vor.u32 v1, v41  }
0x317: {  	v43 =	vor.u32 s5, v1;
	v42 =	vbroadcast v3, $0x9;
	v5 =	vsub.f32 v40, v5;
	_ =	sdelay $0x1  }
0x318: {  	v5 =	vmul.f32 v5, v42;
	_ =	sdelay $0x1  }
0x319: {  	[tilespmem:v7+s10+$0x0] =	vst.idx.add.f32.msk $0xffff, v5  }
0x31a: {  	v5 =	vld.idx.msk [tilespmem:v43+s25+$0x0], $0xffff;
	_ =	sdelay $0x1  }
0x31b: {  	v44 =	vld.idx.msk [tilespmem:v43+s9+$0x0], $0xffff;
	_ =	sdelay $0x1  }
0x31c: {  	v45 =	vbroadcast v4, $0xA  }
0x31d: {  	v5 =	vmul.f32 v5, v0  }
0x31e: {  	v7 =	vor.u32 v1, v45  }
0x31f: {  	v47 =	vor.u32 s17, v1;
	v46 =	vbroadcast v3, $0xA;
	v5 =	vsub.f32 v44, v5;
	_ =	sdelay $0x1  }
0x320: {  	v5 =	vmul.f32 v5, v46;
	_ =	sdelay $0x1  }
0x321: {  	[tilespmem:v7+s10+$0x0] =	vst.idx.add.f32.msk $0xffff, v5  }
0x322: {  	v5 =	vld.idx.msk [tilespmem:v47+s25+$0x0], $0xffff;
	_ =	sdelay $0x1  }
0x323: {  	v48 =	vld.idx.msk [tilespmem:v47+s9+$0x0], $0xffff;
	_ =	sdelay $0x1  }
0x324: {  	v49 =	vbroadcast v4, $0xB  }
0x325: {  	v5 =	vmul.f32 v5, v0  }
0x326: {  	s22 =	sadd.s32 $0xFFFFFFD0, s12;
	v7 =	vor.u32 v1, v49  }
0x327: {  	v51 =	vor.u32 s22, v1;
	v50 =	vbroadcast v3, $0xB;
	v5 =	vsub.f32 v48, v5;
	_ =	sdelay $0x1  }
0x328: {  	v5 =	vmul.f32 v5, v50;
	_ =	sdelay $0x1  }
0x329: {  	[tilespmem:v7+s10+$0x0] =	vst.idx.add.f32.msk $0xffff, v5  }
0x32a: {  	v5 =	vld.idx.msk [tilespmem:v51+s25+$0x0], $0xffff;
	_ =	sdelay $0x1  }
0x32b: {  	v52 =	vld.idx.msk [tilespmem:v51+s9+$0x0], $0xffff;
	_ =	sdelay $0x1  }
0x32c: {  	v53 =	vbroadcast v4, $0xC  }
0x32d: {  	v5 =	vmul.f32 v5, v0  }
0x32e: {  	s23 =	sadd.s32 $0xFFFFFFE0, s12;
	v7 =	vor.u32 v1, v53  }
0x32f: {  	v55 =	vor.u32 s23, v1;
	v54 =	vbroadcast v3, $0xC;
	v5 =	vsub.f32 v52, v5;
	_ =	sdelay $0x1  }
0x330: {  	v5 =	vmul.f32 v5, v54;
	_ =	sdelay $0x1  }
0x331: {  	[tilespmem:v7+s10+$0x0] =	vst.idx.add.f32.msk $0xffff, v5  }
0x332: {  	v5 =	vld.idx.msk [tilespmem:v55+s25+$0x0], $0xffff;
	_ =	sdelay $0x1  }
0x333: {  	v56 =	vld.idx.msk [tilespmem:v55+s9+$0x0], $0xffff;
	_ =	sdelay $0x1  }
0x334: {  	v57 =	vbroadcast v4, $0xD  }
0x335: {  	v5 =	vmul.f32 v5, v0  }
0x336: {  	s24 =	sadd.s32 $0xFFFFFFF0, s12;
	v7 =	vor.u32 v1, v57  }
0x337: {  	v58 =	vbroadcast v3, $0xD;
	v59 =	vor.u32 s24, v1;
	v5 =	vsub.f32 v56, v5;
	_ =	sdelay $0x1  }
0x338: {  	v5 =	vmul.f32 v5, v58;
	_ =	sdelay $0x1  }
0x339: {  	[tilespmem:v7+s10+$0x0] =	vst.idx.add.f32.msk $0xffff, v5  }
0x33a: {  	v5 =	vld.idx.msk [tilespmem:v59+s25+$0x0], $0xffff;
	_ =	sdelay $0x1  }
0x33b: {  	(v2sf) =	vpush v4, $0xF;
	v60 =	vld.idx.msk [tilespmem:v59+s9+$0x0], $0xffff;
	_ =	sdelay $0x1  }
0x33c: {  	v4 =	vbroadcast v4, $0xE  }
0x33d: {  	v5 =	vmul.f32 v5, v0  }
0x33e: {  	v4 =	vor.u32 v1, v4  }
0x33f: {  	v61 =	vbroadcast v3, $0xE;
	v62 =	vor.u32 s12, v1;
	v5 =	vsub.f32 v60, v5;
	_ =	sdelay $0x1  }
0x340: {  	v5 =	vmul.f32 v5, v61;
	_ =	sdelay $0x1  }
0x341: {  	[tilespmem:v4+s10+$0x0] =	vst.idx.add.f32.msk $0xffff, v5  }
0x342: {  	v4 =	vld.idx.msk [tilespmem:v62+s25+$0x0], $0xffff;
	_ =	sdelay $0x1  }
0x343: {  	v5 =	vld.idx.msk [tilespmem:v62+s9+$0x0], $0xffff;
	_ =	sdelay $0x2  }
0x344: {  	s28 =	spop (v2sf);
	v4 =	vmul.f32 v4, v0  }
0x345: {  	v63 =	vor.u32 s28, v1  }
0x346: {  	v3 =	vbroadcast v3, $0xF;
	v4 =	vsub.f32 v5, v4;
	_ =	sdelay $0x1  }
0x347: {  	v3 =	vmul.f32 v4, v3;
	_ =	sdelay $0x1  }
0x348: {  	s29 =	rddreg [dreg:$0xe];
	s12 =	simm.s32 $0x0;
	[tilespmem:v63+s10+$0x0] =	vst.idx.add.f32.msk $0xffff, v3  }
0x349: {  	[hbm4b:s29+s12] =	stream.linear.scatter [tilespmem:s10], [sflag:$0x9], $0x110, $0x38;
	[tilespmem:$0x1EE20] =	vst v63  }
0x34a: {  	_ =	swait.ge [sflag:s19], $0x110  }
0x34b: {  	s30 =	rddreg [dreg:$0x10]  }
0x34c: {  	s31 =	rddreg [dreg:$0xf];
	s1 =	sadd.s32 $0x1, s30  }
0x34d: {  	p0 =	sne.s32 s1, s31  }
.Ltmp2:
0x34e: {  	_ = 	snop;
	(pc) =	sbr.rel @p0 .LBB2_1-.Ltmp2, $3  }
0x34f: {  	_ =	sdelay $0x1  }
0x350: {  	[sflag:s19] =	ssyncset.done $0x0  }
0x351: {  	s11 =	simm.s32 $0x2800;
	[sflag:s19] =	ssyncadd.s32 $0xFFFFFEF0  }
0x352: {  	_ =	sfence.sel $0x180000  }
0x353: {  	[bflag:$0x0] =	sbarrier.arrive $0xFFFF  }
0x354: {  	_ =	strace $0x9000004D  }
0x355: {  	s0 =	stileid.u32;
	[bflag:$0x2] =	sbarrier.arrive $0xFFFF  }
0x356: {  	p0 =	sne.s32 s0, $0x0;
	s0 =	rddreg [dreg:$0x4]  }
0x357: {  	s0 =	sadd.s32 @!p0 $0x100000, s0  }
0x358: {  	[sflag:s0] =	ssyncadd.tile.s32 @!p0 $0x1;
	_ =	shalt  }
.Lfunc_end2:
_tile_overlayer_lowered:
.L_overlay_start_2:
0x359: {  	(tag) =	ssettag $0x2  }
0x35a: {  	s0 =	rddreg [dreg:$0x0];
	s2 =	stileid.u32  }
0x35b: {  	s1 =	rddreg [dreg:$0x1];
	p0 =	sne.s32 s2, $0x0  }
0x35c: {  	s3 =	rddreg [dreg:$0x2];
	[bflag:$0x3] =	sbarrier.arrive $0xFFFF;
	s2 =	simm.s32 @!p0 $0x1C09  }
0x35d: {  	[timem:s3], [sflag:s2] =	dma.local @!p0 [hbm:s0], s1  }
0x35e: {  	s0 =	simm.s32 @!p0 $0x9  }
0x35f: {  	_ =	swait.ge @!p0 [sflag:s0], s1  }
0x360: {  	s1 =	ssub.s32 @!p0 $0x0, s1;
	[sflag:s0] =	ssyncset.done @!p0 $0x0  }
0x361: {  	[sflag:s0] =	ssyncadd.s32 @!p0 s1  }
0x362: {  	[bflag:$0x3] =	sbarrier.arrive $0xFFFF  }
0x363: {  	_ =	shalt  }

// kernel: _run.7.cloned.1.call-start
scs
__scs_entry_jumppad:
0x0: {  	(pc) =	sbr.rel $0x88, $3  }
0x1: {  	(tag) =	ssettag $0x0;
	lr =	simm.s32 $0x1  }
0x2: {  	[smem:$0x3F9A] =	sst lr;
	_ =	strace $0xD0000000  }
0x3: {  	_ = 	snop  }
0x4: {  	_ = 	snop  }
0x5: {  	_ = 	snop  }
0x6: {  	_ = 	snop  }
0x7: {  	_ = 	snop  }
__scs_overlays_trampoline_lowered:
0x8: {  	[smem:$0x3FA9] =	sst s0  }
0x9: {  	[smem:$0x3FAA] =	sst s1  }
0xa: {  	[smem:$0x3FAB] =	sst s2  }
0xb: {  	[smem:$0x3FAC] =	sst s3  }
0xc: {  	[smem:$0x3FAD] =	sst s4  }
0xd: {  	[smem:$0x3FAE] =	sst s5  }
0xe: {  	[smem:$0x3FAF] =	sst s6  }
0xf: {  	[smem:$0x3FB0] =	sst s7  }
0x10: {  	[smem:$0x3FB1] =	sst s8  }
0x11: {  	[smem:$0x3FB2] =	sst s9;
	s0 =	simm.s32 @!p0 $0x0  }
0x12: {  	s1 =	sld [smem:$0x3F98];
	s0 =	simm.s32 @p0 $0x1  }
0x13: {  	[smem:$0x3FB3] =	sst s0;
	s0 =	simm.s32 @!p1 $0x0  }
0x14: {  	s2 =	sld [smem:$0x3F97];
	s0 =	simm.s32 @p1 $0x1  }
0x15: {  	[smem:$0x3FB4] =	sst s0;
	s0 =	simm.s32 @!p2 $0x0  }
0x16: {  	s3 =	sld [smem:$0x3FDB];
	s0 =	simm.s32 @p2 $0x1  }
0x17: {  	s4 =	simm.s32 $0x1BF5;
	[smem:$0x3FB6] =	sst s0  }
0x18: {  	s0 =	sld [smem:$0x3F99];
	_ =	swait.ge [sflag:s4], $0x0  }
0x19: {  	s7 =	sld [smem:$0x3F9A]  }
0x1a: {  	s8 =	sadd.s32 $0xFFFFE003, lr  }
0x1b: {  	s9 =	sadd.s32 $0xFFFFFEF7, lr;
	s5 =	simm.s32 $0xFFFFFFFF;
	p2 =	slt.u32 s8, $0xFFFFF086  }
0x1c: {  	p1 =	slt.u32 s9, $0xF7A;
	s5 =	simm.s32 @!p2 $0x0  }
0x1d: {  	s5 =	simm.s32 @p1 $0x1;
	p0 =	seq.s32 s7, s2  }
0x1e: {  	s7 =	smul.u32 @!p0 $0xF7A, s2;
	p2 =	seq.s32 @!p0 s5, $0x0  }
0x1f: {  	s9 =	smul.u32 $0xF7A, s1;
	s8 =	simm.s32 @!p0 $0x1BF5;
	p2 =	por !p2, p0  }
0x20: {  	[sflag:s8] =	ssyncset.s32 @!p0 $0xFFFFF086;
	s6 =	sadd.s32 @!p0 s3, s7;
	s7 =	simm.s32 @!p0 $0x108  }
0x21: {  	s3 =	sadd.s32 s3, s9;
	s6 =	sadd.s32 @!p0 $0x88, s6;
	s7 =	simm.s32 @p2 $0x1082  }
0x22: {  	[simem:s7], [sflag:s8] =	dma.local @!p0 [hbm:s6], $0xF7A  }
0x23: {  	s9 =	sor.u32 $0xD0000000, s2;
	s6 =	simm.s32 $0x108;
	_ =	swait.ge @!p0 [sflag:s8], $0x0  }
0x24: {  	s3 =	sadd.s32 $0x88, s3;
	s6 =	simm.s32 @!p1 $0x1082;
	[sflag:s4] =	ssyncset.s32 $0xFFFFF086  }
0x25: {  	[simem:s6], [sflag:s4] =	dma.local [hbm:s3], $0xF7A  }
0x26: {  	[smem:$0x3F9A] =	sst s1;
	(tag) =	ssettag s2;
	_ =	strace s9  }
0x27: {  	s1 =	sld [smem:$0x3FAA]  }
0x28: {  	s2 =	sld [smem:$0x3FAB]  }
0x29: {  	s4 =	sld [smem:$0x3FAD]  }
0x2a: {  	p0 =	seq.s32 s5, $0x0;
	s5 =	sld [smem:$0x3FAE]  }
0x2b: {  	s6 =	sld [smem:$0x3FAF]  }
0x2c: {  	s7 =	sld [smem:$0x3FB0]  }
0x2d: {  	s3 =	simm.s32 $0x108;
	s8 =	sld [smem:$0x3FB1]  }
0x2e: {  	s3 =	simm.s32 @!p0 $0x1082;
	s9 =	sld [smem:$0x3FB2]  }
0x2f: {  	lr =	sadd.s32 s0, s3;
	s0 =	sld [smem:$0x3FA9]  }
0x30: {  	s3 =	sld [smem:$0x3FAC]  }
0x31: {  	[smem:$0x3FB5] =	sst s10  }
0x32: {  	s10 =	sld [smem:$0x3FB3];
	_ =	sdelay $0x3  }
0x33: {  	p0 =	seq.s32 s10, $0x1;
	s10 =	sld [smem:$0x3FB5];
	_ =	sdelay $0x3  }
0x34: {  	[smem:$0x3FB5] =	sst s10  }
0x35: {  	s10 =	sld [smem:$0x3FB4];
	_ =	sdelay $0x3  }
0x36: {  	p1 =	seq.s32 s10, $0x1;
	s10 =	sld [smem:$0x3FB5];
	_ =	sdelay $0x3  }
0x37: {  	[smem:$0x3FB5] =	sst s10  }
0x38: {  	s10 =	sld [smem:$0x3FB6]  }
0x39: {  	_ = 	snop;
	(pc) =	sbr.ind lr, $3  }
0x3a: {  	_ = 	snop  }
0x3b: {  	_ = 	snop  }
0x3c: {  	p2 =	seq.s32 s10, $0x1;
	s10 =	sld [smem:$0x3FB5]  }
0x3d: {  	_ =	shalt  }
0x3e: {  	_ =	shalt  }
0x3f: {  	_ =	shalt  }
0x40: {  	_ =	shalt  }
0x41: {  	_ =	shalt  }
0x42: {  	_ =	shalt  }
0x43: {  	_ =	shalt  }
0x44: {  	_ =	shalt  }
0x45: {  	_ =	shalt  }
0x46: {  	_ =	shalt  }
0x47: {  	_ =	shalt  }
0x48: {  	_ =	shalt  }
0x49: {  	_ =	shalt  }
0x4a: {  	_ =	shalt  }
0x4b: {  	_ =	shalt  }
0x4c: {  	_ =	shalt  }
0x4d: {  	_ =	shalt  }
0x4e: {  	_ =	shalt  }
0x4f: {  	_ =	shalt  }
0x50: {  	_ =	shalt  }
0x51: {  	_ =	shalt  }
0x52: {  	_ =	shalt  }
0x53: {  	_ =	shalt  }
0x54: {  	_ =	shalt  }
0x55: {  	_ =	shalt  }
0x56: {  	_ =	shalt  }
0x57: {  	_ =	shalt  }
0x58: {  	_ =	shalt  }
0x59: {  	_ =	shalt  }
0x5a: {  	_ =	shalt  }
0x5b: {  	_ =	shalt  }
0x5c: {  	_ =	shalt  }
0x5d: {  	_ =	shalt  }
0x5e: {  	_ =	shalt  }
0x5f: {  	_ =	shalt  }
0x60: {  	_ =	shalt  }
0x61: {  	_ =	shalt  }
0x62: {  	_ =	shalt  }
0x63: {  	_ =	shalt  }
0x64: {  	_ =	shalt  }
0x65: {  	_ =	shalt  }
0x66: {  	_ =	shalt  }
0x67: {  	_ =	shalt  }
0x68: {  	_ =	shalt  }
0x69: {  	_ =	shalt  }
0x6a: {  	_ =	shalt  }
0x6b: {  	_ =	shalt  }
0x6c: {  	_ =	shalt  }
0x6d: {  	_ =	shalt  }
0x6e: {  	_ =	shalt  }
0x6f: {  	_ =	shalt  }
0x70: {  	_ =	shalt  }
0x71: {  	_ =	shalt  }
0x72: {  	_ =	shalt  }
0x73: {  	_ =	shalt  }
0x74: {  	_ =	shalt  }
0x75: {  	_ =	shalt  }
0x76: {  	_ =	shalt  }
0x77: {  	_ =	shalt  }
0x78: {  	_ =	shalt  }
0x79: {  	_ =	shalt  }
0x7a: {  	_ =	shalt  }
0x7b: {  	_ =	shalt  }
0x7c: {  	_ =	shalt  }
0x7d: {  	_ =	shalt  }
0x7e: {  	_ =	shalt  }
0x7f: {  	_ =	shalt  }
0x80: {  	_ =	shalt  }
0x81: {  	_ =	shalt  }
0x82: {  	_ =	shalt  }
0x83: {  	_ =	shalt  }
0x84: {  	_ =	shalt  }
0x85: {  	_ =	shalt  }
0x86: {  	_ =	shalt  }
0x87: {  	_ =	shalt  }
.Lfunc_end0:
.L_simem_size_0:
called_computation_lowered:
.L_overlay_start_0:
0x88: {  	s2 =	sld [smem:$0x3FD9]  }
0x89: {  	s3 =	sld [smem:$0x3FFE];
	_ =	sdelay $0x1  }
0x8a: {  	s1 =	srdreg.scid  }
0x8b: {  	s0 =	sand.u32 $0x1, s1  }
0x8c: {  	s16 =	sshll.u32 s0, $0xA;
	s2 =	sadd.s32 s3, s2  }
0x8d: {  	s2 =	sadd.s32 s2, s16  }
0x8e: {  	[smem:$0x3FC1] =	sst s2  }
0x8f: {  	_ = 	snop  }
0x90: {  	(tm) =	ssettm $0x1  }
0x91: {  	s17 =	sld [smem:$0x3FFB];
	_ =	sdelay $0x3  }
0x92: {  	_ =	strace s17  }
0x93: {  	s2 =	sld [smem:$0x3FFC];
	_ =	sdelay $0x3  }
0x94: {  	_ =	strace s2  }
0x95: {  	s2 =	sld [smem:$0x3FFD];
	_ =	sdelay $0x3  }
0x96: {  	_ =	strace s2  }
0x97: {  	_ =	strace $0x8FFFFFFF  }
0x98: {  	s18 =	sld [smem:$0x3FDB];
	_ =	sdelay $0x1  }
0x99: {  	s19 =	simm.s32 $_scs_section_size  }
0x9a: {  	s4 =	simm.s32 $_size__tile_overlayer_lowered;
	s5 =	simm.s32 $_tile_overlayer_lowered  }
0x9b: {  	s22 =	simm.s32 $0x1BFF;
	s21 =	sshll.u32 s5, $0x1;
	s2 =	sadd.s32 s19, s18  }
0x9c: {  	s6 =	simm.s32 $0x0;
	s20 =	sshll.u32 s4, $0x1;
	s4 =	sadd.s32 s21, s2  }
0x9d: {  	[timem:s6], [sflag:s22] =	dma.local [hbm:s4], s20  }
0x9e: {  	_ =	swait.ge [sflag:s22], s20  }
0x9f: {  	s3 =	ssub.s32 $0x0, s20;
	[sflag:s22] =	ssyncset.done $0x0  }
0xa0: {  	[sflag:s22] =	ssyncadd.s32 s3;
	_ =	sdelay $0x1  }
0xa1: {  	s23 =	simm.s32 $0x1B8B  }
0xa2: {  	_ =	swait.ge [sflag:s23], $0x1  }
0xa3: {  	[sflag:s23] =	ssyncset.done $0x0  }
0xa4: {  	s25 =	simm.s32 $0x1B8E;
	s24 =	sld [smem:$0x3FFE];
	[sflag:s23] =	ssyncadd.s32 $0xFFFFFFFF  }
0xa5: {  	s26 =	simm.s32 $execute0_lowered;
	[smem:$0x3FD2] =	sst s25  }
0xa6: {  	s4 =	sshll.u32 s26, $0x1;
	_ =	strace $0x80000046;
	[dreg:$0x1] =	wrdreg $0xFFFFFFFF  }
0xa7: {  	s28 =	simm.s32 $_size_execute0_lowered;
	s2 =	sadd.s32 s2, s4;
	[dreg:$0x0] =	wrdreg $0x0  }
0xa8: {  	s4 =	sshll.u32 s28, $0x1;
	[dreg:$0x2] =	wrdreg s2  }
0xa9: {  	[dreg:$0x3] =	wrdreg s4  }
0xaa: {  	[dreg:$0x4] =	wrdreg $0xC0  }
0xab: {  	_ =	task [dreg:s6], $0x5FFFF  }
0xac: {  	[dreg:$0x1] =	wrdreg $0xFFFFFFFF  }
0xad: {  	[dreg:$0x0] =	wrdreg $0x60  }
0xae: {  	[dreg:$0x2] =	wrdreg s24  }
0xaf: {  	[dreg:$0x3] =	wrdreg $0x2E800  }
0xb0: {  	[dreg:$0x4] =	wrdreg $0x9  }
0xb1: {  	_ =	task.clear_ibuf [dreg:s6], $0x5FFFF;
	_ =	strace $0x90000046  }
0xb2: {  	s29 =	simm.s32 $0x9;
	_ =	strace $0x80000048  }
0xb3: {  	_ =	swait.ge [sflag:s29], $0x1  }
0xb4: {  	[sflag:s29] =	ssyncadd.s32 $0xFFFFFFFF  }
0xb5: {  	_ =	strace $0x90000048  }
0xb6: {  	_ =	sfence  }
0xb7: {  	s30 =	sld [smem:$0x0];
	_ =	sdelay $0x2  }
0xb8: {  	s31 =	sshll.u32 s1, $0xD;
	s1 =	sshrl.u32 s1, $0x2  }
0xb9: {  	s3 =	sand.u32 $0x4000, s31;
	s1 =	sadd.s32 s1, s30  }
0xba: {  	s0 =	sor.u32 s3, s0;
	s1 =	sshll.u32 s1, $0x11  }
0xbb: {  	s0 =	sor.u32 s1, s0  }
0xbc: {  	s0 =	sadd.s32 $0x8F2B, s0  }
0xbd: {  	[sflag:s0] =	ssyncadd.remote.s32 $0x1  }
0xbe: {  	_ =	sfence.sel $0xFFFF  }
0xbf: {  	[dreg:$0x0] =	wrdreg $0xFFFFFFFF;
	(pc) =	sbr.abs _section_cstart, $3  }
0xc0: {  	[dreg:$0x1] =	wrdreg $0xFFFFFFFF  }
0xc1: {  	_ =	task.clear_ibuf [dreg:s6], $0x2FFFF;
	_ =	strace $0x9FFFFFFF  }
0xc2: {  	(tm) =	ssettm $0x7FFFFFFF  }
0xc3: {  	_ =	shalt  }
tec
execute0_lowered:
.L_overlay_start_1:
0x0: {  	(tag) =	ssettag $0x1  }
0x1: {  	s4 =	rddreg [dreg:$0x0]  }
0x2: {  	s2 =	rddreg [dreg:$0x1]  }
0x3: {  	s0 =	rddreg [dreg:$0x2];
	s3 =	srdreg.scid  }
0x4: {  	s1 =	stileid.u32;
	s10 =	simm.s32 $0x1;
	s11 =	simm.s32 $0x400  }
0x5: {  	s12 =	simm.s32 $0x2800;
	s13 =	simm.s32 $0x800;
	s14 =	simm.s32 $0xC00  }
0x6: {  	s15 =	simm.s32 $0x1000;
	s16 =	simm.s32 $0x1400;
	s17 =	simm.s32 $0x1800  }
0x7: {  	s18 =	simm.s32 $0x1C00;
	s19 =	simm.s32 $0x2000;
	s20 =	simm.s32 $0x2400  }
0x8: {  	s21 =	simm.s32 $0x2;
	s5 =	sand.u32 $0x1, s3;
	s6 =	smul.u32 $0x280, s1  }
0x9: {  	s7 =	sshll.u32 s1, $0x1;
	s3 =	simm.s32 $0x0;
	s8 =	smul.u32 $0x2800, s5  }
0xa: {  	s7 =	sor.u32 s5, s7;
	[smem:$0x7FF] =	sst s3;
	s5 =	ssub.s32 $0x2, s5  }
0xb: {  	s7 =	smul.u32 $0x2800, s7;
	s9 =	sshrl.u32 s5, $0x1;
	s8 =	sadd.s32 s6, s8  }
0xc: {  	_ =	strace $0x80000047;
	s9 =	ssub.s32 s5, s9;
	s8 =	sshrl.u32 s8, $0x3  }
0xd: {  	s5 =	sadd.s32 s6, s2;
	s7 =	sshrl.u32 s7, $0x3;
	s8 =	sadd.s32 s8, s4  }
0xe: {  	s4 =	sadd.s32 s4, s7;
	s7 =	smax.u32 s9, $0x1;
	s9 =	simm.s32 $0x3  }
0xf: {  	v0 =	vimm.f32 $1.000000000e+00;
	s4 =	sadd.s32 $0xC000, s4;
	s6 =	sadd.s32 $0x16000, s8;
	s8 =	simm.s32 $0x2C00  }
.LBB2_1:
0x10: {  	[tilespmem:s3], [sflag:$0x1] =	stream.linear.gather [hbm4b:s4+s3], $0x2800, $0x38;
	[tilespmem:$0x3100] =	vst v63  }
0x11: {  	[tilespmem:$0x2800] =	vst v0  }
0x12: {  	[tilespmem:$0x2810] =	vst v0  }
0x13: {  	[tilespmem:$0x2820] =	vst v0  }
0x14: {  	[tilespmem:$0x2830] =	vst v0  }
0x15: {  	[tilespmem:$0x2840] =	vst v0  }
0x16: {  	[tilespmem:$0x2850] =	vst v0  }
0x17: {  	[tilespmem:$0x2860] =	vst v0  }
0x18: {  	[tilespmem:$0x2870] =	vst v0  }
0x19: {  	[tilespmem:$0x2880] =	vst v0  }
0x1a: {  	[tilespmem:$0x2890] =	vst v0  }
0x1b: {  	[tilespmem:$0x28A0] =	vst v0  }
0x1c: {  	[tilespmem:$0x28B0] =	vst v0  }
0x1d: {  	[tilespmem:$0x28C0] =	vst v0  }
0x1e: {  	[tilespmem:$0x28D0] =	vst v0  }
0x1f: {  	[tilespmem:$0x28E0] =	vst v0  }
0x20: {  	[tilespmem:$0x28F0] =	vst v0  }
0x21: {  	[tilespmem:$0x2900] =	vst v0  }
0x22: {  	[tilespmem:$0x2910] =	vst v0  }
0x23: {  	[tilespmem:$0x2920] =	vst v0  }
0x24: {  	[tilespmem:$0x2930] =	vst v0  }
0x25: {  	[tilespmem:$0x2940] =	vst v0  }
0x26: {  	[tilespmem:$0x2950] =	vst v0  }
0x27: {  	[tilespmem:$0x2960] =	vst v0  }
0x28: {  	[tilespmem:$0x2970] =	vst v0  }
0x29: {  	[tilespmem:$0x2980] =	vst v0  }
0x2a: {  	[tilespmem:$0x2990] =	vst v0  }
0x2b: {  	[tilespmem:$0x29A0] =	vst v0  }
0x2c: {  	[tilespmem:$0x29B0] =	vst v0  }
0x2d: {  	[tilespmem:$0x29C0] =	vst v0  }
0x2e: {  	[tilespmem:$0x29D0] =	vst v0  }
0x2f: {  	[tilespmem:$0x29E0] =	vst v0  }
0x30: {  	[tilespmem:$0x29F0] =	vst v0  }
0x31: {  	[tilespmem:$0x2A00] =	vst v0  }
0x32: {  	[tilespmem:$0x2A10] =	vst v0  }
0x33: {  	[tilespmem:$0x2A20] =	vst v0  }
0x34: {  	[tilespmem:$0x2A30] =	vst v0  }
0x35: {  	[tilespmem:$0x2A40] =	vst v0  }
0x36: {  	[tilespmem:$0x2A50] =	vst v0  }
0x37: {  	[tilespmem:$0x2A60] =	vst v0  }
0x38: {  	[tilespmem:$0x2A70] =	vst v0  }
0x39: {  	[tilespmem:$0x2A80] =	vst v0  }
0x3a: {  	[tilespmem:$0x2A90] =	vst v0  }
0x3b: {  	[tilespmem:$0x2AA0] =	vst v0  }
0x3c: {  	[tilespmem:$0x2AB0] =	vst v0  }
0x3d: {  	[tilespmem:$0x2AC0] =	vst v0  }
0x3e: {  	[tilespmem:$0x2AD0] =	vst v0  }
0x3f: {  	[tilespmem:$0x2AE0] =	vst v0  }
0x40: {  	[tilespmem:$0x2AF0] =	vst v0  }
0x41: {  	[tilespmem:$0x2B00] =	vst v0  }
0x42: {  	[tilespmem:$0x2B10] =	vst v0  }
0x43: {  	[tilespmem:$0x2B20] =	vst v0  }
0x44: {  	[tilespmem:$0x2B30] =	vst v0  }
0x45: {  	[tilespmem:$0x2B40] =	vst v0  }
0x46: {  	[tilespmem:$0x2B50] =	vst v0  }
0x47: {  	[tilespmem:$0x2B60] =	vst v0  }
0x48: {  	[tilespmem:$0x2B70] =	vst v0  }
0x49: {  	[tilespmem:$0x2B80] =	vst v0  }
0x4a: {  	[tilespmem:$0x2B90] =	vst v0  }
0x4b: {  	[tilespmem:$0x2BA0] =	vst v0  }
0x4c: {  	[tilespmem:$0x2BB0] =	vst v0  }
0x4d: {  	[tilespmem:$0x2BC0] =	vst v0  }
0x4e: {  	[tilespmem:$0x2BD0] =	vst v0  }
0x4f: {  	[tilespmem:$0x2BE0] =	vst v0  }
0x50: {  	[tilespmem:$0x2BF0] =	vst v0  }
0x51: {  	[tilespmem:$0x2C00] =	vst v0  }
0x52: {  	[tilespmem:$0x2C10] =	vst v0  }
0x53: {  	[tilespmem:$0x2C20] =	vst v0  }
0x54: {  	[tilespmem:$0x2C30] =	vst v0  }
0x55: {  	[tilespmem:$0x2C40] =	vst v0  }
0x56: {  	[tilespmem:$0x2C50] =	vst v0  }
0x57: {  	[tilespmem:$0x2C60] =	vst v0  }
0x58: {  	[tilespmem:$0x2C70] =	vst v0  }
0x59: {  	[tilespmem:$0x2C80] =	vst v0  }
0x5a: {  	[tilespmem:$0x2C90] =	vst v0  }
0x5b: {  	[tilespmem:$0x2CA0] =	vst v0  }
0x5c: {  	[tilespmem:$0x2CB0] =	vst v0  }
0x5d: {  	[tilespmem:$0x2CC0] =	vst v0  }
0x5e: {  	[tilespmem:$0x2CD0] =	vst v0  }
0x5f: {  	[tilespmem:$0x2CE0] =	vst v0  }
0x60: {  	[tilespmem:$0x2CF0] =	vst v0  }
0x61: {  	[tilespmem:$0x2D00] =	vst v0  }
0x62: {  	[tilespmem:$0x2D10] =	vst v0  }
0x63: {  	[tilespmem:$0x2D20] =	vst v0  }
0x64: {  	[tilespmem:$0x2D30] =	vst v0  }
0x65: {  	[tilespmem:$0x2D40] =	vst v0  }
0x66: {  	[tilespmem:$0x2D50] =	vst v0  }
0x67: {  	[tilespmem:$0x2D60] =	vst v0  }
0x68: {  	[tilespmem:$0x2D70] =	vst v0  }
0x69: {  	[tilespmem:$0x2D80] =	vst v0  }
0x6a: {  	[tilespmem:$0x2D90] =	vst v0  }
0x6b: {  	[tilespmem:$0x2DA0] =	vst v0  }
0x6c: {  	[tilespmem:$0x2DB0] =	vst v0  }
0x6d: {  	[tilespmem:$0x2DC0] =	vst v0  }
0x6e: {  	[tilespmem:$0x2DD0] =	vst v0  }
0x6f: {  	[tilespmem:$0x2DE0] =	vst v0  }
0x70: {  	[tilespmem:$0x2DF0] =	vst v0  }
0x71: {  	[tilespmem:$0x2E00] =	vst v0  }
0x72: {  	[tilespmem:$0x2E10] =	vst v0  }
0x73: {  	[tilespmem:$0x2E20] =	vst v0  }
0x74: {  	[tilespmem:$0x2E30] =	vst v0  }
0x75: {  	[tilespmem:$0x2E40] =	vst v0  }
0x76: {  	[tilespmem:$0x2E50] =	vst v0  }
0x77: {  	[tilespmem:$0x2E60] =	vst v0  }
0x78: {  	[tilespmem:$0x2E70] =	vst v0  }
0x79: {  	[spmem:s5] =	stream.linear.scatter [tilespmem:s8], [sflag:$0x3], $0x280, $0x38;
	[tilespmem:$0x3100] =	vst v63  }
0x7a: {  	_ =	swait.ge [sflag:s9], $0x280  }
0x7b: {  	[sflag:s9] =	ssyncset.done $0x0  }
0x7c: {  	[sflag:s9] =	ssyncadd.s32 $0xFFFFFD80  }
0x7d: {  	_ =	swait.ge [sflag:s10], $0x2800  }
0x7e: {  	[sflag:s10] =	ssyncset.done $0x0  }
0x7f: {  	[sflag:s10] =	ssyncadd.s32 $0xFFFFD800  }
0x80: {  	[bflag:$0x0] =	sbarrier.arrive $0xFFFF  }
0x81: {  	[spmem:s2] =	stream.indirect.scatter.add.f32 [tilespmem:s12], [sflag:$0x2], $0x1, s3, s11, $0xb8;
	[tilespmem:$0x3100] =	vst v63  }
0x82: {  	_ = 	snop  }
0x83: {  	[spmem:s2] =	stream.indirect.scatter.add.f32 [tilespmem:s12], [sflag:$0x2], $0x1, s11, s11, $0xb8;
	[tilespmem:$0x3100] =	vst v63  }
0x84: {  	_ = 	snop  }
0x85: {  	[spmem:s2] =	stream.indirect.scatter.add.f32 [tilespmem:s12], [sflag:$0x2], $0x1, s13, s11, $0xb8;
	[tilespmem:$0x3100] =	vst v63  }
0x86: {  	_ = 	snop  }
0x87: {  	[spmem:s2] =	stream.indirect.scatter.add.f32 [tilespmem:s12], [sflag:$0x2], $0x1, s14, s11, $0xb8;
	[tilespmem:$0x3100] =	vst v63  }
0x88: {  	_ = 	snop  }
0x89: {  	[spmem:s2] =	stream.indirect.scatter.add.f32 [tilespmem:s12], [sflag:$0x2], $0x1, s15, s11, $0xb8;
	[tilespmem:$0x3100] =	vst v63  }
0x8a: {  	_ = 	snop  }
0x8b: {  	[spmem:s2] =	stream.indirect.scatter.add.f32 [tilespmem:s12], [sflag:$0x2], $0x1, s16, s11, $0xb8;
	[tilespmem:$0x3100] =	vst v63  }
0x8c: {  	_ = 	snop  }
0x8d: {  	[spmem:s2] =	stream.indirect.scatter.add.f32 [tilespmem:s12], [sflag:$0x2], $0x1, s17, s11, $0xb8;
	[tilespmem:$0x3100] =	vst v63  }
0x8e: {  	_ = 	snop  }
0x8f: {  	[spmem:s2] =	stream.indirect.scatter.add.f32 [tilespmem:s12], [sflag:$0x2], $0x1, s18, s11, $0xb8;
	[tilespmem:$0x3100] =	vst v63  }
0x90: {  	_ = 	snop  }
0x91: {  	[spmem:s2] =	stream.indirect.scatter.add.f32 [tilespmem:s12], [sflag:$0x2], $0x1, s19, s11, $0xb8;
	[tilespmem:$0x3100] =	vst v63  }
0x92: {  	_ = 	snop  }
0x93: {  	[spmem:s2] =	stream.indirect.scatter.add.f32 [tilespmem:s12], [sflag:$0x2], $0x1, s20, s11, $0xb8;
	[tilespmem:$0x3100] =	vst v63  }
0x94: {  	_ =	swait.ge [sflag:s21], $0x400  }
0x95: {  	[sflag:s21] =	ssyncset.done $0x0  }
0x96: {  	[sflag:s21] =	ssyncadd.s32 $0xFFFFFC00  }
0x97: {  	_ =	swait.ge [sflag:s21], $0x400  }
0x98: {  	[sflag:s21] =	ssyncset.done $0x0  }
0x99: {  	[sflag:s21] =	ssyncadd.s32 $0xFFFFFC00  }
0x9a: {  	_ =	swait.ge [sflag:s21], $0x400  }
0x9b: {  	[sflag:s21] =	ssyncset.done $0x0  }
0x9c: {  	[sflag:s21] =	ssyncadd.s32 $0xFFFFFC00  }
0x9d: {  	_ =	swait.ge [sflag:s21], $0x400  }
0x9e: {  	[sflag:s21] =	ssyncset.done $0x0  }
0x9f: {  	[sflag:s21] =	ssyncadd.s32 $0xFFFFFC00  }
0xa0: {  	_ =	swait.ge [sflag:s21], $0x400  }
0xa1: {  	[sflag:s21] =	ssyncset.done $0x0  }
0xa2: {  	[sflag:s21] =	ssyncadd.s32 $0xFFFFFC00  }
0xa3: {  	_ =	swait.ge [sflag:s21], $0x400  }
0xa4: {  	[sflag:s21] =	ssyncset.done $0x0  }
0xa5: {  	[sflag:s21] =	ssyncadd.s32 $0xFFFFFC00  }
0xa6: {  	_ =	swait.ge [sflag:s21], $0x400  }
0xa7: {  	[sflag:s21] =	ssyncset.done $0x0  }
0xa8: {  	[sflag:s21] =	ssyncadd.s32 $0xFFFFFC00  }
0xa9: {  	_ =	swait.ge [sflag:s21], $0x400  }
0xaa: {  	[sflag:s21] =	ssyncset.done $0x0  }
0xab: {  	[sflag:s21] =	ssyncadd.s32 $0xFFFFFC00  }
0xac: {  	_ =	swait.ge [sflag:s21], $0x400  }
0xad: {  	[sflag:s21] =	ssyncset.done $0x0  }
0xae: {  	[sflag:s21] =	ssyncadd.s32 $0xFFFFFC00  }
0xaf: {  	_ =	swait.ge [sflag:s21], $0x400  }
0xb0: {  	[sflag:s21] =	ssyncset.done $0x0  }
0xb1: {  	[sflag:s21] =	ssyncadd.s32 $0xFFFFFC00  }
0xb2: {  	[bflag:$0x0] =	sbarrier.arrive $0xFFFF  }
0xb3: {  	[tilespmem:s8], [sflag:$0x3] =	stream.linear.gather [spmem:s5], $0x280, $0x38;
	[tilespmem:$0x3100] =	vst v63  }
0xb4: {  	_ =	swait.ge [sflag:s9], $0x280  }
0xb5: {  	p0 =	sne.s32 s7, $0x1;
	[sflag:s9] =	ssyncset.done $0x0  }
.Ltmp0:
0xb6: {  	[sflag:s9] =	ssyncadd.s32 $0xFFFFFD80;
	(pc) =	sbr.rel @p0 .LBB2_1-.Ltmp0, $4  }
0xb7: {  	[hbm4b:s6+s3] =	stream.linear.scatter [tilespmem:s8], [sflag:$0x3], $0x280, $0x38;
	[tilespmem:$0x3100] =	vst v63  }
0xb8: {  	_ =	swait.ge [sflag:s9], $0x280  }
0xb9: {  	[sflag:s9] =	ssyncset.done $0x0  }
0xba: {  	s7 =	sadd.s32 $0xFFFFFFFF, s7;
	[sflag:s9] =	ssyncadd.s32 $0xFFFFFD80  }
0xbb: {  	_ =	sfence.sel $0x180000  }
0xbc: {  	[bflag:$0x0] =	sbarrier.arrive $0xFFFF  }
0xbd: {  	p0 =	sne.s32 s1, $0x0;
	_ =	strace $0x90000047  }
0xbe: {  	s0 =	sadd.s32 @!p0 $0x100000, s0;
	[bflag:$0x2] =	sbarrier.arrive $0xFFFF  }
0xbf: {  	[sflag:s0] =	ssyncadd.tile.s32 @!p0 $0x1;
	_ =	shalt  }
.Lfunc_end2:
_tile_overlayer_lowered:
.L_overlay_start_2:
0xc0: {  	(tag) =	ssettag $0x2  }
0xc1: {  	s0 =	rddreg [dreg:$0x0];
	s2 =	stileid.u32  }
0xc2: {  	s1 =	rddreg [dreg:$0x1];
	p0 =	sne.s32 s2, $0x0  }
0xc3: {  	s3 =	rddreg [dreg:$0x2];
	[bflag:$0x3] =	sbarrier.arrive $0xFFFF;
	s2 =	simm.s32 @!p0 $0x1C03  }
0xc4: {  	[timem:s3], [sflag:s2] =	dma.local @!p0 [hbm:s0], s1  }
0xc5: {  	s0 =	simm.s32 @!p0 $0x3  }
0xc6: {  	_ =	swait.ge @!p0 [sflag:s0], s1  }
0xc7: {  	s1 =	ssub.s32 @!p0 $0x0, s1;
	[sflag:s0] =	ssyncset.done @!p0 $0x0  }
0xc8: {  	[sflag:s0] =	ssyncadd.s32 @!p0 s1  }
0xc9: {  	[bflag:$0x3] =	sbarrier.arrive $0xFFFF  }
0xca: {  	_ =	shalt  }

</sc_bundles>
